<compile_context>
chip_gen: v7x
topology: tpu7x:2x2x1
jax: 0.10.2.dev20260603
libtpu: 0.0.44.dev20260713+nightly
codegen_flags: <defaults>
</compile_context>

<pallas_src>
import functools

import jax
import jax.numpy as jnp
from jax import lax
from jax.experimental import pallas as pl
from jax.experimental.pallas import tpu as pltpu, tpu_sc as plsc

N = 10000
E = 320000
NF = 128
NC = 40
HC = 64
H = 8
NCP = 48

_SC_INFO = plsc.get_sparse_core_info()
SC_CORES = _SC_INFO.num_cores
SC_SUBCORES = _SC_INFO.num_subcores
NW = SC_CORES * SC_SUBCORES
EPT = E // NW
BB = 80
NBATCH = EPT // BB
NPAD = 10240
RPS = NPAD // SC_SUBCORES

_mesh = plsc.VectorSubcoreMesh(core_axis_name="c", subcore_axis_name="s")


_TCB = 1000


def _tc1_body(x_ref, w1_ref, asv_ref, adv_ref, h_ref, as_ref, ad_ref):
    h = jnp.dot(x_ref[...], w1_ref[...], preferred_element_type=jnp.float32)
    h_ref[...] = h
    k = lax.broadcasted_iota(jnp.int32, (H * HC, H), 0) // HC
    g = (k == lax.broadcasted_iota(jnp.int32, (H * HC, H), 1)).astype(jnp.float32)
    as_ref[...] = jnp.dot(h * asv_ref[...], g, preferred_element_type=jnp.float32)
    ad_ref[...] = jnp.dot(h * adv_ref[...], g, preferred_element_type=jnp.float32)


def _tc1(x, W1, asv, adv):
    return pl.pallas_call(
        _tc1_body,
        grid=(N // _TCB,),
        in_specs=[
            pl.BlockSpec((_TCB, NF), lambda i: (i, 0)),
            pl.BlockSpec((NF, H * HC), lambda i: (0, 0)),
            pl.BlockSpec((1, H * HC), lambda i: (0, 0)),
            pl.BlockSpec((1, H * HC), lambda i: (0, 0)),
        ],
        out_specs=[
            pl.BlockSpec((_TCB, H * HC), lambda i: (i, 0)),
            pl.BlockSpec((_TCB, H), lambda i: (i, 0)),
            pl.BlockSpec((_TCB, H), lambda i: (i, 0)),
        ],
        out_shape=[
            jax.ShapeDtypeStruct((N, H * HC), jnp.float32),
            jax.ShapeDtypeStruct((N, H), jnp.float32),
            jax.ShapeDtypeStruct((N, H), jnp.float32),
        ],
    )(x, W1, asv, adv)


def _tc2_body(a00, a01, a10, a11, a20, a21, a30, a31,
              d00_ref, d01_ref, d10_ref, d11_ref, b1_ref,
              w2_ref, a2s_ref, a2d_ref, emb_ref, h2_ref, as2_ref, ad2_ref):
    acc = jnp.concatenate([a00[...] + a01[...], a10[...] + a11[...],
                           a20[...] + a21[...], a30[...] + a31[...]], axis=1)
    den = jnp.concatenate([d00_ref[...] + d01_ref[...],
                           d10_ref[...] + d11_ref[...]], axis=1)
    k = lax.broadcasted_iota(jnp.int32, (H, H * HC), 1) // HC
    gt = (k == lax.broadcasted_iota(jnp.int32, (H, H * HC), 0)).astype(jnp.float32)
    denb = jnp.dot(den, gt, preferred_element_type=jnp.float32)
    emb = acc / (denb + 1e-16) + b1_ref[...]
    emb_ref[...] = emb
    hact = jnp.where(emb > 0, emb, jnp.exp(jnp.minimum(emb, 0.0)) - 1.0)
    h2 = jnp.dot(hact, w2_ref[...], preferred_element_type=jnp.float32)
    h2_ref[...] = h2
    as2_ref[...] = jnp.dot(h2, a2s_ref[...], preferred_element_type=jnp.float32)
    ad2_ref[...] = jnp.dot(h2, a2d_ref[...], preferred_element_type=jnp.float32)


def _tc2(accs, d00, d01, d10, d11, b1, W2p, A2s, A2d):
    hh = H // 2
    return pl.pallas_call(
        _tc2_body,
        grid=(N // _TCB,),
        in_specs=[
            pl.BlockSpec((_TCB, 128), lambda i: (i, 0)),
            pl.BlockSpec((_TCB, 128), lambda i: (i, 0)),
            pl.BlockSpec((_TCB, 128), lambda i: (i, 0)),
            pl.BlockSpec((_TCB, 128), lambda i: (i, 0)),
            pl.BlockSpec((_TCB, 128), lambda i: (i, 0)),
            pl.BlockSpec((_TCB, 128), lambda i: (i, 0)),
            pl.BlockSpec((_TCB, 128), lambda i: (i, 0)),
            pl.BlockSpec((_TCB, 128), lambda i: (i, 0)),
            pl.BlockSpec((_TCB, hh), lambda i: (i, 0)),
            pl.BlockSpec((_TCB, hh), lambda i: (i, 0)),
            pl.BlockSpec((_TCB, hh), lambda i: (i, 0)),
            pl.BlockSpec((_TCB, hh), lambda i: (i, 0)),
            pl.BlockSpec((1, H * HC), lambda i: (0, 0)),
            pl.BlockSpec((H * HC, NCP), lambda i: (0, 0)),
            pl.BlockSpec((NCP, H), lambda i: (0, 0)),
            pl.BlockSpec((NCP, H), lambda i: (0, 0)),
        ],
        out_specs=[
            pl.BlockSpec((_TCB, H * HC), lambda i: (i, 0)),
            pl.BlockSpec((_TCB, NCP), lambda i: (i, 0)),
            pl.BlockSpec((_TCB, H), lambda i: (i, 0)),
            pl.BlockSpec((_TCB, H), lambda i: (i, 0)),
        ],
        out_shape=[
            jax.ShapeDtypeStruct((N, H * HC), jnp.float32),
            jax.ShapeDtypeStruct((N, NCP), jnp.float32),
            jax.ShapeDtypeStruct((N, H), jnp.float32),
            jax.ShapeDtypeStruct((N, H), jnp.float32),
        ],
    )(*accs, d00, d01, d10, d11, b1, W2p, A2s, A2d)


def _tc3_body(p0_ref, p1_ref, b2_ref, out_ref):
    acc = p0_ref[...] + p1_ref[...]
    den = acc[:, NC:NC + 1]
    out_ref[...] = acc / (den + 1e-16) + b2_ref[...]


def _tc3(p0, p1, b2p):
    return pl.pallas_call(
        _tc3_body,
        grid=(N // _TCB,),
        in_specs=[
            pl.BlockSpec((_TCB, NCP), lambda i: (i, 0)),
            pl.BlockSpec((_TCB, NCP), lambda i: (i, 0)),
            pl.BlockSpec((1, NCP), lambda i: (0, 0)),
        ],
        out_specs=pl.BlockSpec((_TCB, NCP), lambda i: (i, 0)),
        out_shape=jax.ShapeDtypeStruct((N, NCP), jnp.float32),
    )(p0, p1, b2p)



def _wid():
    return lax.axis_index("s") * SC_CORES + lax.axis_index("c")


def _leaky_exp(a):
    return jnp.exp(jnp.maximum(a, 0.2 * a))


@functools.partial(
    pl.kernel, mesh=_mesh,
    compiler_params=pltpu.CompilerParams(needs_layout_passes=False),
    out_type=(jax.ShapeDtypeStruct((E * 4,), jnp.float32),
              jax.ShapeDtypeStruct((E * 4,), jnp.float32)),
    scratch_types=[
        pltpu.VMEM((N * 4,), jnp.float32),
        pltpu.VMEM((N * 4,), jnp.float32),
        pltpu.VMEM((EPT,), jnp.int32),
        pltpu.VMEM((EPT,), jnp.int32),
        pltpu.VMEM((BB * 4,), jnp.float32),
    ],
)
def _sck1(src_hbm, dst_hbm, aslo, ashi, adlo, adhi, wlo_hbm, whi_hbm,
          tabs, tabd, srcv, dstv, wbuf):
    base = _wid() * EPT
    pltpu.sync_copy(src_hbm.at[pl.ds(base, EPT)], srcv)
    pltpu.sync_copy(dst_hbm.at[pl.ds(base, EPT)], dstv)
    for half in range(2):
        pltpu.sync_copy(aslo if half == 0 else ashi, tabs)
        pltpu.sync_copy(adlo if half == 0 else adhi, tabd)
        w_hbm = wlo_hbm if half == 0 else whi_hbm

        def bbody(b, carry):
            off = b * BB
            for g in range(BB // 16):
                s16 = srcv[pl.ds(off + g * 16, 16)] * 4
                d16 = dstv[pl.ds(off + g * 16, 16)] * 4
                lanes = lax.iota(jnp.int32, 16) * 4 + g * 64
                for h in range(4):
                    a = plsc.load_gather(tabs, [s16 + h]) + plsc.load_gather(tabd, [d16 + h])
                    plsc.store_scatter(wbuf, [lanes + h], _leaky_exp(a))
            pltpu.sync_copy(wbuf, w_hbm.at[pl.ds((base + off) * 4, BB * 4)])
            return carry

        lax.fori_loop(0, NBATCH, bbody, 0)


@functools.partial(
    pl.kernel, mesh=_mesh,
    compiler_params=pltpu.CompilerParams(needs_layout_passes=False),
    out_type=jax.ShapeDtypeStruct((E,), jnp.float32),
    scratch_types=[
        pltpu.VMEM((N,), jnp.float32),
        pltpu.VMEM((N,), jnp.float32),
        pltpu.VMEM((EPT,), jnp.int32),
        pltpu.VMEM((EPT,), jnp.int32),
        pltpu.VMEM((BB,), jnp.float32),
    ],
)
def _sck3(src_hbm, dst_hbm, as2, ad2, w_hbm, tabs, tabd, srcv, dstv, wbuf):
    base = _wid() * EPT
    pltpu.sync_copy(src_hbm.at[pl.ds(base, EPT)], srcv)
    pltpu.sync_copy(dst_hbm.at[pl.ds(base, EPT)], dstv)
    pltpu.sync_copy(as2, tabs)
    pltpu.sync_copy(ad2, tabd)

    def bbody(b, carry):
        off = b * BB
        for g in range(BB // 16):
            s16 = srcv[pl.ds(off + g * 16, 16)]
            d16 = dstv[pl.ds(off + g * 16, 16)]
            a = plsc.load_gather(tabs, [s16]) + plsc.load_gather(tabd, [d16])
            wbuf[pl.ds(g * 16, 16)] = _leaky_exp(a)
        pltpu.sync_copy(wbuf, w_hbm.at[pl.ds(base + off, BB)])
        return carry

    lax.fori_loop(0, NBATCH, bbody, 0)



def _pad_rows(a):
    return jnp.pad(a, ((0, NPAD - N),) + ((0, 0),) * (a.ndim - 1))


def kernel(x, edge_index, W1, a_src1, a_dst1, b1, W2, a_src2, a_dst2, b2):
    src = edge_index[0]
    dst = edge_index[1]
    asv = a_src1.reshape(1, H * HC)
    adv = a_dst1.reshape(1, H * HC)

    h1, as1, ad1 = _tc1(x, W1, asv, adv)

    aslo = as1[:, :4].reshape(-1)
    ashi = as1[:, 4:].reshape(-1)
    adlo = ad1[:, :4].reshape(-1)
    adhi = ad1[:, 4:].reshape(-1)
    w1lo, w1hi = _sck1(src, dst, aslo, ashi, adlo, adhi)
    w1rlo = w1lo.reshape(E, 4)
    w1rhi = w1hi.reshape(E, 4)

    w = jnp.concatenate([w1rlo, w1rhi], axis=1)
    msg = h1.reshape(N, H, HC)[src] * w[..., None]
    accx = jax.ops.segment_sum(msg, dst, num_segments=N).reshape(N, H * HC)
    denx = jax.ops.segment_sum(w, dst, num_segments=N)
    zc = jnp.zeros((N, 128), jnp.float32)
    accs = [accx[:, 0:128], zc, accx[:, 128:256], zc,
            accx[:, 256:384], zc, accx[:, 384:512], zc]
    zz = jnp.zeros((NPAD, 4), jnp.float32)
    den1 = jnp.stack([jnp.stack([_pad_rows(denx[:, :4]), zz]),
                      jnp.stack([_pad_rows(denx[:, 4:]), zz])])

    W2p = jnp.pad(W2, ((0, 0), (0, NCP - NC)))
    a2sv = jnp.pad(a_src2.reshape(NC), (0, NCP - NC))
    a2dv = jnp.pad(a_dst2.reshape(NC), (0, NCP - NC))
    A2s = jnp.tile(a2sv[:, None], (1, H))
    A2d = jnp.tile(a2dv[:, None], (1, H))
    emb, h2p, as2, ad2 = _tc2(accs,
                              den1[0, 0, :N], den1[0, 1, :N],
                              den1[1, 0, :N], den1[1, 1, :N],
                              b1.reshape(1, H * HC), W2p, A2s, A2d)

    w2 = _sck3(src, dst, as2[:, 0], ad2[:, 0])

    msg2 = h2p[src] * w2[:, None]
    accx2 = jax.ops.segment_sum(msg2, dst, num_segments=N)
    den2 = jax.ops.segment_sum(w2, dst, num_segments=N)
    accx2 = accx2.at[:, NC].set(den2)
    acc2 = jnp.stack([_pad_rows(accx2), jnp.zeros((NPAD, NCP), jnp.float32)])

    b2p = jnp.pad(b2, (0, NCP - NC)).reshape(1, NCP)
    out48 = _tc3(acc2[0, :N], acc2[1, :N], b2p)
    logits = out48[:, :NC]
    return (logits, emb)

# --- scband reference (transcript-rebuilt; emitter-appended) ---
"""Pipeline reference for scband-gatnet-64733747085461 (READ-ONLY COPY).

The authoritative reference and input builder live on the scoring server;
editing this copy changes nothing except your own understanding.
"""

import jax, jax.numpy as jnp
import numpy as np

N = 10000
E = 320000
NF = 128
NC = 40
HC = 64
H = 8


def setup_inputs(seed: int = 0) -> dict:
    key = jax.random.key(seed)
    ks = jax.random.split(key, 12)
    x = jax.random.normal(ks[0], (N, NF), dtype=jnp.float32)
    edge_index = jax.random.randint(ks[1], (2, E), 0, N, dtype=jnp.int32)
    # GATConv layer 1: in=NF, out=HC, heads=H, concat=True
    s1 = 1.0 / np.sqrt(NF)
    W1 = jax.random.uniform(ks[2], (NF, H * HC), minval=-s1, maxval=s1, dtype=jnp.float32)
    a_src1 = jax.random.normal(ks[3], (1, H, HC), dtype=jnp.float32) * 0.1
    a_dst1 = jax.random.normal(ks[4], (1, H, HC), dtype=jnp.float32) * 0.1
    b1 = jnp.zeros((H * HC,), dtype=jnp.float32)
    # GATConv layer 2: in=H*HC, out=NC, heads=1, concat=False
    s2 = 1.0 / np.sqrt(H * HC)
    W2 = jax.random.uniform(ks[5], (H * HC, NC), minval=-s2, maxval=s2, dtype=jnp.float32)
    a_src2 = jax.random.normal(ks[6], (1, 1, NC), dtype=jnp.float32) * 0.1
    a_dst2 = jax.random.normal(ks[7], (1, 1, NC), dtype=jnp.float32) * 0.1
    b2 = jnp.zeros((NC,), dtype=jnp.float32)
    return {"x": x, "edge_index": edge_index, "W1": W1, "a_src1": a_src1, "a_dst1": a_dst1, "b1": b1,
            "W2": W2, "a_src2": a_src2, "a_dst2": a_dst2, "b2": b2}


def gat_conv(x, edge_index, W, a_src, a_dst, b, heads, out_ch, concat):
    n = x.shape[0]
    src = edge_index[0]
    dst = edge_index[1]
    h = (x @ W).reshape(n, heads, out_ch)
    alpha_src = jnp.sum(h * a_src, axis=-1)  # [N, H]
    alpha_dst = jnp.sum(h * a_dst, axis=-1)  # [N, H]
    alpha = alpha_src[src] + alpha_dst[dst]  # [E, H]
    alpha = jax.nn.leaky_relu(alpha, negative_slope=0.2)
    # softmax over incoming edges per destination node
    amax = jax.ops.segment_max(alpha, dst, num_segments=n)
    amax = jnp.where(jnp.isfinite(amax), amax, 0.0)
    alpha = jnp.exp(alpha - amax[dst])
    denom = jax.ops.segment_sum(alpha, dst, num_segments=n)
    alpha = alpha / (denom[dst] + 1e-16)
    msg = h[src] * alpha[..., None]  # [E, H, out_ch]
    out = jax.ops.segment_sum(msg, dst, num_segments=n)  # [N, H, out_ch]
    if concat:
        out = out.reshape(n, heads * out_ch)
    else:
        out = out.mean(axis=1)
    return out + b


def reference(x, edge_index, W1, a_src1, a_dst1, b1, W2, a_src2, a_dst2, b2):
    # dropout is identity at inference (training=False)
    emb = gat_conv(x, edge_index, W1, a_src1, a_dst1, b1, H, HC, True)
    h_act = jax.nn.elu(emb)
    logits = gat_conv(h_act, edge_index, W2, a_src2, a_dst2, b2, 1, NC, False)
    return (logits, emb)

if __name__ == "__main__":
    import jax
    _d = setup_inputs()
    print(jax.jit(kernel)(*tuple(_d.values())))

</pallas_src>

<mosaic_0001>
#map = affine_map<(d0, d1) -> (0)>
module attributes {stable_mosaic.version = 14 : i64} {
  func.func @_sck1(%arg0: i32, %arg1: i32, %arg2: memref<320000xi32, #tpu.memory_space<hbm>>, %arg3: memref<320000xi32, #tpu.memory_space<hbm>>, %arg4: memref<40000xf32, #tpu.memory_space<hbm>>, %arg5: memref<40000xf32, #tpu.memory_space<hbm>>, %arg6: memref<40000xf32, #tpu.memory_space<hbm>>, %arg7: memref<40000xf32, #tpu.memory_space<hbm>>, %arg8: memref<1280000xf32, #tpu.memory_space<hbm>>, %arg9: memref<1280000xf32, #tpu.memory_space<hbm>>, %arg10: memref<40000xf32, #tpu.memory_space<vmem>>, %arg11: memref<40000xf32, #tpu.memory_space<vmem>>, %arg12: memref<10000xi32, #tpu.memory_space<vmem>>, %arg13: memref<10000xi32, #tpu.memory_space<vmem>>, %arg14: memref<320xf32, #tpu.memory_space<vmem>>) attributes {dimension_semantics = [#tpu.dimension_semantics<core_parallel>, #tpu.dimension_semantics<subcore_parallel>], iteration_bounds = array<i64: 2, 16>, scalar_prefetch = 0 : i64, scratch_operands = 5 : i64, tpu.core_type = #tpu.core_type<sc_vector_subcore>, window_params = [{transform_indices = #map}, {transform_indices = #map}, {transform_indices = #map}, {transform_indices = #map}, {transform_indices = #map}, {transform_indices = #map}, {transform_indices = #map}, {transform_indices = #map}]} {
    %mul3A = arith.constant 2 : i32
    %mul3A_0 = arith.muli %arg1, %mul3A : i32
    %add3A = arith.addi %mul3A_0, %arg0 : i32
    %mul3A_1 = arith.constant 10000 : i32
    %mul3A_2 = arith.muli %add3A, %mul3A_1 : i32
    "tpu.region"() ({
      %run_scoped3A = tpu.sem_alloc : memref<!tpu.dma_semaphore, #tpu.memory_space<semaphore_mem>>
      %dma_start3A = tpu.memref_slice %arg2[%mul3A_2] : memref<320000xi32, #tpu.memory_space<hbm>> -> memref<10000xi32, #tpu.memory_space<hbm>>
      %dma_start3A_14 = tpu.memref_slice %arg2[%mul3A_2] : memref<320000xi32, #tpu.memory_space<hbm>> -> memref<10000xi32, #tpu.memory_space<hbm>>
      tpu.enqueue_dma source(%dma_start3A_14 : memref<10000xi32, #tpu.memory_space<hbm>>) target(%arg12 : memref<10000xi32, #tpu.memory_space<vmem>>) target_semaphore(%run_scoped3A : memref<!tpu.dma_semaphore, #tpu.memory_space<semaphore_mem>>)
      %dma_wait3A = tpu.memref_slice %arg2[%mul3A_2] : memref<320000xi32, #tpu.memory_space<hbm>> -> memref<10000xi32, #tpu.memory_space<hbm>>
      %dma_wait3A_15 = tpu.memref_slice %arg2[%mul3A_2] : memref<320000xi32, #tpu.memory_space<hbm>> -> memref<10000xi32, #tpu.memory_space<hbm>>
      tpu.wait_dma2 semaphore(%run_scoped3A : memref<!tpu.dma_semaphore, #tpu.memory_space<semaphore_mem>>) src(%dma_wait3A_15 : memref<10000xi32, #tpu.memory_space<hbm>>) dst(%arg12 : memref<10000xi32, #tpu.memory_space<vmem>>)
      tpu.yield
    }) : () -> ()
    "tpu.region"() ({
      %run_scoped3A = tpu.sem_alloc : memref<!tpu.dma_semaphore, #tpu.memory_space<semaphore_mem>>
      %dma_start3A = tpu.memref_slice %arg3[%mul3A_2] : memref<320000xi32, #tpu.memory_space<hbm>> -> memref<10000xi32, #tpu.memory_space<hbm>>
      %dma_start3A_14 = tpu.memref_slice %arg3[%mul3A_2] : memref<320000xi32, #tpu.memory_space<hbm>> -> memref<10000xi32, #tpu.memory_space<hbm>>
      tpu.enqueue_dma source(%dma_start3A_14 : memref<10000xi32, #tpu.memory_space<hbm>>) target(%arg13 : memref<10000xi32, #tpu.memory_space<vmem>>) target_semaphore(%run_scoped3A : memref<!tpu.dma_semaphore, #tpu.memory_space<semaphore_mem>>)
      %dma_wait3A = tpu.memref_slice %arg3[%mul3A_2] : memref<320000xi32, #tpu.memory_space<hbm>> -> memref<10000xi32, #tpu.memory_space<hbm>>
      %dma_wait3A_15 = tpu.memref_slice %arg3[%mul3A_2] : memref<320000xi32, #tpu.memory_space<hbm>> -> memref<10000xi32, #tpu.memory_space<hbm>>
      tpu.wait_dma2 semaphore(%run_scoped3A : memref<!tpu.dma_semaphore, #tpu.memory_space<semaphore_mem>>) src(%dma_wait3A_15 : memref<10000xi32, #tpu.memory_space<hbm>>) dst(%arg13 : memref<10000xi32, #tpu.memory_space<vmem>>)
      tpu.yield
    }) : () -> ()
    "tpu.region"() ({
      %run_scoped3A = tpu.sem_alloc : memref<!tpu.dma_semaphore, #tpu.memory_space<semaphore_mem>>
      tpu.enqueue_dma source(%arg4 : memref<40000xf32, #tpu.memory_space<hbm>>) target(%arg10 : memref<40000xf32, #tpu.memory_space<vmem>>) target_semaphore(%run_scoped3A : memref<!tpu.dma_semaphore, #tpu.memory_space<semaphore_mem>>)
      tpu.wait_dma2 semaphore(%run_scoped3A : memref<!tpu.dma_semaphore, #tpu.memory_space<semaphore_mem>>) src(%arg4 : memref<40000xf32, #tpu.memory_space<hbm>>) dst(%arg10 : memref<40000xf32, #tpu.memory_space<vmem>>)
      tpu.yield
    }) : () -> ()
    "tpu.region"() ({
      %run_scoped3A = tpu.sem_alloc : memref<!tpu.dma_semaphore, #tpu.memory_space<semaphore_mem>>
      tpu.enqueue_dma source(%arg6 : memref<40000xf32, #tpu.memory_space<hbm>>) target(%arg11 : memref<40000xf32, #tpu.memory_space<vmem>>) target_semaphore(%run_scoped3A : memref<!tpu.dma_semaphore, #tpu.memory_space<semaphore_mem>>)
      tpu.wait_dma2 semaphore(%run_scoped3A : memref<!tpu.dma_semaphore, #tpu.memory_space<semaphore_mem>>) src(%arg6 : memref<40000xf32, #tpu.memory_space<hbm>>) dst(%arg11 : memref<40000xf32, #tpu.memory_space<vmem>>)
      tpu.yield
    }) : () -> ()
    %scan3A = arith.constant 0 : i32
    %scan3A_3 = arith.constant 0 : i32
    %scan3A_4 = arith.constant 125 : i32
    %scan3A_5 = arith.addi %scan3A_3, %scan3A_4 : i32
    %scan3A_6 = arith.constant 1 : i32
    scf.for %scan3A_14 = %scan3A_3 to %scan3A_5 step %scan3A_6  : i32 {
      %mul3A_15 = arith.constant 80 : i32
      %mul3A_16 = arith.muli %scan3A_14, %mul3A_15 : i32
      %add3A_17 = arith.constant 0 : i32
      %add3A_18 = arith.addi %mul3A_16, %add3A_17 : i32
      %get3A = arith.index_cast %add3A_18 : i32 to index
      %get3A_19 = tpu.vector_load %arg12[%get3A] {strides = array<i32>} : memref<10000xi32, #tpu.memory_space<vmem>>, vector<16xi32>,
      %mul3A_20 = arith.constant 4 : i32
      %mul3A_21 = vector.broadcast %mul3A_20 : i32 to vector<16xi32>
      %mul3A_22 = arith.muli %get3A_19, %mul3A_21 : vector<16xi32>
      %add3A_23 = arith.constant 0 : i32
      %add3A_24 = arith.addi %mul3A_16, %add3A_23 : i32
      %get3A_25 = arith.index_cast %add3A_24 : i32 to index
      %get3A_26 = tpu.vector_load %arg13[%get3A_25] {strides = array<i32>} : memref<10000xi32, #tpu.memory_space<vmem>>, vector<16xi32>,
      %mul3A_27 = arith.constant 4 : i32
      %mul3A_28 = vector.broadcast %mul3A_27 : i32 to vector<16xi32>
      %mul3A_29 = arith.muli %get3A_26, %mul3A_28 : vector<16xi32>
      %iota3A = tpu.iota {dimensions = array<i32: 0>} : vector<16xi32>
      %mul3A_30 = arith.constant 4 : i32
      %mul3A_31 = vector.broadcast %mul3A_30 : i32 to vector<16xi32>
      %mul3A_32 = arith.muli %iota3A, %mul3A_31 : vector<16xi32>
      %add3A_33 = arith.constant 0 : i32
      %add3A_34 = vector.broadcast %add3A_33 : i32 to vector<16xi32>
      %add3A_35 = arith.addi %mul3A_32, %add3A_34 : vector<16xi32>
      %add3A_36 = arith.constant 0 : i32
      %add3A_37 = vector.broadcast %add3A_36 : i32 to vector<16xi32>
      %add3A_38 = arith.addi %mul3A_22, %add3A_37 : vector<16xi32>
      %gather3A = tpu.vector_load_idx %arg10[%add3A_38] : memref<40000xf32, #tpu.memory_space<vmem>>[vector<16xi32>], vector<16xf32>,
      %add3A_39 = arith.constant 0 : i32
      %add3A_40 = vector.broadcast %add3A_39 : i32 to vector<16xi32>
      %add3A_41 = arith.addi %mul3A_29, %add3A_40 : vector<16xi32>
      %gather3A_42 = tpu.vector_load_idx %arg11[%add3A_41] : memref<40000xf32, #tpu.memory_space<vmem>>[vector<16xi32>], vector<16xf32>,
      %add3A_43 = arith.addf %gather3A, %gather3A_42 : vector<16xf32>
      %add3A_44 = arith.constant 0 : i32
      %add3A_45 = vector.broadcast %add3A_44 : i32 to vector<16xi32>
      %add3A_46 = arith.addi %add3A_35, %add3A_45 : vector<16xi32>
      %mul3A_47 = arith.constant 2.000000e-01 : f32
      %mul3A_48 = vector.broadcast %mul3A_47 : f32 to vector<16xf32>
      %mul3A_49 = arith.mulf %mul3A_48, %add3A_43 : vector<16xf32>
      %max3A = arith.maximumf %add3A_43, %mul3A_49 : vector<16xf32>
      %exp3A = math.exp %max3A : vector<16xf32>
      tpu.vector_store_idx %arg14[%add3A_46], %exp3A : memref<320xf32, #tpu.memory_space<vmem>>[vector<16xi32>], vector<16xf32>,
      %add3A_50 = arith.constant 1 : i32
      %add3A_51 = vector.broadcast %add3A_50 : i32 to vector<16xi32>
      %add3A_52 = arith.addi %mul3A_22, %add3A_51 : vector<16xi32>
      %gather3A_53 = tpu.vector_load_idx %arg10[%add3A_52] : memref<40000xf32, #tpu.memory_space<vmem>>[vector<16xi32>], vector<16xf32>,
      %add3A_54 = arith.constant 1 : i32
      %add3A_55 = vector.broadcast %add3A_54 : i32 to vector<16xi32>
      %add3A_56 = arith.addi %mul3A_29, %add3A_55 : vector<16xi32>
      %gather3A_57 = tpu.vector_load_idx %arg11[%add3A_56] : memref<40000xf32, #tpu.memory_space<vmem>>[vector<16xi32>], vector<16xf32>,
      %add3A_58 = arith.addf %gather3A_53, %gather3A_57 : vector<16xf32>
      %add3A_59 = arith.constant 1 : i32
      %add3A_60 = vector.broadcast %add3A_59 : i32 to vector<16xi32>
      %add3A_61 = arith.addi %add3A_35, %add3A_60 : vector<16xi32>
      %mul3A_62 = arith.constant 2.000000e-01 : f32
      %mul3A_63 = vector.broadcast %mul3A_62 : f32 to vector<16xf32>
      %mul3A_64 = arith.mulf %mul3A_63, %add3A_58 : vector<16xf32>
      %max3A_65 = arith.maximumf %add3A_58, %mul3A_64 : vector<16xf32>
      %exp3A_66 = math.exp %max3A_65 : vector<16xf32>
      tpu.vector_store_idx %arg14[%add3A_61], %exp3A_66 : memref<320xf32, #tpu.memory_space<vmem>>[vector<16xi32>], vector<16xf32>,
      %add3A_67 = arith.constant 2 : i32
      %add3A_68 = vector.broadcast %add3A_67 : i32 to vector<16xi32>
      %add3A_69 = arith.addi %mul3A_22, %add3A_68 : vector<16xi32>
      %gather3A_70 = tpu.vector_load_idx %arg10[%add3A_69] : memref<40000xf32, #tpu.memory_space<vmem>>[vector<16xi32>], vector<16xf32>,
      %add3A_71 = arith.constant 2 : i32
      %add3A_72 = vector.broadcast %add3A_71 : i32 to vector<16xi32>
      %add3A_73 = arith.addi %mul3A_29, %add3A_72 : vector<16xi32>
      %gather3A_74 = tpu.vector_load_idx %arg11[%add3A_73] : memref<40000xf32, #tpu.memory_space<vmem>>[vector<16xi32>], vector<16xf32>,
      %add3A_75 = arith.addf %gather3A_70, %gather3A_74 : vector<16xf32>
      %add3A_76 = arith.constant 2 : i32
      %add3A_77 = vector.broadcast %add3A_76 : i32 to vector<16xi32>
      %add3A_78 = arith.addi %add3A_35, %add3A_77 : vector<16xi32>
      %mul3A_79 = arith.constant 2.000000e-01 : f32
      %mul3A_80 = vector.broadcast %mul3A_79 : f32 to vector<16xf32>
      %mul3A_81 = arith.mulf %mul3A_80, %add3A_75 : vector<16xf32>
      %max3A_82 = arith.maximumf %add3A_75, %mul3A_81 : vector<16xf32>
      %exp3A_83 = math.exp %max3A_82 : vector<16xf32>
      tpu.vector_store_idx %arg14[%add3A_78], %exp3A_83 : memref<320xf32, #tpu.memory_space<vmem>>[vector<16xi32>], vector<16xf32>,
      %add3A_84 = arith.constant 3 : i32
      %add3A_85 = vector.broadcast %add3A_84 : i32 to vector<16xi32>
      %add3A_86 = arith.addi %mul3A_22, %add3A_85 : vector<16xi32>
      %gather3A_87 = tpu.vector_load_idx %arg10[%add3A_86] : memref<40000xf32, #tpu.memory_space<vmem>>[vector<16xi32>], vector<16xf32>,
      %add3A_88 = arith.constant 3 : i32
      %add3A_89 = vector.broadcast %add3A_88 : i32 to vector<16xi32>
      %add3A_90 = arith.addi %mul3A_29, %add3A_89 : vector<16xi32>
      %gather3A_91 = tpu.vector_load_idx %arg11[%add3A_90] : memref<40000xf32, #tpu.memory_space<vmem>>[vector<16xi32>], vector<16xf32>,
      %add3A_92 = arith.addf %gather3A_87, %gather3A_91 : vector<16xf32>
      %add3A_93 = arith.constant 3 : i32
      %add3A_94 = vector.broadcast %add3A_93 : i32 to vector<16xi32>
      %add3A_95 = arith.addi %add3A_35, %add3A_94 : vector<16xi32>
      %mul3A_96 = arith.constant 2.000000e-01 : f32
      %mul3A_97 = vector.broadcast %mul3A_96 : f32 to vector<16xf32>
      %mul3A_98 = arith.mulf %mul3A_97, %add3A_92 : vector<16xf32>
      %max3A_99 = arith.maximumf %add3A_92, %mul3A_98 : vector<16xf32>
      %exp3A_100 = math.exp %max3A_99 : vector<16xf32>
      tpu.vector_store_idx %arg14[%add3A_95], %exp3A_100 : memref<320xf32, #tpu.memory_space<vmem>>[vector<16xi32>], vector<16xf32>,
      %add3A_101 = arith.constant 16 : i32
      %add3A_102 = arith.addi %mul3A_16, %add3A_101 : i32
      %get3A_103 = arith.index_cast %add3A_102 : i32 to index
      %get3A_104 = tpu.vector_load %arg12[%get3A_103] {strides = array<i32>} : memref<10000xi32, #tpu.memory_space<vmem>>, vector<16xi32>,
      %mul3A_105 = arith.constant 4 : i32
      %mul3A_106 = vector.broadcast %mul3A_105 : i32 to vector<16xi32>
      %mul3A_107 = arith.muli %get3A_104, %mul3A_106 : vector<16xi32>
      %add3A_108 = arith.constant 16 : i32
      %add3A_109 = arith.addi %mul3A_16, %add3A_108 : i32
      %get3A_110 = arith.index_cast %add3A_109 : i32 to index
      %get3A_111 = tpu.vector_load %arg13[%get3A_110] {strides = array<i32>} : memref<10000xi32, #tpu.memory_space<vmem>>, vector<16xi32>,
      %mul3A_112 = arith.constant 4 : i32
      %mul3A_113 = vector.broadcast %mul3A_112 : i32 to vector<16xi32>
      %mul3A_114 = arith.muli %get3A_111, %mul3A_113 : vector<16xi32>
      %iota3A_115 = tpu.iota {dimensions = array<i32: 0>} : vector<16xi32>
      %mul3A_116 = arith.constant 4 : i32
      %mul3A_117 = vector.broadcast %mul3A_116 : i32 to vector<16xi32>
      %mul3A_118 = arith.muli %iota3A_115, %mul3A_117 : vector<16xi32>
      %add3A_119 = arith.constant 64 : i32
      %add3A_120 = vector.broadcast %add3A_119 : i32 to vector<16xi32>
      %add3A_121 = arith.addi %mul3A_118, %add3A_120 : vector<16xi32>
      %add3A_122 = arith.constant 0 : i32
      %add3A_123 = vector.broadcast %add3A_122 : i32 to vector<16xi32>
      %add3A_124 = arith.addi %mul3A_107, %add3A_123 : vector<16xi32>
      %gather3A_125 = tpu.vector_load_idx %arg10[%add3A_124] : memref<40000xf32, #tpu.memory_space<vmem>>[vector<16xi32>], vector<16xf32>,
      %add3A_126 = arith.constant 0 : i32
      %add3A_127 = vector.broadcast %add3A_126 : i32 to vector<16xi32>
      %add3A_128 = arith.addi %mul3A_114, %add3A_127 : vector<16xi32>
      %gather3A_129 = tpu.vector_load_idx %arg11[%add3A_128] : memref<40000xf32, #tpu.memory_space<vmem>>[vector<16xi32>], vector<16xf32>,
      %add3A_130 = arith.addf %gather3A_125, %gather3A_129 : vector<16xf32>
      %add3A_131 = arith.constant 0 : i32
      %add3A_132 = vector.broadcast %add3A_131 : i32 to vector<16xi32>
      %add3A_133 = arith.addi %add3A_121, %add3A_132 : vector<16xi32>
      %mul3A_134 = arith.constant 2.000000e-01 : f32
      %mul3A_135 = vector.broadcast %mul3A_134 : f32 to vector<16xf32>
      %mul3A_136 = arith.mulf %mul3A_135, %add3A_130 : vector<16xf32>
      %max3A_137 = arith.maximumf %add3A_130, %mul3A_136 : vector<16xf32>
      %exp3A_138 = math.exp %max3A_137 : vector<16xf32>
      tpu.vector_store_idx %arg14[%add3A_133], %exp3A_138 : memref<320xf32, #tpu.memory_space<vmem>>[vector<16xi32>], vector<16xf32>,
      %add3A_139 = arith.constant 1 : i32
      %add3A_140 = vector.broadcast %add3A_139 : i32 to vector<16xi32>
      %add3A_141 = arith.addi %mul3A_107, %add3A_140 : vector<16xi32>
      %gather3A_142 = tpu.vector_load_idx %arg10[%add3A_141] : memref<40000xf32, #tpu.memory_space<vmem>>[vector<16xi32>], vector<16xf32>,
      %add3A_143 = arith.constant 1 : i32
      %add3A_144 = vector.broadcast %add3A_143 : i32 to vector<16xi32>
      %add3A_145 = arith.addi %mul3A_114, %add3A_144 : vector<16xi32>
      %gather3A_146 = tpu.vector_load_idx %arg11[%add3A_145] : memref<40000xf32, #tpu.memory_space<vmem>>[vector<16xi32>], vector<16xf32>,
      %add3A_147 = arith.addf %gather3A_142, %gather3A_146 : vector<16xf32>
      %add3A_148 = arith.constant 1 : i32
      %add3A_149 = vector.broadcast %add3A_148 : i32 to vector<16xi32>
      %add3A_150 = arith.addi %add3A_121, %add3A_149 : vector<16xi32>
      %mul3A_151 = arith.constant 2.000000e-01 : f32
      %mul3A_152 = vector.broadcast %mul3A_151 : f32 to vector<16xf32>
      %mul3A_153 = arith.mulf %mul3A_152, %add3A_147 : vector<16xf32>
      %max3A_154 = arith.maximumf %add3A_147, %mul3A_153 : vector<16xf32>
      %exp3A_155 = math.exp %max3A_154 : vector<16xf32>
      tpu.vector_store_idx %arg14[%add3A_150], %exp3A_155 : memref<320xf32, #tpu.memory_space<vmem>>[vector<16xi32>], vector<16xf32>,
      %add3A_156 = arith.constant 2 : i32
      %add3A_157 = vector.broadcast %add3A_156 : i32 to vector<16xi32>
      %add3A_158 = arith.addi %mul3A_107, %add3A_157 : vector<16xi32>
      %gather3A_159 = tpu.vector_load_idx %arg10[%add3A_158] : memref<40000xf32, #tpu.memory_space<vmem>>[vector<16xi32>], vector<16xf32>,
      %add3A_160 = arith.constant 2 : i32
      %add3A_161 = vector.broadcast %add3A_160 : i32 to vector<16xi32>
      %add3A_162 = arith.addi %mul3A_114, %add3A_161 : vector<16xi32>
      %gather3A_163 = tpu.vector_load_idx %arg11[%add3A_162] : memref<40000xf32, #tpu.memory_space<vmem>>[vector<16xi32>], vector<16xf32>,
      %add3A_164 = arith.addf %gather3A_159, %gather3A_163 : vector<16xf32>
      %add3A_165 = arith.constant 2 : i32
      %add3A_166 = vector.broadcast %add3A_165 : i32 to vector<16xi32>
      %add3A_167 = arith.addi %add3A_121, %add3A_166 : vector<16xi32>
      %mul3A_168 = arith.constant 2.000000e-01 : f32
      %mul3A_169 = vector.broadcast %mul3A_168 : f32 to vector<16xf32>
      %mul3A_170 = arith.mulf %mul3A_169, %add3A_164 : vector<16xf32>
      %max3A_171 = arith.maximumf %add3A_164, %mul3A_170 : vector<16xf32>
      %exp3A_172 = math.exp %max3A_171 : vector<16xf32>
      tpu.vector_store_idx %arg14[%add3A_167], %exp3A_172 : memref<320xf32, #tpu.memory_space<vmem>>[vector<16xi32>], vector<16xf32>,
      %add3A_173 = arith.constant 3 : i32
      %add3A_174 = vector.broadcast %add3A_173 : i32 to vector<16xi32>
      %add3A_175 = arith.addi %mul3A_107, %add3A_174 : vector<16xi32>
      %gather3A_176 = tpu.vector_load_idx %arg10[%add3A_175] : memref<40000xf32, #tpu.memory_space<vmem>>[vector<16xi32>], vector<16xf32>,
      %add3A_177 = arith.constant 3 : i32
      %add3A_178 = vector.broadcast %add3A_177 : i32 to vector<16xi32>
      %add3A_179 = arith.addi %mul3A_114, %add3A_178 : vector<16xi32>
      %gather3A_180 = tpu.vector_load_idx %arg11[%add3A_179] : memref<40000xf32, #tpu.memory_space<vmem>>[vector<16xi32>], vector<16xf32>,
      %add3A_181 = arith.addf %gather3A_176, %gather3A_180 : vector<16xf32>
      %add3A_182 = arith.constant 3 : i32
      %add3A_183 = vector.broadcast %add3A_182 : i32 to vector<16xi32>
      %add3A_184 = arith.addi %add3A_121, %add3A_183 : vector<16xi32>
      %mul3A_185 = arith.constant 2.000000e-01 : f32
      %mul3A_186 = vector.broadcast %mul3A_185 : f32 to vector<16xf32>
      %mul3A_187 = arith.mulf %mul3A_186, %add3A_181 : vector<16xf32>
      %max3A_188 = arith.maximumf %add3A_181, %mul3A_187 : vector<16xf32>
      %exp3A_189 = math.exp %max3A_188 : vector<16xf32>
      tpu.vector_store_idx %arg14[%add3A_184], %exp3A_189 : memref<320xf32, #tpu.memory_space<vmem>>[vector<16xi32>], vector<16xf32>,
      %add3A_190 = arith.constant 32 : i32
      %add3A_191 = arith.addi %mul3A_16, %add3A_190 : i32
      %get3A_192 = arith.index_cast %add3A_191 : i32 to index
      %get3A_193 = tpu.vector_load %arg12[%get3A_192] {strides = array<i32>} : memref<10000xi32, #tpu.memory_space<vmem>>, vector<16xi32>,
      %mul3A_194 = arith.constant 4 : i32
      %mul3A_195 = vector.broadcast %mul3A_194 : i32 to vector<16xi32>
      %mul3A_196 = arith.muli %get3A_193, %mul3A_195 : vector<16xi32>
      %add3A_197 = arith.constant 32 : i32
      %add3A_198 = arith.addi %mul3A_16, %add3A_197 : i32
      %get3A_199 = arith.index_cast %add3A_198 : i32 to index
      %get3A_200 = tpu.vector_load %arg13[%get3A_199] {strides = array<i32>} : memref<10000xi32, #tpu.memory_space<vmem>>, vector<16xi32>,
      %mul3A_201 = arith.constant 4 : i32
      %mul3A_202 = vector.broadcast %mul3A_201 : i32 to vector<16xi32>
      %mul3A_203 = arith.muli %get3A_200, %mul3A_202 : vector<16xi32>
      %iota3A_204 = tpu.iota {dimensions = array<i32: 0>} : vector<16xi32>
      %mul3A_205 = arith.constant 4 : i32
      %mul3A_206 = vector.broadcast %mul3A_205 : i32 to vector<16xi32>
      %mul3A_207 = arith.muli %iota3A_204, %mul3A_206 : vector<16xi32>
      %add3A_208 = arith.constant 128 : i32
      %add3A_209 = vector.broadcast %add3A_208 : i32 to vector<16xi32>
      %add3A_210 = arith.addi %mul3A_207, %add3A_209 : vector<16xi32>
      %add3A_211 = arith.constant 0 : i32
      %add3A_212 = vector.broadcast %add3A_211 : i32 to vector<16xi32>
      %add3A_213 = arith.addi %mul3A_196, %add3A_212 : vector<16xi32>
      %gather3A_214 = tpu.vector_load_idx %arg10[%add3A_213] : memref<40000xf32, #tpu.memory_space<vmem>>[vector<16xi32>], vector<16xf32>,
      %add3A_215 = arith.constant 0 : i32
      %add3A_216 = vector.broadcast %add3A_215 : i32 to vector<16xi32>
      %add3A_217 = arith.addi %mul3A_203, %add3A_216 : vector<16xi32>
      %gather3A_218 = tpu.vector_load_idx %arg11[%add3A_217] : memref<40000xf32, #tpu.memory_space<vmem>>[vector<16xi32>], vector<16xf32>,
      %add3A_219 = arith.addf %gather3A_214, %gather3A_218 : vector<16xf32>
      %add3A_220 = arith.constant 0 : i32
      %add3A_221 = vector.broadcast %add3A_220 : i32 to vector<16xi32>
      %add3A_222 = arith.addi %add3A_210, %add3A_221 : vector<16xi32>
      %mul3A_223 = arith.constant 2.000000e-01 : f32
      %mul3A_224 = vector.broadcast %mul3A_223 : f32 to vector<16xf32>
      %mul3A_225 = arith.mulf %mul3A_224, %add3A_219 : vector<16xf32>
      %max3A_226 = arith.maximumf %add3A_219, %mul3A_225 : vector<16xf32>
      %exp3A_227 = math.exp %max3A_226 : vector<16xf32>
      tpu.vector_store_idx %arg14[%add3A_222], %exp3A_227 : memref<320xf32, #tpu.memory_space<vmem>>[vector<16xi32>], vector<16xf32>,
      %add3A_228 = arith.constant 1 : i32
      %add3A_229 = vector.broadcast %add3A_228 : i32 to vector<16xi32>
      %add3A_230 = arith.addi %mul3A_196, %add3A_229 : vector<16xi32>
      %gather3A_231 = tpu.vector_load_idx %arg10[%add3A_230] : memref<40000xf32, #tpu.memory_space<vmem>>[vector<16xi32>], vector<16xf32>,
      %add3A_232 = arith.constant 1 : i32
      %add3A_233 = vector.broadcast %add3A_232 : i32 to vector<16xi32>
      %add3A_234 = arith.addi %mul3A_203, %add3A_233 : vector<16xi32>
      %gather3A_235 = tpu.vector_load_idx %arg11[%add3A_234] : memref<40000xf32, #tpu.memory_space<vmem>>[vector<16xi32>], vector<16xf32>,
      %add3A_236 = arith.addf %gather3A_231, %gather3A_235 : vector<16xf32>
      %add3A_237 = arith.constant 1 : i32
      %add3A_238 = vector.broadcast %add3A_237 : i32 to vector<16xi32>
      %add3A_239 = arith.addi %add3A_210, %add3A_238 : vector<16xi32>
      %mul3A_240 = arith.constant 2.000000e-01 : f32
      %mul3A_241 = vector.broadcast %mul3A_240 : f32 to vector<16xf32>
      %mul3A_242 = arith.mulf %mul3A_241, %add3A_236 : vector<16xf32>
      %max3A_243 = arith.maximumf %add3A_236, %mul3A_242 : vector<16xf32>
      %exp3A_244 = math.exp %max3A_243 : vector<16xf32>
      tpu.vector_store_idx %arg14[%add3A_239], %exp3A_244 : memref<320xf32, #tpu.memory_space<vmem>>[vector<16xi32>], vector<16xf32>,
      %add3A_245 = arith.constant 2 : i32
      %add3A_246 = vector.broadcast %add3A_245 : i32 to vector<16xi32>
      %add3A_247 = arith.addi %mul3A_196, %add3A_246 : vector<16xi32>
      %gather3A_248 = tpu.vector_load_idx %arg10[%add3A_247] : memref<40000xf32, #tpu.memory_space<vmem>>[vector<16xi32>], vector<16xf32>,
      %add3A_249 = arith.constant 2 : i32
      %add3A_250 = vector.broadcast %add3A_249 : i32 to vector<16xi32>
      %add3A_251 = arith.addi %mul3A_203, %add3A_250 : vector<16xi32>
      %gather3A_252 = tpu.vector_load_idx %arg11[%add3A_251] : memref<40000xf32, #tpu.memory_space<vmem>>[vector<16xi32>], vector<16xf32>,
      %add3A_253 = arith.addf %gather3A_248, %gather3A_252 : vector<16xf32>
      %add3A_254 = arith.constant 2 : i32
      %add3A_255 = vector.broadcast %add3A_254 : i32 to vector<16xi32>
      %add3A_256 = arith.addi %add3A_210, %add3A_255 : vector<16xi32>
      %mul3A_257 = arith.constant 2.000000e-01 : f32
      %mul3A_258 = vector.broadcast %mul3A_257 : f32 to vector<16xf32>
      %mul3A_259 = arith.mulf %mul3A_258, %add3A_253 : vector<16xf32>
      %max3A_260 = arith.maximumf %add3A_253, %mul3A_259 : vector<16xf32>
      %exp3A_261 = math.exp %max3A_260 : vector<16xf32>
      tpu.vector_store_idx %arg14[%add3A_256], %exp3A_261 : memref<320xf32, #tpu.memory_space<vmem>>[vector<16xi32>], vector<16xf32>,
      %add3A_262 = arith.constant 3 : i32
      %add3A_263 = vector.broadcast %add3A_262 : i32 to vector<16xi32>
      %add3A_264 = arith.addi %mul3A_196, %add3A_263 : vector<16xi32>
      %gather3A_265 = tpu.vector_load_idx %arg10[%add3A_264] : memref<40000xf32, #tpu.memory_space<vmem>>[vector<16xi32>], vector<16xf32>,
      %add3A_266 = arith.constant 3 : i32
      %add3A_267 = vector.broadcast %add3A_266 : i32 to vector<16xi32>
      %add3A_268 = arith.addi %mul3A_203, %add3A_267 : vector<16xi32>
      %gather3A_269 = tpu.vector_load_idx %arg11[%add3A_268] : memref<40000xf32, #tpu.memory_space<vmem>>[vector<16xi32>], vector<16xf32>,
      %add3A_270 = arith.addf %gather3A_265, %gather3A_269 : vector<16xf32>
      %add3A_271 = arith.constant 3 : i32
      %add3A_272 = vector.broadcast %add3A_271 : i32 to vector<16xi32>
      %add3A_273 = arith.addi %add3A_210, %add3A_272 : vector<16xi32>
      %mul3A_274 = arith.constant 2.000000e-01 : f32
      %mul3A_275 = vector.broadcast %mul3A_274 : f32 to vector<16xf32>
      %mul3A_276 = arith.mulf %mul3A_275, %add3A_270 : vector<16xf32>
      %max3A_277 = arith.maximumf %add3A_270, %mul3A_276 : vector<16xf32>
      %exp3A_278 = math.exp %max3A_277 : vector<16xf32>
      tpu.vector_store_idx %arg14[%add3A_273], %exp3A_278 : memref<320xf32, #tpu.memory_space<vmem>>[vector<16xi32>], vector<16xf32>,
      %add3A_279 = arith.constant 48 : i32
      %add3A_280 = arith.addi %mul3A_16, %add3A_279 : i32
      %get3A_281 = arith.index_cast %add3A_280 : i32 to index
      %get3A_282 = tpu.vector_load %arg12[%get3A_281] {strides = array<i32>} : memref<10000xi32, #tpu.memory_space<vmem>>, vector<16xi32>,
      %mul3A_283 = arith.constant 4 : i32
      %mul3A_284 = vector.broadcast %mul3A_283 : i32 to vector<16xi32>
      %mul3A_285 = arith.muli %get3A_282, %mul3A_284 : vector<16xi32>
      %add3A_286 = arith.constant 48 : i32
      %add3A_287 = arith.addi %mul3A_16, %add3A_286 : i32
      %get3A_288 = arith.index_cast %add3A_287 : i32 to index
      %get3A_289 = tpu.vector_load %arg13[%get3A_288] {strides = array<i32>} : memref<10000xi32, #tpu.memory_space<vmem>>, vector<16xi32>,
      %mul3A_290 = arith.constant 4 : i32
      %mul3A_291 = vector.broadcast %mul3A_290 : i32 to vector<16xi32>
      %mul3A_292 = arith.muli %get3A_289, %mul3A_291 : vector<16xi32>
      %iota3A_293 = tpu.iota {dimensions = array<i32: 0>} : vector<16xi32>
      %mul3A_294 = arith.constant 4 : i32
      %mul3A_295 = vector.broadcast %mul3A_294 : i32 to vector<16xi32>
      %mul3A_296 = arith.muli %iota3A_293, %mul3A_295 : vector<16xi32>
      %add3A_297 = arith.constant 192 : i32
      %add3A_298 = vector.broadcast %add3A_297 : i32 to vector<16xi32>
      %add3A_299 = arith.addi %mul3A_296, %add3A_298 : vector<16xi32>
      %add3A_300 = arith.constant 0 : i32
      %add3A_301 = vector.broadcast %add3A_300 : i32 to vector<16xi32>
      %add3A_302 = arith.addi %mul3A_285, %add3A_301 : vector<16xi32>
      %gather3A_303 = tpu.vector_load_idx %arg10[%add3A_302] : memref<40000xf32, #tpu.memory_space<vmem>>[vector<16xi32>], vector<16xf32>,
      %add3A_304 = arith.constant 0 : i32
      %add3A_305 = vector.broadcast %add3A_304 : i32 to vector<16xi32>
      %add3A_306 = arith.addi %mul3A_292, %add3A_305 : vector<16xi32>
      %gather3A_307 = tpu.vector_load_idx %arg11[%add3A_306] : memref<40000xf32, #tpu.memory_space<vmem>>[vector<16xi32>], vector<16xf32>,
      %add3A_308 = arith.addf %gather3A_303, %gather3A_307 : vector<16xf32>
      %add3A_309 = arith.constant 0 : i32
      %add3A_310 = vector.broadcast %add3A_309 : i32 to vector<16xi32>
      %add3A_311 = arith.addi %add3A_299, %add3A_310 : vector<16xi32>
      %mul3A_312 = arith.constant 2.000000e-01 : f32
      %mul3A_313 = vector.broadcast %mul3A_312 : f32 to vector<16xf32>
      %mul3A_314 = arith.mulf %mul3A_313, %add3A_308 : vector<16xf32>
      %max3A_315 = arith.maximumf %add3A_308, %mul3A_314 : vector<16xf32>
      %exp3A_316 = math.exp %max3A_315 : vector<16xf32>
      tpu.vector_store_idx %arg14[%add3A_311], %exp3A_316 : memref<320xf32, #tpu.memory_space<vmem>>[vector<16xi32>], vector<16xf32>,
      %add3A_317 = arith.constant 1 : i32
      %add3A_318 = vector.broadcast %add3A_317 : i32 to vector<16xi32>
      %add3A_319 = arith.addi %mul3A_285, %add3A_318 : vector<16xi32>
      %gather3A_320 = tpu.vector_load_idx %arg10[%add3A_319] : memref<40000xf32, #tpu.memory_space<vmem>>[vector<16xi32>], vector<16xf32>,
      %add3A_321 = arith.constant 1 : i32
      %add3A_322 = vector.broadcast %add3A_321 : i32 to vector<16xi32>
      %add3A_323 = arith.addi %mul3A_292, %add3A_322 : vector<16xi32>
      %gather3A_324 = tpu.vector_load_idx %arg11[%add3A_323] : memref<40000xf32, #tpu.memory_space<vmem>>[vector<16xi32>], vector<16xf32>,
      %add3A_325 = arith.addf %gather3A_320, %gather3A_324 : vector<16xf32>
      %add3A_326 = arith.constant 1 : i32
      %add3A_327 = vector.broadcast %add3A_326 : i32 to vector<16xi32>
      %add3A_328 = arith.addi %add3A_299, %add3A_327 : vector<16xi32>
      %mul3A_329 = arith.constant 2.000000e-01 : f32
      %mul3A_330 = vector.broadcast %mul3A_329 : f32 to vector<16xf32>
      %mul3A_331 = arith.mulf %mul3A_330, %add3A_325 : vector<16xf32>
      %max3A_332 = arith.maximumf %add3A_325, %mul3A_331 : vector<16xf32>
      %exp3A_333 = math.exp %max3A_332 : vector<16xf32>
      tpu.vector_store_idx %arg14[%add3A_328], %exp3A_333 : memref<320xf32, #tpu.memory_space<vmem>>[vector<16xi32>], vector<16xf32>,
      %add3A_334 = arith.constant 2 : i32
      %add3A_335 = vector.broadcast %add3A_334 : i32 to vector<16xi32>
      %add3A_336 = arith.addi %mul3A_285, %add3A_335 : vector<16xi32>
      %gather3A_337 = tpu.vector_load_idx %arg10[%add3A_336] : memref<40000xf32, #tpu.memory_space<vmem>>[vector<16xi32>], vector<16xf32>,
      %add3A_338 = arith.constant 2 : i32
      %add3A_339 = vector.broadcast %add3A_338 : i32 to vector<16xi32>
      %add3A_340 = arith.addi %mul3A_292, %add3A_339 : vector<16xi32>
      %gather3A_341 = tpu.vector_load_idx %arg11[%add3A_340] : memref<40000xf32, #tpu.memory_space<vmem>>[vector<16xi32>], vector<16xf32>,
      %add3A_342 = arith.addf %gather3A_337, %gather3A_341 : vector<16xf32>
      %add3A_343 = arith.constant 2 : i32
      %add3A_344 = vector.broadcast %add3A_343 : i32 to vector<16xi32>
      %add3A_345 = arith.addi %add3A_299, %add3A_344 : vector<16xi32>
      %mul3A_346 = arith.constant 2.000000e-01 : f32
      %mul3A_347 = vector.broadcast %mul3A_346 : f32 to vector<16xf32>
      %mul3A_348 = arith.mulf %mul3A_347, %add3A_342 : vector<16xf32>
      %max3A_349 = arith.maximumf %add3A_342, %mul3A_348 : vector<16xf32>
      %exp3A_350 = math.exp %max3A_349 : vector<16xf32>
      tpu.vector_store_idx %arg14[%add3A_345], %exp3A_350 : memref<320xf32, #tpu.memory_space<vmem>>[vector<16xi32>], vector<16xf32>,
      %add3A_351 = arith.constant 3 : i32
      %add3A_352 = vector.broadcast %add3A_351 : i32 to vector<16xi32>
      %add3A_353 = arith.addi %mul3A_285, %add3A_352 : vector<16xi32>
      %gather3A_354 = tpu.vector_load_idx %arg10[%add3A_353] : memref<40000xf32, #tpu.memory_space<vmem>>[vector<16xi32>], vector<16xf32>,
      %add3A_355 = arith.constant 3 : i32
      %add3A_356 = vector.broadcast %add3A_355 : i32 to vector<16xi32>
      %add3A_357 = arith.addi %mul3A_292, %add3A_356 : vector<16xi32>
      %gather3A_358 = tpu.vector_load_idx %arg11[%add3A_357] : memref<40000xf32, #tpu.memory_space<vmem>>[vector<16xi32>], vector<16xf32>,
      %add3A_359 = arith.addf %gather3A_354, %gather3A_358 : vector<16xf32>
      %add3A_360 = arith.constant 3 : i32
      %add3A_361 = vector.broadcast %add3A_360 : i32 to vector<16xi32>
      %add3A_362 = arith.addi %add3A_299, %add3A_361 : vector<16xi32>
      %mul3A_363 = arith.constant 2.000000e-01 : f32
      %mul3A_364 = vector.broadcast %mul3A_363 : f32 to vector<16xf32>
      %mul3A_365 = arith.mulf %mul3A_364, %add3A_359 : vector<16xf32>
      %max3A_366 = arith.maximumf %add3A_359, %mul3A_365 : vector<16xf32>
      %exp3A_367 = math.exp %max3A_366 : vector<16xf32>
      tpu.vector_store_idx %arg14[%add3A_362], %exp3A_367 : memref<320xf32, #tpu.memory_space<vmem>>[vector<16xi32>], vector<16xf32>,
      %add3A_368 = arith.constant 64 : i32
      %add3A_369 = arith.addi %mul3A_16, %add3A_368 : i32
      %get3A_370 = arith.index_cast %add3A_369 : i32 to index
      %get3A_371 = tpu.vector_load %arg12[%get3A_370] {strides = array<i32>} : memref<10000xi32, #tpu.memory_space<vmem>>, vector<16xi32>,
      %mul3A_372 = arith.constant 4 : i32
      %mul3A_373 = vector.broadcast %mul3A_372 : i32 to vector<16xi32>
      %mul3A_374 = arith.muli %get3A_371, %mul3A_373 : vector<16xi32>
      %add3A_375 = arith.constant 64 : i32
      %add3A_376 = arith.addi %mul3A_16, %add3A_375 : i32
      %get3A_377 = arith.index_cast %add3A_376 : i32 to index
      %get3A_378 = tpu.vector_load %arg13[%get3A_377] {strides = array<i32>} : memref<10000xi32, #tpu.memory_space<vmem>>, vector<16xi32>,
      %mul3A_379 = arith.constant 4 : i32
      %mul3A_380 = vector.broadcast %mul3A_379 : i32 to vector<16xi32>
      %mul3A_381 = arith.muli %get3A_378, %mul3A_380 : vector<16xi32>
      %iota3A_382 = tpu.iota {dimensions = array<i32: 0>} : vector<16xi32>
      %mul3A_383 = arith.constant 4 : i32
      %mul3A_384 = vector.broadcast %mul3A_383 : i32 to vector<16xi32>
      %mul3A_385 = arith.muli %iota3A_382, %mul3A_384 : vector<16xi32>
      %add3A_386 = arith.constant 256 : i32
      %add3A_387 = vector.broadcast %add3A_386 : i32 to vector<16xi32>
      %add3A_388 = arith.addi %mul3A_385, %add3A_387 : vector<16xi32>
      %add3A_389 = arith.constant 0 : i32
      %add3A_390 = vector.broadcast %add3A_389 : i32 to vector<16xi32>
      %add3A_391 = arith.addi %mul3A_374, %add3A_390 : vector<16xi32>
      %gather3A_392 = tpu.vector_load_idx %arg10[%add3A_391] : memref<40000xf32, #tpu.memory_space<vmem>>[vector<16xi32>], vector<16xf32>,
      %add3A_393 = arith.constant 0 : i32
      %add3A_394 = vector.broadcast %add3A_393 : i32 to vector<16xi32>
      %add3A_395 = arith.addi %mul3A_381, %add3A_394 : vector<16xi32>
      %gather3A_396 = tpu.vector_load_idx %arg11[%add3A_395] : memref<40000xf32, #tpu.memory_space<vmem>>[vector<16xi32>], vector<16xf32>,
      %add3A_397 = arith.addf %gather3A_392, %gather3A_396 : vector<16xf32>
      %add3A_398 = arith.constant 0 : i32
      %add3A_399 = vector.broadcast %add3A_398 : i32 to vector<16xi32>
      %add3A_400 = arith.addi %add3A_388, %add3A_399 : vector<16xi32>
      %mul3A_401 = arith.constant 2.000000e-01 : f32
      %mul3A_402 = vector.broadcast %mul3A_401 : f32 to vector<16xf32>
      %mul3A_403 = arith.mulf %mul3A_402, %add3A_397 : vector<16xf32>
      %max3A_404 = arith.maximumf %add3A_397, %mul3A_403 : vector<16xf32>
      %exp3A_405 = math.exp %max3A_404 : vector<16xf32>
      tpu.vector_store_idx %arg14[%add3A_400], %exp3A_405 : memref<320xf32, #tpu.memory_space<vmem>>[vector<16xi32>], vector<16xf32>,
      %add3A_406 = arith.constant 1 : i32
      %add3A_407 = vector.broadcast %add3A_406 : i32 to vector<16xi32>
      %add3A_408 = arith.addi %mul3A_374, %add3A_407 : vector<16xi32>
      %gather3A_409 = tpu.vector_load_idx %arg10[%add3A_408] : memref<40000xf32, #tpu.memory_space<vmem>>[vector<16xi32>], vector<16xf32>,
      %add3A_410 = arith.constant 1 : i32
      %add3A_411 = vector.broadcast %add3A_410 : i32 to vector<16xi32>
      %add3A_412 = arith.addi %mul3A_381, %add3A_411 : vector<16xi32>
      %gather3A_413 = tpu.vector_load_idx %arg11[%add3A_412] : memref<40000xf32, #tpu.memory_space<vmem>>[vector<16xi32>], vector<16xf32>,
      %add3A_414 = arith.addf %gather3A_409, %gather3A_413 : vector<16xf32>
      %add3A_415 = arith.constant 1 : i32
      %add3A_416 = vector.broadcast %add3A_415 : i32 to vector<16xi32>
      %add3A_417 = arith.addi %add3A_388, %add3A_416 : vector<16xi32>
      %mul3A_418 = arith.constant 2.000000e-01 : f32
      %mul3A_419 = vector.broadcast %mul3A_418 : f32 to vector<16xf32>
      %mul3A_420 = arith.mulf %mul3A_419, %add3A_414 : vector<16xf32>
      %max3A_421 = arith.maximumf %add3A_414, %mul3A_420 : vector<16xf32>
      %exp3A_422 = math.exp %max3A_421 : vector<16xf32>
      tpu.vector_store_idx %arg14[%add3A_417], %exp3A_422 : memref<320xf32, #tpu.memory_space<vmem>>[vector<16xi32>], vector<16xf32>,
      %add3A_423 = arith.constant 2 : i32
      %add3A_424 = vector.broadcast %add3A_423 : i32 to vector<16xi32>
      %add3A_425 = arith.addi %mul3A_374, %add3A_424 : vector<16xi32>
      %gather3A_426 = tpu.vector_load_idx %arg10[%add3A_425] : memref<40000xf32, #tpu.memory_space<vmem>>[vector<16xi32>], vector<16xf32>,
      %add3A_427 = arith.constant 2 : i32
      %add3A_428 = vector.broadcast %add3A_427 : i32 to vector<16xi32>
      %add3A_429 = arith.addi %mul3A_381, %add3A_428 : vector<16xi32>
      %gather3A_430 = tpu.vector_load_idx %arg11[%add3A_429] : memref<40000xf32, #tpu.memory_space<vmem>>[vector<16xi32>], vector<16xf32>,
      %add3A_431 = arith.addf %gather3A_426, %gather3A_430 : vector<16xf32>
      %add3A_432 = arith.constant 2 : i32
      %add3A_433 = vector.broadcast %add3A_432 : i32 to vector<16xi32>
      %add3A_434 = arith.addi %add3A_388, %add3A_433 : vector<16xi32>
      %mul3A_435 = arith.constant 2.000000e-01 : f32
      %mul3A_436 = vector.broadcast %mul3A_435 : f32 to vector<16xf32>
      %mul3A_437 = arith.mulf %mul3A_436, %add3A_431 : vector<16xf32>
      %max3A_438 = arith.maximumf %add3A_431, %mul3A_437 : vector<16xf32>
      %exp3A_439 = math.exp %max3A_438 : vector<16xf32>
      tpu.vector_store_idx %arg14[%add3A_434], %exp3A_439 : memref<320xf32, #tpu.memory_space<vmem>>[vector<16xi32>], vector<16xf32>,
      %add3A_440 = arith.constant 3 : i32
      %add3A_441 = vector.broadcast %add3A_440 : i32 to vector<16xi32>
      %add3A_442 = arith.addi %mul3A_374, %add3A_441 : vector<16xi32>
      %gather3A_443 = tpu.vector_load_idx %arg10[%add3A_442] : memref<40000xf32, #tpu.memory_space<vmem>>[vector<16xi32>], vector<16xf32>,
      %add3A_444 = arith.constant 3 : i32
      %add3A_445 = vector.broadcast %add3A_444 : i32 to vector<16xi32>
      %add3A_446 = arith.addi %mul3A_381, %add3A_445 : vector<16xi32>
      %gather3A_447 = tpu.vector_load_idx %arg11[%add3A_446] : memref<40000xf32, #tpu.memory_space<vmem>>[vector<16xi32>], vector<16xf32>,
      %add3A_448 = arith.addf %gather3A_443, %gather3A_447 : vector<16xf32>
      %add3A_449 = arith.constant 3 : i32
      %add3A_450 = vector.broadcast %add3A_449 : i32 to vector<16xi32>
      %add3A_451 = arith.addi %add3A_388, %add3A_450 : vector<16xi32>
      %mul3A_452 = arith.constant 2.000000e-01 : f32
      %mul3A_453 = vector.broadcast %mul3A_452 : f32 to vector<16xf32>
      %mul3A_454 = arith.mulf %mul3A_453, %add3A_448 : vector<16xf32>
      %max3A_455 = arith.maximumf %add3A_448, %mul3A_454 : vector<16xf32>
      %exp3A_456 = math.exp %max3A_455 : vector<16xf32>
      tpu.vector_store_idx %arg14[%add3A_451], %exp3A_456 : memref<320xf32, #tpu.memory_space<vmem>>[vector<16xi32>], vector<16xf32>,
      %add3A_457 = arith.addi %mul3A_2, %mul3A_16 : i32
      %mul3A_458 = arith.constant 4 : i32
      %mul3A_459 = arith.muli %add3A_457, %mul3A_458 : i32
      "tpu.region"() ({
        %run_scoped3A = tpu.sem_alloc : memref<!tpu.dma_semaphore, #tpu.memory_space<semaphore_mem>>
        %dma_start3A = tpu.memref_slice %arg8[%mul3A_459] : memref<1280000xf32, #tpu.memory_space<hbm>> -> memref<320xf32, #tpu.memory_space<hbm>>
        %dma_start3A_460 = tpu.memref_slice %arg8[%mul3A_459] : memref<1280000xf32, #tpu.memory_space<hbm>> -> memref<320xf32, #tpu.memory_space<hbm>>
        tpu.enqueue_dma source(%arg14 : memref<320xf32, #tpu.memory_space<vmem>>) target(%dma_start3A_460 : memref<320xf32, #tpu.memory_space<hbm>>) target_semaphore(%run_scoped3A : memref<!tpu.dma_semaphore, #tpu.memory_space<semaphore_mem>>)
        %dma_wait3A = tpu.memref_slice %arg8[%mul3A_459] : memref<1280000xf32, #tpu.memory_space<hbm>> -> memref<320xf32, #tpu.memory_space<hbm>>
        %dma_wait3A_461 = tpu.memref_slice %arg8[%mul3A_459] : memref<1280000xf32, #tpu.memory_space<hbm>> -> memref<320xf32, #tpu.memory_space<hbm>>
        tpu.wait_dma2 semaphore(%run_scoped3A : memref<!tpu.dma_semaphore, #tpu.memory_space<semaphore_mem>>) src(%arg14 : memref<320xf32, #tpu.memory_space<vmem>>) dst(%dma_wait3A_461 : memref<320xf32, #tpu.memory_space<hbm>>)
        tpu.yield
      }) : () -> ()
    }
    %scan3A_7 = arith.constant 125 : i32
    "tpu.region"() ({
      %run_scoped3A = tpu.sem_alloc : memref<!tpu.dma_semaphore, #tpu.memory_space<semaphore_mem>>
      tpu.enqueue_dma source(%arg5 : memref<40000xf32, #tpu.memory_space<hbm>>) target(%arg10 : memref<40000xf32, #tpu.memory_space<vmem>>) target_semaphore(%run_scoped3A : memref<!tpu.dma_semaphore, #tpu.memory_space<semaphore_mem>>)
      tpu.wait_dma2 semaphore(%run_scoped3A : memref<!tpu.dma_semaphore, #tpu.memory_space<semaphore_mem>>) src(%arg5 : memref<40000xf32, #tpu.memory_space<hbm>>) dst(%arg10 : memref<40000xf32, #tpu.memory_space<vmem>>)
      tpu.yield
    }) : () -> ()
    "tpu.region"() ({
      %run_scoped3A = tpu.sem_alloc : memref<!tpu.dma_semaphore, #tpu.memory_space<semaphore_mem>>
      tpu.enqueue_dma source(%arg7 : memref<40000xf32, #tpu.memory_space<hbm>>) target(%arg11 : memref<40000xf32, #tpu.memory_space<vmem>>) target_semaphore(%run_scoped3A : memref<!tpu.dma_semaphore, #tpu.memory_space<semaphore_mem>>)
      tpu.wait_dma2 semaphore(%run_scoped3A : memref<!tpu.dma_semaphore, #tpu.memory_space<semaphore_mem>>) src(%arg7 : memref<40000xf32, #tpu.memory_space<hbm>>) dst(%arg11 : memref<40000xf32, #tpu.memory_space<vmem>>)
      tpu.yield
    }) : () -> ()
    %scan3A_8 = arith.constant 0 : i32
    %scan3A_9 = arith.constant 0 : i32
    %scan3A_10 = arith.constant 125 : i32
    %scan3A_11 = arith.addi %scan3A_9, %scan3A_10 : i32
    %scan3A_12 = arith.constant 1 : i32
    scf.for %scan3A_14 = %scan3A_9 to %scan3A_11 step %scan3A_12  : i32 {
      %mul3A_15 = arith.constant 80 : i32
      %mul3A_16 = arith.muli %scan3A_14, %mul3A_15 : i32
      %add3A_17 = arith.constant 0 : i32
      %add3A_18 = arith.addi %mul3A_16, %add3A_17 : i32
      %get3A = arith.index_cast %add3A_18 : i32 to index
      %get3A_19 = tpu.vector_load %arg12[%get3A] {strides = array<i32>} : memref<10000xi32, #tpu.memory_space<vmem>>, vector<16xi32>,
      %mul3A_20 = arith.constant 4 : i32
      %mul3A_21 = vector.broadcast %mul3A_20 : i32 to vector<16xi32>
      %mul3A_22 = arith.muli %get3A_19, %mul3A_21 : vector<16xi32>
      %add3A_23 = arith.constant 0 : i32
      %add3A_24 = arith.addi %mul3A_16, %add3A_23 : i32
      %get3A_25 = arith.index_cast %add3A_24 : i32 to index
      %get3A_26 = tpu.vector_load %arg13[%get3A_25] {strides = array<i32>} : memref<10000xi32, #tpu.memory_space<vmem>>, vector<16xi32>,
      %mul3A_27 = arith.constant 4 : i32
      %mul3A_28 = vector.broadcast %mul3A_27 : i32 to vector<16xi32>
      %mul3A_29 = arith.muli %get3A_26, %mul3A_28 : vector<16xi32>
      %iota3A = tpu.iota {dimensions = array<i32: 0>} : vector<16xi32>
      %mul3A_30 = arith.constant 4 : i32
      %mul3A_31 = vector.broadcast %mul3A_30 : i32 to vector<16xi32>
      %mul3A_32 = arith.muli %iota3A, %mul3A_31 : vector<16xi32>
      %add3A_33 = arith.constant 0 : i32
      %add3A_34 = vector.broadcast %add3A_33 : i32 to vector<16xi32>
      %add3A_35 = arith.addi %mul3A_32, %add3A_34 : vector<16xi32>
      %add3A_36 = arith.constant 0 : i32
      %add3A_37 = vector.broadcast %add3A_36 : i32 to vector<16xi32>
      %add3A_38 = arith.addi %mul3A_22, %add3A_37 : vector<16xi32>
      %gather3A = tpu.vector_load_idx %arg10[%add3A_38] : memref<40000xf32, #tpu.memory_space<vmem>>[vector<16xi32>], vector<16xf32>,
      %add3A_39 = arith.constant 0 : i32
      %add3A_40 = vector.broadcast %add3A_39 : i32 to vector<16xi32>
      %add3A_41 = arith.addi %mul3A_29, %add3A_40 : vector<16xi32>
      %gather3A_42 = tpu.vector_load_idx %arg11[%add3A_41] : memref<40000xf32, #tpu.memory_space<vmem>>[vector<16xi32>], vector<16xf32>,
      %add3A_43 = arith.addf %gather3A, %gather3A_42 : vector<16xf32>
      %add3A_44 = arith.constant 0 : i32
      %add3A_45 = vector.broadcast %add3A_44 : i32 to vector<16xi32>
      %add3A_46 = arith.addi %add3A_35, %add3A_45 : vector<16xi32>
      %mul3A_47 = arith.constant 2.000000e-01 : f32
      %mul3A_48 = vector.broadcast %mul3A_47 : f32 to vector<16xf32>
      %mul3A_49 = arith.mulf %mul3A_48, %add3A_43 : vector<16xf32>
      %max3A = arith.maximumf %add3A_43, %mul3A_49 : vector<16xf32>
      %exp3A = math.exp %max3A : vector<16xf32>
      tpu.vector_store_idx %arg14[%add3A_46], %exp3A : memref<320xf32, #tpu.memory_space<vmem>>[vector<16xi32>], vector<16xf32>,
      %add3A_50 = arith.constant 1 : i32
      %add3A_51 = vector.broadcast %add3A_50 : i32 to vector<16xi32>
      %add3A_52 = arith.addi %mul3A_22, %add3A_51 : vector<16xi32>
      %gather3A_53 = tpu.vector_load_idx %arg10[%add3A_52] : memref<40000xf32, #tpu.memory_space<vmem>>[vector<16xi32>], vector<16xf32>,
      %add3A_54 = arith.constant 1 : i32
      %add3A_55 = vector.broadcast %add3A_54 : i32 to vector<16xi32>
      %add3A_56 = arith.addi %mul3A_29, %add3A_55 : vector<16xi32>
      %gather3A_57 = tpu.vector_load_idx %arg11[%add3A_56] : memref<40000xf32, #tpu.memory_space<vmem>>[vector<16xi32>], vector<16xf32>,
      %add3A_58 = arith.addf %gather3A_53, %gather3A_57 : vector<16xf32>
      %add3A_59 = arith.constant 1 : i32
      %add3A_60 = vector.broadcast %add3A_59 : i32 to vector<16xi32>
      %add3A_61 = arith.addi %add3A_35, %add3A_60 : vector<16xi32>
      %mul3A_62 = arith.constant 2.000000e-01 : f32
      %mul3A_63 = vector.broadcast %mul3A_62 : f32 to vector<16xf32>
      %mul3A_64 = arith.mulf %mul3A_63, %add3A_58 : vector<16xf32>
      %max3A_65 = arith.maximumf %add3A_58, %mul3A_64 : vector<16xf32>
      %exp3A_66 = math.exp %max3A_65 : vector<16xf32>
      tpu.vector_store_idx %arg14[%add3A_61], %exp3A_66 : memref<320xf32, #tpu.memory_space<vmem>>[vector<16xi32>], vector<16xf32>,
      %add3A_67 = arith.constant 2 : i32
      %add3A_68 = vector.broadcast %add3A_67 : i32 to vector<16xi32>
      %add3A_69 = arith.addi %mul3A_22, %add3A_68 : vector<16xi32>
      %gather3A_70 = tpu.vector_load_idx %arg10[%add3A_69] : memref<40000xf32, #tpu.memory_space<vmem>>[vector<16xi32>], vector<16xf32>,
      %add3A_71 = arith.constant 2 : i32
      %add3A_72 = vector.broadcast %add3A_71 : i32 to vector<16xi32>
      %add3A_73 = arith.addi %mul3A_29, %add3A_72 : vector<16xi32>
      %gather3A_74 = tpu.vector_load_idx %arg11[%add3A_73] : memref<40000xf32, #tpu.memory_space<vmem>>[vector<16xi32>], vector<16xf32>,
      %add3A_75 = arith.addf %gather3A_70, %gather3A_74 : vector<16xf32>
      %add3A_76 = arith.constant 2 : i32
      %add3A_77 = vector.broadcast %add3A_76 : i32 to vector<16xi32>
      %add3A_78 = arith.addi %add3A_35, %add3A_77 : vector<16xi32>
      %mul3A_79 = arith.constant 2.000000e-01 : f32
      %mul3A_80 = vector.broadcast %mul3A_79 : f32 to vector<16xf32>
      %mul3A_81 = arith.mulf %mul3A_80, %add3A_75 : vector<16xf32>
      %max3A_82 = arith.maximumf %add3A_75, %mul3A_81 : vector<16xf32>
      %exp3A_83 = math.exp %max3A_82 : vector<16xf32>
      tpu.vector_store_idx %arg14[%add3A_78], %exp3A_83 : memref<320xf32, #tpu.memory_space<vmem>>[vector<16xi32>], vector<16xf32>,
      %add3A_84 = arith.constant 3 : i32
      %add3A_85 = vector.broadcast %add3A_84 : i32 to vector<16xi32>
      %add3A_86 = arith.addi %mul3A_22, %add3A_85 : vector<16xi32>
      %gather3A_87 = tpu.vector_load_idx %arg10[%add3A_86] : memref<40000xf32, #tpu.memory_space<vmem>>[vector<16xi32>], vector<16xf32>,
      %add3A_88 = arith.constant 3 : i32
      %add3A_89 = vector.broadcast %add3A_88 : i32 to vector<16xi32>
      %add3A_90 = arith.addi %mul3A_29, %add3A_89 : vector<16xi32>
      %gather3A_91 = tpu.vector_load_idx %arg11[%add3A_90] : memref<40000xf32, #tpu.memory_space<vmem>>[vector<16xi32>], vector<16xf32>,
      %add3A_92 = arith.addf %gather3A_87, %gather3A_91 : vector<16xf32>
      %add3A_93 = arith.constant 3 : i32
      %add3A_94 = vector.broadcast %add3A_93 : i32 to vector<16xi32>
      %add3A_95 = arith.addi %add3A_35, %add3A_94 : vector<16xi32>
      %mul3A_96 = arith.constant 2.000000e-01 : f32
      %mul3A_97 = vector.broadcast %mul3A_96 : f32 to vector<16xf32>
      %mul3A_98 = arith.mulf %mul3A_97, %add3A_92 : vector<16xf32>
      %max3A_99 = arith.maximumf %add3A_92, %mul3A_98 : vector<16xf32>
      %exp3A_100 = math.exp %max3A_99 : vector<16xf32>
      tpu.vector_store_idx %arg14[%add3A_95], %exp3A_100 : memref<320xf32, #tpu.memory_space<vmem>>[vector<16xi32>], vector<16xf32>,
      %add3A_101 = arith.constant 16 : i32
      %add3A_102 = arith.addi %mul3A_16, %add3A_101 : i32
      %get3A_103 = arith.index_cast %add3A_102 : i32 to index
      %get3A_104 = tpu.vector_load %arg12[%get3A_103] {strides = array<i32>} : memref<10000xi32, #tpu.memory_space<vmem>>, vector<16xi32>,
      %mul3A_105 = arith.constant 4 : i32
      %mul3A_106 = vector.broadcast %mul3A_105 : i32 to vector<16xi32>
      %mul3A_107 = arith.muli %get3A_104, %mul3A_106 : vector<16xi32>
      %add3A_108 = arith.constant 16 : i32
      %add3A_109 = arith.addi %mul3A_16, %add3A_108 : i32
      %get3A_110 = arith.index_cast %add3A_109 : i32 to index
      %get3A_111 = tpu.vector_load %arg13[%get3A_110] {strides = array<i32>} : memref<10000xi32, #tpu.memory_space<vmem>>, vector<16xi32>,
      %mul3A_112 = arith.constant 4 : i32
      %mul3A_113 = vector.broadcast %mul3A_112 : i32 to vector<16xi32>
      %mul3A_114 = arith.muli %get3A_111, %mul3A_113 : vector<16xi32>
      %iota3A_115 = tpu.iota {dimensions = array<i32: 0>} : vector<16xi32>
      %mul3A_116 = arith.constant 4 : i32
      %mul3A_117 = vector.broadcast %mul3A_116 : i32 to vector<16xi32>
      %mul3A_118 = arith.muli %iota3A_115, %mul3A_117 : vector<16xi32>
      %add3A_119 = arith.constant 64 : i32
      %add3A_120 = vector.broadcast %add3A_119 : i32 to vector<16xi32>
      %add3A_121 = arith.addi %mul3A_118, %add3A_120 : vector<16xi32>
      %add3A_122 = arith.constant 0 : i32
      %add3A_123 = vector.broadcast %add3A_122 : i32 to vector<16xi32>
      %add3A_124 = arith.addi %mul3A_107, %add3A_123 : vector<16xi32>
      %gather3A_125 = tpu.vector_load_idx %arg10[%add3A_124] : memref<40000xf32, #tpu.memory_space<vmem>>[vector<16xi32>], vector<16xf32>,
      %add3A_126 = arith.constant 0 : i32
      %add3A_127 = vector.broadcast %add3A_126 : i32 to vector<16xi32>
      %add3A_128 = arith.addi %mul3A_114, %add3A_127 : vector<16xi32>
      %gather3A_129 = tpu.vector_load_idx %arg11[%add3A_128] : memref<40000xf32, #tpu.memory_space<vmem>>[vector<16xi32>], vector<16xf32>,
      %add3A_130 = arith.addf %gather3A_125, %gather3A_129 : vector<16xf32>
      %add3A_131 = arith.constant 0 : i32
      %add3A_132 = vector.broadcast %add3A_131 : i32 to vector<16xi32>
      %add3A_133 = arith.addi %add3A_121, %add3A_132 : vector<16xi32>
      %mul3A_134 = arith.constant 2.000000e-01 : f32
      %mul3A_135 = vector.broadcast %mul3A_134 : f32 to vector<16xf32>
      %mul3A_136 = arith.mulf %mul3A_135, %add3A_130 : vector<16xf32>
      %max3A_137 = arith.maximumf %add3A_130, %mul3A_136 : vector<16xf32>
      %exp3A_138 = math.exp %max3A_137 : vector<16xf32>
      tpu.vector_store_idx %arg14[%add3A_133], %exp3A_138 : memref<320xf32, #tpu.memory_space<vmem>>[vector<16xi32>], vector<16xf32>,
      %add3A_139 = arith.constant 1 : i32
      %add3A_140 = vector.broadcast %add3A_139 : i32 to vector<16xi32>
      %add3A_141 = arith.addi %mul3A_107, %add3A_140 : vector<16xi32>
      %gather3A_142 = tpu.vector_load_idx %arg10[%add3A_141] : memref<40000xf32, #tpu.memory_space<vmem>>[vector<16xi32>], vector<16xf32>,
      %add3A_143 = arith.constant 1 : i32
      %add3A_144 = vector.broadcast %add3A_143 : i32 to vector<16xi32>
      %add3A_145 = arith.addi %mul3A_114, %add3A_144 : vector<16xi32>
      %gather3A_146 = tpu.vector_load_idx %arg11[%add3A_145] : memref<40000xf32, #tpu.memory_space<vmem>>[vector<16xi32>], vector<16xf32>,
      %add3A_147 = arith.addf %gather3A_142, %gather3A_146 : vector<16xf32>
      %add3A_148 = arith.constant 1 : i32
      %add3A_149 = vector.broadcast %add3A_148 : i32 to vector<16xi32>
      %add3A_150 = arith.addi %add3A_121, %add3A_149 : vector<16xi32>
      %mul3A_151 = arith.constant 2.000000e-01 : f32
      %mul3A_152 = vector.broadcast %mul3A_151 : f32 to vector<16xf32>
      %mul3A_153 = arith.mulf %mul3A_152, %add3A_147 : vector<16xf32>
      %max3A_154 = arith.maximumf %add3A_147, %mul3A_153 : vector<16xf32>
      %exp3A_155 = math.exp %max3A_154 : vector<16xf32>
      tpu.vector_store_idx %arg14[%add3A_150], %exp3A_155 : memref<320xf32, #tpu.memory_space<vmem>>[vector<16xi32>], vector<16xf32>,
      %add3A_156 = arith.constant 2 : i32
      %add3A_157 = vector.broadcast %add3A_156 : i32 to vector<16xi32>
      %add3A_158 = arith.addi %mul3A_107, %add3A_157 : vector<16xi32>
      %gather3A_159 = tpu.vector_load_idx %arg10[%add3A_158] : memref<40000xf32, #tpu.memory_space<vmem>>[vector<16xi32>], vector<16xf32>,
      %add3A_160 = arith.constant 2 : i32
      %add3A_161 = vector.broadcast %add3A_160 : i32 to vector<16xi32>
      %add3A_162 = arith.addi %mul3A_114, %add3A_161 : vector<16xi32>
      %gather3A_163 = tpu.vector_load_idx %arg11[%add3A_162] : memref<40000xf32, #tpu.memory_space<vmem>>[vector<16xi32>], vector<16xf32>,
      %add3A_164 = arith.addf %gather3A_159, %gather3A_163 : vector<16xf32>
      %add3A_165 = arith.constant 2 : i32
      %add3A_166 = vector.broadcast %add3A_165 : i32 to vector<16xi32>
      %add3A_167 = arith.addi %add3A_121, %add3A_166 : vector<16xi32>
      %mul3A_168 = arith.constant 2.000000e-01 : f32
      %mul3A_169 = vector.broadcast %mul3A_168 : f32 to vector<16xf32>
      %mul3A_170 = arith.mulf %mul3A_169, %add3A_164 : vector<16xf32>
      %max3A_171 = arith.maximumf %add3A_164, %mul3A_170 : vector<16xf32>
      %exp3A_172 = math.exp %max3A_171 : vector<16xf32>
      tpu.vector_store_idx %arg14[%add3A_167], %exp3A_172 : memref<320xf32, #tpu.memory_space<vmem>>[vector<16xi32>], vector<16xf32>,
      %add3A_173 = arith.constant 3 : i32
      %add3A_174 = vector.broadcast %add3A_173 : i32 to vector<16xi32>
      %add3A_175 = arith.addi %mul3A_107, %add3A_174 : vector<16xi32>
      %gather3A_176 = tpu.vector_load_idx %arg10[%add3A_175] : memref<40000xf32, #tpu.memory_space<vmem>>[vector<16xi32>], vector<16xf32>,
      %add3A_177 = arith.constant 3 : i32
      %add3A_178 = vector.broadcast %add3A_177 : i32 to vector<16xi32>
      %add3A_179 = arith.addi %mul3A_114, %add3A_178 : vector<16xi32>
      %gather3A_180 = tpu.vector_load_idx %arg11[%add3A_179] : memref<40000xf32, #tpu.memory_space<vmem>>[vector<16xi32>], vector<16xf32>,
      %add3A_181 = arith.addf %gather3A_176, %gather3A_180 : vector<16xf32>
      %add3A_182 = arith.constant 3 : i32
      %add3A_183 = vector.broadcast %add3A_182 : i32 to vector<16xi32>
      %add3A_184 = arith.addi %add3A_121, %add3A_183 : vector<16xi32>
      %mul3A_185 = arith.constant 2.000000e-01 : f32
      %mul3A_186 = vector.broadcast %mul3A_185 : f32 to vector<16xf32>
      %mul3A_187 = arith.mulf %mul3A_186, %add3A_181 : vector<16xf32>
      %max3A_188 = arith.maximumf %add3A_181, %mul3A_187 : vector<16xf32>
      %exp3A_189 = math.exp %max3A_188 : vector<16xf32>
      tpu.vector_store_idx %arg14[%add3A_184], %exp3A_189 : memref<320xf32, #tpu.memory_space<vmem>>[vector<16xi32>], vector<16xf32>,
      %add3A_190 = arith.constant 32 : i32
      %add3A_191 = arith.addi %mul3A_16, %add3A_190 : i32
      %get3A_192 = arith.index_cast %add3A_191 : i32 to index
      %get3A_193 = tpu.vector_load %arg12[%get3A_192] {strides = array<i32>} : memref<10000xi32, #tpu.memory_space<vmem>>, vector<16xi32>,
      %mul3A_194 = arith.constant 4 : i32
      %mul3A_195 = vector.broadcast %mul3A_194 : i32 to vector<16xi32>
      %mul3A_196 = arith.muli %get3A_193, %mul3A_195 : vector<16xi32>
      %add3A_197 = arith.constant 32 : i32
      %add3A_198 = arith.addi %mul3A_16, %add3A_197 : i32
      %get3A_199 = arith.index_cast %add3A_198 : i32 to index
      %get3A_200 = tpu.vector_load %arg13[%get3A_199] {strides = array<i32>} : memref<10000xi32, #tpu.memory_space<vmem>>, vector<16xi32>,
      %mul3A_201 = arith.constant 4 : i32
      %mul3A_202 = vector.broadcast %mul3A_201 : i32 to vector<16xi32>
      %mul3A_203 = arith.muli %get3A_200, %mul3A_202 : vector<16xi32>
      %iota3A_204 = tpu.iota {dimensions = array<i32: 0>} : vector<16xi32>
      %mul3A_205 = arith.constant 4 : i32
      %mul3A_206 = vector.broadcast %mul3A_205 : i32 to vector<16xi32>
      %mul3A_207 = arith.muli %iota3A_204, %mul3A_206 : vector<16xi32>
      %add3A_208 = arith.constant 128 : i32
      %add3A_209 = vector.broadcast %add3A_208 : i32 to vector<16xi32>
      %add3A_210 = arith.addi %mul3A_207, %add3A_209 : vector<16xi32>
      %add3A_211 = arith.constant 0 : i32
      %add3A_212 = vector.broadcast %add3A_211 : i32 to vector<16xi32>
      %add3A_213 = arith.addi %mul3A_196, %add3A_212 : vector<16xi32>
      %gather3A_214 = tpu.vector_load_idx %arg10[%add3A_213] : memref<40000xf32, #tpu.memory_space<vmem>>[vector<16xi32>], vector<16xf32>,
      %add3A_215 = arith.constant 0 : i32
      %add3A_216 = vector.broadcast %add3A_215 : i32 to vector<16xi32>
      %add3A_217 = arith.addi %mul3A_203, %add3A_216 : vector<16xi32>
      %gather3A_218 = tpu.vector_load_idx %arg11[%add3A_217] : memref<40000xf32, #tpu.memory_space<vmem>>[vector<16xi32>], vector<16xf32>,
      %add3A_219 = arith.addf %gather3A_214, %gather3A_218 : vector<16xf32>
      %add3A_220 = arith.constant 0 : i32
      %add3A_221 = vector.broadcast %add3A_220 : i32 to vector<16xi32>
      %add3A_222 = arith.addi %add3A_210, %add3A_221 : vector<16xi32>
      %mul3A_223 = arith.constant 2.000000e-01 : f32
      %mul3A_224 = vector.broadcast %mul3A_223 : f32 to vector<16xf32>
      %mul3A_225 = arith.mulf %mul3A_224, %add3A_219 : vector<16xf32>
      %max3A_226 = arith.maximumf %add3A_219, %mul3A_225 : vector<16xf32>
      %exp3A_227 = math.exp %max3A_226 : vector<16xf32>
      tpu.vector_store_idx %arg14[%add3A_222], %exp3A_227 : memref<320xf32, #tpu.memory_space<vmem>>[vector<16xi32>], vector<16xf32>,
      %add3A_228 = arith.constant 1 : i32
      %add3A_229 = vector.broadcast %add3A_228 : i32 to vector<16xi32>
      %add3A_230 = arith.addi %mul3A_196, %add3A_229 : vector<16xi32>
      %gather3A_231 = tpu.vector_load_idx %arg10[%add3A_230] : memref<40000xf32, #tpu.memory_space<vmem>>[vector<16xi32>], vector<16xf32>,
      %add3A_232 = arith.constant 1 : i32
      %add3A_233 = vector.broadcast %add3A_232 : i32 to vector<16xi32>
      %add3A_234 = arith.addi %mul3A_203, %add3A_233 : vector<16xi32>
      %gather3A_235 = tpu.vector_load_idx %arg11[%add3A_234] : memref<40000xf32, #tpu.memory_space<vmem>>[vector<16xi32>], vector<16xf32>,
      %add3A_236 = arith.addf %gather3A_231, %gather3A_235 : vector<16xf32>
      %add3A_237 = arith.constant 1 : i32
      %add3A_238 = vector.broadcast %add3A_237 : i32 to vector<16xi32>
      %add3A_239 = arith.addi %add3A_210, %add3A_238 : vector<16xi32>
      %mul3A_240 = arith.constant 2.000000e-01 : f32
      %mul3A_241 = vector.broadcast %mul3A_240 : f32 to vector<16xf32>
      %mul3A_242 = arith.mulf %mul3A_241, %add3A_236 : vector<16xf32>
      %max3A_243 = arith.maximumf %add3A_236, %mul3A_242 : vector<16xf32>
      %exp3A_244 = math.exp %max3A_243 : vector<16xf32>
      tpu.vector_store_idx %arg14[%add3A_239], %exp3A_244 : memref<320xf32, #tpu.memory_space<vmem>>[vector<16xi32>], vector<16xf32>,
      %add3A_245 = arith.constant 2 : i32
      %add3A_246 = vector.broadcast %add3A_245 : i32 to vector<16xi32>
      %add3A_247 = arith.addi %mul3A_196, %add3A_246 : vector<16xi32>
      %gather3A_248 = tpu.vector_load_idx %arg10[%add3A_247] : memref<40000xf32, #tpu.memory_space<vmem>>[vector<16xi32>], vector<16xf32>,
      %add3A_249 = arith.constant 2 : i32
      %add3A_250 = vector.broadcast %add3A_249 : i32 to vector<16xi32>
      %add3A_251 = arith.addi %mul3A_203, %add3A_250 : vector<16xi32>
      %gather3A_252 = tpu.vector_load_idx %arg11[%add3A_251] : memref<40000xf32, #tpu.memory_space<vmem>>[vector<16xi32>], vector<16xf32>,
      %add3A_253 = arith.addf %gather3A_248, %gather3A_252 : vector<16xf32>
      %add3A_254 = arith.constant 2 : i32
      %add3A_255 = vector.broadcast %add3A_254 : i32 to vector<16xi32>
      %add3A_256 = arith.addi %add3A_210, %add3A_255 : vector<16xi32>
      %mul3A_257 = arith.constant 2.000000e-01 : f32
      %mul3A_258 = vector.broadcast %mul3A_257 : f32 to vector<16xf32>
      %mul3A_259 = arith.mulf %mul3A_258, %add3A_253 : vector<16xf32>
      %max3A_260 = arith.maximumf %add3A_253, %mul3A_259 : vector<16xf32>
      %exp3A_261 = math.exp %max3A_260 : vector<16xf32>
      tpu.vector_store_idx %arg14[%add3A_256], %exp3A_261 : memref<320xf32, #tpu.memory_space<vmem>>[vector<16xi32>], vector<16xf32>,
      %add3A_262 = arith.constant 3 : i32
      %add3A_263 = vector.broadcast %add3A_262 : i32 to vector<16xi32>
      %add3A_264 = arith.addi %mul3A_196, %add3A_263 : vector<16xi32>
      %gather3A_265 = tpu.vector_load_idx %arg10[%add3A_264] : memref<40000xf32, #tpu.memory_space<vmem>>[vector<16xi32>], vector<16xf32>,
      %add3A_266 = arith.constant 3 : i32
      %add3A_267 = vector.broadcast %add3A_266 : i32 to vector<16xi32>
      %add3A_268 = arith.addi %mul3A_203, %add3A_267 : vector<16xi32>
      %gather3A_269 = tpu.vector_load_idx %arg11[%add3A_268] : memref<40000xf32, #tpu.memory_space<vmem>>[vector<16xi32>], vector<16xf32>,
      %add3A_270 = arith.addf %gather3A_265, %gather3A_269 : vector<16xf32>
      %add3A_271 = arith.constant 3 : i32
      %add3A_272 = vector.broadcast %add3A_271 : i32 to vector<16xi32>
      %add3A_273 = arith.addi %add3A_210, %add3A_272 : vector<16xi32>
      %mul3A_274 = arith.constant 2.000000e-01 : f32
      %mul3A_275 = vector.broadcast %mul3A_274 : f32 to vector<16xf32>
      %mul3A_276 = arith.mulf %mul3A_275, %add3A_270 : vector<16xf32>
      %max3A_277 = arith.maximumf %add3A_270, %mul3A_276 : vector<16xf32>
      %exp3A_278 = math.exp %max3A_277 : vector<16xf32>
      tpu.vector_store_idx %arg14[%add3A_273], %exp3A_278 : memref<320xf32, #tpu.memory_space<vmem>>[vector<16xi32>], vector<16xf32>,
      %add3A_279 = arith.constant 48 : i32
      %add3A_280 = arith.addi %mul3A_16, %add3A_279 : i32
      %get3A_281 = arith.index_cast %add3A_280 : i32 to index
      %get3A_282 = tpu.vector_load %arg12[%get3A_281] {strides = array<i32>} : memref<10000xi32, #tpu.memory_space<vmem>>, vector<16xi32>,
      %mul3A_283 = arith.constant 4 : i32
      %mul3A_284 = vector.broadcast %mul3A_283 : i32 to vector<16xi32>
      %mul3A_285 = arith.muli %get3A_282, %mul3A_284 : vector<16xi32>
      %add3A_286 = arith.constant 48 : i32
      %add3A_287 = arith.addi %mul3A_16, %add3A_286 : i32
      %get3A_288 = arith.index_cast %add3A_287 : i32 to index
      %get3A_289 = tpu.vector_load %arg13[%get3A_288] {strides = array<i32>} : memref<10000xi32, #tpu.memory_space<vmem>>, vector<16xi32>,
      %mul3A_290 = arith.constant 4 : i32
      %mul3A_291 = vector.broadcast %mul3A_290 : i32 to vector<16xi32>
      %mul3A_292 = arith.muli %get3A_289, %mul3A_291 : vector<16xi32>
      %iota3A_293 = tpu.iota {dimensions = array<i32: 0>} : vector<16xi32>
      %mul3A_294 = arith.constant 4 : i32
      %mul3A_295 = vector.broadcast %mul3A_294 : i32 to vector<16xi32>
      %mul3A_296 = arith.muli %iota3A_293, %mul3A_295 : vector<16xi32>
      %add3A_297 = arith.constant 192 : i32
      %add3A_298 = vector.broadcast %add3A_297 : i32 to vector<16xi32>
      %add3A_299 = arith.addi %mul3A_296, %add3A_298 : vector<16xi32>
      %add3A_300 = arith.constant 0 : i32
      %add3A_301 = vector.broadcast %add3A_300 : i32 to vector<16xi32>
      %add3A_302 = arith.addi %mul3A_285, %add3A_301 : vector<16xi32>
      %gather3A_303 = tpu.vector_load_idx %arg10[%add3A_302] : memref<40000xf32, #tpu.memory_space<vmem>>[vector<16xi32>], vector<16xf32>,
      %add3A_304 = arith.constant 0 : i32
      %add3A_305 = vector.broadcast %add3A_304 : i32 to vector<16xi32>
      %add3A_306 = arith.addi %mul3A_292, %add3A_305 : vector<16xi32>
      %gather3A_307 = tpu.vector_load_idx %arg11[%add3A_306] : memref<40000xf32, #tpu.memory_space<vmem>>[vector<16xi32>], vector<16xf32>,
      %add3A_308 = arith.addf %gather3A_303, %gather3A_307 : vector<16xf32>
      %add3A_309 = arith.constant 0 : i32
      %add3A_310 = vector.broadcast %add3A_309 : i32 to vector<16xi32>
      %add3A_311 = arith.addi %add3A_299, %add3A_310 : vector<16xi32>
      %mul3A_312 = arith.constant 2.000000e-01 : f32
      %mul3A_313 = vector.broadcast %mul3A_312 : f32 to vector<16xf32>
      %mul3A_314 = arith.mulf %mul3A_313, %add3A_308 : vector<16xf32>
      %max3A_315 = arith.maximumf %add3A_308, %mul3A_314 : vector<16xf32>
      %exp3A_316 = math.exp %max3A_315 : vector<16xf32>
      tpu.vector_store_idx %arg14[%add3A_311], %exp3A_316 : memref<320xf32, #tpu.memory_space<vmem>>[vector<16xi32>], vector<16xf32>,
      %add3A_317 = arith.constant 1 : i32
      %add3A_318 = vector.broadcast %add3A_317 : i32 to vector<16xi32>
      %add3A_319 = arith.addi %mul3A_285, %add3A_318 : vector<16xi32>
      %gather3A_320 = tpu.vector_load_idx %arg10[%add3A_319] : memref<40000xf32, #tpu.memory_space<vmem>>[vector<16xi32>], vector<16xf32>,
      %add3A_321 = arith.constant 1 : i32
      %add3A_322 = vector.broadcast %add3A_321 : i32 to vector<16xi32>
      %add3A_323 = arith.addi %mul3A_292, %add3A_322 : vector<16xi32>
      %gather3A_324 = tpu.vector_load_idx %arg11[%add3A_323] : memref<40000xf32, #tpu.memory_space<vmem>>[vector<16xi32>], vector<16xf32>,
      %add3A_325 = arith.addf %gather3A_320, %gather3A_324 : vector<16xf32>
      %add3A_326 = arith.constant 1 : i32
      %add3A_327 = vector.broadcast %add3A_326 : i32 to vector<16xi32>
      %add3A_328 = arith.addi %add3A_299, %add3A_327 : vector<16xi32>
      %mul3A_329 = arith.constant 2.000000e-01 : f32
      %mul3A_330 = vector.broadcast %mul3A_329 : f32 to vector<16xf32>
      %mul3A_331 = arith.mulf %mul3A_330, %add3A_325 : vector<16xf32>
      %max3A_332 = arith.maximumf %add3A_325, %mul3A_331 : vector<16xf32>
      %exp3A_333 = math.exp %max3A_332 : vector<16xf32>
      tpu.vector_store_idx %arg14[%add3A_328], %exp3A_333 : memref<320xf32, #tpu.memory_space<vmem>>[vector<16xi32>], vector<16xf32>,
      %add3A_334 = arith.constant 2 : i32
      %add3A_335 = vector.broadcast %add3A_334 : i32 to vector<16xi32>
      %add3A_336 = arith.addi %mul3A_285, %add3A_335 : vector<16xi32>
      %gather3A_337 = tpu.vector_load_idx %arg10[%add3A_336] : memref<40000xf32, #tpu.memory_space<vmem>>[vector<16xi32>], vector<16xf32>,
      %add3A_338 = arith.constant 2 : i32
      %add3A_339 = vector.broadcast %add3A_338 : i32 to vector<16xi32>
      %add3A_340 = arith.addi %mul3A_292, %add3A_339 : vector<16xi32>
      %gather3A_341 = tpu.vector_load_idx %arg11[%add3A_340] : memref<40000xf32, #tpu.memory_space<vmem>>[vector<16xi32>], vector<16xf32>,
      %add3A_342 = arith.addf %gather3A_337, %gather3A_341 : vector<16xf32>
      %add3A_343 = arith.constant 2 : i32
      %add3A_344 = vector.broadcast %add3A_343 : i32 to vector<16xi32>
      %add3A_345 = arith.addi %add3A_299, %add3A_344 : vector<16xi32>
      %mul3A_346 = arith.constant 2.000000e-01 : f32
      %mul3A_347 = vector.broadcast %mul3A_346 : f32 to vector<16xf32>
      %mul3A_348 = arith.mulf %mul3A_347, %add3A_342 : vector<16xf32>
      %max3A_349 = arith.maximumf %add3A_342, %mul3A_348 : vector<16xf32>
      %exp3A_350 = math.exp %max3A_349 : vector<16xf32>
      tpu.vector_store_idx %arg14[%add3A_345], %exp3A_350 : memref<320xf32, #tpu.memory_space<vmem>>[vector<16xi32>], vector<16xf32>,
      %add3A_351 = arith.constant 3 : i32
      %add3A_352 = vector.broadcast %add3A_351 : i32 to vector<16xi32>
      %add3A_353 = arith.addi %mul3A_285, %add3A_352 : vector<16xi32>
      %gather3A_354 = tpu.vector_load_idx %arg10[%add3A_353] : memref<40000xf32, #tpu.memory_space<vmem>>[vector<16xi32>], vector<16xf32>,
      %add3A_355 = arith.constant 3 : i32
      %add3A_356 = vector.broadcast %add3A_355 : i32 to vector<16xi32>
      %add3A_357 = arith.addi %mul3A_292, %add3A_356 : vector<16xi32>
      %gather3A_358 = tpu.vector_load_idx %arg11[%add3A_357] : memref<40000xf32, #tpu.memory_space<vmem>>[vector<16xi32>], vector<16xf32>,
      %add3A_359 = arith.addf %gather3A_354, %gather3A_358 : vector<16xf32>
      %add3A_360 = arith.constant 3 : i32
      %add3A_361 = vector.broadcast %add3A_360 : i32 to vector<16xi32>
      %add3A_362 = arith.addi %add3A_299, %add3A_361 : vector<16xi32>
      %mul3A_363 = arith.constant 2.000000e-01 : f32
      %mul3A_364 = vector.broadcast %mul3A_363 : f32 to vector<16xf32>
      %mul3A_365 = arith.mulf %mul3A_364, %add3A_359 : vector<16xf32>
      %max3A_366 = arith.maximumf %add3A_359, %mul3A_365 : vector<16xf32>
      %exp3A_367 = math.exp %max3A_366 : vector<16xf32>
      tpu.vector_store_idx %arg14[%add3A_362], %exp3A_367 : memref<320xf32, #tpu.memory_space<vmem>>[vector<16xi32>], vector<16xf32>,
      %add3A_368 = arith.constant 64 : i32
      %add3A_369 = arith.addi %mul3A_16, %add3A_368 : i32
      %get3A_370 = arith.index_cast %add3A_369 : i32 to index
      %get3A_371 = tpu.vector_load %arg12[%get3A_370] {strides = array<i32>} : memref<10000xi32, #tpu.memory_space<vmem>>, vector<16xi32>,
      %mul3A_372 = arith.constant 4 : i32
      %mul3A_373 = vector.broadcast %mul3A_372 : i32 to vector<16xi32>
      %mul3A_374 = arith.muli %get3A_371, %mul3A_373 : vector<16xi32>
      %add3A_375 = arith.constant 64 : i32
      %add3A_376 = arith.addi %mul3A_16, %add3A_375 : i32
      %get3A_377 = arith.index_cast %add3A_376 : i32 to index
      %get3A_378 = tpu.vector_load %arg13[%get3A_377] {strides = array<i32>} : memref<10000xi32, #tpu.memory_space<vmem>>, vector<16xi32>,
      %mul3A_379 = arith.constant 4 : i32
      %mul3A_380 = vector.broadcast %mul3A_379 : i32 to vector<16xi32>
      %mul3A_381 = arith.muli %get3A_378, %mul3A_380 : vector<16xi32>
      %iota3A_382 = tpu.iota {dimensions = array<i32: 0>} : vector<16xi32>
      %mul3A_383 = arith.constant 4 : i32
      %mul3A_384 = vector.broadcast %mul3A_383 : i32 to vector<16xi32>
      %mul3A_385 = arith.muli %iota3A_382, %mul3A_384 : vector<16xi32>
      %add3A_386 = arith.constant 256 : i32
      %add3A_387 = vector.broadcast %add3A_386 : i32 to vector<16xi32>
      %add3A_388 = arith.addi %mul3A_385, %add3A_387 : vector<16xi32>
      %add3A_389 = arith.constant 0 : i32
      %add3A_390 = vector.broadcast %add3A_389 : i32 to vector<16xi32>
      %add3A_391 = arith.addi %mul3A_374, %add3A_390 : vector<16xi32>
      %gather3A_392 = tpu.vector_load_idx %arg10[%add3A_391] : memref<40000xf32, #tpu.memory_space<vmem>>[vector<16xi32>], vector<16xf32>,
      %add3A_393 = arith.constant 0 : i32
      %add3A_394 = vector.broadcast %add3A_393 : i32 to vector<16xi32>
      %add3A_395 = arith.addi %mul3A_381, %add3A_394 : vector<16xi32>
      %gather3A_396 = tpu.vector_load_idx %arg11[%add3A_395] : memref<40000xf32, #tpu.memory_space<vmem>>[vector<16xi32>], vector<16xf32>,
      %add3A_397 = arith.addf %gather3A_392, %gather3A_396 : vector<16xf32>
      %add3A_398 = arith.constant 0 : i32
      %add3A_399 = vector.broadcast %add3A_398 : i32 to vector<16xi32>
      %add3A_400 = arith.addi %add3A_388, %add3A_399 : vector<16xi32>
      %mul3A_401 = arith.constant 2.000000e-01 : f32
      %mul3A_402 = vector.broadcast %mul3A_401 : f32 to vector<16xf32>
      %mul3A_403 = arith.mulf %mul3A_402, %add3A_397 : vector<16xf32>
      %max3A_404 = arith.maximumf %add3A_397, %mul3A_403 : vector<16xf32>
      %exp3A_405 = math.exp %max3A_404 : vector<16xf32>
      tpu.vector_store_idx %arg14[%add3A_400], %exp3A_405 : memref<320xf32, #tpu.memory_space<vmem>>[vector<16xi32>], vector<16xf32>,
      %add3A_406 = arith.constant 1 : i32
      %add3A_407 = vector.broadcast %add3A_406 : i32 to vector<16xi32>
      %add3A_408 = arith.addi %mul3A_374, %add3A_407 : vector<16xi32>
      %gather3A_409 = tpu.vector_load_idx %arg10[%add3A_408] : memref<40000xf32, #tpu.memory_space<vmem>>[vector<16xi32>], vector<16xf32>,
      %add3A_410 = arith.constant 1 : i32
      %add3A_411 = vector.broadcast %add3A_410 : i32 to vector<16xi32>
      %add3A_412 = arith.addi %mul3A_381, %add3A_411 : vector<16xi32>
      %gather3A_413 = tpu.vector_load_idx %arg11[%add3A_412] : memref<40000xf32, #tpu.memory_space<vmem>>[vector<16xi32>], vector<16xf32>,
      %add3A_414 = arith.addf %gather3A_409, %gather3A_413 : vector<16xf32>
      %add3A_415 = arith.constant 1 : i32
      %add3A_416 = vector.broadcast %add3A_415 : i32 to vector<16xi32>
      %add3A_417 = arith.addi %add3A_388, %add3A_416 : vector<16xi32>
      %mul3A_418 = arith.constant 2.000000e-01 : f32
      %mul3A_419 = vector.broadcast %mul3A_418 : f32 to vector<16xf32>
      %mul3A_420 = arith.mulf %mul3A_419, %add3A_414 : vector<16xf32>
      %max3A_421 = arith.maximumf %add3A_414, %mul3A_420 : vector<16xf32>
      %exp3A_422 = math.exp %max3A_421 : vector<16xf32>
      tpu.vector_store_idx %arg14[%add3A_417], %exp3A_422 : memref<320xf32, #tpu.memory_space<vmem>>[vector<16xi32>], vector<16xf32>,
      %add3A_423 = arith.constant 2 : i32
      %add3A_424 = vector.broadcast %add3A_423 : i32 to vector<16xi32>
      %add3A_425 = arith.addi %mul3A_374, %add3A_424 : vector<16xi32>
      %gather3A_426 = tpu.vector_load_idx %arg10[%add3A_425] : memref<40000xf32, #tpu.memory_space<vmem>>[vector<16xi32>], vector<16xf32>,
      %add3A_427 = arith.constant 2 : i32
      %add3A_428 = vector.broadcast %add3A_427 : i32 to vector<16xi32>
      %add3A_429 = arith.addi %mul3A_381, %add3A_428 : vector<16xi32>
      %gather3A_430 = tpu.vector_load_idx %arg11[%add3A_429] : memref<40000xf32, #tpu.memory_space<vmem>>[vector<16xi32>], vector<16xf32>,
      %add3A_431 = arith.addf %gather3A_426, %gather3A_430 : vector<16xf32>
      %add3A_432 = arith.constant 2 : i32
      %add3A_433 = vector.broadcast %add3A_432 : i32 to vector<16xi32>
      %add3A_434 = arith.addi %add3A_388, %add3A_433 : vector<16xi32>
      %mul3A_435 = arith.constant 2.000000e-01 : f32
      %mul3A_436 = vector.broadcast %mul3A_435 : f32 to vector<16xf32>
      %mul3A_437 = arith.mulf %mul3A_436, %add3A_431 : vector<16xf32>
      %max3A_438 = arith.maximumf %add3A_431, %mul3A_437 : vector<16xf32>
      %exp3A_439 = math.exp %max3A_438 : vector<16xf32>
      tpu.vector_store_idx %arg14[%add3A_434], %exp3A_439 : memref<320xf32, #tpu.memory_space<vmem>>[vector<16xi32>], vector<16xf32>,
      %add3A_440 = arith.constant 3 : i32
      %add3A_441 = vector.broadcast %add3A_440 : i32 to vector<16xi32>
      %add3A_442 = arith.addi %mul3A_374, %add3A_441 : vector<16xi32>
      %gather3A_443 = tpu.vector_load_idx %arg10[%add3A_442] : memref<40000xf32, #tpu.memory_space<vmem>>[vector<16xi32>], vector<16xf32>,
      %add3A_444 = arith.constant 3 : i32
      %add3A_445 = vector.broadcast %add3A_444 : i32 to vector<16xi32>
      %add3A_446 = arith.addi %mul3A_381, %add3A_445 : vector<16xi32>
      %gather3A_447 = tpu.vector_load_idx %arg11[%add3A_446] : memref<40000xf32, #tpu.memory_space<vmem>>[vector<16xi32>], vector<16xf32>,
      %add3A_448 = arith.addf %gather3A_443, %gather3A_447 : vector<16xf32>
      %add3A_449 = arith.constant 3 : i32
      %add3A_450 = vector.broadcast %add3A_449 : i32 to vector<16xi32>
      %add3A_451 = arith.addi %add3A_388, %add3A_450 : vector<16xi32>
      %mul3A_452 = arith.constant 2.000000e-01 : f32
      %mul3A_453 = vector.broadcast %mul3A_452 : f32 to vector<16xf32>
      %mul3A_454 = arith.mulf %mul3A_453, %add3A_448 : vector<16xf32>
      %max3A_455 = arith.maximumf %add3A_448, %mul3A_454 : vector<16xf32>
      %exp3A_456 = math.exp %max3A_455 : vector<16xf32>
      tpu.vector_store_idx %arg14[%add3A_451], %exp3A_456 : memref<320xf32, #tpu.memory_space<vmem>>[vector<16xi32>], vector<16xf32>,
      %add3A_457 = arith.addi %mul3A_2, %mul3A_16 : i32
      %mul3A_458 = arith.constant 4 : i32
      %mul3A_459 = arith.muli %add3A_457, %mul3A_458 : i32
      "tpu.region"() ({
        %run_scoped3A = tpu.sem_alloc : memref<!tpu.dma_semaphore, #tpu.memory_space<semaphore_mem>>
        %dma_start3A = tpu.memref_slice %arg9[%mul3A_459] : memref<1280000xf32, #tpu.memory_space<hbm>> -> memref<320xf32, #tpu.memory_space<hbm>>
        %dma_start3A_460 = tpu.memref_slice %arg9[%mul3A_459] : memref<1280000xf32, #tpu.memory_space<hbm>> -> memref<320xf32, #tpu.memory_space<hbm>>
        tpu.enqueue_dma source(%arg14 : memref<320xf32, #tpu.memory_space<vmem>>) target(%dma_start3A_460 : memref<320xf32, #tpu.memory_space<hbm>>) target_semaphore(%run_scoped3A : memref<!tpu.dma_semaphore, #tpu.memory_space<semaphore_mem>>)
        %dma_wait3A = tpu.memref_slice %arg9[%mul3A_459] : memref<1280000xf32, #tpu.memory_space<hbm>> -> memref<320xf32, #tpu.memory_space<hbm>>
        %dma_wait3A_461 = tpu.memref_slice %arg9[%mul3A_459] : memref<1280000xf32, #tpu.memory_space<hbm>> -> memref<320xf32, #tpu.memory_space<hbm>>
        tpu.wait_dma2 semaphore(%run_scoped3A : memref<!tpu.dma_semaphore, #tpu.memory_space<semaphore_mem>>) src(%arg14 : memref<320xf32, #tpu.memory_space<vmem>>) dst(%dma_wait3A_461 : memref<320xf32, #tpu.memory_space<hbm>>)
        tpu.yield
      }) : () -> ()
    }
    %scan3A_13 = arith.constant 125 : i32
    return
  }
}

#map = affine_map<(d0, d1) -> (0)>
module attributes {stable_mosaic.version = 14 : i64} {
  func.func @_sck3(%arg0: i32, %arg1: i32, %arg2: memref<320000xi32, #tpu.memory_space<hbm>>, %arg3: memref<320000xi32, #tpu.memory_space<hbm>>, %arg4: memref<10000xf32, #tpu.memory_space<hbm>>, %arg5: memref<10000xf32, #tpu.memory_space<hbm>>, %arg6: memref<320000xf32, #tpu.memory_space<hbm>>, %arg7: memref<10000xf32, #tpu.memory_space<vmem>>, %arg8: memref<10000xf32, #tpu.memory_space<vmem>>, %arg9: memref<10000xi32, #tpu.memory_space<vmem>>, %arg10: memref<10000xi32, #tpu.memory_space<vmem>>, %arg11: memref<80xf32, #tpu.memory_space<vmem>>) attributes {dimension_semantics = [#tpu.dimension_semantics<core_parallel>, #tpu.dimension_semantics<subcore_parallel>], iteration_bounds = array<i64: 2, 16>, scalar_prefetch = 0 : i64, scratch_operands = 5 : i64, tpu.core_type = #tpu.core_type<sc_vector_subcore>, window_params = [{transform_indices = #map}, {transform_indices = #map}, {transform_indices = #map}, {transform_indices = #map}, {transform_indices = #map}]} {
    %mul3A = arith.constant 2 : i32
    %mul3A_0 = arith.muli %arg1, %mul3A : i32
    %add3A = arith.addi %mul3A_0, %arg0 : i32
    %mul3A_1 = arith.constant 10000 : i32
    %mul3A_2 = arith.muli %add3A, %mul3A_1 : i32
    "tpu.region"() ({
      %run_scoped3A = tpu.sem_alloc : memref<!tpu.dma_semaphore, #tpu.memory_space<semaphore_mem>>
      %dma_start3A = tpu.memref_slice %arg2[%mul3A_2] : memref<320000xi32, #tpu.memory_space<hbm>> -> memref<10000xi32, #tpu.memory_space<hbm>>
      %dma_start3A_8 = tpu.memref_slice %arg2[%mul3A_2] : memref<320000xi32, #tpu.memory_space<hbm>> -> memref<10000xi32, #tpu.memory_space<hbm>>
      tpu.enqueue_dma source(%dma_start3A_8 : memref<10000xi32, #tpu.memory_space<hbm>>) target(%arg9 : memref<10000xi32, #tpu.memory_space<vmem>>) target_semaphore(%run_scoped3A : memref<!tpu.dma_semaphore, #tpu.memory_space<semaphore_mem>>)
      %dma_wait3A = tpu.memref_slice %arg2[%mul3A_2] : memref<320000xi32, #tpu.memory_space<hbm>> -> memref<10000xi32, #tpu.memory_space<hbm>>
      %dma_wait3A_9 = tpu.memref_slice %arg2[%mul3A_2] : memref<320000xi32, #tpu.memory_space<hbm>> -> memref<10000xi32, #tpu.memory_space<hbm>>
      tpu.wait_dma2 semaphore(%run_scoped3A : memref<!tpu.dma_semaphore, #tpu.memory_space<semaphore_mem>>) src(%dma_wait3A_9 : memref<10000xi32, #tpu.memory_space<hbm>>) dst(%arg9 : memref<10000xi32, #tpu.memory_space<vmem>>)
      tpu.yield
    }) : () -> ()
    "tpu.region"() ({
      %run_scoped3A = tpu.sem_alloc : memref<!tpu.dma_semaphore, #tpu.memory_space<semaphore_mem>>
      %dma_start3A = tpu.memref_slice %arg3[%mul3A_2] : memref<320000xi32, #tpu.memory_space<hbm>> -> memref<10000xi32, #tpu.memory_space<hbm>>
      %dma_start3A_8 = tpu.memref_slice %arg3[%mul3A_2] : memref<320000xi32, #tpu.memory_space<hbm>> -> memref<10000xi32, #tpu.memory_space<hbm>>
      tpu.enqueue_dma source(%dma_start3A_8 : memref<10000xi32, #tpu.memory_space<hbm>>) target(%arg10 : memref<10000xi32, #tpu.memory_space<vmem>>) target_semaphore(%run_scoped3A : memref<!tpu.dma_semaphore, #tpu.memory_space<semaphore_mem>>)
      %dma_wait3A = tpu.memref_slice %arg3[%mul3A_2] : memref<320000xi32, #tpu.memory_space<hbm>> -> memref<10000xi32, #tpu.memory_space<hbm>>
      %dma_wait3A_9 = tpu.memref_slice %arg3[%mul3A_2] : memref<320000xi32, #tpu.memory_space<hbm>> -> memref<10000xi32, #tpu.memory_space<hbm>>
      tpu.wait_dma2 semaphore(%run_scoped3A : memref<!tpu.dma_semaphore, #tpu.memory_space<semaphore_mem>>) src(%dma_wait3A_9 : memref<10000xi32, #tpu.memory_space<hbm>>) dst(%arg10 : memref<10000xi32, #tpu.memory_space<vmem>>)
      tpu.yield
    }) : () -> ()
    "tpu.region"() ({
      %run_scoped3A = tpu.sem_alloc : memref<!tpu.dma_semaphore, #tpu.memory_space<semaphore_mem>>
      tpu.enqueue_dma source(%arg4 : memref<10000xf32, #tpu.memory_space<hbm>>) target(%arg7 : memref<10000xf32, #tpu.memory_space<vmem>>) target_semaphore(%run_scoped3A : memref<!tpu.dma_semaphore, #tpu.memory_space<semaphore_mem>>)
      tpu.wait_dma2 semaphore(%run_scoped3A : memref<!tpu.dma_semaphore, #tpu.memory_space<semaphore_mem>>) src(%arg4 : memref<10000xf32, #tpu.memory_space<hbm>>) dst(%arg7 : memref<10000xf32, #tpu.memory_space<vmem>>)
      tpu.yield
    }) : () -> ()
    "tpu.region"() ({
      %run_scoped3A = tpu.sem_alloc : memref<!tpu.dma_semaphore, #tpu.memory_space<semaphore_mem>>
      tpu.enqueue_dma source(%arg5 : memref<10000xf32, #tpu.memory_space<hbm>>) target(%arg8 : memref<10000xf32, #tpu.memory_space<vmem>>) target_semaphore(%run_scoped3A : memref<!tpu.dma_semaphore, #tpu.memory_space<semaphore_mem>>)
      tpu.wait_dma2 semaphore(%run_scoped3A : memref<!tpu.dma_semaphore, #tpu.memory_space<semaphore_mem>>) src(%arg5 : memref<10000xf32, #tpu.memory_space<hbm>>) dst(%arg8 : memref<10000xf32, #tpu.memory_space<vmem>>)
      tpu.yield
    }) : () -> ()
    %scan3A = arith.constant 0 : i32
    %scan3A_3 = arith.constant 0 : i32
    %scan3A_4 = arith.constant 125 : i32
    %scan3A_5 = arith.addi %scan3A_3, %scan3A_4 : i32
    %scan3A_6 = arith.constant 1 : i32
    scf.for %scan3A_8 = %scan3A_3 to %scan3A_5 step %scan3A_6  : i32 {
      %mul3A_9 = arith.constant 80 : i32
      %mul3A_10 = arith.muli %scan3A_8, %mul3A_9 : i32
      %add3A_11 = arith.constant 0 : i32
      %add3A_12 = arith.addi %mul3A_10, %add3A_11 : i32
      %get3A = arith.index_cast %add3A_12 : i32 to index
      %get3A_13 = tpu.vector_load %arg9[%get3A] {strides = array<i32>} : memref<10000xi32, #tpu.memory_space<vmem>>, vector<16xi32>,
      %add3A_14 = arith.constant 0 : i32
      %add3A_15 = arith.addi %mul3A_10, %add3A_14 : i32
      %get3A_16 = arith.index_cast %add3A_15 : i32 to index
      %get3A_17 = tpu.vector_load %arg10[%get3A_16] {strides = array<i32>} : memref<10000xi32, #tpu.memory_space<vmem>>, vector<16xi32>,
      %gather3A = tpu.vector_load_idx %arg7[%get3A_13] : memref<10000xf32, #tpu.memory_space<vmem>>[vector<16xi32>], vector<16xf32>,
      %gather3A_18 = tpu.vector_load_idx %arg8[%get3A_17] : memref<10000xf32, #tpu.memory_space<vmem>>[vector<16xi32>], vector<16xf32>,
      %add3A_19 = arith.addf %gather3A, %gather3A_18 : vector<16xf32>
      %mul3A_20 = arith.constant 2.000000e-01 : f32
      %mul3A_21 = vector.broadcast %mul3A_20 : f32 to vector<16xf32>
      %mul3A_22 = arith.mulf %mul3A_21, %add3A_19 : vector<16xf32>
      %max3A = arith.maximumf %add3A_19, %mul3A_22 : vector<16xf32>
      %exp3A = math.exp %max3A : vector<16xf32>
      %swap3A = arith.constant 0 : index
      %swap3A_23 = tpu.vector_load %arg11[%swap3A] {strides = array<i32>} : memref<80xf32, #tpu.memory_space<vmem>>, vector<16xf32>,
      tpu.vector_store %arg11[%swap3A], %exp3A {strides = array<i32>} : memref<80xf32, #tpu.memory_space<vmem>>, vector<16xf32>,
      %add3A_24 = arith.constant 16 : i32
      %add3A_25 = arith.addi %mul3A_10, %add3A_24 : i32
      %get3A_26 = arith.index_cast %add3A_25 : i32 to index
      %get3A_27 = tpu.vector_load %arg9[%get3A_26] {strides = array<i32>} : memref<10000xi32, #tpu.memory_space<vmem>>, vector<16xi32>,
      %add3A_28 = arith.constant 16 : i32
      %add3A_29 = arith.addi %mul3A_10, %add3A_28 : i32
      %get3A_30 = arith.index_cast %add3A_29 : i32 to index
      %get3A_31 = tpu.vector_load %arg10[%get3A_30] {strides = array<i32>} : memref<10000xi32, #tpu.memory_space<vmem>>, vector<16xi32>,
      %gather3A_32 = tpu.vector_load_idx %arg7[%get3A_27] : memref<10000xf32, #tpu.memory_space<vmem>>[vector<16xi32>], vector<16xf32>,
      %gather3A_33 = tpu.vector_load_idx %arg8[%get3A_31] : memref<10000xf32, #tpu.memory_space<vmem>>[vector<16xi32>], vector<16xf32>,
      %add3A_34 = arith.addf %gather3A_32, %gather3A_33 : vector<16xf32>
      %mul3A_35 = arith.constant 2.000000e-01 : f32
      %mul3A_36 = vector.broadcast %mul3A_35 : f32 to vector<16xf32>
      %mul3A_37 = arith.mulf %mul3A_36, %add3A_34 : vector<16xf32>
      %max3A_38 = arith.maximumf %add3A_34, %mul3A_37 : vector<16xf32>
      %exp3A_39 = math.exp %max3A_38 : vector<16xf32>
      %swap3A_40 = arith.constant 16 : index
      %swap3A_41 = tpu.vector_load %arg11[%swap3A_40] {strides = array<i32>} : memref<80xf32, #tpu.memory_space<vmem>>, vector<16xf32>,
      tpu.vector_store %arg11[%swap3A_40], %exp3A_39 {strides = array<i32>} : memref<80xf32, #tpu.memory_space<vmem>>, vector<16xf32>,
      %add3A_42 = arith.constant 32 : i32
      %add3A_43 = arith.addi %mul3A_10, %add3A_42 : i32
      %get3A_44 = arith.index_cast %add3A_43 : i32 to index
      %get3A_45 = tpu.vector_load %arg9[%get3A_44] {strides = array<i32>} : memref<10000xi32, #tpu.memory_space<vmem>>, vector<16xi32>,
      %add3A_46 = arith.constant 32 : i32
      %add3A_47 = arith.addi %mul3A_10, %add3A_46 : i32
      %get3A_48 = arith.index_cast %add3A_47 : i32 to index
      %get3A_49 = tpu.vector_load %arg10[%get3A_48] {strides = array<i32>} : memref<10000xi32, #tpu.memory_space<vmem>>, vector<16xi32>,
      %gather3A_50 = tpu.vector_load_idx %arg7[%get3A_45] : memref<10000xf32, #tpu.memory_space<vmem>>[vector<16xi32>], vector<16xf32>,
      %gather3A_51 = tpu.vector_load_idx %arg8[%get3A_49] : memref<10000xf32, #tpu.memory_space<vmem>>[vector<16xi32>], vector<16xf32>,
      %add3A_52 = arith.addf %gather3A_50, %gather3A_51 : vector<16xf32>
      %mul3A_53 = arith.constant 2.000000e-01 : f32
      %mul3A_54 = vector.broadcast %mul3A_53 : f32 to vector<16xf32>
      %mul3A_55 = arith.mulf %mul3A_54, %add3A_52 : vector<16xf32>
      %max3A_56 = arith.maximumf %add3A_52, %mul3A_55 : vector<16xf32>
      %exp3A_57 = math.exp %max3A_56 : vector<16xf32>
      %swap3A_58 = arith.constant 32 : index
      %swap3A_59 = tpu.vector_load %arg11[%swap3A_58] {strides = array<i32>} : memref<80xf32, #tpu.memory_space<vmem>>, vector<16xf32>,
      tpu.vector_store %arg11[%swap3A_58], %exp3A_57 {strides = array<i32>} : memref<80xf32, #tpu.memory_space<vmem>>, vector<16xf32>,
      %add3A_60 = arith.constant 48 : i32
      %add3A_61 = arith.addi %mul3A_10, %add3A_60 : i32
      %get3A_62 = arith.index_cast %add3A_61 : i32 to index
      %get3A_63 = tpu.vector_load %arg9[%get3A_62] {strides = array<i32>} : memref<10000xi32, #tpu.memory_space<vmem>>, vector<16xi32>,
      %add3A_64 = arith.constant 48 : i32
      %add3A_65 = arith.addi %mul3A_10, %add3A_64 : i32
      %get3A_66 = arith.index_cast %add3A_65 : i32 to index
      %get3A_67 = tpu.vector_load %arg10[%get3A_66] {strides = array<i32>} : memref<10000xi32, #tpu.memory_space<vmem>>, vector<16xi32>,
      %gather3A_68 = tpu.vector_load_idx %arg7[%get3A_63] : memref<10000xf32, #tpu.memory_space<vmem>>[vector<16xi32>], vector<16xf32>,
      %gather3A_69 = tpu.vector_load_idx %arg8[%get3A_67] : memref<10000xf32, #tpu.memory_space<vmem>>[vector<16xi32>], vector<16xf32>,
      %add3A_70 = arith.addf %gather3A_68, %gather3A_69 : vector<16xf32>
      %mul3A_71 = arith.constant 2.000000e-01 : f32
      %mul3A_72 = vector.broadcast %mul3A_71 : f32 to vector<16xf32>
      %mul3A_73 = arith.mulf %mul3A_72, %add3A_70 : vector<16xf32>
      %max3A_74 = arith.maximumf %add3A_70, %mul3A_73 : vector<16xf32>
      %exp3A_75 = math.exp %max3A_74 : vector<16xf32>
      %swap3A_76 = arith.constant 48 : index
      %swap3A_77 = tpu.vector_load %arg11[%swap3A_76] {strides = array<i32>} : memref<80xf32, #tpu.memory_space<vmem>>, vector<16xf32>,
      tpu.vector_store %arg11[%swap3A_76], %exp3A_75 {strides = array<i32>} : memref<80xf32, #tpu.memory_space<vmem>>, vector<16xf32>,
      %add3A_78 = arith.constant 64 : i32
      %add3A_79 = arith.addi %mul3A_10, %add3A_78 : i32
      %get3A_80 = arith.index_cast %add3A_79 : i32 to index
      %get3A_81 = tpu.vector_load %arg9[%get3A_80] {strides = array<i32>} : memref<10000xi32, #tpu.memory_space<vmem>>, vector<16xi32>,
      %add3A_82 = arith.constant 64 : i32
      %add3A_83 = arith.addi %mul3A_10, %add3A_82 : i32
      %get3A_84 = arith.index_cast %add3A_83 : i32 to index
      %get3A_85 = tpu.vector_load %arg10[%get3A_84] {strides = array<i32>} : memref<10000xi32, #tpu.memory_space<vmem>>, vector<16xi32>,
      %gather3A_86 = tpu.vector_load_idx %arg7[%get3A_81] : memref<10000xf32, #tpu.memory_space<vmem>>[vector<16xi32>], vector<16xf32>,
      %gather3A_87 = tpu.vector_load_idx %arg8[%get3A_85] : memref<10000xf32, #tpu.memory_space<vmem>>[vector<16xi32>], vector<16xf32>,
      %add3A_88 = arith.addf %gather3A_86, %gather3A_87 : vector<16xf32>
      %mul3A_89 = arith.constant 2.000000e-01 : f32
      %mul3A_90 = vector.broadcast %mul3A_89 : f32 to vector<16xf32>
      %mul3A_91 = arith.mulf %mul3A_90, %add3A_88 : vector<16xf32>
      %max3A_92 = arith.maximumf %add3A_88, %mul3A_91 : vector<16xf32>
      %exp3A_93 = math.exp %max3A_92 : vector<16xf32>
      %swap3A_94 = arith.constant 64 : index
      %swap3A_95 = tpu.vector_load %arg11[%swap3A_94] {strides = array<i32>} : memref<80xf32, #tpu.memory_space<vmem>>, vector<16xf32>,
      tpu.vector_store %arg11[%swap3A_94], %exp3A_93 {strides = array<i32>} : memref<80xf32, #tpu.memory_space<vmem>>, vector<16xf32>,
      %add3A_96 = arith.addi %mul3A_2, %mul3A_10 : i32
      "tpu.region"() ({
        %run_scoped3A = tpu.sem_alloc : memref<!tpu.dma_semaphore, #tpu.memory_space<semaphore_mem>>
        %dma_start3A = tpu.memref_slice %arg6[%add3A_96] : memref<320000xf32, #tpu.memory_space<hbm>> -> memref<80xf32, #tpu.memory_space<hbm>>
        %dma_start3A_97 = tpu.memref_slice %arg6[%add3A_96] : memref<320000xf32, #tpu.memory_space<hbm>> -> memref<80xf32, #tpu.memory_space<hbm>>
        tpu.enqueue_dma source(%arg11 : memref<80xf32, #tpu.memory_space<vmem>>) target(%dma_start3A_97 : memref<80xf32, #tpu.memory_space<hbm>>) target_semaphore(%run_scoped3A : memref<!tpu.dma_semaphore, #tpu.memory_space<semaphore_mem>>)
        %dma_wait3A = tpu.memref_slice %arg6[%add3A_96] : memref<320000xf32, #tpu.memory_space<hbm>> -> memref<80xf32, #tpu.memory_space<hbm>>
        %dma_wait3A_98 = tpu.memref_slice %arg6[%add3A_96] : memref<320000xf32, #tpu.memory_space<hbm>> -> memref<80xf32, #tpu.memory_space<hbm>>
        tpu.wait_dma2 semaphore(%run_scoped3A : memref<!tpu.dma_semaphore, #tpu.memory_space<semaphore_mem>>) src(%arg11 : memref<80xf32, #tpu.memory_space<vmem>>) dst(%dma_wait3A_98 : memref<80xf32, #tpu.memory_space<hbm>>)
        tpu.yield
      }) : () -> ()
    }
    %scan3A_7 = arith.constant 125 : i32
    return
  }
}

module attributes {stable_mosaic.version = 14 : i64} {
  func.func @_tc1_body(%arg0: i32, %arg1: memref<1000x128xf32, #tpu.memory_space<vmem>>, %arg2: memref<128x512xf32, #tpu.memory_space<vmem>>, %arg3: memref<1x512xf32, #tpu.memory_space<vmem>>, %arg4: memref<1x512xf32, #tpu.memory_space<vmem>>, %arg5: memref<1000x512xf32, #tpu.memory_space<vmem>>, %arg6: memref<1000x8xf32, #tpu.memory_space<vmem>>, %arg7: memref<1000x8xf32, #tpu.memory_space<vmem>>) attributes {dimension_semantics = [#tpu.dimension_semantics<arbitrary>], iteration_bounds = array<i64: 10>, scalar_prefetch = 0 : i64, scratch_operands = 0 : i64, tpu.core_type = #tpu.core_type<tc>, window_params = [{transform_indices = @transform_0, window_bounds = array<i64: 1000, 128>}, {pipeline_mode = #tpu.pipeline_mode<synchronous>, transform_indices = @transform_1, window_bounds = array<i64: 128, 512>}, {pipeline_mode = #tpu.pipeline_mode<synchronous>, transform_indices = @transform_2, window_bounds = array<i64: 1, 512>}, {pipeline_mode = #tpu.pipeline_mode<synchronous>, transform_indices = @transform_3, window_bounds = array<i64: 1, 512>}, {transform_indices = @transform_4, window_bounds = array<i64: 1000, 512>}, {transform_indices = @transform_5, window_bounds = array<i64: 1000, 8>}, {transform_indices = @transform_6, window_bounds = array<i64: 1000, 8>}]} {
    %get3A = arith.constant 0 : index
    %get3A_0 = arith.constant 0 : index
    %get3A_1 = vector.load %arg1[%get3A, %get3A_0] : memref<1000x128xf32, #tpu.memory_space<vmem>>, vector<1000x128xf32>
    %get3A_2 = arith.constant 0 : index
    %get3A_3 = arith.constant 0 : index
    %get3A_4 = vector.load %arg2[%get3A_2, %get3A_3] : memref<128x512xf32, #tpu.memory_space<vmem>>, vector<128x512xf32>
    %dot_general3A = arith.constant dense<0.000000e+00> : vector<1000x512xf32>
    %dot_general3A_5 = tpu.matmul %get3A_1, %get3A_4, %dot_general3A {dimension_numbers = #tpu.dot_dimension_numbers<[1], [0], [0], [1], [0, 0, 1, 1], [], []>, transpose_lhs_hint = false} : vector<1000x128xf32>, vector<128x512xf32>, vector<1000x512xf32> -> vector<1000x512xf32>
    %swap3A = arith.constant 0 : index
    %swap3A_6 = arith.constant 0 : index
    %swap3A_7 = vector.load %arg5[%swap3A, %swap3A_6] : memref<1000x512xf32, #tpu.memory_space<vmem>>, vector<1000x512xf32>
    tpu.vector_store %arg5[%swap3A, %swap3A_6], %dot_general3A_5 {strides = array<i32>} : memref<1000x512xf32, #tpu.memory_space<vmem>>, vector<1000x512xf32>,
    %iota3A = tpu.iota {dimensions = array<i32: 0>} : vector<512x8xi32>
    %jit3A = arith.constant 64 : i32
    %div3A = vector.broadcast %jit3A : i32 to vector<512x8xi32>
    %div3A_8 = arith.divsi %iota3A, %div3A : vector<512x8xi32>
    %sign3A = arith.constant 0 : i32
    %sign3A_9 = vector.broadcast %sign3A : i32 to vector<512x8xi32>
    %sign3A_10 = arith.cmpi sgt, %iota3A, %sign3A_9 : vector<512x8xi32>
    %sign3A_11 = arith.extui %sign3A_10 : vector<512x8xi1> to vector<512x8xi32>
    %sign3A_12 = arith.constant 0 : i32
    %sign3A_13 = vector.broadcast %sign3A_12 : i32 to vector<512x8xi32>
    %sign3A_14 = arith.cmpi slt, %iota3A, %sign3A_13 : vector<512x8xi32>
    %sign3A_15 = arith.extui %sign3A_14 : vector<512x8xi1> to vector<512x8xi32>
    %sign3A_16 = arith.subi %sign3A_11, %sign3A_15 : vector<512x8xi32>
    %sign3A_17 = arith.constant 0 : i32
    %sign3A_18 = arith.cmpi sgt, %jit3A, %sign3A_17 : i32
    %sign3A_19 = arith.extui %sign3A_18 : i1 to i32
    %sign3A_20 = arith.constant 0 : i32
    %sign3A_21 = arith.cmpi slt, %jit3A, %sign3A_20 : i32
    %sign3A_22 = arith.extui %sign3A_21 : i1 to i32
    %sign3A_23 = arith.subi %sign3A_19, %sign3A_22 : i32
    %ne3A = vector.broadcast %sign3A_23 : i32 to vector<512x8xi32>
    %ne3A_24 = arith.cmpi ne, %sign3A_16, %ne3A : vector<512x8xi32>
    %rem3A = vector.broadcast %jit3A : i32 to vector<512x8xi32>
    %rem3A_25 = arith.remsi %iota3A, %rem3A : vector<512x8xi32>
    %ne3A_26 = arith.constant 0 : i32
    %ne3A_27 = vector.broadcast %ne3A_26 : i32 to vector<512x8xi32>
    %ne3A_28 = arith.cmpi ne, %rem3A_25, %ne3A_27 : vector<512x8xi32>
    %and3A = arith.andi %ne3A_24, %ne3A_28 : vector<512x8xi1>
    %sub3A = arith.constant 1 : i32
    %sub3A_29 = vector.broadcast %sub3A : i32 to vector<512x8xi32>
    %sub3A_30 = arith.subi %div3A_8, %sub3A_29 : vector<512x8xi32>
    %select_n3A = arith.select %and3A, %sub3A_30, %div3A_8 : vector<512x8xi1>, vector<512x8xi32>
    %iota3A_31 = tpu.iota {dimensions = array<i32: 1>} : vector<512x8xi32>
    %eq3A = arith.cmpi eq, %select_n3A, %iota3A_31 : vector<512x8xi32>
    %convert_element_type3A = arith.extui %eq3A : vector<512x8xi1> to vector<512x8xi32>
    %convert_element_type3A_32 = arith.sitofp %convert_element_type3A : vector<512x8xi32> to vector<512x8xf32>
    %get3A_33 = arith.constant 0 : index
    %get3A_34 = arith.constant 0 : index
    %get3A_35 = vector.load %arg3[%get3A_33, %get3A_34] : memref<1x512xf32, #tpu.memory_space<vmem>>, vector<1x512xf32>
    %mul3A = vector.broadcast %get3A_35 : vector<1x512xf32> to vector<1000x512xf32>
    %mul3A_36 = arith.mulf %dot_general3A_5, %mul3A : vector<1000x512xf32>
    %dot_general3A_37 = arith.constant dense<0.000000e+00> : vector<1000x8xf32>
    %dot_general3A_38 = tpu.matmul %mul3A_36, %convert_element_type3A_32, %dot_general3A_37 {dimension_numbers = #tpu.dot_dimension_numbers<[1], [0], [0], [1], [0, 0, 1, 1], [], []>, transpose_lhs_hint = false} : vector<1000x512xf32>, vector<512x8xf32>, vector<1000x8xf32> -> vector<1000x8xf32>
    %swap3A_39 = arith.constant 0 : index
    %swap3A_40 = arith.constant 0 : index
    %swap3A_41 = vector.load %arg6[%swap3A_39, %swap3A_40] : memref<1000x8xf32, #tpu.memory_space<vmem>>, vector<1000x8xf32>
    tpu.vector_store %arg6[%swap3A_39, %swap3A_40], %dot_general3A_38 {strides = array<i32>} : memref<1000x8xf32, #tpu.memory_space<vmem>>, vector<1000x8xf32>,
    %get3A_42 = arith.constant 0 : index
    %get3A_43 = arith.constant 0 : index
    %get3A_44 = vector.load %arg4[%get3A_42, %get3A_43] : memref<1x512xf32, #tpu.memory_space<vmem>>, vector<1x512xf32>
    %mul3A_45 = vector.broadcast %get3A_44 : vector<1x512xf32> to vector<1000x512xf32>
    %mul3A_46 = arith.mulf %dot_general3A_5, %mul3A_45 : vector<1000x512xf32>
    %dot_general3A_47 = arith.constant dense<0.000000e+00> : vector<1000x8xf32>
    %dot_general3A_48 = tpu.matmul %mul3A_46, %convert_element_type3A_32, %dot_general3A_47 {dimension_numbers = #tpu.dot_dimension_numbers<[1], [0], [0], [1], [0, 0, 1, 1], [], []>, transpose_lhs_hint = false} : vector<1000x512xf32>, vector<512x8xf32>, vector<1000x8xf32> -> vector<1000x8xf32>
    %swap3A_49 = arith.constant 0 : index
    %swap3A_50 = arith.constant 0 : index
    %swap3A_51 = vector.load %arg7[%swap3A_49, %swap3A_50] : memref<1000x8xf32, #tpu.memory_space<vmem>>, vector<1000x8xf32>
    tpu.vector_store %arg7[%swap3A_49, %swap3A_50], %dot_general3A_48 {strides = array<i32>} : memref<1000x8xf32, #tpu.memory_space<vmem>>, vector<1000x8xf32>,
    return
  }
  func.func @transform_0(%arg0: i32) -> (i32, i32) {
    %c0_i32 = arith.constant 0 : i32
    %c0_i32_0 = arith.constant 0 : i32
    return %arg0, %c0_i32 : i32, i32
  }
  func.func @transform_1(%arg0: i32) -> (i32, i32) {
    %c0_i32 = arith.constant 0 : i32
    %c0_i32_0 = arith.constant 0 : i32
    %c0_i32_1 = arith.constant 0 : i32
    return %c0_i32, %c0_i32_0 : i32, i32
  }
  func.func @transform_2(%arg0: i32) -> (i32, i32) {
    %c0_i32 = arith.constant 0 : i32
    %c0_i32_0 = arith.constant 0 : i32
    %c0_i32_1 = arith.constant 0 : i32
    return %c0_i32, %c0_i32_0 : i32, i32
  }
  func.func @transform_3(%arg0: i32) -> (i32, i32) {
    %c0_i32 = arith.constant 0 : i32
    %c0_i32_0 = arith.constant 0 : i32
    %c0_i32_1 = arith.constant 0 : i32
    return %c0_i32, %c0_i32_0 : i32, i32
  }
  func.func @transform_4(%arg0: i32) -> (i32, i32) {
    %c0_i32 = arith.constant 0 : i32
    %c0_i32_0 = arith.constant 0 : i32
    return %arg0, %c0_i32 : i32, i32
  }
  func.func @transform_5(%arg0: i32) -> (i32, i32) {
    %c0_i32 = arith.constant 0 : i32
    %c0_i32_0 = arith.constant 0 : i32
    return %arg0, %c0_i32 : i32, i32
  }
  func.func @transform_6(%arg0: i32) -> (i32, i32) {
    %c0_i32 = arith.constant 0 : i32
    %c0_i32_0 = arith.constant 0 : i32
    return %arg0, %c0_i32 : i32, i32
  }
}

module attributes {stable_mosaic.version = 14 : i64} {
  func.func @_tc2_body(%arg0: i32, %arg1: memref<1000x128xf32, #tpu.memory_space<vmem>>, %arg2: memref<1000x128xf32, #tpu.memory_space<vmem>>, %arg3: memref<1000x128xf32, #tpu.memory_space<vmem>>, %arg4: memref<1000x128xf32, #tpu.memory_space<vmem>>, %arg5: memref<1000x128xf32, #tpu.memory_space<vmem>>, %arg6: memref<1000x128xf32, #tpu.memory_space<vmem>>, %arg7: memref<1000x128xf32, #tpu.memory_space<vmem>>, %arg8: memref<1000x128xf32, #tpu.memory_space<vmem>>, %arg9: memref<1000x4xf32, #tpu.memory_space<vmem>>, %arg10: memref<1000x4xf32, #tpu.memory_space<vmem>>, %arg11: memref<1000x4xf32, #tpu.memory_space<vmem>>, %arg12: memref<1000x4xf32, #tpu.memory_space<vmem>>, %arg13: memref<1x512xf32, #tpu.memory_space<vmem>>, %arg14: memref<512x48xf32, #tpu.memory_space<vmem>>, %arg15: memref<48x8xf32, #tpu.memory_space<vmem>>, %arg16: memref<48x8xf32, #tpu.memory_space<vmem>>, %arg17: memref<1000x512xf32, #tpu.memory_space<vmem>>, %arg18: memref<1000x48xf32, #tpu.memory_space<vmem>>, %arg19: memref<1000x8xf32, #tpu.memory_space<vmem>>, %arg20: memref<1000x8xf32, #tpu.memory_space<vmem>>) attributes {dimension_semantics = [#tpu.dimension_semantics<arbitrary>], iteration_bounds = array<i64: 10>, scalar_prefetch = 0 : i64, scratch_operands = 0 : i64, tpu.core_type = #tpu.core_type<tc>, window_params = [{transform_indices = @transform_0, window_bounds = array<i64: 1000, 128>}, {transform_indices = @transform_1, window_bounds = array<i64: 1000, 128>}, {transform_indices = @transform_2, window_bounds = array<i64: 1000, 128>}, {transform_indices = @transform_3, window_bounds = array<i64: 1000, 128>}, {transform_indices = @transform_4, window_bounds = array<i64: 1000, 128>}, {transform_indices = @transform_5, window_bounds = array<i64: 1000, 128>}, {transform_indices = @transform_6, window_bounds = array<i64: 1000, 128>}, {transform_indices = @transform_7, window_bounds = array<i64: 1000, 128>}, {transform_indices = @transform_8, window_bounds = array<i64: 1000, 4>}, {transform_indices = @transform_9, window_bounds = array<i64: 1000, 4>}, {transform_indices = @transform_10, window_bounds = array<i64: 1000, 4>}, {transform_indices = @transform_11, window_bounds = array<i64: 1000, 4>}, {pipeline_mode = #tpu.pipeline_mode<synchronous>, transform_indices = @transform_12, window_bounds = array<i64: 1, 512>}, {pipeline_mode = #tpu.pipeline_mode<synchronous>, transform_indices = @transform_13, window_bounds = array<i64: 512, 48>}, {pipeline_mode = #tpu.pipeline_mode<synchronous>, transform_indices = @transform_14, window_bounds = array<i64: 48, 8>}, {pipeline_mode = #tpu.pipeline_mode<synchronous>, transform_indices = @transform_15, window_bounds = array<i64: 48, 8>}, {transform_indices = @transform_16, window_bounds = array<i64: 1000, 512>}, {transform_indices = @transform_17, window_bounds = array<i64: 1000, 48>}, {transform_indices = @transform_18, window_bounds = array<i64: 1000, 8>}, {transform_indices = @transform_19, window_bounds = array<i64: 1000, 8>}]} {
    %get3A = arith.constant 0 : index
    %get3A_0 = arith.constant 0 : index
    %get3A_1 = vector.load %arg1[%get3A, %get3A_0] : memref<1000x128xf32, #tpu.memory_space<vmem>>, vector<1000x128xf32>
    %get3A_2 = arith.constant 0 : index
    %get3A_3 = arith.constant 0 : index
    %get3A_4 = vector.load %arg2[%get3A_2, %get3A_3] : memref<1000x128xf32, #tpu.memory_space<vmem>>, vector<1000x128xf32>
    %add3A = arith.addf %get3A_1, %get3A_4 : vector<1000x128xf32>
    %get3A_5 = arith.constant 0 : index
    %get3A_6 = arith.constant 0 : index
    %get3A_7 = vector.load %arg3[%get3A_5, %get3A_6] : memref<1000x128xf32, #tpu.memory_space<vmem>>, vector<1000x128xf32>
    %get3A_8 = arith.constant 0 : index
    %get3A_9 = arith.constant 0 : index
    %get3A_10 = vector.load %arg4[%get3A_8, %get3A_9] : memref<1000x128xf32, #tpu.memory_space<vmem>>, vector<1000x128xf32>
    %add3A_11 = arith.addf %get3A_7, %get3A_10 : vector<1000x128xf32>
    %get3A_12 = arith.constant 0 : index
    %get3A_13 = arith.constant 0 : index
    %get3A_14 = vector.load %arg5[%get3A_12, %get3A_13] : memref<1000x128xf32, #tpu.memory_space<vmem>>, vector<1000x128xf32>
    %get3A_15 = arith.constant 0 : index
    %get3A_16 = arith.constant 0 : index
    %get3A_17 = vector.load %arg6[%get3A_15, %get3A_16] : memref<1000x128xf32, #tpu.memory_space<vmem>>, vector<1000x128xf32>
    %add3A_18 = arith.addf %get3A_14, %get3A_17 : vector<1000x128xf32>
    %get3A_19 = arith.constant 0 : index
    %get3A_20 = arith.constant 0 : index
    %get3A_21 = vector.load %arg7[%get3A_19, %get3A_20] : memref<1000x128xf32, #tpu.memory_space<vmem>>, vector<1000x128xf32>
    %get3A_22 = arith.constant 0 : index
    %get3A_23 = arith.constant 0 : index
    %get3A_24 = vector.load %arg8[%get3A_22, %get3A_23] : memref<1000x128xf32, #tpu.memory_space<vmem>>, vector<1000x128xf32>
    %add3A_25 = arith.addf %get3A_21, %get3A_24 : vector<1000x128xf32>
    %concatenate3A = tpu.concatenate %add3A, %add3A_11, %add3A_18, %add3A_25 in 1 : vector<1000x128xf32>, vector<1000x128xf32>, vector<1000x128xf32>, vector<1000x128xf32> -> vector<1000x512xf32>
    %get3A_26 = arith.constant 0 : index
    %get3A_27 = arith.constant 0 : index
    %get3A_28 = vector.load %arg9[%get3A_26, %get3A_27] : memref<1000x4xf32, #tpu.memory_space<vmem>>, vector<1000x4xf32>
    %get3A_29 = arith.constant 0 : index
    %get3A_30 = arith.constant 0 : index
    %get3A_31 = vector.load %arg10[%get3A_29, %get3A_30] : memref<1000x4xf32, #tpu.memory_space<vmem>>, vector<1000x4xf32>
    %add3A_32 = arith.addf %get3A_28, %get3A_31 : vector<1000x4xf32>
    %get3A_33 = arith.constant 0 : index
    %get3A_34 = arith.constant 0 : index
    %get3A_35 = vector.load %arg11[%get3A_33, %get3A_34] : memref<1000x4xf32, #tpu.memory_space<vmem>>, vector<1000x4xf32>
    %get3A_36 = arith.constant 0 : index
    %get3A_37 = arith.constant 0 : index
    %get3A_38 = vector.load %arg12[%get3A_36, %get3A_37] : memref<1000x4xf32, #tpu.memory_space<vmem>>, vector<1000x4xf32>
    %add3A_39 = arith.addf %get3A_35, %get3A_38 : vector<1000x4xf32>
    %concatenate3A_40 = tpu.concatenate %add3A_32, %add3A_39 in 1 : vector<1000x4xf32>, vector<1000x4xf32> -> vector<1000x8xf32>
    %iota3A = tpu.iota {dimensions = array<i32: 1>} : vector<8x512xi32>
    %jit3A = arith.constant 64 : i32
    %div3A = vector.broadcast %jit3A : i32 to vector<8x512xi32>
    %div3A_41 = arith.divsi %iota3A, %div3A : vector<8x512xi32>
    %sign3A = arith.constant 0 : i32
    %sign3A_42 = vector.broadcast %sign3A : i32 to vector<8x512xi32>
    %sign3A_43 = arith.cmpi sgt, %iota3A, %sign3A_42 : vector<8x512xi32>
    %sign3A_44 = arith.extui %sign3A_43 : vector<8x512xi1> to vector<8x512xi32>
    %sign3A_45 = arith.constant 0 : i32
    %sign3A_46 = vector.broadcast %sign3A_45 : i32 to vector<8x512xi32>
    %sign3A_47 = arith.cmpi slt, %iota3A, %sign3A_46 : vector<8x512xi32>
    %sign3A_48 = arith.extui %sign3A_47 : vector<8x512xi1> to vector<8x512xi32>
    %sign3A_49 = arith.subi %sign3A_44, %sign3A_48 : vector<8x512xi32>
    %sign3A_50 = arith.constant 0 : i32
    %sign3A_51 = arith.cmpi sgt, %jit3A, %sign3A_50 : i32
    %sign3A_52 = arith.extui %sign3A_51 : i1 to i32
    %sign3A_53 = arith.constant 0 : i32
    %sign3A_54 = arith.cmpi slt, %jit3A, %sign3A_53 : i32
    %sign3A_55 = arith.extui %sign3A_54 : i1 to i32
    %sign3A_56 = arith.subi %sign3A_52, %sign3A_55 : i32
    %ne3A = vector.broadcast %sign3A_56 : i32 to vector<8x512xi32>
    %ne3A_57 = arith.cmpi ne, %sign3A_49, %ne3A : vector<8x512xi32>
    %rem3A = vector.broadcast %jit3A : i32 to vector<8x512xi32>
    %rem3A_58 = arith.remsi %iota3A, %rem3A : vector<8x512xi32>
    %ne3A_59 = arith.constant 0 : i32
    %ne3A_60 = vector.broadcast %ne3A_59 : i32 to vector<8x512xi32>
    %ne3A_61 = arith.cmpi ne, %rem3A_58, %ne3A_60 : vector<8x512xi32>
    %and3A = arith.andi %ne3A_57, %ne3A_61 : vector<8x512xi1>
    %sub3A = arith.constant 1 : i32
    %sub3A_62 = vector.broadcast %sub3A : i32 to vector<8x512xi32>
    %sub3A_63 = arith.subi %div3A_41, %sub3A_62 : vector<8x512xi32>
    %select_n3A = arith.select %and3A, %sub3A_63, %div3A_41 : vector<8x512xi1>, vector<8x512xi32>
    %iota3A_64 = tpu.iota {dimensions = array<i32: 0>} : vector<8x512xi32>
    %eq3A = arith.cmpi eq, %select_n3A, %iota3A_64 : vector<8x512xi32>
    %convert_element_type3A = arith.extui %eq3A : vector<8x512xi1> to vector<8x512xi32>
    %convert_element_type3A_65 = arith.sitofp %convert_element_type3A : vector<8x512xi32> to vector<8x512xf32>
    %dot_general3A = arith.constant dense<0.000000e+00> : vector<1000x512xf32>
    %dot_general3A_66 = tpu.matmul %concatenate3A_40, %convert_element_type3A_65, %dot_general3A {dimension_numbers = #tpu.dot_dimension_numbers<[1], [0], [0], [1], [0, 0, 1, 1], [], []>, transpose_lhs_hint = false} : vector<1000x8xf32>, vector<8x512xf32>, vector<1000x512xf32> -> vector<1000x512xf32>
    %add3A_67 = arith.constant 1.000000e-16 : f32
    %add3A_68 = vector.broadcast %add3A_67 : f32 to vector<1000x512xf32>
    %add3A_69 = arith.addf %dot_general3A_66, %add3A_68 : vector<1000x512xf32>
    %div3A_70 = arith.divf %concatenate3A, %add3A_69 : vector<1000x512xf32>
    %get3A_71 = arith.constant 0 : index
    %get3A_72 = arith.constant 0 : index
    %get3A_73 = vector.load %arg13[%get3A_71, %get3A_72] : memref<1x512xf32, #tpu.memory_space<vmem>>, vector<1x512xf32>
    %add3A_74 = vector.broadcast %get3A_73 : vector<1x512xf32> to vector<1000x512xf32>
    %add3A_75 = arith.addf %div3A_70, %add3A_74 : vector<1000x512xf32>
    %swap3A = arith.constant 0 : index
    %swap3A_76 = arith.constant 0 : index
    %swap3A_77 = vector.load %arg17[%swap3A, %swap3A_76] : memref<1000x512xf32, #tpu.memory_space<vmem>>, vector<1000x512xf32>
    tpu.vector_store %arg17[%swap3A, %swap3A_76], %add3A_75 {strides = array<i32>} : memref<1000x512xf32, #tpu.memory_space<vmem>>, vector<1000x512xf32>,
    %gt3A = arith.constant 0.000000e+00 : f32
    %gt3A_78 = vector.broadcast %gt3A : f32 to vector<1000x512xf32>
    %gt3A_79 = arith.cmpf ogt, %add3A_75, %gt3A_78 : vector<1000x512xf32>
    %min3A = arith.constant 0.000000e+00 : f32
    %min3A_80 = vector.broadcast %min3A : f32 to vector<1000x512xf32>
    %min3A_81 = arith.minimumf %add3A_75, %min3A_80 : vector<1000x512xf32>
    %exp3A = math.exp %min3A_81 : vector<1000x512xf32>
    %sub3A_82 = arith.constant 1.000000e+00 : f32
    %sub3A_83 = vector.broadcast %sub3A_82 : f32 to vector<1000x512xf32>
    %sub3A_84 = arith.subf %exp3A, %sub3A_83 : vector<1000x512xf32>
    %select_n3A_85 = arith.select %gt3A_79, %add3A_75, %sub3A_84 : vector<1000x512xi1>, vector<1000x512xf32>
    %get3A_86 = arith.constant 0 : index
    %get3A_87 = arith.constant 0 : index
    %get3A_88 = vector.load %arg14[%get3A_86, %get3A_87] : memref<512x48xf32, #tpu.memory_space<vmem>>, vector<512x48xf32>
    %dot_general3A_89 = arith.constant dense<0.000000e+00> : vector<1000x48xf32>
    %dot_general3A_90 = tpu.matmul %select_n3A_85, %get3A_88, %dot_general3A_89 {dimension_numbers = #tpu.dot_dimension_numbers<[1], [0], [0], [1], [0, 0, 1, 1], [], []>, transpose_lhs_hint = false} : vector<1000x512xf32>, vector<512x48xf32>, vector<1000x48xf32> -> vector<1000x48xf32>
    %swap3A_91 = arith.constant 0 : index
    %swap3A_92 = arith.constant 0 : index
    %swap3A_93 = vector.load %arg18[%swap3A_91, %swap3A_92] : memref<1000x48xf32, #tpu.memory_space<vmem>>, vector<1000x48xf32>
    tpu.vector_store %arg18[%swap3A_91, %swap3A_92], %dot_general3A_90 {strides = array<i32>} : memref<1000x48xf32, #tpu.memory_space<vmem>>, vector<1000x48xf32>,
    %get3A_94 = arith.constant 0 : index
    %get3A_95 = arith.constant 0 : index
    %get3A_96 = vector.load %arg15[%get3A_94, %get3A_95] : memref<48x8xf32, #tpu.memory_space<vmem>>, vector<48x8xf32>
    %dot_general3A_97 = arith.constant dense<0.000000e+00> : vector<1000x8xf32>
    %dot_general3A_98 = tpu.matmul %dot_general3A_90, %get3A_96, %dot_general3A_97 {dimension_numbers = #tpu.dot_dimension_numbers<[1], [0], [0], [1], [0, 0, 1, 1], [], []>, transpose_lhs_hint = false} : vector<1000x48xf32>, vector<48x8xf32>, vector<1000x8xf32> -> vector<1000x8xf32>
    %swap3A_99 = arith.constant 0 : index
    %swap3A_100 = arith.constant 0 : index
    %swap3A_101 = vector.load %arg19[%swap3A_99, %swap3A_100] : memref<1000x8xf32, #tpu.memory_space<vmem>>, vector<1000x8xf32>
    tpu.vector_store %arg19[%swap3A_99, %swap3A_100], %dot_general3A_98 {strides = array<i32>} : memref<1000x8xf32, #tpu.memory_space<vmem>>, vector<1000x8xf32>,
    %get3A_102 = arith.constant 0 : index
    %get3A_103 = arith.constant 0 : index
    %get3A_104 = vector.load %arg16[%get3A_102, %get3A_103] : memref<48x8xf32, #tpu.memory_space<vmem>>, vector<48x8xf32>
    %dot_general3A_105 = arith.constant dense<0.000000e+00> : vector<1000x8xf32>
    %dot_general3A_106 = tpu.matmul %dot_general3A_90, %get3A_104, %dot_general3A_105 {dimension_numbers = #tpu.dot_dimension_numbers<[1], [0], [0], [1], [0, 0, 1, 1], [], []>, transpose_lhs_hint = false} : vector<1000x48xf32>, vector<48x8xf32>, vector<1000x8xf32> -> vector<1000x8xf32>
    %swap3A_107 = arith.constant 0 : index
    %swap3A_108 = arith.constant 0 : index
    %swap3A_109 = vector.load %arg20[%swap3A_107, %swap3A_108] : memref<1000x8xf32, #tpu.memory_space<vmem>>, vector<1000x8xf32>
    tpu.vector_store %arg20[%swap3A_107, %swap3A_108], %dot_general3A_106 {strides = array<i32>} : memref<1000x8xf32, #tpu.memory_space<vmem>>, vector<1000x8xf32>,
    return
  }
  func.func @transform_0(%arg0: i32) -> (i32, i32) {
    %c0_i32 = arith.constant 0 : i32
    %c0_i32_0 = arith.constant 0 : i32
    return %arg0, %c0_i32 : i32, i32
  }
  func.func @transform_1(%arg0: i32) -> (i32, i32) {
    %c0_i32 = arith.constant 0 : i32
    %c0_i32_0 = arith.constant 0 : i32
    return %arg0, %c0_i32 : i32, i32
  }
  func.func @transform_2(%arg0: i32) -> (i32, i32) {
    %c0_i32 = arith.constant 0 : i32
    %c0_i32_0 = arith.constant 0 : i32
    return %arg0, %c0_i32 : i32, i32
  }
  func.func @transform_3(%arg0: i32) -> (i32, i32) {
    %c0_i32 = arith.constant 0 : i32
    %c0_i32_0 = arith.constant 0 : i32
    return %arg0, %c0_i32 : i32, i32
  }
  func.func @transform_4(%arg0: i32) -> (i32, i32) {
    %c0_i32 = arith.constant 0 : i32
    %c0_i32_0 = arith.constant 0 : i32
    return %arg0, %c0_i32 : i32, i32
  }
  func.func @transform_5(%arg0: i32) -> (i32, i32) {
    %c0_i32 = arith.constant 0 : i32
    %c0_i32_0 = arith.constant 0 : i32
    return %arg0, %c0_i32 : i32, i32
  }
  func.func @transform_6(%arg0: i32) -> (i32, i32) {
    %c0_i32 = arith.constant 0 : i32
    %c0_i32_0 = arith.constant 0 : i32
    return %arg0, %c0_i32 : i32, i32
  }
  func.func @transform_7(%arg0: i32) -> (i32, i32) {
    %c0_i32 = arith.constant 0 : i32
    %c0_i32_0 = arith.constant 0 : i32
    return %arg0, %c0_i32 : i32, i32
  }
  func.func @transform_8(%arg0: i32) -> (i32, i32) {
    %c0_i32 = arith.constant 0 : i32
    %c0_i32_0 = arith.constant 0 : i32
    return %arg0, %c0_i32 : i32, i32
  }
  func.func @transform_9(%arg0: i32) -> (i32, i32) {
    %c0_i32 = arith.constant 0 : i32
    %c0_i32_0 = arith.constant 0 : i32
    return %arg0, %c0_i32 : i32, i32
  }
  func.func @transform_10(%arg0: i32) -> (i32, i32) {
    %c0_i32 = arith.constant 0 : i32
    %c0_i32_0 = arith.constant 0 : i32
    return %arg0, %c0_i32 : i32, i32
  }
  func.func @transform_11(%arg0: i32) -> (i32, i32) {
    %c0_i32 = arith.constant 0 : i32
    %c0_i32_0 = arith.constant 0 : i32
    return %arg0, %c0_i32 : i32, i32
  }
  func.func @transform_12(%arg0: i32) -> (i32, i32) {
    %c0_i32 = arith.constant 0 : i32
    %c0_i32_0 = arith.constant 0 : i32
    %c0_i32_1 = arith.constant 0 : i32
    return %c0_i32, %c0_i32_0 : i32, i32
  }
  func.func @transform_13(%arg0: i32) -> (i32, i32) {
    %c0_i32 = arith.constant 0 : i32
    %c0_i32_0 = arith.constant 0 : i32
    %c0_i32_1 = arith.constant 0 : i32
    return %c0_i32, %c0_i32_0 : i32, i32
  }
  func.func @transform_14(%arg0: i32) -> (i32, i32) {
    %c0_i32 = arith.constant 0 : i32
    %c0_i32_0 = arith.constant 0 : i32
    %c0_i32_1 = arith.constant 0 : i32
    return %c0_i32, %c0_i32_0 : i32, i32
  }
  func.func @transform_15(%arg0: i32) -> (i32, i32) {
    %c0_i32 = arith.constant 0 : i32
    %c0_i32_0 = arith.constant 0 : i32
    %c0_i32_1 = arith.constant 0 : i32
    return %c0_i32, %c0_i32_0 : i32, i32
  }
  func.func @transform_16(%arg0: i32) -> (i32, i32) {
    %c0_i32 = arith.constant 0 : i32
    %c0_i32_0 = arith.constant 0 : i32
    return %arg0, %c0_i32 : i32, i32
  }
  func.func @transform_17(%arg0: i32) -> (i32, i32) {
    %c0_i32 = arith.constant 0 : i32
    %c0_i32_0 = arith.constant 0 : i32
    return %arg0, %c0_i32 : i32, i32
  }
  func.func @transform_18(%arg0: i32) -> (i32, i32) {
    %c0_i32 = arith.constant 0 : i32
    %c0_i32_0 = arith.constant 0 : i32
    return %arg0, %c0_i32 : i32, i32
  }
  func.func @transform_19(%arg0: i32) -> (i32, i32) {
    %c0_i32 = arith.constant 0 : i32
    %c0_i32_0 = arith.constant 0 : i32
    return %arg0, %c0_i32 : i32, i32
  }
}

module attributes {stable_mosaic.version = 14 : i64} {
  func.func @_tc3_body(%arg0: i32, %arg1: memref<1000x48xf32, #tpu.memory_space<vmem>>, %arg2: memref<1000x48xf32, #tpu.memory_space<vmem>>, %arg3: memref<1x48xf32, #tpu.memory_space<vmem>>, %arg4: memref<1000x48xf32, #tpu.memory_space<vmem>>) attributes {dimension_semantics = [#tpu.dimension_semantics<arbitrary>], iteration_bounds = array<i64: 10>, scalar_prefetch = 0 : i64, scratch_operands = 0 : i64, tpu.core_type = #tpu.core_type<tc>, window_params = [{transform_indices = @transform_0, window_bounds = array<i64: 1000, 48>}, {transform_indices = @transform_1, window_bounds = array<i64: 1000, 48>}, {pipeline_mode = #tpu.pipeline_mode<synchronous>, transform_indices = @transform_2, window_bounds = array<i64: 1, 48>}, {transform_indices = @transform_3, window_bounds = array<i64: 1000, 48>}]} {
    %get3A = arith.constant 0 : index
    %get3A_0 = arith.constant 0 : index
    %get3A_1 = vector.load %arg1[%get3A, %get3A_0] : memref<1000x48xf32, #tpu.memory_space<vmem>>, vector<1000x48xf32>
    %get3A_2 = arith.constant 0 : index
    %get3A_3 = arith.constant 0 : index
    %get3A_4 = vector.load %arg2[%get3A_2, %get3A_3] : memref<1000x48xf32, #tpu.memory_space<vmem>>, vector<1000x48xf32>
    %add3A = arith.addf %get3A_1, %get3A_4 : vector<1000x48xf32>
    %slice3A = vector.extract_strided_slice %add3A {offsets = [0, 40], sizes = [1000, 1], strides = [1, 1]} : vector<1000x48xf32> to vector<1000x1xf32>
    %add3A_5 = arith.constant 1.000000e-16 : f32
    %add3A_6 = vector.broadcast %add3A_5 : f32 to vector<1000x1xf32>
    %add3A_7 = arith.addf %slice3A, %add3A_6 : vector<1000x1xf32>
    %div3A = vector.broadcast %add3A_7 : vector<1000x1xf32> to vector<1000x48xf32>
    %div3A_8 = arith.divf %add3A, %div3A : vector<1000x48xf32>
    %get3A_9 = arith.constant 0 : index
    %get3A_10 = arith.constant 0 : index
    %get3A_11 = vector.load %arg3[%get3A_9, %get3A_10] : memref<1x48xf32, #tpu.memory_space<vmem>>, vector<1x48xf32>
    %add3A_12 = vector.broadcast %get3A_11 : vector<1x48xf32> to vector<1000x48xf32>
    %add3A_13 = arith.addf %div3A_8, %add3A_12 : vector<1000x48xf32>
    %swap3A = arith.constant 0 : index
    %swap3A_14 = arith.constant 0 : index
    %swap3A_15 = vector.load %arg4[%swap3A, %swap3A_14] : memref<1000x48xf32, #tpu.memory_space<vmem>>, vector<1000x48xf32>
    tpu.vector_store %arg4[%swap3A, %swap3A_14], %add3A_13 {strides = array<i32>} : memref<1000x48xf32, #tpu.memory_space<vmem>>, vector<1000x48xf32>,
    return
  }
  func.func @transform_0(%arg0: i32) -> (i32, i32) {
    %c0_i32 = arith.constant 0 : i32
    %c0_i32_0 = arith.constant 0 : i32
    return %arg0, %c0_i32 : i32, i32
  }
  func.func @transform_1(%arg0: i32) -> (i32, i32) {
    %c0_i32 = arith.constant 0 : i32
    %c0_i32_0 = arith.constant 0 : i32
    return %arg0, %c0_i32 : i32, i32
  }
  func.func @transform_2(%arg0: i32) -> (i32, i32) {
    %c0_i32 = arith.constant 0 : i32
    %c0_i32_0 = arith.constant 0 : i32
    %c0_i32_1 = arith.constant 0 : i32
    return %c0_i32, %c0_i32_0 : i32, i32
  }
  func.func @transform_3(%arg0: i32) -> (i32, i32) {
    %c0_i32 = arith.constant 0 : i32
    %c0_i32_0 = arith.constant 0 : i32
    return %arg0, %c0_i32 : i32, i32
  }
}

</mosaic_0001>

<sc_bundles>
// kernel: kernel.10.cloned.1.call-start
scs
__scs_entry_jumppad:
0x0: {  	(pc) =	sbr.rel $0x88, $3  }
0x1: {  	(tag) =	ssettag $0x0;
	lr =	simm.s32 $0x1  }
0x2: {  	[smem:$0x3F97] =	sst lr;
	_ =	strace $0xD0000000  }
0x3: {  	_ = 	snop  }
0x4: {  	_ = 	snop  }
0x5: {  	_ = 	snop  }
0x6: {  	_ = 	snop  }
0x7: {  	_ = 	snop  }
__scs_overlays_trampoline_lowered:
0x8: {  	[smem:$0x3FA6] =	sst s0  }
0x9: {  	[smem:$0x3FA7] =	sst s1  }
0xa: {  	[smem:$0x3FA8] =	sst s2  }
0xb: {  	[smem:$0x3FA9] =	sst s3  }
0xc: {  	[smem:$0x3FAA] =	sst s4  }
0xd: {  	[smem:$0x3FAB] =	sst s5  }
0xe: {  	[smem:$0x3FAC] =	sst s6  }
0xf: {  	[smem:$0x3FAD] =	sst s7  }
0x10: {  	[smem:$0x3FAE] =	sst s8  }
0x11: {  	[smem:$0x3FAF] =	sst s9;
	s0 =	simm.s32 @!p0 $0x0  }
0x12: {  	s1 =	sld [smem:$0x3F95];
	s0 =	simm.s32 @p0 $0x1  }
0x13: {  	[smem:$0x3FB0] =	sst s0;
	s0 =	simm.s32 @!p1 $0x0  }
0x14: {  	s2 =	sld [smem:$0x3F94];
	s0 =	simm.s32 @p1 $0x1  }
0x15: {  	[smem:$0x3FB1] =	sst s0;
	s0 =	simm.s32 @!p2 $0x0  }
0x16: {  	s3 =	sld [smem:$0x3FDB];
	s0 =	simm.s32 @p2 $0x1  }
0x17: {  	s4 =	simm.s32 $0x1BF5;
	[smem:$0x3FB3] =	sst s0  }
0x18: {  	s0 =	sld [smem:$0x3F96];
	_ =	swait.ge [sflag:s4], $0x0  }
0x19: {  	s7 =	sld [smem:$0x3F97]  }
0x1a: {  	s8 =	sadd.s32 $0xFFFFE003, lr  }
0x1b: {  	s9 =	sadd.s32 $0xFFFFFEF7, lr;
	s5 =	simm.s32 $0xFFFFFFFF;
	p2 =	slt.u32 s8, $0xFFFFF086  }
0x1c: {  	p1 =	slt.u32 s9, $0xF7A;
	s5 =	simm.s32 @!p2 $0x0  }
0x1d: {  	s5 =	simm.s32 @p1 $0x1;
	p0 =	seq.s32 s7, s2  }
0x1e: {  	s7 =	smul.u32 @!p0 $0xF7A, s2;
	p2 =	seq.s32 @!p0 s5, $0x0  }
0x1f: {  	s9 =	smul.u32 $0xF7A, s1;
	s8 =	simm.s32 @!p0 $0x1BF5;
	p2 =	por !p2, p0  }
0x20: {  	[sflag:s8] =	ssyncset.s32 @!p0 $0xFFFFF086;
	s6 =	sadd.s32 @!p0 s3, s7;
	s7 =	simm.s32 @!p0 $0x108  }
0x21: {  	s3 =	sadd.s32 s3, s9;
	s6 =	sadd.s32 @!p0 $0x88, s6;
	s7 =	simm.s32 @p2 $0x1082  }
0x22: {  	[simem:s7], [sflag:s8] =	dma.local @!p0 [hbm:s6], $0xF7A  }
0x23: {  	s9 =	sor.u32 $0xD0000000, s2;
	s6 =	simm.s32 $0x108;
	_ =	swait.ge @!p0 [sflag:s8], $0x0  }
0x24: {  	s3 =	sadd.s32 $0x88, s3;
	s6 =	simm.s32 @!p1 $0x1082;
	[sflag:s4] =	ssyncset.s32 $0xFFFFF086  }
0x25: {  	[simem:s6], [sflag:s4] =	dma.local [hbm:s3], $0xF7A  }
0x26: {  	[smem:$0x3F97] =	sst s1;
	(tag) =	ssettag s2;
	_ =	strace s9  }
0x27: {  	s1 =	sld [smem:$0x3FA7]  }
0x28: {  	s2 =	sld [smem:$0x3FA8]  }
0x29: {  	s4 =	sld [smem:$0x3FAA]  }
0x2a: {  	p0 =	seq.s32 s5, $0x0;
	s5 =	sld [smem:$0x3FAB]  }
0x2b: {  	s6 =	sld [smem:$0x3FAC]  }
0x2c: {  	s7 =	sld [smem:$0x3FAD]  }
0x2d: {  	s3 =	simm.s32 $0x108;
	s8 =	sld [smem:$0x3FAE]  }
0x2e: {  	s3 =	simm.s32 @!p0 $0x1082;
	s9 =	sld [smem:$0x3FAF]  }
0x2f: {  	lr =	sadd.s32 s0, s3;
	s0 =	sld [smem:$0x3FA6]  }
0x30: {  	s3 =	sld [smem:$0x3FA9]  }
0x31: {  	[smem:$0x3FB2] =	sst s10  }
0x32: {  	s10 =	sld [smem:$0x3FB0];
	_ =	sdelay $0x3  }
0x33: {  	p0 =	seq.s32 s10, $0x1;
	s10 =	sld [smem:$0x3FB2];
	_ =	sdelay $0x3  }
0x34: {  	[smem:$0x3FB2] =	sst s10  }
0x35: {  	s10 =	sld [smem:$0x3FB1];
	_ =	sdelay $0x3  }
0x36: {  	p1 =	seq.s32 s10, $0x1;
	s10 =	sld [smem:$0x3FB2];
	_ =	sdelay $0x3  }
0x37: {  	[smem:$0x3FB2] =	sst s10  }
0x38: {  	s10 =	sld [smem:$0x3FB3]  }
0x39: {  	_ = 	snop;
	(pc) =	sbr.ind lr, $3  }
0x3a: {  	_ = 	snop  }
0x3b: {  	_ = 	snop  }
0x3c: {  	p2 =	seq.s32 s10, $0x1;
	s10 =	sld [smem:$0x3FB2]  }
0x3d: {  	_ =	shalt  }
0x3e: {  	_ =	shalt  }
0x3f: {  	_ =	shalt  }
0x40: {  	_ =	shalt  }
0x41: {  	_ =	shalt  }
0x42: {  	_ =	shalt  }
0x43: {  	_ =	shalt  }
0x44: {  	_ =	shalt  }
0x45: {  	_ =	shalt  }
0x46: {  	_ =	shalt  }
0x47: {  	_ =	shalt  }
0x48: {  	_ =	shalt  }
0x49: {  	_ =	shalt  }
0x4a: {  	_ =	shalt  }
0x4b: {  	_ =	shalt  }
0x4c: {  	_ =	shalt  }
0x4d: {  	_ =	shalt  }
0x4e: {  	_ =	shalt  }
0x4f: {  	_ =	shalt  }
0x50: {  	_ =	shalt  }
0x51: {  	_ =	shalt  }
0x52: {  	_ =	shalt  }
0x53: {  	_ =	shalt  }
0x54: {  	_ =	shalt  }
0x55: {  	_ =	shalt  }
0x56: {  	_ =	shalt  }
0x57: {  	_ =	shalt  }
0x58: {  	_ =	shalt  }
0x59: {  	_ =	shalt  }
0x5a: {  	_ =	shalt  }
0x5b: {  	_ =	shalt  }
0x5c: {  	_ =	shalt  }
0x5d: {  	_ =	shalt  }
0x5e: {  	_ =	shalt  }
0x5f: {  	_ =	shalt  }
0x60: {  	_ =	shalt  }
0x61: {  	_ =	shalt  }
0x62: {  	_ =	shalt  }
0x63: {  	_ =	shalt  }
0x64: {  	_ =	shalt  }
0x65: {  	_ =	shalt  }
0x66: {  	_ =	shalt  }
0x67: {  	_ =	shalt  }
0x68: {  	_ =	shalt  }
0x69: {  	_ =	shalt  }
0x6a: {  	_ =	shalt  }
0x6b: {  	_ =	shalt  }
0x6c: {  	_ =	shalt  }
0x6d: {  	_ =	shalt  }
0x6e: {  	_ =	shalt  }
0x6f: {  	_ =	shalt  }
0x70: {  	_ =	shalt  }
0x71: {  	_ =	shalt  }
0x72: {  	_ =	shalt  }
0x73: {  	_ =	shalt  }
0x74: {  	_ =	shalt  }
0x75: {  	_ =	shalt  }
0x76: {  	_ =	shalt  }
0x77: {  	_ =	shalt  }
0x78: {  	_ =	shalt  }
0x79: {  	_ =	shalt  }
0x7a: {  	_ =	shalt  }
0x7b: {  	_ =	shalt  }
0x7c: {  	_ =	shalt  }
0x7d: {  	_ =	shalt  }
0x7e: {  	_ =	shalt  }
0x7f: {  	_ =	shalt  }
0x80: {  	_ =	shalt  }
0x81: {  	_ =	shalt  }
0x82: {  	_ =	shalt  }
0x83: {  	_ =	shalt  }
0x84: {  	_ =	shalt  }
0x85: {  	_ =	shalt  }
0x86: {  	_ =	shalt  }
0x87: {  	_ =	shalt  }
.Lfunc_end0:
.L_simem_size_0:
called_computation.4_lowered:
.L_overlay_start_0:
0x88: {  	s2 =	sld [smem:$0x3FD9]  }
0x89: {  	s3 =	sld [smem:$0x3FFE];
	_ =	sdelay $0x1  }
0x8a: {  	s1 =	srdreg.scid  }
0x8b: {  	s0 =	sand.u32 $0x1, s1  }
0x8c: {  	s14 =	sshll.u32 s0, $0xA;
	s2 =	sadd.s32 s3, s2  }
0x8d: {  	s2 =	sadd.s32 s2, s14  }
0x8e: {  	[smem:$0x3FBE] =	sst s2  }
0x8f: {  	_ = 	snop  }
0x90: {  	s2 =	sld [smem:$0x3FD0];
	_ =	sdelay $0x2  }
0x91: {  	s15 =	simm.s32 $0xC;
	s4 =	simm.s32 $0x10  }
0x92: {  	[smem:s4], [sflag:s15] =	dma.local [hbm:s2], $0x1  }
0x93: {  	_ =	swait.eq [sflag:s15], $0x1  }
0x94: {  	[sflag:s15] =	ssyncset.done $0x0  }
0x95: {  	[sflag:s15] =	ssyncadd.s32 $0xFFFFFFFF  }
0x96: {  	s16 =	sld [smem:$0x10];
	(tm) =	ssettm $0x1  }
0x97: {  	s17 =	sld [smem:$0x3FFB];
	_ =	sdelay $0x3  }
0x98: {  	_ =	strace s17  }
0x99: {  	s3 =	sld [smem:$0x3FFC];
	_ =	sdelay $0x3  }
0x9a: {  	_ =	strace s3  }
0x9b: {  	s3 =	sld [smem:$0x3FFD];
	_ =	sdelay $0x3  }
0x9c: {  	_ =	strace s3  }
0x9d: {  	_ =	strace $0x8FFFFFFF  }
0x9e: {  	s18 =	sld [smem:$0x3FDB];
	_ =	sdelay $0x1  }
0x9f: {  	s19 =	simm.s32 $_scs_section_size  }
0xa0: {  	s5 =	simm.s32 $_size__tile_overlayer_lowered;
	s6 =	simm.s32 $_tile_overlayer_lowered  }
0xa1: {  	s22 =	simm.s32 $0x1BFF;
	s21 =	sshll.u32 s6, $0x1;
	s3 =	sadd.s32 s19, s18  }
0xa2: {  	s7 =	simm.s32 $0x0;
	s20 =	sshll.u32 s5, $0x1;
	s5 =	sadd.s32 s21, s3  }
0xa3: {  	[timem:s7], [sflag:s22] =	dma.local [hbm:s5], s20  }
0xa4: {  	_ =	swait.ge [sflag:s22], s20  }
0xa5: {  	s4 =	ssub.s32 $0x0, s20;
	[sflag:s22] =	ssyncset.done $0x0  }
0xa6: {  	[sflag:s22] =	ssyncadd.s32 s4;
	_ =	sdelay $0x1  }
0xa7: {  	s23 =	simm.s32 $0x1B8B  }
0xa8: {  	_ =	swait.ge [sflag:s23], $0x1  }
0xa9: {  	[sflag:s23] =	ssyncset.done $0x0  }
0xaa: {  	s25 =	simm.s32 $0x1B8E;
	s24 =	sld [smem:$0x3FFE];
	[sflag:s23] =	ssyncadd.s32 $0xFFFFFFFF  }
0xab: {  	s26 =	simm.s32 $execute0_lowered;
	[smem:$0x3FD2] =	sst s25  }
0xac: {  	s5 =	sshll.u32 s26, $0x1;
	_ =	strace $0x8000004C;
	[dreg:$0x1] =	wrdreg $0xFFFFFFFF  }
0xad: {  	s28 =	simm.s32 $_size_execute0_lowered;
	s3 =	sadd.s32 s3, s5;
	[dreg:$0x0] =	wrdreg $0x0  }
0xae: {  	s5 =	sshll.u32 s28, $0x1;
	[dreg:$0x2] =	wrdreg s3  }
0xaf: {  	[dreg:$0x3] =	wrdreg s5  }
0xb0: {  	[dreg:$0x4] =	wrdreg $0xC0  }
0xb1: {  	_ =	task [dreg:s7], $0x5FFFF  }
0xb2: {  	[dreg:$0x1] =	wrdreg $0xFFFFFFFF  }
0xb3: {  	[dreg:$0x0] =	wrdreg $0x60  }
0xb4: {  	[dreg:$0x2] =	wrdreg s16  }
0xb5: {  	[dreg:$0x3] =	wrdreg s24  }
0xb6: {  	[dreg:$0x4] =	wrdreg $0x9  }
0xb7: {  	_ =	task.clear_ibuf [dreg:s7], $0x5FFFF;
	_ =	strace $0x9000004C  }
0xb8: {  	s29 =	simm.s32 $0x9;
	_ =	strace $0x8000004E  }
0xb9: {  	_ =	swait.ge [sflag:s29], $0x1  }
0xba: {  	[sflag:s29] =	ssyncadd.s32 $0xFFFFFFFF  }
0xbb: {  	_ =	strace $0x9000004E  }
0xbc: {  	_ =	sfence  }
0xbd: {  	s30 =	sld [smem:$0x0];
	_ =	sdelay $0x2  }
0xbe: {  	s31 =	sshll.u32 s1, $0xD;
	s1 =	sshrl.u32 s1, $0x2  }
0xbf: {  	s3 =	sand.u32 $0x4000, s31;
	s1 =	sadd.s32 s1, s30  }
0xc0: {  	s0 =	sor.u32 s3, s0;
	s1 =	sshll.u32 s1, $0x11  }
0xc1: {  	s0 =	sor.u32 s1, s0  }
0xc2: {  	s0 =	sadd.s32 $0x8F2B, s0  }
0xc3: {  	[sflag:s0] =	ssyncadd.remote.s32 $0x1  }
0xc4: {  	_ =	sfence.sel $0xFFFF  }
0xc5: {  	[dreg:$0x0] =	wrdreg $0xFFFFFFFF;
	(pc) =	sbr.abs _section_cstart, $3  }
0xc6: {  	[dreg:$0x1] =	wrdreg $0xFFFFFFFF  }
0xc7: {  	_ =	task.clear_ibuf [dreg:s7], $0x2FFFF;
	_ =	strace $0x9FFFFFFF  }
0xc8: {  	(tm) =	ssettm $0x7FFFFFFF  }
0xc9: {  	_ =	shalt  }
tec
execute0_lowered:
.L_overlay_start_1:
0x0: {  	(tag) =	ssettag $0x1  }
0x1: {  	s1 =	srdreg.scid;
	s5 =	rddreg [dreg:$0x0]  }
0x2: {  	s0 =	stileid.u32;
	s6 =	rddreg [dreg:$0x1]  }
0x3: {  	s2 =	simm.s32 $0x0;
	s13 =	simm.s32 $0x9E00;
	s14 =	simm.s32 $0x0  }
0x4: {  	s4 =	sand.u32 $0x1, s1;
	s29 =	sshll.u32 s0, $0x1;
	s7 =	smul.u32 $0x4E20, s0  }
0x5: {  	[smem:$0x7FF] =	sst s2;
	s1 =	sor.u32 s4, s29;
	s9 =	smul.u32 $0x2710, s4  }
0x6: {  	s30 =	ssub.s32 $0x2, s4;
	s4 =	sadd.s32 $0x600, s6;
	s3 =	smul.u32 $0x2710, s1  }
0x7: {  	s1 =	rddreg [dreg:$0x2];
	_ =	strace $0x8000004D;
	s11 =	sshrl.u32 s30, $0x1  }
0x8: {  	s7 =	sadd.s32 s9, s7;
	s31 =	ssub.s32 s30, s11;
	s9 =	simm.s32 $0x4F00  }
0x9: {  	s11 =	simm.s32 $0x7680;
	s8 =	sshrl.u32 s3, $0x3;
	s7 =	sshrl.u32 s7, $0x3  }
0xa: {  	s3 =	sadd.s32 $0xC00, s6;
	s10 =	sadd.s32 s8, s6;
	s12 =	sadd.s32 s7, s6  }
0xb: {  	s5 =	sadd.s32 s5, s8;
	s7 =	smax.u32 s31, $0x1;
	s6 =	sadd.s32 $0x5600, s10  }
0xc: {  	s8 =	sadd.s32 $0xF400, s12;
	s10 =	simm.s32 $0x1;
	s12 =	simm.s32 $0x2780  }
.LBB2_1:
0xd: {  	[tilespmem:s9], [sflag:$0x1] =	stream.linear.gather [hbm4b:s5+s2], $0x2710, $0x38;
	[tilespmem:$0x9E80] =	vst v63  }
0xe: {  	_ =	swait.ge [sflag:s10], $0x2710  }
0xf: {  	[sflag:s10] =	ssyncset.done $0x0  }
0x10: {  	[sflag:s10] =	ssyncadd.s32 $0xFFFFD8F0  }
0x11: {  	[tilespmem:s11], [sflag:$0x1] =	stream.linear.gather [hbm4b:s6+s2], $0x2710, $0x38;
	[tilespmem:$0x9E80] =	vst v63  }
0x12: {  	_ =	swait.ge [sflag:s10], $0x2710  }
0x13: {  	[sflag:s10] =	ssyncset.done $0x0  }
0x14: {  	[sflag:s10] =	ssyncadd.s32 $0xFFFFD8F0  }
0x15: {  	[tilespmem:s2], [sflag:$0x1] =	stream.linear.gather [hbm4b:s3+s2], $0x2780, $0x38;
	[tilespmem:$0x9E80] =	vst v63  }
0x16: {  	_ =	swait.ge [sflag:s10], $0x2780  }
0x17: {  	[sflag:s10] =	ssyncset.done $0x0  }
0x18: {  	[sflag:s10] =	ssyncadd.s32 $0xFFFFD880  }
0x19: {  	[tilespmem:s12], [sflag:$0x1] =	stream.linear.gather [hbm4b:s4+s2], $0x2780, $0x38;
	[tilespmem:$0x9E80] =	vst v63  }
0x1a: {  	_ =	swait.ge [sflag:s10], $0x2780  }
0x1b: {  	[sflag:s10] =	ssyncset.done $0x0  }
0x1c: {  	s15 =	smov.u32 s8;
	s16 =	simm.s32 $0x0;
	[sflag:s10] =	ssyncadd.s32 $0xFFFFD880  }
.LBB2_2:
0x1d: {  	s17 =	sshra.s32 s16, $0x2  }
0x1e: {  	v0 =	vld [tilespmem:s17+$0x4F00]  }
0x1f: {  	v1 =	vld [tilespmem:s17+$0x7680];
	_ =	sdelay $0x6  }
0x20: {  	v0 =	vld.idx.msk [tilespmem:v0+s2+$0x0], $0xffff  }
0x21: {  	v1 =	vld.idx.msk [tilespmem:v1+s12+$0x0], $0xffff;
	_ =	sdelay $0x4  }
0x22: {  	v0 =	vadd.f32 v1, v0;
	_ =	sdelay $0x1  }
0x23: {  	v1 =	vmul.f32 $2.000000030e-01, v0;
	_ =	sdelay $0x1  }
0x24: {  	v0 =	vmax.f32 v0, v1  }
0x25: {  	v0 =	vmul.f32 $1.442695020e+00, v0;
	_ =	sdelay $0x1  }
0x26: {  	(erf) = vpow2.f32 v0;
	_ =	sdelay $0x8  }
0x27: {  	v0 =	vpop (erf)  }
0x28: {  	[tilespmem:$0x9E00] =	vst v0  }
0x29: {  	v0 =	vld [tilespmem:s17+$0x4F10]  }
0x2a: {  	v60 =	vld [tilespmem:s17+$0x7690];
	_ =	sdelay $0x6  }
0x2b: {  	v0 =	vld.idx.msk [tilespmem:v0+s2+$0x0], $0xffff  }
0x2c: {  	v1 =	vld.idx.msk [tilespmem:v60+s12+$0x0], $0xffff;
	_ =	sdelay $0x4  }
0x2d: {  	v0 =	vadd.f32 v1, v0;
	_ =	sdelay $0x1  }
0x2e: {  	v1 =	vmul.f32 $2.000000030e-01, v0;
	_ =	sdelay $0x1  }
0x2f: {  	v0 =	vmax.f32 v0, v1  }
0x30: {  	v0 =	vmul.f32 $1.442695020e+00, v0;
	_ =	sdelay $0x1  }
0x31: {  	(erf) = vpow2.f32 v0;
	_ =	sdelay $0x8  }
0x32: {  	v0 =	vpop (erf)  }
0x33: {  	[tilespmem:$0x9E10] =	vst v0  }
0x34: {  	v0 =	vld [tilespmem:s17+$0x4F20]  }
0x35: {  	v61 =	vld [tilespmem:s17+$0x76A0];
	_ =	sdelay $0x6  }
0x36: {  	v0 =	vld.idx.msk [tilespmem:v0+s2+$0x0], $0xffff  }
0x37: {  	v1 =	vld.idx.msk [tilespmem:v61+s12+$0x0], $0xffff;
	_ =	sdelay $0x4  }
0x38: {  	v0 =	vadd.f32 v1, v0;
	_ =	sdelay $0x1  }
0x39: {  	v1 =	vmul.f32 $2.000000030e-01, v0;
	_ =	sdelay $0x1  }
0x3a: {  	v0 =	vmax.f32 v0, v1  }
0x3b: {  	v0 =	vmul.f32 $1.442695020e+00, v0;
	_ =	sdelay $0x1  }
0x3c: {  	(erf) = vpow2.f32 v0;
	_ =	sdelay $0x8  }
0x3d: {  	v0 =	vpop (erf)  }
0x3e: {  	[tilespmem:$0x9E20] =	vst v0  }
0x3f: {  	v0 =	vld [tilespmem:s17+$0x4F30]  }
0x40: {  	v62 =	vld [tilespmem:s17+$0x76B0];
	_ =	sdelay $0x6  }
0x41: {  	v0 =	vld.idx.msk [tilespmem:v0+s2+$0x0], $0xffff  }
0x42: {  	v1 =	vld.idx.msk [tilespmem:v62+s12+$0x0], $0xffff;
	_ =	sdelay $0x4  }
0x43: {  	v0 =	vadd.f32 v1, v0;
	_ =	sdelay $0x1  }
0x44: {  	v1 =	vmul.f32 $2.000000030e-01, v0;
	_ =	sdelay $0x1  }
0x45: {  	v0 =	vmax.f32 v0, v1  }
0x46: {  	v0 =	vmul.f32 $1.442695020e+00, v0;
	_ =	sdelay $0x1  }
0x47: {  	(erf) = vpow2.f32 v0;
	_ =	sdelay $0x8  }
0x48: {  	v0 =	vpop (erf)  }
0x49: {  	[tilespmem:$0x9E30] =	vst v0  }
0x4a: {  	v0 =	vld [tilespmem:s17+$0x4F40]  }
0x4b: {  	v63 =	vld [tilespmem:s17+$0x76C0];
	_ =	sdelay $0x6  }
0x4c: {  	v0 =	vld.idx.msk [tilespmem:v0+s2+$0x0], $0xffff  }
0x4d: {  	v1 =	vld.idx.msk [tilespmem:v63+s12+$0x0], $0xffff;
	_ =	sdelay $0x4  }
0x4e: {  	v0 =	vadd.f32 v1, v0;
	_ =	sdelay $0x1  }
0x4f: {  	v1 =	vmul.f32 $2.000000030e-01, v0;
	_ =	sdelay $0x1  }
0x50: {  	v0 =	vmax.f32 v0, v1  }
0x51: {  	v0 =	vmul.f32 $1.442695020e+00, v0;
	_ =	sdelay $0x1  }
0x52: {  	(erf) = vpow2.f32 v0;
	_ =	sdelay $0x8  }
0x53: {  	p0 =	sne.s32 s16, $0x9B00;
	v0 =	vpop (erf)  }
.Ltmp0:
0x54: {  	[tilespmem:$0x9E40] =	vst v0;
	(pc) =	sbr.rel @p0 .LBB2_2-.Ltmp0, $4  }
0x55: {  	[hbm4b:s15+s2] =	stream.linear.scatter [tilespmem:s13], [sflag:$0x1], $0x50, $0x38;
	[tilespmem:$0x9E80] =	vst v63  }
0x56: {  	_ =	swait.ge [sflag:s10], $0x50  }
0x57: {  	[sflag:s10] =	ssyncset.done $0x0  }
0x58: {  	s16 =	sadd.s32 $0x140, s16;
	s15 =	sadd.s32 $0xA, s15;
	[sflag:s10] =	ssyncadd.s32 $0xFFFFFFB0  }
0x59: {  	s14 =	sadd.s32 $0x1, s14  }
0x5a: {  	p0 =	sne.s32 s14, s7  }
.Ltmp1:
0x5b: {  	_ = 	snop;
	(pc) =	sbr.rel @p0 .LBB2_1-.Ltmp1, $1  }
0x5c: {  	_ =	sdelay $0x3  }
0x5d: {  	_ =	sfence.sel $0x180000  }
0x5e: {  	[bflag:$0x0] =	sbarrier.arrive $0xFFFF  }
0x5f: {  	p0 =	sne.s32 s0, $0x0;
	_ =	strace $0x9000004D  }
0x60: {  	s0 =	sadd.s32 @!p0 $0x100000, s1;
	[bflag:$0x2] =	sbarrier.arrive $0xFFFF  }
0x61: {  	[sflag:s0] =	ssyncadd.tile.s32 @!p0 $0x1;
	_ =	shalt  }
.Lfunc_end2:
_tile_overlayer_lowered:
.L_overlay_start_2:
0x62: {  	(tag) =	ssettag $0x2  }
0x63: {  	s0 =	rddreg [dreg:$0x0];
	s2 =	stileid.u32  }
0x64: {  	s1 =	rddreg [dreg:$0x1];
	p0 =	sne.s32 s2, $0x0  }
0x65: {  	s3 =	rddreg [dreg:$0x2];
	[bflag:$0x3] =	sbarrier.arrive $0xFFFF;
	s2 =	simm.s32 @!p0 $0x1C01  }
0x66: {  	[timem:s3], [sflag:s2] =	dma.local @!p0 [hbm:s0], s1  }
0x67: {  	s0 =	simm.s32 @!p0 $0x1  }
0x68: {  	_ =	swait.ge @!p0 [sflag:s0], s1  }
0x69: {  	s1 =	ssub.s32 @!p0 $0x0, s1;
	[sflag:s0] =	ssyncset.done @!p0 $0x0  }
0x6a: {  	[sflag:s0] =	ssyncadd.s32 @!p0 s1  }
0x6b: {  	[bflag:$0x3] =	sbarrier.arrive $0xFFFF  }
0x6c: {  	_ =	shalt  }

// kernel: kernel.7.cloned.1.call-start
scs
__scs_entry_jumppad:
0x0: {  	(pc) =	sbr.rel $0x88, $3  }
0x1: {  	(tag) =	ssettag $0x0;
	lr =	simm.s32 $0x1  }
0x2: {  	[smem:$0x3F97] =	sst lr;
	_ =	strace $0xD0000000  }
0x3: {  	_ = 	snop  }
0x4: {  	_ = 	snop  }
0x5: {  	_ = 	snop  }
0x6: {  	_ = 	snop  }
0x7: {  	_ = 	snop  }
__scs_overlays_trampoline_lowered:
0x8: {  	[smem:$0x3FA6] =	sst s0  }
0x9: {  	[smem:$0x3FA7] =	sst s1  }
0xa: {  	[smem:$0x3FA8] =	sst s2  }
0xb: {  	[smem:$0x3FA9] =	sst s3  }
0xc: {  	[smem:$0x3FAA] =	sst s4  }
0xd: {  	[smem:$0x3FAB] =	sst s5  }
0xe: {  	[smem:$0x3FAC] =	sst s6  }
0xf: {  	[smem:$0x3FAD] =	sst s7  }
0x10: {  	[smem:$0x3FAE] =	sst s8  }
0x11: {  	[smem:$0x3FAF] =	sst s9;
	s0 =	simm.s32 @!p0 $0x0  }
0x12: {  	s1 =	sld [smem:$0x3F95];
	s0 =	simm.s32 @p0 $0x1  }
0x13: {  	[smem:$0x3FB0] =	sst s0;
	s0 =	simm.s32 @!p1 $0x0  }
0x14: {  	s2 =	sld [smem:$0x3F94];
	s0 =	simm.s32 @p1 $0x1  }
0x15: {  	[smem:$0x3FB1] =	sst s0;
	s0 =	simm.s32 @!p2 $0x0  }
0x16: {  	s3 =	sld [smem:$0x3FDB];
	s0 =	simm.s32 @p2 $0x1  }
0x17: {  	s4 =	simm.s32 $0x1BF5;
	[smem:$0x3FB3] =	sst s0  }
0x18: {  	s0 =	sld [smem:$0x3F96];
	_ =	swait.ge [sflag:s4], $0x0  }
0x19: {  	s7 =	sld [smem:$0x3F97]  }
0x1a: {  	s8 =	sadd.s32 $0xFFFFE003, lr  }
0x1b: {  	s9 =	sadd.s32 $0xFFFFFEF7, lr;
	s5 =	simm.s32 $0xFFFFFFFF;
	p2 =	slt.u32 s8, $0xFFFFF086  }
0x1c: {  	p1 =	slt.u32 s9, $0xF7A;
	s5 =	simm.s32 @!p2 $0x0  }
0x1d: {  	s5 =	simm.s32 @p1 $0x1;
	p0 =	seq.s32 s7, s2  }
0x1e: {  	s7 =	smul.u32 @!p0 $0xF7A, s2;
	p2 =	seq.s32 @!p0 s5, $0x0  }
0x1f: {  	s9 =	smul.u32 $0xF7A, s1;
	s8 =	simm.s32 @!p0 $0x1BF5;
	p2 =	por !p2, p0  }
0x20: {  	[sflag:s8] =	ssyncset.s32 @!p0 $0xFFFFF086;
	s6 =	sadd.s32 @!p0 s3, s7;
	s7 =	simm.s32 @!p0 $0x108  }
0x21: {  	s3 =	sadd.s32 s3, s9;
	s6 =	sadd.s32 @!p0 $0x88, s6;
	s7 =	simm.s32 @p2 $0x1082  }
0x22: {  	[simem:s7], [sflag:s8] =	dma.local @!p0 [hbm:s6], $0xF7A  }
0x23: {  	s9 =	sor.u32 $0xD0000000, s2;
	s6 =	simm.s32 $0x108;
	_ =	swait.ge @!p0 [sflag:s8], $0x0  }
0x24: {  	s3 =	sadd.s32 $0x88, s3;
	s6 =	simm.s32 @!p1 $0x1082;
	[sflag:s4] =	ssyncset.s32 $0xFFFFF086  }
0x25: {  	[simem:s6], [sflag:s4] =	dma.local [hbm:s3], $0xF7A  }
0x26: {  	[smem:$0x3F97] =	sst s1;
	(tag) =	ssettag s2;
	_ =	strace s9  }
0x27: {  	s1 =	sld [smem:$0x3FA7]  }
0x28: {  	s2 =	sld [smem:$0x3FA8]  }
0x29: {  	s4 =	sld [smem:$0x3FAA]  }
0x2a: {  	p0 =	seq.s32 s5, $0x0;
	s5 =	sld [smem:$0x3FAB]  }
0x2b: {  	s6 =	sld [smem:$0x3FAC]  }
0x2c: {  	s7 =	sld [smem:$0x3FAD]  }
0x2d: {  	s3 =	simm.s32 $0x108;
	s8 =	sld [smem:$0x3FAE]  }
0x2e: {  	s3 =	simm.s32 @!p0 $0x1082;
	s9 =	sld [smem:$0x3FAF]  }
0x2f: {  	lr =	sadd.s32 s0, s3;
	s0 =	sld [smem:$0x3FA6]  }
0x30: {  	s3 =	sld [smem:$0x3FA9]  }
0x31: {  	[smem:$0x3FB2] =	sst s10  }
0x32: {  	s10 =	sld [smem:$0x3FB0];
	_ =	sdelay $0x3  }
0x33: {  	p0 =	seq.s32 s10, $0x1;
	s10 =	sld [smem:$0x3FB2];
	_ =	sdelay $0x3  }
0x34: {  	[smem:$0x3FB2] =	sst s10  }
0x35: {  	s10 =	sld [smem:$0x3FB1];
	_ =	sdelay $0x3  }
0x36: {  	p1 =	seq.s32 s10, $0x1;
	s10 =	sld [smem:$0x3FB2];
	_ =	sdelay $0x3  }
0x37: {  	[smem:$0x3FB2] =	sst s10  }
0x38: {  	s10 =	sld [smem:$0x3FB3]  }
0x39: {  	_ = 	snop;
	(pc) =	sbr.ind lr, $3  }
0x3a: {  	_ = 	snop  }
0x3b: {  	_ = 	snop  }
0x3c: {  	p2 =	seq.s32 s10, $0x1;
	s10 =	sld [smem:$0x3FB2]  }
0x3d: {  	_ =	shalt  }
0x3e: {  	_ =	shalt  }
0x3f: {  	_ =	shalt  }
0x40: {  	_ =	shalt  }
0x41: {  	_ =	shalt  }
0x42: {  	_ =	shalt  }
0x43: {  	_ =	shalt  }
0x44: {  	_ =	shalt  }
0x45: {  	_ =	shalt  }
0x46: {  	_ =	shalt  }
0x47: {  	_ =	shalt  }
0x48: {  	_ =	shalt  }
0x49: {  	_ =	shalt  }
0x4a: {  	_ =	shalt  }
0x4b: {  	_ =	shalt  }
0x4c: {  	_ =	shalt  }
0x4d: {  	_ =	shalt  }
0x4e: {  	_ =	shalt  }
0x4f: {  	_ =	shalt  }
0x50: {  	_ =	shalt  }
0x51: {  	_ =	shalt  }
0x52: {  	_ =	shalt  }
0x53: {  	_ =	shalt  }
0x54: {  	_ =	shalt  }
0x55: {  	_ =	shalt  }
0x56: {  	_ =	shalt  }
0x57: {  	_ =	shalt  }
0x58: {  	_ =	shalt  }
0x59: {  	_ =	shalt  }
0x5a: {  	_ =	shalt  }
0x5b: {  	_ =	shalt  }
0x5c: {  	_ =	shalt  }
0x5d: {  	_ =	shalt  }
0x5e: {  	_ =	shalt  }
0x5f: {  	_ =	shalt  }
0x60: {  	_ =	shalt  }
0x61: {  	_ =	shalt  }
0x62: {  	_ =	shalt  }
0x63: {  	_ =	shalt  }
0x64: {  	_ =	shalt  }
0x65: {  	_ =	shalt  }
0x66: {  	_ =	shalt  }
0x67: {  	_ =	shalt  }
0x68: {  	_ =	shalt  }
0x69: {  	_ =	shalt  }
0x6a: {  	_ =	shalt  }
0x6b: {  	_ =	shalt  }
0x6c: {  	_ =	shalt  }
0x6d: {  	_ =	shalt  }
0x6e: {  	_ =	shalt  }
0x6f: {  	_ =	shalt  }
0x70: {  	_ =	shalt  }
0x71: {  	_ =	shalt  }
0x72: {  	_ =	shalt  }
0x73: {  	_ =	shalt  }
0x74: {  	_ =	shalt  }
0x75: {  	_ =	shalt  }
0x76: {  	_ =	shalt  }
0x77: {  	_ =	shalt  }
0x78: {  	_ =	shalt  }
0x79: {  	_ =	shalt  }
0x7a: {  	_ =	shalt  }
0x7b: {  	_ =	shalt  }
0x7c: {  	_ =	shalt  }
0x7d: {  	_ =	shalt  }
0x7e: {  	_ =	shalt  }
0x7f: {  	_ =	shalt  }
0x80: {  	_ =	shalt  }
0x81: {  	_ =	shalt  }
0x82: {  	_ =	shalt  }
0x83: {  	_ =	shalt  }
0x84: {  	_ =	shalt  }
0x85: {  	_ =	shalt  }
0x86: {  	_ =	shalt  }
0x87: {  	_ =	shalt  }
.Lfunc_end0:
.L_simem_size_0:
called_computation.3_lowered:
.L_overlay_start_0:
0x88: {  	s2 =	sld [smem:$0x3FD9]  }
0x89: {  	s3 =	sld [smem:$0x3FFE];
	_ =	sdelay $0x1  }
0x8a: {  	s1 =	srdreg.scid  }
0x8b: {  	s0 =	sand.u32 $0x1, s1  }
0x8c: {  	s14 =	sshll.u32 s0, $0xA;
	s2 =	sadd.s32 s3, s2  }
0x8d: {  	s2 =	sadd.s32 s2, s14  }
0x8e: {  	[smem:$0x3FBE] =	sst s2  }
0x8f: {  	_ = 	snop  }
0x90: {  	s2 =	sld [smem:$0x3FD0];
	_ =	sdelay $0x2  }
0x91: {  	s15 =	simm.s32 $0xC;
	s4 =	simm.s32 $0x10  }
0x92: {  	[smem:s4], [sflag:s15] =	dma.local [hbm:s2], $0x1  }
0x93: {  	_ =	swait.eq [sflag:s15], $0x1  }
0x94: {  	[sflag:s15] =	ssyncset.done $0x0  }
0x95: {  	[sflag:s15] =	ssyncadd.s32 $0xFFFFFFFF  }
0x96: {  	s16 =	sld [smem:$0x10];
	(tm) =	ssettm $0x1  }
0x97: {  	s17 =	sld [smem:$0x3FFB];
	_ =	sdelay $0x3  }
0x98: {  	_ =	strace s17  }
0x99: {  	s3 =	sld [smem:$0x3FFC];
	_ =	sdelay $0x3  }
0x9a: {  	_ =	strace s3  }
0x9b: {  	s3 =	sld [smem:$0x3FFD];
	_ =	sdelay $0x3  }
0x9c: {  	_ =	strace s3  }
0x9d: {  	_ =	strace $0x8FFFFFFF  }
0x9e: {  	s18 =	sld [smem:$0x3FDB];
	_ =	sdelay $0x1  }
0x9f: {  	s19 =	simm.s32 $_scs_section_size  }
0xa0: {  	s5 =	simm.s32 $_size__tile_overlayer_lowered;
	s6 =	simm.s32 $_tile_overlayer_lowered  }
0xa1: {  	s22 =	simm.s32 $0x1BFF;
	s21 =	sshll.u32 s6, $0x1;
	s3 =	sadd.s32 s19, s18  }
0xa2: {  	s7 =	simm.s32 $0x0;
	s20 =	sshll.u32 s5, $0x1;
	s5 =	sadd.s32 s21, s3  }
0xa3: {  	[timem:s7], [sflag:s22] =	dma.local [hbm:s5], s20  }
0xa4: {  	_ =	swait.ge [sflag:s22], s20  }
0xa5: {  	s4 =	ssub.s32 $0x0, s20;
	[sflag:s22] =	ssyncset.done $0x0  }
0xa6: {  	[sflag:s22] =	ssyncadd.s32 s4;
	_ =	sdelay $0x1  }
0xa7: {  	s23 =	simm.s32 $0x1B8B  }
0xa8: {  	_ =	swait.ge [sflag:s23], $0x1  }
0xa9: {  	[sflag:s23] =	ssyncset.done $0x0  }
0xaa: {  	s25 =	simm.s32 $0x1B8E;
	s24 =	sld [smem:$0x3FFE];
	[sflag:s23] =	ssyncadd.s32 $0xFFFFFFFF  }
0xab: {  	s26 =	simm.s32 $execute0_lowered;
	[smem:$0x3FD2] =	sst s25  }
0xac: {  	s5 =	sshll.u32 s26, $0x1;
	_ =	strace $0x80000046;
	[dreg:$0x1] =	wrdreg $0xFFFFFFFF  }
0xad: {  	s28 =	simm.s32 $_size_execute0_lowered;
	s3 =	sadd.s32 s3, s5;
	[dreg:$0x0] =	wrdreg $0x0  }
0xae: {  	s5 =	sshll.u32 s28, $0x1;
	[dreg:$0x2] =	wrdreg s3  }
0xaf: {  	[dreg:$0x3] =	wrdreg s5  }
0xb0: {  	[dreg:$0x4] =	wrdreg $0xC0  }
0xb1: {  	_ =	task [dreg:s7], $0x5FFFF  }
0xb2: {  	[dreg:$0x1] =	wrdreg $0xFFFFFFFF  }
0xb3: {  	[dreg:$0x0] =	wrdreg $0x60  }
0xb4: {  	[dreg:$0x2] =	wrdreg s16  }
0xb5: {  	[dreg:$0x3] =	wrdreg s24  }
0xb6: {  	[dreg:$0x4] =	wrdreg $0x9  }
0xb7: {  	_ =	task.clear_ibuf [dreg:s7], $0x5FFFF;
	_ =	strace $0x90000046  }
0xb8: {  	s29 =	simm.s32 $0x9;
	_ =	strace $0x80000048  }
0xb9: {  	_ =	swait.ge [sflag:s29], $0x1  }
0xba: {  	[sflag:s29] =	ssyncadd.s32 $0xFFFFFFFF  }
0xbb: {  	_ =	strace $0x90000048  }
0xbc: {  	_ =	sfence  }
0xbd: {  	s30 =	sld [smem:$0x0];
	_ =	sdelay $0x2  }
0xbe: {  	s31 =	sshll.u32 s1, $0xD;
	s1 =	sshrl.u32 s1, $0x2  }
0xbf: {  	s3 =	sand.u32 $0x4000, s31;
	s1 =	sadd.s32 s1, s30  }
0xc0: {  	s0 =	sor.u32 s3, s0;
	s1 =	sshll.u32 s1, $0x11  }
0xc1: {  	s0 =	sor.u32 s1, s0  }
0xc2: {  	s0 =	sadd.s32 $0x8F2B, s0  }
0xc3: {  	[sflag:s0] =	ssyncadd.remote.s32 $0x1  }
0xc4: {  	_ =	sfence.sel $0xFFFF  }
0xc5: {  	[dreg:$0x0] =	wrdreg $0xFFFFFFFF;
	(pc) =	sbr.abs _section_cstart, $3  }
0xc6: {  	[dreg:$0x1] =	wrdreg $0xFFFFFFFF  }
0xc7: {  	_ =	task.clear_ibuf [dreg:s7], $0x2FFFF;
	_ =	strace $0x9FFFFFFF  }
0xc8: {  	(tm) =	ssettm $0x7FFFFFFF  }
0xc9: {  	_ =	shalt  }
tec
execute0_lowered:
.L_overlay_start_1:
0x0: {  	(tag) =	ssettag $0x1  }
0x1: {  	s1 =	srdreg.scid;
	s7 =	rddreg [dreg:$0x0]  }
0x2: {  	s0 =	stileid.u32;
	s8 =	rddreg [dreg:$0x1]  }
0x3: {  	s2 =	simm.s32 $0x0;
	s14 =	simm.s32 $0x16080;
	s15 =	simm.s32 $0x9C80  }
0x4: {  	v0 =	vlaneseq.u32;
	s16 =	simm.s32 $0x18800;
	s17 =	simm.s32 $0x0;
	s6 =	sand.u32 $0x1, s1  }
0x5: {  	s29 =	sshll.u32 s0, $0x1;
	s5 =	smul.u32 $0x4E20, s0;
	[smem:$0x7FF] =	sst s2;
	v0 =	vmul.u32 $0x4, v0  }
0x6: {  	s4 =	sadd.s32 $0x1A00, s8;
	s1 =	sor.u32 s6, s29;
	s10 =	smul.u32 $0x2710, s6  }
0x7: {  	s12 =	ssub.s32 $0x2, s6;
	s6 =	sadd.s32 $0x4200, s8;
	s3 =	smul.u32 $0x2710, s1;
	v1 =	vor.u32 $0x1, v0  }
0x8: {  	s1 =	rddreg [dreg:$0x2];
	_ =	strace $0x80000047;
	v2 =	vor.u32 $0x2, v0;
	v3 =	vor.u32 $0x3, v0;
	v4 =	vor.u32 $0x40, v0;
	s30 =	sshrl.u32 s12, $0x1  }
0x9: {  	v5 =	vor.u32 $0x41, v0;
	v6 =	vor.u32 $0x42, v0;
	v7 =	vor.u32 $0x43, v0;
	s10 =	sadd.s32 s10, s5;
	s5 =	sadd.s32 $0x2E00, s8;
	s31 =	ssub.s32 s12, s30  }
0xa: {  	v8 =	vor.u32 $0x80, v0;
	v9 =	vor.u32 $0x81, v0;
	v10 =	vor.u32 $0x82, v0;
	s12 =	simm.s32 $0x13900;
	s9 =	sshrl.u32 s3, $0x3;
	s10 =	sshrl.u32 s10, $0x1  }
0xb: {  	v11 =	vor.u32 $0x83, v0;
	v12 =	vor.u32 $0xC0, v0;
	v13 =	vor.u32 $0xC1, v0;
	s3 =	sadd.s32 $0x600, s8;
	s11 =	sadd.s32 s9, s8;
	s13 =	sadd.s32 s10, s8  }
0xc: {  	v14 =	vor.u32 $0xC2, v0;
	v15 =	vor.u32 $0xC3, v0;
	v16 =	vor.u32 $0x100, v0;
	s7 =	sadd.s32 s7, s9;
	s9 =	smax.u32 s31, $0x1;
	s8 =	sadd.s32 $0x5600, s11  }
0xd: {  	v17 =	vor.u32 $0x101, v0;
	v18 =	vor.u32 $0x102, v0;
	v19 =	vor.u32 $0x103, v0;
	s10 =	sadd.s32 $0xF400, s13;
	s11 =	sadd.s32 $0x36600, s13;
	s13 =	simm.s32 $0x1  }
.LBB2_1:
0xe: {  	[tilespmem:s12], [sflag:$0x1] =	stream.linear.gather [hbm4b:s7+s2], $0x2710, $0x38;
	[tilespmem:$0x18980] =	vst v63  }
0xf: {  	_ =	swait.ge [sflag:s13], $0x2710  }
0x10: {  	[sflag:s13] =	ssyncset.done $0x0  }
0x11: {  	[sflag:s13] =	ssyncadd.s32 $0xFFFFD8F0  }
0x12: {  	[tilespmem:s14], [sflag:$0x1] =	stream.linear.gather [hbm4b:s8+s2], $0x2710, $0x38;
	[tilespmem:$0x18980] =	vst v63  }
0x13: {  	_ =	swait.ge [sflag:s13], $0x2710  }
0x14: {  	[sflag:s13] =	ssyncset.done $0x0  }
0x15: {  	[sflag:s13] =	ssyncadd.s32 $0xFFFFD8F0  }
0x16: {  	[tilespmem:s2], [sflag:$0x1] =	stream.linear.gather [hbm4b:s3+s2], $0x9C80, $0x38;
	[tilespmem:$0x18980] =	vst v63  }
0x17: {  	_ =	swait.ge [sflag:s13], $0x9C80  }
0x18: {  	[sflag:s13] =	ssyncset.done $0x0  }
0x19: {  	[sflag:s13] =	ssyncadd.s32 $0xFFFF6380  }
0x1a: {  	[tilespmem:s15], [sflag:$0x1] =	stream.linear.gather [hbm4b:s5+s2], $0x9C80, $0x38;
	[tilespmem:$0x18980] =	vst v63  }
0x1b: {  	_ =	swait.ge [sflag:s13], $0x9C80  }
0x1c: {  	[sflag:s13] =	ssyncset.done $0x0  }
0x1d: {  	s18 =	smov.u32 s10;
	s19 =	simm.s32 $0x0;
	[sflag:s13] =	ssyncadd.s32 $0xFFFF6380  }
.LBB2_2:
0x1e: {  	s20 =	sshra.s32 s19, $0x2  }
0x1f: {  	v20 =	vld [tilespmem:s20+$0x13900]  }
0x20: {  	v21 =	vld [tilespmem:s20+$0x16080];
	_ =	sdelay $0x3  }
0x21: {  	v20 =	vshll.u32 v20, $0x2  }
0x22: {  	v21 =	vshll.u32 v21, $0x2;
	_ =	sdelay $0x3  }
0x23: {  	v22 =	vld.idx.msk [tilespmem:v20+s2+$0x0], $0xffff  }
0x24: {  	v23 =	vld.idx.msk [tilespmem:v21+s15+$0x0], $0xffff;
	_ =	sdelay $0x4  }
0x25: {  	v22 =	vadd.f32 v23, v22;
	_ =	sdelay $0x1  }
0x26: {  	v23 =	vmul.f32 $2.000000030e-01, v22;
	_ =	sdelay $0x1  }
0x27: {  	v22 =	vmax.f32 v22, v23  }
0x28: {  	v22 =	vmul.f32 $1.442695020e+00, v22;
	_ =	sdelay $0x1  }
0x29: {  	(erf) = vpow2.f32 v22;
	_ =	sdelay $0x5  }
0x2a: {  	v63 =	vor.u32 $0x1, v20  }
0x2b: {  	v28 =	vor.u32 $0x1, v21;
	_ =	sdelay $0x1  }
0x2c: {  	v24 =	vpop (erf)  }
0x2d: {  	[tilespmem:v0+s16+$0x0] =	vst.idx.msk $0xffff, v24  }
0x2e: {  	v22 =	vld.idx.msk [tilespmem:v63+s2+$0x0], $0xffff  }
0x2f: {  	v23 =	vld.idx.msk [tilespmem:v28+s15+$0x0], $0xffff;
	_ =	sdelay $0x4  }
0x30: {  	v22 =	vadd.f32 v23, v22;
	_ =	sdelay $0x1  }
0x31: {  	v23 =	vmul.f32 $2.000000030e-01, v22;
	_ =	sdelay $0x1  }
0x32: {  	v22 =	vmax.f32 v22, v23  }
0x33: {  	v22 =	vmul.f32 $1.442695020e+00, v22;
	_ =	sdelay $0x1  }
0x34: {  	(erf) = vpow2.f32 v22;
	_ =	sdelay $0x5  }
0x35: {  	v29 =	vor.u32 $0x2, v20  }
0x36: {  	v30 =	vor.u32 $0x2, v21;
	_ =	sdelay $0x1  }
0x37: {  	v31 =	vpop (erf)  }
0x38: {  	[tilespmem:v1+s16+$0x0] =	vst.idx.msk $0xffff, v31  }
0x39: {  	v22 =	vld.idx.msk [tilespmem:v29+s2+$0x0], $0xffff  }
0x3a: {  	v23 =	vld.idx.msk [tilespmem:v30+s15+$0x0], $0xffff;
	_ =	sdelay $0x4  }
0x3b: {  	v22 =	vadd.f32 v23, v22;
	_ =	sdelay $0x1  }
0x3c: {  	v23 =	vmul.f32 $2.000000030e-01, v22;
	_ =	sdelay $0x1  }
0x3d: {  	v22 =	vmax.f32 v22, v23  }
0x3e: {  	v22 =	vmul.f32 $1.442695020e+00, v22;
	_ =	sdelay $0x1  }
0x3f: {  	(erf) = vpow2.f32 v22;
	_ =	sdelay $0x5  }
0x40: {  	v20 =	vor.u32 $0x3, v20  }
0x41: {  	v21 =	vor.u32 $0x3, v21;
	_ =	sdelay $0x1  }
0x42: {  	v22 =	vpop (erf)  }
0x43: {  	[tilespmem:v2+s16+$0x0] =	vst.idx.msk $0xffff, v22  }
0x44: {  	v20 =	vld.idx.msk [tilespmem:v20+s2+$0x0], $0xffff  }
0x45: {  	v21 =	vld.idx.msk [tilespmem:v21+s15+$0x0], $0xffff;
	_ =	sdelay $0x4  }
0x46: {  	v20 =	vadd.f32 v21, v20;
	_ =	sdelay $0x1  }
0x47: {  	v21 =	vmul.f32 $2.000000030e-01, v20;
	_ =	sdelay $0x1  }
0x48: {  	v20 =	vmax.f32 v20, v21  }
0x49: {  	v20 =	vmul.f32 $1.442695020e+00, v20;
	_ =	sdelay $0x1  }
0x4a: {  	(erf) = vpow2.f32 v20;
	_ =	sdelay $0x8  }
0x4b: {  	v20 =	vpop (erf)  }
0x4c: {  	[tilespmem:v3+s16+$0x0] =	vst.idx.msk $0xffff, v20  }
0x4d: {  	v20 =	vld [tilespmem:s20+$0x13910]  }
0x4e: {  	v32 =	vld [tilespmem:s20+$0x16090];
	_ =	sdelay $0x3  }
0x4f: {  	v20 =	vshll.u32 v20, $0x2  }
0x50: {  	v21 =	vshll.u32 v32, $0x2;
	_ =	sdelay $0x3  }
0x51: {  	v22 =	vld.idx.msk [tilespmem:v20+s2+$0x0], $0xffff  }
0x52: {  	v33 =	vld.idx.msk [tilespmem:v21+s15+$0x0], $0xffff;
	_ =	sdelay $0x4  }
0x53: {  	v22 =	vadd.f32 v33, v22;
	_ =	sdelay $0x1  }
0x54: {  	v23 =	vmul.f32 $2.000000030e-01, v22;
	_ =	sdelay $0x1  }
0x55: {  	v22 =	vmax.f32 v22, v23  }
0x56: {  	v22 =	vmul.f32 $1.442695020e+00, v22;
	_ =	sdelay $0x1  }
0x57: {  	(erf) = vpow2.f32 v22;
	_ =	sdelay $0x5  }
0x58: {  	v34 =	vor.u32 $0x1, v20  }
0x59: {  	v35 =	vor.u32 $0x1, v21;
	_ =	sdelay $0x1  }
0x5a: {  	v36 =	vpop (erf)  }
0x5b: {  	[tilespmem:v4+s16+$0x0] =	vst.idx.msk $0xffff, v36  }
0x5c: {  	v22 =	vld.idx.msk [tilespmem:v34+s2+$0x0], $0xffff  }
0x5d: {  	v23 =	vld.idx.msk [tilespmem:v35+s15+$0x0], $0xffff;
	_ =	sdelay $0x4  }
0x5e: {  	v22 =	vadd.f32 v23, v22;
	_ =	sdelay $0x1  }
0x5f: {  	v23 =	vmul.f32 $2.000000030e-01, v22;
	_ =	sdelay $0x1  }
0x60: {  	v22 =	vmax.f32 v22, v23  }
0x61: {  	v22 =	vmul.f32 $1.442695020e+00, v22;
	_ =	sdelay $0x1  }
0x62: {  	(erf) = vpow2.f32 v22;
	_ =	sdelay $0x5  }
0x63: {  	v37 =	vor.u32 $0x2, v20  }
0x64: {  	v38 =	vor.u32 $0x2, v21;
	_ =	sdelay $0x1  }
0x65: {  	v39 =	vpop (erf)  }
0x66: {  	[tilespmem:v5+s16+$0x0] =	vst.idx.msk $0xffff, v39  }
0x67: {  	v22 =	vld.idx.msk [tilespmem:v37+s2+$0x0], $0xffff  }
0x68: {  	v23 =	vld.idx.msk [tilespmem:v38+s15+$0x0], $0xffff;
	_ =	sdelay $0x4  }
0x69: {  	v22 =	vadd.f32 v23, v22;
	_ =	sdelay $0x1  }
0x6a: {  	v23 =	vmul.f32 $2.000000030e-01, v22;
	_ =	sdelay $0x1  }
0x6b: {  	v22 =	vmax.f32 v22, v23  }
0x6c: {  	v22 =	vmul.f32 $1.442695020e+00, v22;
	_ =	sdelay $0x1  }
0x6d: {  	(erf) = vpow2.f32 v22;
	_ =	sdelay $0x5  }
0x6e: {  	v20 =	vor.u32 $0x3, v20  }
0x6f: {  	v21 =	vor.u32 $0x3, v21;
	_ =	sdelay $0x1  }
0x70: {  	v22 =	vpop (erf)  }
0x71: {  	[tilespmem:v6+s16+$0x0] =	vst.idx.msk $0xffff, v22  }
0x72: {  	v20 =	vld.idx.msk [tilespmem:v20+s2+$0x0], $0xffff  }
0x73: {  	v21 =	vld.idx.msk [tilespmem:v21+s15+$0x0], $0xffff;
	_ =	sdelay $0x4  }
0x74: {  	v20 =	vadd.f32 v21, v20;
	_ =	sdelay $0x1  }
0x75: {  	v21 =	vmul.f32 $2.000000030e-01, v20;
	_ =	sdelay $0x1  }
0x76: {  	v20 =	vmax.f32 v20, v21  }
0x77: {  	v20 =	vmul.f32 $1.442695020e+00, v20;
	_ =	sdelay $0x1  }
0x78: {  	(erf) = vpow2.f32 v20;
	_ =	sdelay $0x8  }
0x79: {  	v20 =	vpop (erf)  }
0x7a: {  	[tilespmem:v7+s16+$0x0] =	vst.idx.msk $0xffff, v20  }
0x7b: {  	v20 =	vld [tilespmem:s20+$0x13920]  }
0x7c: {  	v40 =	vld [tilespmem:s20+$0x160A0];
	_ =	sdelay $0x3  }
0x7d: {  	v20 =	vshll.u32 v20, $0x2  }
0x7e: {  	v21 =	vshll.u32 v40, $0x2;
	_ =	sdelay $0x3  }
0x7f: {  	v22 =	vld.idx.msk [tilespmem:v20+s2+$0x0], $0xffff  }
0x80: {  	v41 =	vld.idx.msk [tilespmem:v21+s15+$0x0], $0xffff;
	_ =	sdelay $0x4  }
0x81: {  	v22 =	vadd.f32 v41, v22;
	_ =	sdelay $0x1  }
0x82: {  	v23 =	vmul.f32 $2.000000030e-01, v22;
	_ =	sdelay $0x1  }
0x83: {  	v22 =	vmax.f32 v22, v23  }
0x84: {  	v22 =	vmul.f32 $1.442695020e+00, v22;
	_ =	sdelay $0x1  }
0x85: {  	(erf) = vpow2.f32 v22;
	_ =	sdelay $0x5  }
0x86: {  	v42 =	vor.u32 $0x1, v20  }
0x87: {  	v43 =	vor.u32 $0x1, v21;
	_ =	sdelay $0x1  }
0x88: {  	v44 =	vpop (erf)  }
0x89: {  	[tilespmem:v8+s16+$0x0] =	vst.idx.msk $0xffff, v44  }
0x8a: {  	v22 =	vld.idx.msk [tilespmem:v42+s2+$0x0], $0xffff  }
0x8b: {  	v23 =	vld.idx.msk [tilespmem:v43+s15+$0x0], $0xffff;
	_ =	sdelay $0x4  }
0x8c: {  	v22 =	vadd.f32 v23, v22;
	_ =	sdelay $0x1  }
0x8d: {  	v23 =	vmul.f32 $2.000000030e-01, v22;
	_ =	sdelay $0x1  }
0x8e: {  	v22 =	vmax.f32 v22, v23  }
0x8f: {  	v22 =	vmul.f32 $1.442695020e+00, v22;
	_ =	sdelay $0x1  }
0x90: {  	(erf) = vpow2.f32 v22;
	_ =	sdelay $0x5  }
0x91: {  	v45 =	vor.u32 $0x2, v20  }
0x92: {  	v46 =	vor.u32 $0x2, v21;
	_ =	sdelay $0x1  }
0x93: {  	v47 =	vpop (erf)  }
0x94: {  	[tilespmem:v9+s16+$0x0] =	vst.idx.msk $0xffff, v47  }
0x95: {  	v22 =	vld.idx.msk [tilespmem:v45+s2+$0x0], $0xffff  }
0x96: {  	v23 =	vld.idx.msk [tilespmem:v46+s15+$0x0], $0xffff;
	_ =	sdelay $0x4  }
0x97: {  	v22 =	vadd.f32 v23, v22;
	_ =	sdelay $0x1  }
0x98: {  	v23 =	vmul.f32 $2.000000030e-01, v22;
	_ =	sdelay $0x1  }
0x99: {  	v22 =	vmax.f32 v22, v23  }
0x9a: {  	v22 =	vmul.f32 $1.442695020e+00, v22;
	_ =	sdelay $0x1  }
0x9b: {  	(erf) = vpow2.f32 v22;
	_ =	sdelay $0x5  }
0x9c: {  	v20 =	vor.u32 $0x3, v20  }
0x9d: {  	v21 =	vor.u32 $0x3, v21;
	_ =	sdelay $0x1  }
0x9e: {  	v22 =	vpop (erf)  }
0x9f: {  	[tilespmem:v10+s16+$0x0] =	vst.idx.msk $0xffff, v22  }
0xa0: {  	v20 =	vld.idx.msk [tilespmem:v20+s2+$0x0], $0xffff  }
0xa1: {  	v21 =	vld.idx.msk [tilespmem:v21+s15+$0x0], $0xffff;
	_ =	sdelay $0x4  }
0xa2: {  	v20 =	vadd.f32 v21, v20;
	_ =	sdelay $0x1  }
0xa3: {  	v21 =	vmul.f32 $2.000000030e-01, v20;
	_ =	sdelay $0x1  }
0xa4: {  	v20 =	vmax.f32 v20, v21  }
0xa5: {  	v20 =	vmul.f32 $1.442695020e+00, v20;
	_ =	sdelay $0x1  }
0xa6: {  	(erf) = vpow2.f32 v20;
	_ =	sdelay $0x8  }
0xa7: {  	v20 =	vpop (erf)  }
0xa8: {  	[tilespmem:v11+s16+$0x0] =	vst.idx.msk $0xffff, v20  }
0xa9: {  	v20 =	vld [tilespmem:s20+$0x13930]  }
0xaa: {  	v48 =	vld [tilespmem:s20+$0x160B0];
	_ =	sdelay $0x3  }
0xab: {  	v20 =	vshll.u32 v20, $0x2  }
0xac: {  	v21 =	vshll.u32 v48, $0x2;
	_ =	sdelay $0x3  }
0xad: {  	v22 =	vld.idx.msk [tilespmem:v20+s2+$0x0], $0xffff  }
0xae: {  	v49 =	vld.idx.msk [tilespmem:v21+s15+$0x0], $0xffff;
	_ =	sdelay $0x4  }
0xaf: {  	v22 =	vadd.f32 v49, v22;
	_ =	sdelay $0x1  }
0xb0: {  	v23 =	vmul.f32 $2.000000030e-01, v22;
	_ =	sdelay $0x1  }
0xb1: {  	v22 =	vmax.f32 v22, v23  }
0xb2: {  	v22 =	vmul.f32 $1.442695020e+00, v22;
	_ =	sdelay $0x1  }
0xb3: {  	(erf) = vpow2.f32 v22;
	_ =	sdelay $0x5  }
0xb4: {  	v50 =	vor.u32 $0x1, v20  }
0xb5: {  	v51 =	vor.u32 $0x1, v21;
	_ =	sdelay $0x1  }
0xb6: {  	v52 =	vpop (erf)  }
0xb7: {  	[tilespmem:v12+s16+$0x0] =	vst.idx.msk $0xffff, v52  }
0xb8: {  	v22 =	vld.idx.msk [tilespmem:v50+s2+$0x0], $0xffff  }
0xb9: {  	v23 =	vld.idx.msk [tilespmem:v51+s15+$0x0], $0xffff;
	_ =	sdelay $0x4  }
0xba: {  	v22 =	vadd.f32 v23, v22;
	_ =	sdelay $0x1  }
0xbb: {  	v23 =	vmul.f32 $2.000000030e-01, v22;
	_ =	sdelay $0x1  }
0xbc: {  	v22 =	vmax.f32 v22, v23  }
0xbd: {  	v22 =	vmul.f32 $1.442695020e+00, v22;
	_ =	sdelay $0x1  }
0xbe: {  	(erf) = vpow2.f32 v22;
	_ =	sdelay $0x5  }
0xbf: {  	v53 =	vor.u32 $0x2, v20  }
0xc0: {  	v54 =	vor.u32 $0x2, v21;
	_ =	sdelay $0x1  }
0xc1: {  	v55 =	vpop (erf)  }
0xc2: {  	[tilespmem:v13+s16+$0x0] =	vst.idx.msk $0xffff, v55  }
0xc3: {  	v22 =	vld.idx.msk [tilespmem:v53+s2+$0x0], $0xffff  }
0xc4: {  	v23 =	vld.idx.msk [tilespmem:v54+s15+$0x0], $0xffff;
	_ =	sdelay $0x4  }
0xc5: {  	v22 =	vadd.f32 v23, v22;
	_ =	sdelay $0x1  }
0xc6: {  	v23 =	vmul.f32 $2.000000030e-01, v22;
	_ =	sdelay $0x1  }
0xc7: {  	v22 =	vmax.f32 v22, v23  }
0xc8: {  	v22 =	vmul.f32 $1.442695020e+00, v22;
	_ =	sdelay $0x1  }
0xc9: {  	(erf) = vpow2.f32 v22;
	_ =	sdelay $0x5  }
0xca: {  	v20 =	vor.u32 $0x3, v20  }
0xcb: {  	v21 =	vor.u32 $0x3, v21;
	_ =	sdelay $0x1  }
0xcc: {  	v22 =	vpop (erf)  }
0xcd: {  	[tilespmem:v14+s16+$0x0] =	vst.idx.msk $0xffff, v22  }
0xce: {  	v20 =	vld.idx.msk [tilespmem:v20+s2+$0x0], $0xffff  }
0xcf: {  	v21 =	vld.idx.msk [tilespmem:v21+s15+$0x0], $0xffff;
	_ =	sdelay $0x4  }
0xd0: {  	v20 =	vadd.f32 v21, v20;
	_ =	sdelay $0x1  }
0xd1: {  	v21 =	vmul.f32 $2.000000030e-01, v20;
	_ =	sdelay $0x1  }
0xd2: {  	v20 =	vmax.f32 v20, v21  }
0xd3: {  	v20 =	vmul.f32 $1.442695020e+00, v20;
	_ =	sdelay $0x1  }
0xd4: {  	(erf) = vpow2.f32 v20;
	_ =	sdelay $0x8  }
0xd5: {  	v20 =	vpop (erf)  }
0xd6: {  	[tilespmem:v15+s16+$0x0] =	vst.idx.msk $0xffff, v20  }
0xd7: {  	v20 =	vld [tilespmem:s20+$0x13940]  }
0xd8: {  	v56 =	vld [tilespmem:s20+$0x160C0];
	_ =	sdelay $0x3  }
0xd9: {  	v20 =	vshll.u32 v20, $0x2  }
0xda: {  	v21 =	vshll.u32 v56, $0x2;
	_ =	sdelay $0x3  }
0xdb: {  	v22 =	vld.idx.msk [tilespmem:v20+s2+$0x0], $0xffff  }
0xdc: {  	v57 =	vld.idx.msk [tilespmem:v21+s15+$0x0], $0xffff;
	_ =	sdelay $0x4  }
0xdd: {  	v22 =	vadd.f32 v57, v22;
	_ =	sdelay $0x1  }
0xde: {  	v23 =	vmul.f32 $2.000000030e-01, v22;
	_ =	sdelay $0x1  }
0xdf: {  	v22 =	vmax.f32 v22, v23  }
0xe0: {  	v22 =	vmul.f32 $1.442695020e+00, v22;
	_ =	sdelay $0x1  }
0xe1: {  	(erf) = vpow2.f32 v22;
	_ =	sdelay $0x5  }
0xe2: {  	v58 =	vor.u32 $0x1, v20  }
0xe3: {  	v59 =	vor.u32 $0x1, v21;
	_ =	sdelay $0x1  }
0xe4: {  	v60 =	vpop (erf)  }
0xe5: {  	[tilespmem:v16+s16+$0x0] =	vst.idx.msk $0xffff, v60  }
0xe6: {  	v22 =	vld.idx.msk [tilespmem:v58+s2+$0x0], $0xffff  }
0xe7: {  	v23 =	vld.idx.msk [tilespmem:v59+s15+$0x0], $0xffff;
	_ =	sdelay $0x4  }
0xe8: {  	v22 =	vadd.f32 v23, v22;
	_ =	sdelay $0x1  }
0xe9: {  	v23 =	vmul.f32 $2.000000030e-01, v22;
	_ =	sdelay $0x1  }
0xea: {  	v22 =	vmax.f32 v22, v23  }
0xeb: {  	v22 =	vmul.f32 $1.442695020e+00, v22;
	_ =	sdelay $0x1  }
0xec: {  	(erf) = vpow2.f32 v22;
	_ =	sdelay $0x5  }
0xed: {  	v61 =	vor.u32 $0x2, v20  }
0xee: {  	v62 =	vor.u32 $0x2, v21;
	_ =	sdelay $0x1  }
0xef: {  	v63 =	vpop (erf)  }
0xf0: {  	[tilespmem:v17+s16+$0x0] =	vst.idx.msk $0xffff, v63  }
0xf1: {  	v22 =	vld.idx.msk [tilespmem:v61+s2+$0x0], $0xffff  }
0xf2: {  	v23 =	vld.idx.msk [tilespmem:v62+s15+$0x0], $0xffff;
	_ =	sdelay $0x4  }
0xf3: {  	v22 =	vadd.f32 v23, v22;
	_ =	sdelay $0x1  }
0xf4: {  	v23 =	vmul.f32 $2.000000030e-01, v22;
	_ =	sdelay $0x1  }
0xf5: {  	v22 =	vmax.f32 v22, v23  }
0xf6: {  	v22 =	vmul.f32 $1.442695020e+00, v22;
	_ =	sdelay $0x1  }
0xf7: {  	(erf) = vpow2.f32 v22;
	_ =	sdelay $0x5  }
0xf8: {  	v20 =	vor.u32 $0x3, v20  }
0xf9: {  	v21 =	vor.u32 $0x3, v21;
	_ =	sdelay $0x1  }
0xfa: {  	v22 =	vpop (erf)  }
0xfb: {  	[tilespmem:v18+s16+$0x0] =	vst.idx.msk $0xffff, v22  }
0xfc: {  	v20 =	vld.idx.msk [tilespmem:v20+s2+$0x0], $0xffff  }
0xfd: {  	v21 =	vld.idx.msk [tilespmem:v21+s15+$0x0], $0xffff;
	_ =	sdelay $0x4  }
0xfe: {  	v20 =	vadd.f32 v21, v20;
	_ =	sdelay $0x1  }
0xff: {  	v21 =	vmul.f32 $2.000000030e-01, v20;
	_ =	sdelay $0x1  }
0x100: {  	v20 =	vmax.f32 v20, v21  }
0x101: {  	v20 =	vmul.f32 $1.442695020e+00, v20;
	_ =	sdelay $0x1  }
0x102: {  	(erf) = vpow2.f32 v20;
	_ =	sdelay $0x8  }
0x103: {  	p0 =	sne.s32 s19, $0x9B00;
	v20 =	vpop (erf)  }
.Ltmp0:
0x104: {  	[tilespmem:v19+s16+$0x0] =	vst.idx.msk $0xffff, v20;
	(pc) =	sbr.rel @p0 .LBB2_2-.Ltmp0, $4  }
0x105: {  	[hbm4b:s18+s2] =	stream.linear.scatter [tilespmem:s16], [sflag:$0x1], $0x140, $0x38;
	[tilespmem:$0x18980] =	vst v63  }
0x106: {  	_ =	swait.ge [sflag:s13], $0x140  }
0x107: {  	[sflag:s13] =	ssyncset.done $0x0  }
0x108: {  	s19 =	sadd.s32 $0x140, s19;
	s18 =	sadd.s32 $0x28, s18;
	[sflag:s13] =	ssyncadd.s32 $0xFFFFFEC0  }
0x109: {  	s18 =	simm.s32 $0x0  }
0x10a: {  	[tilespmem:s18], [sflag:$0x1] =	stream.linear.gather [hbm4b:s4+s18], $0x9C80, $0x38;
	[tilespmem:$0x18980] =	vst v63  }
0x10b: {  	_ =	swait.ge [sflag:s13], $0x9C80  }
0x10c: {  	[sflag:s13] =	ssyncset.done $0x0  }
0x10d: {  	[sflag:s13] =	ssyncadd.s32 $0xFFFF6380  }
0x10e: {  	[tilespmem:s15], [sflag:$0x1] =	stream.linear.gather [hbm4b:s6+s18], $0x9C80, $0x38;
	[tilespmem:$0x18980] =	vst v63  }
0x10f: {  	_ =	swait.ge [sflag:s13], $0x9C80  }
0x110: {  	[sflag:s13] =	ssyncset.done $0x0  }
0x111: {  	s19 =	smov.u32 s11;
	[sflag:s13] =	ssyncadd.s32 $0xFFFF6380  }
.LBB2_4:
0x112: {  	s20 =	sshra.s32 s18, $0x2  }
0x113: {  	v20 =	vld [tilespmem:s20+$0x13900]  }
0x114: {  	v21 =	vld [tilespmem:s20+$0x16080];
	_ =	sdelay $0x3  }
0x115: {  	v20 =	vshll.u32 v20, $0x2  }
0x116: {  	v21 =	vshll.u32 v21, $0x2;
	_ =	sdelay $0x3  }
0x117: {  	v22 =	vld.idx.msk [tilespmem:v20+s2+$0x0], $0xffff  }
0x118: {  	v23 =	vld.idx.msk [tilespmem:v21+s15+$0x0], $0xffff;
	_ =	sdelay $0x4  }
0x119: {  	v22 =	vadd.f32 v23, v22;
	_ =	sdelay $0x1  }
0x11a: {  	v23 =	vmul.f32 $2.000000030e-01, v22;
	_ =	sdelay $0x1  }
0x11b: {  	v22 =	vmax.f32 v22, v23  }
0x11c: {  	v22 =	vmul.f32 $1.442695020e+00, v22;
	_ =	sdelay $0x1  }
0x11d: {  	(erf) = vpow2.f32 v22;
	_ =	sdelay $0x5  }
0x11e: {  	v63 =	vor.u32 $0x1, v20  }
0x11f: {  	v28 =	vor.u32 $0x1, v21;
	_ =	sdelay $0x1  }
0x120: {  	v24 =	vpop (erf)  }
0x121: {  	[tilespmem:v0+s16+$0x0] =	vst.idx.msk $0xffff, v24  }
0x122: {  	v22 =	vld.idx.msk [tilespmem:v63+s2+$0x0], $0xffff  }
0x123: {  	v23 =	vld.idx.msk [tilespmem:v28+s15+$0x0], $0xffff;
	_ =	sdelay $0x4  }
0x124: {  	v22 =	vadd.f32 v23, v22;
	_ =	sdelay $0x1  }
0x125: {  	v23 =	vmul.f32 $2.000000030e-01, v22;
	_ =	sdelay $0x1  }
0x126: {  	v22 =	vmax.f32 v22, v23  }
0x127: {  	v22 =	vmul.f32 $1.442695020e+00, v22;
	_ =	sdelay $0x1  }
0x128: {  	(erf) = vpow2.f32 v22;
	_ =	sdelay $0x5  }
0x129: {  	v29 =	vor.u32 $0x2, v20  }
0x12a: {  	v30 =	vor.u32 $0x2, v21;
	_ =	sdelay $0x1  }
0x12b: {  	v31 =	vpop (erf)  }
0x12c: {  	[tilespmem:v1+s16+$0x0] =	vst.idx.msk $0xffff, v31  }
0x12d: {  	v22 =	vld.idx.msk [tilespmem:v29+s2+$0x0], $0xffff  }
0x12e: {  	v23 =	vld.idx.msk [tilespmem:v30+s15+$0x0], $0xffff;
	_ =	sdelay $0x4  }
0x12f: {  	v22 =	vadd.f32 v23, v22;
	_ =	sdelay $0x1  }
0x130: {  	v23 =	vmul.f32 $2.000000030e-01, v22;
	_ =	sdelay $0x1  }
0x131: {  	v22 =	vmax.f32 v22, v23  }
0x132: {  	v22 =	vmul.f32 $1.442695020e+00, v22;
	_ =	sdelay $0x1  }
0x133: {  	(erf) = vpow2.f32 v22;
	_ =	sdelay $0x5  }
0x134: {  	v20 =	vor.u32 $0x3, v20  }
0x135: {  	v21 =	vor.u32 $0x3, v21;
	_ =	sdelay $0x1  }
0x136: {  	v22 =	vpop (erf)  }
0x137: {  	[tilespmem:v2+s16+$0x0] =	vst.idx.msk $0xffff, v22  }
0x138: {  	v20 =	vld.idx.msk [tilespmem:v20+s2+$0x0], $0xffff  }
0x139: {  	v21 =	vld.idx.msk [tilespmem:v21+s15+$0x0], $0xffff;
	_ =	sdelay $0x4  }
0x13a: {  	v20 =	vadd.f32 v21, v20;
	_ =	sdelay $0x1  }
0x13b: {  	v21 =	vmul.f32 $2.000000030e-01, v20;
	_ =	sdelay $0x1  }
0x13c: {  	v20 =	vmax.f32 v20, v21  }
0x13d: {  	v20 =	vmul.f32 $1.442695020e+00, v20;
	_ =	sdelay $0x1  }
0x13e: {  	(erf) = vpow2.f32 v20;
	_ =	sdelay $0x8  }
0x13f: {  	v20 =	vpop (erf)  }
0x140: {  	[tilespmem:v3+s16+$0x0] =	vst.idx.msk $0xffff, v20  }
0x141: {  	v20 =	vld [tilespmem:s20+$0x13910]  }
0x142: {  	v32 =	vld [tilespmem:s20+$0x16090];
	_ =	sdelay $0x3  }
0x143: {  	v20 =	vshll.u32 v20, $0x2  }
0x144: {  	v21 =	vshll.u32 v32, $0x2;
	_ =	sdelay $0x3  }
0x145: {  	v22 =	vld.idx.msk [tilespmem:v20+s2+$0x0], $0xffff  }
0x146: {  	v33 =	vld.idx.msk [tilespmem:v21+s15+$0x0], $0xffff;
	_ =	sdelay $0x4  }
0x147: {  	v22 =	vadd.f32 v33, v22;
	_ =	sdelay $0x1  }
0x148: {  	v23 =	vmul.f32 $2.000000030e-01, v22;
	_ =	sdelay $0x1  }
0x149: {  	v22 =	vmax.f32 v22, v23  }
0x14a: {  	v22 =	vmul.f32 $1.442695020e+00, v22;
	_ =	sdelay $0x1  }
0x14b: {  	(erf) = vpow2.f32 v22;
	_ =	sdelay $0x5  }
0x14c: {  	v34 =	vor.u32 $0x1, v20  }
0x14d: {  	v35 =	vor.u32 $0x1, v21;
	_ =	sdelay $0x1  }
0x14e: {  	v36 =	vpop (erf)  }
0x14f: {  	[tilespmem:v4+s16+$0x0] =	vst.idx.msk $0xffff, v36  }
0x150: {  	v22 =	vld.idx.msk [tilespmem:v34+s2+$0x0], $0xffff  }
0x151: {  	v23 =	vld.idx.msk [tilespmem:v35+s15+$0x0], $0xffff;
	_ =	sdelay $0x4  }
0x152: {  	v22 =	vadd.f32 v23, v22;
	_ =	sdelay $0x1  }
0x153: {  	v23 =	vmul.f32 $2.000000030e-01, v22;
	_ =	sdelay $0x1  }
0x154: {  	v22 =	vmax.f32 v22, v23  }
0x155: {  	v22 =	vmul.f32 $1.442695020e+00, v22;
	_ =	sdelay $0x1  }
0x156: {  	(erf) = vpow2.f32 v22;
	_ =	sdelay $0x5  }
0x157: {  	v37 =	vor.u32 $0x2, v20  }
0x158: {  	v38 =	vor.u32 $0x2, v21;
	_ =	sdelay $0x1  }
0x159: {  	v39 =	vpop (erf)  }
0x15a: {  	[tilespmem:v5+s16+$0x0] =	vst.idx.msk $0xffff, v39  }
0x15b: {  	v22 =	vld.idx.msk [tilespmem:v37+s2+$0x0], $0xffff  }
0x15c: {  	v23 =	vld.idx.msk [tilespmem:v38+s15+$0x0], $0xffff;
	_ =	sdelay $0x4  }
0x15d: {  	v22 =	vadd.f32 v23, v22;
	_ =	sdelay $0x1  }
0x15e: {  	v23 =	vmul.f32 $2.000000030e-01, v22;
	_ =	sdelay $0x1  }
0x15f: {  	v22 =	vmax.f32 v22, v23  }
0x160: {  	v22 =	vmul.f32 $1.442695020e+00, v22;
	_ =	sdelay $0x1  }
0x161: {  	(erf) = vpow2.f32 v22;
	_ =	sdelay $0x5  }
0x162: {  	v20 =	vor.u32 $0x3, v20  }
0x163: {  	v21 =	vor.u32 $0x3, v21;
	_ =	sdelay $0x1  }
0x164: {  	v22 =	vpop (erf)  }
0x165: {  	[tilespmem:v6+s16+$0x0] =	vst.idx.msk $0xffff, v22  }
0x166: {  	v20 =	vld.idx.msk [tilespmem:v20+s2+$0x0], $0xffff  }
0x167: {  	v21 =	vld.idx.msk [tilespmem:v21+s15+$0x0], $0xffff;
	_ =	sdelay $0x4  }
0x168: {  	v20 =	vadd.f32 v21, v20;
	_ =	sdelay $0x1  }
0x169: {  	v21 =	vmul.f32 $2.000000030e-01, v20;
	_ =	sdelay $0x1  }
0x16a: {  	v20 =	vmax.f32 v20, v21  }
0x16b: {  	v20 =	vmul.f32 $1.442695020e+00, v20;
	_ =	sdelay $0x1  }
0x16c: {  	(erf) = vpow2.f32 v20;
	_ =	sdelay $0x8  }
0x16d: {  	v20 =	vpop (erf)  }
0x16e: {  	[tilespmem:v7+s16+$0x0] =	vst.idx.msk $0xffff, v20  }
0x16f: {  	v20 =	vld [tilespmem:s20+$0x13920]  }
0x170: {  	v40 =	vld [tilespmem:s20+$0x160A0];
	_ =	sdelay $0x3  }
0x171: {  	v20 =	vshll.u32 v20, $0x2  }
0x172: {  	v21 =	vshll.u32 v40, $0x2;
	_ =	sdelay $0x3  }
0x173: {  	v22 =	vld.idx.msk [tilespmem:v20+s2+$0x0], $0xffff  }
0x174: {  	v41 =	vld.idx.msk [tilespmem:v21+s15+$0x0], $0xffff;
	_ =	sdelay $0x4  }
0x175: {  	v22 =	vadd.f32 v41, v22;
	_ =	sdelay $0x1  }
0x176: {  	v23 =	vmul.f32 $2.000000030e-01, v22;
	_ =	sdelay $0x1  }
0x177: {  	v22 =	vmax.f32 v22, v23  }
0x178: {  	v22 =	vmul.f32 $1.442695020e+00, v22;
	_ =	sdelay $0x1  }
0x179: {  	(erf) = vpow2.f32 v22;
	_ =	sdelay $0x5  }
0x17a: {  	v42 =	vor.u32 $0x1, v20  }
0x17b: {  	v43 =	vor.u32 $0x1, v21;
	_ =	sdelay $0x1  }
0x17c: {  	v44 =	vpop (erf)  }
0x17d: {  	[tilespmem:v8+s16+$0x0] =	vst.idx.msk $0xffff, v44  }
0x17e: {  	v22 =	vld.idx.msk [tilespmem:v42+s2+$0x0], $0xffff  }
0x17f: {  	v23 =	vld.idx.msk [tilespmem:v43+s15+$0x0], $0xffff;
	_ =	sdelay $0x4  }
0x180: {  	v22 =	vadd.f32 v23, v22;
	_ =	sdelay $0x1  }
0x181: {  	v23 =	vmul.f32 $2.000000030e-01, v22;
	_ =	sdelay $0x1  }
0x182: {  	v22 =	vmax.f32 v22, v23  }
0x183: {  	v22 =	vmul.f32 $1.442695020e+00, v22;
	_ =	sdelay $0x1  }
0x184: {  	(erf) = vpow2.f32 v22;
	_ =	sdelay $0x5  }
0x185: {  	v45 =	vor.u32 $0x2, v20  }
0x186: {  	v46 =	vor.u32 $0x2, v21;
	_ =	sdelay $0x1  }
0x187: {  	v47 =	vpop (erf)  }
0x188: {  	[tilespmem:v9+s16+$0x0] =	vst.idx.msk $0xffff, v47  }
0x189: {  	v22 =	vld.idx.msk [tilespmem:v45+s2+$0x0], $0xffff  }
0x18a: {  	v23 =	vld.idx.msk [tilespmem:v46+s15+$0x0], $0xffff;
	_ =	sdelay $0x4  }
0x18b: {  	v22 =	vadd.f32 v23, v22;
	_ =	sdelay $0x1  }
0x18c: {  	v23 =	vmul.f32 $2.000000030e-01, v22;
	_ =	sdelay $0x1  }
0x18d: {  	v22 =	vmax.f32 v22, v23  }
0x18e: {  	v22 =	vmul.f32 $1.442695020e+00, v22;
	_ =	sdelay $0x1  }
0x18f: {  	(erf) = vpow2.f32 v22;
	_ =	sdelay $0x5  }
0x190: {  	v20 =	vor.u32 $0x3, v20  }
0x191: {  	v21 =	vor.u32 $0x3, v21;
	_ =	sdelay $0x1  }
0x192: {  	v22 =	vpop (erf)  }
0x193: {  	[tilespmem:v10+s16+$0x0] =	vst.idx.msk $0xffff, v22  }
0x194: {  	v20 =	vld.idx.msk [tilespmem:v20+s2+$0x0], $0xffff  }
0x195: {  	v21 =	vld.idx.msk [tilespmem:v21+s15+$0x0], $0xffff;
	_ =	sdelay $0x4  }
0x196: {  	v20 =	vadd.f32 v21, v20;
	_ =	sdelay $0x1  }
0x197: {  	v21 =	vmul.f32 $2.000000030e-01, v20;
	_ =	sdelay $0x1  }
0x198: {  	v20 =	vmax.f32 v20, v21  }
0x199: {  	v20 =	vmul.f32 $1.442695020e+00, v20;
	_ =	sdelay $0x1  }
0x19a: {  	(erf) = vpow2.f32 v20;
	_ =	sdelay $0x8  }
0x19b: {  	v20 =	vpop (erf)  }
0x19c: {  	[tilespmem:v11+s16+$0x0] =	vst.idx.msk $0xffff, v20  }
0x19d: {  	v20 =	vld [tilespmem:s20+$0x13930]  }
0x19e: {  	v48 =	vld [tilespmem:s20+$0x160B0];
	_ =	sdelay $0x3  }
0x19f: {  	v20 =	vshll.u32 v20, $0x2  }
0x1a0: {  	v21 =	vshll.u32 v48, $0x2;
	_ =	sdelay $0x3  }
0x1a1: {  	v22 =	vld.idx.msk [tilespmem:v20+s2+$0x0], $0xffff  }
0x1a2: {  	v49 =	vld.idx.msk [tilespmem:v21+s15+$0x0], $0xffff;
	_ =	sdelay $0x4  }
0x1a3: {  	v22 =	vadd.f32 v49, v22;
	_ =	sdelay $0x1  }
0x1a4: {  	v23 =	vmul.f32 $2.000000030e-01, v22;
	_ =	sdelay $0x1  }
0x1a5: {  	v22 =	vmax.f32 v22, v23  }
0x1a6: {  	v22 =	vmul.f32 $1.442695020e+00, v22;
	_ =	sdelay $0x1  }
0x1a7: {  	(erf) = vpow2.f32 v22;
	_ =	sdelay $0x5  }
0x1a8: {  	v50 =	vor.u32 $0x1, v20  }
0x1a9: {  	v51 =	vor.u32 $0x1, v21;
	_ =	sdelay $0x1  }
0x1aa: {  	v52 =	vpop (erf)  }
0x1ab: {  	[tilespmem:v12+s16+$0x0] =	vst.idx.msk $0xffff, v52  }
0x1ac: {  	v22 =	vld.idx.msk [tilespmem:v50+s2+$0x0], $0xffff  }
0x1ad: {  	v23 =	vld.idx.msk [tilespmem:v51+s15+$0x0], $0xffff;
	_ =	sdelay $0x4  }
0x1ae: {  	v22 =	vadd.f32 v23, v22;
	_ =	sdelay $0x1  }
0x1af: {  	v23 =	vmul.f32 $2.000000030e-01, v22;
	_ =	sdelay $0x1  }
0x1b0: {  	v22 =	vmax.f32 v22, v23  }
0x1b1: {  	v22 =	vmul.f32 $1.442695020e+00, v22;
	_ =	sdelay $0x1  }
0x1b2: {  	(erf) = vpow2.f32 v22;
	_ =	sdelay $0x5  }
0x1b3: {  	v53 =	vor.u32 $0x2, v20  }
0x1b4: {  	v54 =	vor.u32 $0x2, v21;
	_ =	sdelay $0x1  }
0x1b5: {  	v55 =	vpop (erf)  }
0x1b6: {  	[tilespmem:v13+s16+$0x0] =	vst.idx.msk $0xffff, v55  }
0x1b7: {  	v22 =	vld.idx.msk [tilespmem:v53+s2+$0x0], $0xffff  }
0x1b8: {  	v23 =	vld.idx.msk [tilespmem:v54+s15+$0x0], $0xffff;
	_ =	sdelay $0x4  }
0x1b9: {  	v22 =	vadd.f32 v23, v22;
	_ =	sdelay $0x1  }
0x1ba: {  	v23 =	vmul.f32 $2.000000030e-01, v22;
	_ =	sdelay $0x1  }
0x1bb: {  	v22 =	vmax.f32 v22, v23  }
0x1bc: {  	v22 =	vmul.f32 $1.442695020e+00, v22;
	_ =	sdelay $0x1  }
0x1bd: {  	(erf) = vpow2.f32 v22;
	_ =	sdelay $0x5  }
0x1be: {  	v20 =	vor.u32 $0x3, v20  }
0x1bf: {  	v21 =	vor.u32 $0x3, v21;
	_ =	sdelay $0x1  }
0x1c0: {  	v22 =	vpop (erf)  }
0x1c1: {  	[tilespmem:v14+s16+$0x0] =	vst.idx.msk $0xffff, v22  }
0x1c2: {  	v20 =	vld.idx.msk [tilespmem:v20+s2+$0x0], $0xffff  }
0x1c3: {  	v21 =	vld.idx.msk [tilespmem:v21+s15+$0x0], $0xffff;
	_ =	sdelay $0x4  }
0x1c4: {  	v20 =	vadd.f32 v21, v20;
	_ =	sdelay $0x1  }
0x1c5: {  	v21 =	vmul.f32 $2.000000030e-01, v20;
	_ =	sdelay $0x1  }
0x1c6: {  	v20 =	vmax.f32 v20, v21  }
0x1c7: {  	v20 =	vmul.f32 $1.442695020e+00, v20;
	_ =	sdelay $0x1  }
0x1c8: {  	(erf) = vpow2.f32 v20;
	_ =	sdelay $0x8  }
0x1c9: {  	v20 =	vpop (erf)  }
0x1ca: {  	[tilespmem:v15+s16+$0x0] =	vst.idx.msk $0xffff, v20  }
0x1cb: {  	v20 =	vld [tilespmem:s20+$0x13940]  }
0x1cc: {  	v56 =	vld [tilespmem:s20+$0x160C0];
	_ =	sdelay $0x3  }
0x1cd: {  	v20 =	vshll.u32 v20, $0x2  }
0x1ce: {  	v21 =	vshll.u32 v56, $0x2;
	_ =	sdelay $0x3  }
0x1cf: {  	v22 =	vld.idx.msk [tilespmem:v20+s2+$0x0], $0xffff  }
0x1d0: {  	v57 =	vld.idx.msk [tilespmem:v21+s15+$0x0], $0xffff;
	_ =	sdelay $0x4  }
0x1d1: {  	v22 =	vadd.f32 v57, v22;
	_ =	sdelay $0x1  }
0x1d2: {  	v23 =	vmul.f32 $2.000000030e-01, v22;
	_ =	sdelay $0x1  }
0x1d3: {  	v22 =	vmax.f32 v22, v23  }
0x1d4: {  	v22 =	vmul.f32 $1.442695020e+00, v22;
	_ =	sdelay $0x1  }
0x1d5: {  	(erf) = vpow2.f32 v22;
	_ =	sdelay $0x5  }
0x1d6: {  	v58 =	vor.u32 $0x1, v20  }
0x1d7: {  	v59 =	vor.u32 $0x1, v21;
	_ =	sdelay $0x1  }
0x1d8: {  	v60 =	vpop (erf)  }
0x1d9: {  	[tilespmem:v16+s16+$0x0] =	vst.idx.msk $0xffff, v60  }
0x1da: {  	v22 =	vld.idx.msk [tilespmem:v58+s2+$0x0], $0xffff  }
0x1db: {  	v23 =	vld.idx.msk [tilespmem:v59+s15+$0x0], $0xffff;
	_ =	sdelay $0x4  }
0x1dc: {  	v22 =	vadd.f32 v23, v22;
	_ =	sdelay $0x1  }
0x1dd: {  	v23 =	vmul.f32 $2.000000030e-01, v22;
	_ =	sdelay $0x1  }
0x1de: {  	v22 =	vmax.f32 v22, v23  }
0x1df: {  	v22 =	vmul.f32 $1.442695020e+00, v22;
	_ =	sdelay $0x1  }
0x1e0: {  	(erf) = vpow2.f32 v22;
	_ =	sdelay $0x5  }
0x1e1: {  	v61 =	vor.u32 $0x2, v20  }
0x1e2: {  	v62 =	vor.u32 $0x2, v21;
	_ =	sdelay $0x1  }
0x1e3: {  	v63 =	vpop (erf)  }
0x1e4: {  	[tilespmem:v17+s16+$0x0] =	vst.idx.msk $0xffff, v63  }
0x1e5: {  	v22 =	vld.idx.msk [tilespmem:v61+s2+$0x0], $0xffff  }
0x1e6: {  	v23 =	vld.idx.msk [tilespmem:v62+s15+$0x0], $0xffff;
	_ =	sdelay $0x4  }
0x1e7: {  	v22 =	vadd.f32 v23, v22;
	_ =	sdelay $0x1  }
0x1e8: {  	v23 =	vmul.f32 $2.000000030e-01, v22;
	_ =	sdelay $0x1  }
0x1e9: {  	v22 =	vmax.f32 v22, v23  }
0x1ea: {  	v22 =	vmul.f32 $1.442695020e+00, v22;
	_ =	sdelay $0x1  }
0x1eb: {  	(erf) = vpow2.f32 v22;
	_ =	sdelay $0x5  }
0x1ec: {  	v20 =	vor.u32 $0x3, v20  }
0x1ed: {  	v21 =	vor.u32 $0x3, v21;
	_ =	sdelay $0x1  }
0x1ee: {  	v22 =	vpop (erf)  }
0x1ef: {  	[tilespmem:v18+s16+$0x0] =	vst.idx.msk $0xffff, v22  }
0x1f0: {  	v20 =	vld.idx.msk [tilespmem:v20+s2+$0x0], $0xffff  }
0x1f1: {  	v21 =	vld.idx.msk [tilespmem:v21+s15+$0x0], $0xffff;
	_ =	sdelay $0x4  }
0x1f2: {  	v20 =	vadd.f32 v21, v20;
	_ =	sdelay $0x1  }
0x1f3: {  	v21 =	vmul.f32 $2.000000030e-01, v20;
	_ =	sdelay $0x1  }
0x1f4: {  	v20 =	vmax.f32 v20, v21  }
0x1f5: {  	v20 =	vmul.f32 $1.442695020e+00, v20;
	_ =	sdelay $0x1  }
0x1f6: {  	(erf) = vpow2.f32 v20;
	_ =	sdelay $0x8  }
0x1f7: {  	p0 =	sne.s32 s18, $0x9B00;
	v20 =	vpop (erf)  }
.Ltmp1:
0x1f8: {  	[tilespmem:v19+s16+$0x0] =	vst.idx.msk $0xffff, v20;
	(pc) =	sbr.rel @p0 .LBB2_4-.Ltmp1, $4  }
0x1f9: {  	[hbm4b:s19+s2] =	stream.linear.scatter [tilespmem:s16], [sflag:$0x1], $0x140, $0x38;
	[tilespmem:$0x18980] =	vst v63  }
0x1fa: {  	_ =	swait.ge [sflag:s13], $0x140  }
0x1fb: {  	[sflag:s13] =	ssyncset.done $0x0  }
0x1fc: {  	s18 =	sadd.s32 $0x140, s18;
	s19 =	sadd.s32 $0x28, s19;
	[sflag:s13] =	ssyncadd.s32 $0xFFFFFEC0  }
0x1fd: {  	s17 =	sadd.s32 $0x1, s17  }
0x1fe: {  	p0 =	sne.s32 s17, s9  }
.Ltmp2:
0x1ff: {  	_ = 	snop;
	(pc) =	sbr.rel @p0 .LBB2_1-.Ltmp2, $1  }
0x200: {  	_ =	sdelay $0x3  }
0x201: {  	_ =	sfence.sel $0x180000  }
0x202: {  	[bflag:$0x0] =	sbarrier.arrive $0xFFFF  }
0x203: {  	p0 =	sne.s32 s0, $0x0;
	_ =	strace $0x90000047  }
0x204: {  	s0 =	sadd.s32 @!p0 $0x100000, s1;
	[bflag:$0x2] =	sbarrier.arrive $0xFFFF  }
0x205: {  	[sflag:s0] =	ssyncadd.tile.s32 @!p0 $0x1;
	_ =	shalt  }
.Lfunc_end2:
_tile_overlayer_lowered:
.L_overlay_start_2:
0x206: {  	(tag) =	ssettag $0x2  }
0x207: {  	s0 =	rddreg [dreg:$0x0];
	s2 =	stileid.u32  }
0x208: {  	s1 =	rddreg [dreg:$0x1];
	p0 =	sne.s32 s2, $0x0  }
0x209: {  	s3 =	rddreg [dreg:$0x2];
	[bflag:$0x3] =	sbarrier.arrive $0xFFFF;
	s2 =	simm.s32 @!p0 $0x1C01  }
0x20a: {  	[timem:s3], [sflag:s2] =	dma.local @!p0 [hbm:s0], s1  }
0x20b: {  	s0 =	simm.s32 @!p0 $0x1  }
0x20c: {  	_ =	swait.ge @!p0 [sflag:s0], s1  }
0x20d: {  	s1 =	ssub.s32 @!p0 $0x0, s1;
	[sflag:s0] =	ssyncset.done @!p0 $0x0  }
0x20e: {  	[sflag:s0] =	ssyncadd.s32 @!p0 s1  }
0x20f: {  	[bflag:$0x3] =	sbarrier.arrive $0xFFFF  }
0x210: {  	_ =	shalt  }

// kernel: scatter_offload_async_start.1
scs
__scs_entry_jumppad:
0x0: {  	(pc) =	sbr.rel $0x88, $3  }
0x1: {  	(tag) =	ssettag $0x0;
	lr =	simm.s32 $0x1  }
0x2: {  	[smem:$0x3F97] =	sst lr;
	_ =	strace $0xD0000000  }
0x3: {  	_ = 	snop  }
0x4: {  	_ = 	snop  }
0x5: {  	_ = 	snop  }
0x6: {  	_ = 	snop  }
0x7: {  	_ = 	snop  }
__scs_overlays_trampoline_lowered:
0x8: {  	[smem:$0x3FA6] =	sst s0  }
0x9: {  	[smem:$0x3FA7] =	sst s1  }
0xa: {  	[smem:$0x3FA8] =	sst s2  }
0xb: {  	[smem:$0x3FA9] =	sst s3  }
0xc: {  	[smem:$0x3FAA] =	sst s4  }
0xd: {  	[smem:$0x3FAB] =	sst s5  }
0xe: {  	[smem:$0x3FAC] =	sst s6  }
0xf: {  	[smem:$0x3FAD] =	sst s7  }
0x10: {  	[smem:$0x3FAE] =	sst s8  }
0x11: {  	[smem:$0x3FAF] =	sst s9;
	s0 =	simm.s32 @!p0 $0x0  }
0x12: {  	s1 =	sld [smem:$0x3F95];
	s0 =	simm.s32 @p0 $0x1  }
0x13: {  	[smem:$0x3FB0] =	sst s0;
	s0 =	simm.s32 @!p1 $0x0  }
0x14: {  	s2 =	sld [smem:$0x3F94];
	s0 =	simm.s32 @p1 $0x1  }
0x15: {  	[smem:$0x3FB1] =	sst s0;
	s0 =	simm.s32 @!p2 $0x0  }
0x16: {  	s3 =	sld [smem:$0x3FDB];
	s0 =	simm.s32 @p2 $0x1  }
0x17: {  	s4 =	simm.s32 $0x1BF5;
	[smem:$0x3FB3] =	sst s0  }
0x18: {  	s0 =	sld [smem:$0x3F96];
	_ =	swait.ge [sflag:s4], $0x0  }
0x19: {  	s7 =	sld [smem:$0x3F97]  }
0x1a: {  	s8 =	sadd.s32 $0xFFFFE003, lr  }
0x1b: {  	s9 =	sadd.s32 $0xFFFFFEF7, lr;
	s5 =	simm.s32 $0xFFFFFFFF;
	p2 =	slt.u32 s8, $0xFFFFF086  }
0x1c: {  	p1 =	slt.u32 s9, $0xF7A;
	s5 =	simm.s32 @!p2 $0x0  }
0x1d: {  	s5 =	simm.s32 @p1 $0x1;
	p0 =	seq.s32 s7, s2  }
0x1e: {  	s7 =	smul.u32 @!p0 $0xF7A, s2;
	p2 =	seq.s32 @!p0 s5, $0x0  }
0x1f: {  	s9 =	smul.u32 $0xF7A, s1;
	s8 =	simm.s32 @!p0 $0x1BF5;
	p2 =	por !p2, p0  }
0x20: {  	[sflag:s8] =	ssyncset.s32 @!p0 $0xFFFFF086;
	s6 =	sadd.s32 @!p0 s3, s7;
	s7 =	simm.s32 @!p0 $0x108  }
0x21: {  	s3 =	sadd.s32 s3, s9;
	s6 =	sadd.s32 @!p0 $0x88, s6;
	s7 =	simm.s32 @p2 $0x1082  }
0x22: {  	[simem:s7], [sflag:s8] =	dma.local @!p0 [hbm:s6], $0xF7A  }
0x23: {  	s9 =	sor.u32 $0xD0000000, s2;
	s6 =	simm.s32 $0x108;
	_ =	swait.ge @!p0 [sflag:s8], $0x0  }
0x24: {  	s3 =	sadd.s32 $0x88, s3;
	s6 =	simm.s32 @!p1 $0x1082;
	[sflag:s4] =	ssyncset.s32 $0xFFFFF086  }
0x25: {  	[simem:s6], [sflag:s4] =	dma.local [hbm:s3], $0xF7A  }
0x26: {  	[smem:$0x3F97] =	sst s1;
	(tag) =	ssettag s2;
	_ =	strace s9  }
0x27: {  	s1 =	sld [smem:$0x3FA7]  }
0x28: {  	s2 =	sld [smem:$0x3FA8]  }
0x29: {  	s4 =	sld [smem:$0x3FAA]  }
0x2a: {  	p0 =	seq.s32 s5, $0x0;
	s5 =	sld [smem:$0x3FAB]  }
0x2b: {  	s6 =	sld [smem:$0x3FAC]  }
0x2c: {  	s7 =	sld [smem:$0x3FAD]  }
0x2d: {  	s3 =	simm.s32 $0x108;
	s8 =	sld [smem:$0x3FAE]  }
0x2e: {  	s3 =	simm.s32 @!p0 $0x1082;
	s9 =	sld [smem:$0x3FAF]  }
0x2f: {  	lr =	sadd.s32 s0, s3;
	s0 =	sld [smem:$0x3FA6]  }
0x30: {  	s3 =	sld [smem:$0x3FA9]  }
0x31: {  	[smem:$0x3FB2] =	sst s10  }
0x32: {  	s10 =	sld [smem:$0x3FB0];
	_ =	sdelay $0x3  }
0x33: {  	p0 =	seq.s32 s10, $0x1;
	s10 =	sld [smem:$0x3FB2];
	_ =	sdelay $0x3  }
0x34: {  	[smem:$0x3FB2] =	sst s10  }
0x35: {  	s10 =	sld [smem:$0x3FB1];
	_ =	sdelay $0x3  }
0x36: {  	p1 =	seq.s32 s10, $0x1;
	s10 =	sld [smem:$0x3FB2];
	_ =	sdelay $0x3  }
0x37: {  	[smem:$0x3FB2] =	sst s10  }
0x38: {  	s10 =	sld [smem:$0x3FB3]  }
0x39: {  	_ = 	snop;
	(pc) =	sbr.ind lr, $3  }
0x3a: {  	_ = 	snop  }
0x3b: {  	_ = 	snop  }
0x3c: {  	p2 =	seq.s32 s10, $0x1;
	s10 =	sld [smem:$0x3FB2]  }
0x3d: {  	_ =	shalt  }
0x3e: {  	_ =	shalt  }
0x3f: {  	_ =	shalt  }
0x40: {  	_ =	shalt  }
0x41: {  	_ =	shalt  }
0x42: {  	_ =	shalt  }
0x43: {  	_ =	shalt  }
0x44: {  	_ =	shalt  }
0x45: {  	_ =	shalt  }
0x46: {  	_ =	shalt  }
0x47: {  	_ =	shalt  }
0x48: {  	_ =	shalt  }
0x49: {  	_ =	shalt  }
0x4a: {  	_ =	shalt  }
0x4b: {  	_ =	shalt  }
0x4c: {  	_ =	shalt  }
0x4d: {  	_ =	shalt  }
0x4e: {  	_ =	shalt  }
0x4f: {  	_ =	shalt  }
0x50: {  	_ =	shalt  }
0x51: {  	_ =	shalt  }
0x52: {  	_ =	shalt  }
0x53: {  	_ =	shalt  }
0x54: {  	_ =	shalt  }
0x55: {  	_ =	shalt  }
0x56: {  	_ =	shalt  }
0x57: {  	_ =	shalt  }
0x58: {  	_ =	shalt  }
0x59: {  	_ =	shalt  }
0x5a: {  	_ =	shalt  }
0x5b: {  	_ =	shalt  }
0x5c: {  	_ =	shalt  }
0x5d: {  	_ =	shalt  }
0x5e: {  	_ =	shalt  }
0x5f: {  	_ =	shalt  }
0x60: {  	_ =	shalt  }
0x61: {  	_ =	shalt  }
0x62: {  	_ =	shalt  }
0x63: {  	_ =	shalt  }
0x64: {  	_ =	shalt  }
0x65: {  	_ =	shalt  }
0x66: {  	_ =	shalt  }
0x67: {  	_ =	shalt  }
0x68: {  	_ =	shalt  }
0x69: {  	_ =	shalt  }
0x6a: {  	_ =	shalt  }
0x6b: {  	_ =	shalt  }
0x6c: {  	_ =	shalt  }
0x6d: {  	_ =	shalt  }
0x6e: {  	_ =	shalt  }
0x6f: {  	_ =	shalt  }
0x70: {  	_ =	shalt  }
0x71: {  	_ =	shalt  }
0x72: {  	_ =	shalt  }
0x73: {  	_ =	shalt  }
0x74: {  	_ =	shalt  }
0x75: {  	_ =	shalt  }
0x76: {  	_ =	shalt  }
0x77: {  	_ =	shalt  }
0x78: {  	_ =	shalt  }
0x79: {  	_ =	shalt  }
0x7a: {  	_ =	shalt  }
0x7b: {  	_ =	shalt  }
0x7c: {  	_ =	shalt  }
0x7d: {  	_ =	shalt  }
0x7e: {  	_ =	shalt  }
0x7f: {  	_ =	shalt  }
0x80: {  	_ =	shalt  }
0x81: {  	_ =	shalt  }
0x82: {  	_ =	shalt  }
0x83: {  	_ =	shalt  }
0x84: {  	_ =	shalt  }
0x85: {  	_ =	shalt  }
0x86: {  	_ =	shalt  }
0x87: {  	_ =	shalt  }
.Lfunc_end0:
.L_simem_size_0:
called_computation.1_lowered:
.L_overlay_start_0:
0x88: {  	s2 =	sld [smem:$0x3FD9]  }
0x89: {  	s3 =	sld [smem:$0x3FFE];
	_ =	sdelay $0x1  }
0x8a: {  	s1 =	srdreg.scid  }
0x8b: {  	s0 =	sand.u32 $0x1, s1  }
0x8c: {  	s12 =	sshll.u32 s0, $0xA;
	s2 =	sadd.s32 s3, s2  }
0x8d: {  	s2 =	sadd.s32 s2, s12  }
0x8e: {  	[smem:$0x3FBE] =	sst s2  }
0x8f: {  	_ = 	snop  }
0x90: {  	(tm) =	ssettm $0x1  }
0x91: {  	s13 =	sld [smem:$0x3FFB];
	_ =	sdelay $0x3  }
0x92: {  	_ =	strace s13  }
0x93: {  	s2 =	sld [smem:$0x3FFC];
	_ =	sdelay $0x3  }
0x94: {  	_ =	strace s2  }
0x95: {  	s2 =	sld [smem:$0x3FFD];
	_ =	sdelay $0x3  }
0x96: {  	_ =	strace s2  }
0x97: {  	_ =	strace $0x8FFFFFFF  }
0x98: {  	s14 =	sld [smem:$0x3FDB];
	_ =	sdelay $0x1  }
0x99: {  	s15 =	simm.s32 $_scs_section_size  }
0x9a: {  	s4 =	simm.s32 $_size__tile_overlayer_lowered;
	s5 =	simm.s32 $_tile_overlayer_lowered  }
0x9b: {  	s19 =	simm.s32 $0x1BFF;
	s17 =	sshll.u32 s5, $0x1;
	s6 =	sadd.s32 s15, s14  }
0x9c: {  	s20 =	simm.s32 $0x0;
	s16 =	sshll.u32 s4, $0x1;
	s18 =	sadd.s32 s17, s6  }
0x9d: {  	[timem:s20], [sflag:s19] =	dma.local [hbm:s18], s16  }
0x9e: {  	_ =	swait.ge [sflag:s19], s16  }
0x9f: {  	s3 =	ssub.s32 $0x0, s16;
	[sflag:s19] =	ssyncset.done $0x0  }
0xa0: {  	[sflag:s19] =	ssyncadd.s32 s3;
	_ =	sdelay $0x1  }
0xa1: {  	s21 =	simm.s32 $0x1B8B  }
0xa2: {  	_ =	swait.ge [sflag:s21], $0x1  }
0xa3: {  	[sflag:s21] =	ssyncset.done $0x0  }
0xa4: {  	[sflag:s21] =	ssyncadd.s32 $0xFFFFFFFF  }
0xa5: {  	s3 =	sld [smem:$0x0]  }
0xa6: {  	s4 =	sand.u32 $0xFFFFFFFE, s1  }
0xa7: {  	p0 =	sne.s32 s1, s4  }
0xa8: {  	s4 =	sshll.u32 @p0 s4, $0xE  }
0xa9: {  	s5 =	sadd.s32 @p0 $0x11B8D, s4;
	s7 =	sshll.u32 @p0 s3, $0x11  }
0xaa: {  	s5 =	sor.u32 @p0 s7, s5  }
0xab: {  	[sflag:s5] =	ssyncadd.remote.s32 @p0 $0x1;
	_ =	sdelay $0x1  }
0xac: {  	s5 =	simm.s32 @p0 $0x1B8D  }
0xad: {  	_ =	swait.eq @p0 [sflag:s5], $0x1  }
0xae: {  	[sflag:s5] =	ssyncadd.s32 @p0 $0xFFFFFFFF  }
0xaf: {  	s7 =	sshll.u32 @!p0 s1, $0xE  }
0xb0: {  	s7 =	sor.u32 @!p0 $0x4000, s7;
	s5 =	simm.s32 @!p0 $0x1B8D  }
0xb1: {  	s9 =	sshll.u32 @!p0 s3, $0x11;
	s8 =	sadd.s32 @!p0 $0x11B8D, s7;
	_ =	swait.eq @!p0 [sflag:s5], $0x1  }
0xb2: {  	[sflag:s5] =	ssyncadd.s32 @!p0 $0xFFFFFFFF;
	s5 =	sor.u32 @!p0 s9, s8  }
0xb3: {  	s23 =	simm.s32 $0x1B8E;
	s22 =	sld [smem:$0x3FFE];
	[sflag:s5] =	ssyncadd.remote.s32 @!p0 $0x1  }
0xb4: {  	s24 =	simm.s32 $execute0_lowered;
	[smem:$0x3FD2] =	sst s23  }
0xb5: {  	s8 =	sshll.u32 s24, $0x1;
	_ =	strace $0x80000052;
	[dreg:$0x1] =	wrdreg $0xFFFFFFFF  }
0xb6: {  	s25 =	simm.s32 $_size_execute0_lowered;
	s8 =	sadd.s32 s6, s8;
	[dreg:$0x0] =	wrdreg $0x0  }
0xb7: {  	s9 =	sshll.u32 s25, $0x1;
	[dreg:$0x2] =	wrdreg s8  }
0xb8: {  	[dreg:$0x3] =	wrdreg s9  }
0xb9: {  	[dreg:$0x4] =	wrdreg $0xC0  }
0xba: {  	s26 =	simm.s32 $execute1_lowered;
	_ =	task [dreg:s20], $0x5FFFF  }
0xbb: {  	s8 =	sshll.u32 s26, $0x1;
	[dreg:$0x1] =	wrdreg $0xFFFFFFFF  }
0xbc: {  	s6 =	sadd.s32 s6, s8;
	[dreg:$0x0] =	wrdreg $0x60  }
0xbd: {  	[dreg:$0x2] =	wrdreg s6  }
0xbe: {  	[dreg:$0x3] =	wrdreg s22  }
0xbf: {  	[dreg:$0x4] =	wrdreg $0x9  }
0xc0: {  	_ =	task.clear_ibuf [dreg:s20], $0x5FFFF;
	_ =	strace $0x90000052  }
0xc1: {  	s28 =	simm.s32 $0x9;
	_ =	strace $0x80000054  }
0xc2: {  	_ =	swait.ge [sflag:s28], $0x1  }
0xc3: {  	[sflag:s28] =	ssyncadd.s32 $0xFFFFFFFF  }
0xc4: {  	_ =	strace $0x90000054  }
0xc5: {  	s6 =	sld [smem:$0x0];
	_ =	sdelay $0x3  }
0xc6: {  	s4 =	sadd.s32 @p0 $0x11BF3, s4;
	s8 =	sshll.u32 @p0 s6, $0x11  }
0xc7: {  	s4 =	sor.u32 @p0 s8, s4  }
0xc8: {  	[sflag:s4] =	ssyncadd.remote.s32 @p0 $0x1;
	_ =	sdelay $0x1  }
0xc9: {  	s4 =	simm.s32 @p0 $0x1BF3  }
0xca: {  	_ =	swait.eq @p0 [sflag:s4], $0x1  }
0xcb: {  	[sflag:s4] =	ssyncadd.s32 @p0 $0xFFFFFFFF;
	_ =	sdelay $0x1  }
0xcc: {  	s4 =	simm.s32 @!p0 $0x1BF3  }
0xcd: {  	s7 =	sadd.s32 @!p0 $0x11BF3, s7;
	s6 =	sshll.u32 @!p0 s6, $0x11;
	_ =	swait.eq @!p0 [sflag:s4], $0x1  }
0xce: {  	[sflag:s4] =	ssyncadd.s32 @!p0 $0xFFFFFFFF;
	s4 =	sor.u32 @!p0 s6, s7  }
0xcf: {  	[sflag:s4] =	ssyncadd.remote.s32 @!p0 $0x1  }
0xd0: {  	_ =	strace $0x80000055;
	[dreg:$0x1] =	wrdreg $0xFFFFFFFF  }
0xd1: {  	[dreg:$0x0] =	wrdreg $0x2030  }
0xd2: {  	[dreg:$0x2] =	wrdreg s22  }
0xd3: {  	[dreg:$0x3] =	wrdreg s1  }
0xd4: {  	[dreg:$0x4] =	wrdreg s3  }
0xd5: {  	[dreg:$0x5] =	wrdreg $0xA  }
0xd6: {  	_ =	task.clear_ibuf [dreg:s20], $0x6FFFF;
	_ =	strace $0x90000055  }
0xd7: {  	s29 =	simm.s32 $0xA;
	_ =	strace $0x80000057  }
0xd8: {  	_ =	swait.ge [sflag:s29], $0x1  }
0xd9: {  	[sflag:s29] =	ssyncadd.s32 $0xFFFFFFFF  }
0xda: {  	_ =	strace $0x90000057  }
0xdb: {  	_ =	sfence  }
0xdc: {  	s30 =	sld [smem:$0x0];
	_ =	sdelay $0x2  }
0xdd: {  	s31 =	sshll.u32 s1, $0xD;
	s1 =	sshrl.u32 s1, $0x2  }
0xde: {  	s4 =	sand.u32 $0x4000, s31;
	s1 =	sadd.s32 s1, s30  }
0xdf: {  	s0 =	sor.u32 s4, s0;
	s1 =	sshll.u32 s1, $0x11  }
0xe0: {  	s0 =	sor.u32 s1, s0  }
0xe1: {  	s0 =	sadd.s32 $0x8F2B, s0  }
0xe2: {  	[sflag:s0] =	ssyncadd.remote.s32 $0x1  }
0xe3: {  	_ =	sfence.sel $0xFFFF  }
0xe4: {  	[dreg:$0x0] =	wrdreg $0xFFFFFFFF;
	(pc) =	sbr.abs _section_cstart, $3  }
0xe5: {  	[dreg:$0x1] =	wrdreg $0xFFFFFFFF  }
0xe6: {  	_ =	task.clear_ibuf [dreg:s20], $0x2FFFF;
	_ =	strace $0x9FFFFFFF  }
0xe7: {  	(tm) =	ssettm $0x7FFFFFFF  }
tec
execute0_lowered:
.L_overlay_start_1:
0x0: {  	(tag) =	ssettag $0x1  }
0x1: {  	s2 =	rddreg [dreg:$0x0]  }
0x2: {  	s5 =	rddreg [dreg:$0x1]  }
0x3: {  	s0 =	rddreg [dreg:$0x2];
	s3 =	stileid.u32;
	[bflag:$0x3] =	sbarrier.arrive $0xFFFF  }
0x4: {  	s1 =	simm.s32 $_size_execute1_lowered;
	s29 =	srdreg.scid;
	s31 =	simm.s32 $0x2  }
0x5: {  	s13 =	simm.s32 $0x0;
	s8 =	simm.s32 $0x40;
	p0 =	sne.s32 s3, $0x0  }
0x6: {  	s1 =	sshll.u32 s1, $0x1;
	s4 =	simm.s32 @!p0 $0x1C3F;
	s6 =	simm.s32 @!p0 $0x4060  }
0x7: {  	[timem:s6], [sflag:s4] =	dma.local @!p0 [hbm:s2], s1  }
0x8: {  	s9 =	simm.s32 $0x80;
	s11 =	simm.s32 $0x0;
	s2 =	sshll.u32 s29, $0x8  }
.Ltmp0:
0x9: {  	s3 =	sshll.u32 s3, $0x9;
	s30 =	sand.u32 $0x100, s2;
	(pc) =	sbr.rel .LBB2_1-.Ltmp0, $4  }
0xa: {  	s12 =	simm.s32 $0x0;
	s4 =	simm.s32 $0x1;
	s3 =	sor.u32 s3, s30  }
0xb: {  	_ =	strace $0x80000053;
	s2 =	sadd.s32 $0xAA00, s5;
	s7 =	ssub.s32 $0x2700, s3  }
0xc: {  	s5 =	sadd.s32 $0x31C00, s5;
	[sflag:s4] =	ssyncpa.u1 $0x0;
	s6 =	sshrl.u32 s7, $0xD  }
0xd: {  	[sflag:s31] =	ssyncpa.u1 $0x0;
	s10 =	smov.u32 s3;
	s7 =	sor.u32 $0x2, s6  }
.LBB2_5:
0xe: {  	_ =	sdelay $0x3  }
0xf: {  	[tilespmem:v2+s18+$0x0 ss:$0x1] =	vst.idx.msk $0xffff, v1  }
0x10: {  	[tilespmem:v2+s16+$0x0 ss:$0x1] =	vst.idx.msk $0xffff, v3  }
0x11: {  	[tilespmem:v2+s17+$0x0 ss:$0x1] =	vst.idx.msk $0xffff, v4  }
.LBB2_6:
0x12: {  	s16 =	sand.u32 $0x1FFFFFF, s11  }
0x13: {  	s17 =	smulhi.u32 $0x1A36E2F, s16;
	_ =	sdelay $0x1  }
0x14: {  	s17 =	sshrl.u32 s17, $0x6  }
0x15: {  	s17 =	smul.u32 $0x2710, s17;
	_ =	sdelay $0x1  }
0x16: {  	s16 =	ssub.s32 s16, s17  }
0x17: {  	s16 =	sshll.u32 s16, $0x4  }
0x18: {  	s16 =	sadd.s32 s5, s16  }
0x19: {  	[hbm4b:s16+s8] =	stream.strided.scatter [tilespmem:s15], [sflag:$0x2], s14, s9, s8, $0x38;
	[tilespmem:$0x10000] =	vst v63  }
.LBB2_7:
0x1a: {  	p1 =	slt.u32 s12, $0x2  }
0x1b: {  	p2 =	sgt.s32 @!p1 s13, $0x2610  }
0x1c: {  	s14 =	smov.u32 s13;
	s15 =	sshra.s32 @!p1 s13, $0x1F;
	p2 =	por !p2, p1  }
0x1d: {  	s13 =	sand.u32 @!p1 s15, s13;
	s14 =	simm.s32 @p2 $0x2610  }
0x1e: {  	s13 =	ssub.s32 @!p1 s14, s13  }
0x1f: {  	s13 =	sadd.s32 @!p1 $0xFFFFD9F0, s13  }
0x20: {  	s14 =	sshll.u32 @!p1 s13, $0x8  }
0x21: {  	p2 =	sgt.s32 @!p1 s13, $0xFF;
	s13 =	ssub.s32 @!p1 $0x10000, s14  }
0x22: {  	s15 =	sadd.s32 $0x2000, s10;
	p2 =	por !p2, p1;
	s13 =	sshrl.u32 @!p1 s13, $0x2  }
0x23: {  	s13 =	simm.s32 @!p2 $0x0;
	p2 =	sgt.s32 s15, $0x270F  }
0x24: {  	s15 =	smov.u32 @p2 s3;
	p2 =	sne.s32 s12, s7  }
.Ltmp1:
0x25: {  	_ = 	snop;
	(pc) =	sbr.rel @!p2 .LBB2_8-.Ltmp1, $4  }
0x26: {  	s14 =	simm.s32 @!p1 $0x2  }
0x27: {  	_ =	swait.ge @!p1 [sflag:s14], s13;
	s16 =	ssub.s32 @!p1 $0x0, s13  }
0x28: {  	s13 =	smov.u32 s11;
	s12 =	sadd.s32 $0x1, s12;
	[sflag:s14] =	ssyncset.done @!p1 $0x0  }
0x29: {  	s11 =	smov.u32 s10;
	s10 =	smov.u32 s15;
	[sflag:s14] =	ssyncadd.s32 @!p1 s16  }
.LBB2_1:
0x2a: {  	p1 =	sgt.u32 s12, s6  }
0x2b: {  	s15 =	smov.u32 s10;
	p2 =	sgt.s32 @!p1 s10, $0x2610  }
0x2c: {  	s14 =	sand.u32 @!p1 $0x1FFFFFF, s10;
	s16 =	sshra.s32 @!p1 s10, $0x1F;
	p2 =	por !p2, p1  }
0x2d: {  	s17 =	smulhi.u32 @!p1 $0x1A36E2F, s14;
	s16 =	sand.u32 @!p1 s16, s10;
	s15 =	simm.s32 @p2 $0x2610  }
0x2e: {  	s15 =	ssub.s32 @!p1 s15, s16  }
0x2f: {  	s16 =	sshrl.u32 @!p1 s17, $0x6;
	s15 =	sadd.s32 @!p1 $0xFFFFD9F0, s15  }
0x30: {  	s17 =	sxor.u32 @!p1 $0xFFFFFFFF, s12;
	s16 =	smul.u32 @!p1 $0x2710, s16;
	s18 =	sshll.u32 @!p1 s15, $0x8  }
0x31: {  	s17 =	sshll.u32 @!p1 s17, $0xE;
	p2 =	sgt.s32 @!p1 s15, $0xFF;
	s15 =	ssub.s32 @!p1 $0x10000, s18  }
0x32: {  	s14 =	ssub.s32 @!p1 s14, s16;
	p2 =	por !p2, p1;
	s16 =	sand.u32 @!p1 $0x4000, s17  }
0x33: {  	s17 =	simm.s32 @!p1 $0x40;
	s15 =	sshrl.u32 @!p1 s15, $0x2;
	s14 =	sshll.u32 @!p1 s14, $0x4  }
0x34: {  	s18 =	simm.s32 @!p1 $0x80;
	s15 =	simm.s32 @!p2 $0x0;
	s14 =	sadd.s32 @!p1 s2, s14  }
0x35: {  	[tilespmem:s16], [sflag:$0x1] =	stream.strided.gather @!p1 [hbm4b:s14+s17], s15, s18, s17, $0x38;
	[tilespmem:$0x10000] =	vst v63  }
0x36: {  	p1 =	seq.s32 s12, $0x0  }
0x37: {  	p2 =	sge.u32 @!p1 s12, s7  }
0x38: {  	p1 =	por p1, p2  }
.Ltmp2:
0x39: {  	_ = 	snop;
	(pc) =	sbr.rel @p1 .LBB2_7-.Ltmp2, $1  }
0x3a: {  	_ =	sdelay $0x3  }
0x3b: {  	p1 =	sgt.s32 s11, $0x2610;
	s14 =	smov.u32 s11;
	s15 =	sshra.s32 s11, $0x1F  }
0x3c: {  	s14 =	simm.s32 @!p1 $0x2610;
	s15 =	sand.u32 s15, s11  }
0x3d: {  	s14 =	ssub.s32 s14, s15  }
0x3e: {  	s14 =	sadd.s32 $0xFFFFD9F0, s14  }
0x3f: {  	s31 =	sshll.u32 s14, $0x8  }
0x40: {  	s15 =	ssub.s32 $0x10000, s31  }
0x41: {  	p1 =	sgt.s32 s14, $0xFF;
	s14 =	sshrl.u32 s15, $0x2;
	s15 =	sadd.s32 $0x100, s11  }
0x42: {  	s14 =	simm.s32 @p1 $0x0;
	p1 =	slt.s32 s15, $0x2710  }
0x43: {  	s15 =	simm.s32 @!p1 $0x2710  }
0x44: {  	s19 =	ssub.s32 s15, s11  }
0x45: {  	p1 =	slt.s32 s19, $0x1  }
.Ltmp3:
0x46: {  	_ = 	snop;
	(pc) =	sbr.rel @p1 .LBB2_6-.Ltmp3, $4  }
0x47: {  	_ = 	snop  }
0x48: {  	s16 =	sshll.u32 s12, $0xE;
	_ =	swait.ge [sflag:s4], s14  }
0x49: {  	s16 =	sand.u32 $0x4000, s16;
	s17 =	ssub.s32 $0x0, s14;
	[sflag:s4] =	ssyncset.done $0x0  }
0x4a: {  	s15 =	sor.u32 $0x8000, s16;
	[sflag:s4] =	ssyncadd.s32 s17  }
0x4b: {  	v0 =	vmov s16;
	_ =	sdelay $0x2  }
0x4c: {  	s31 =	simm.s32 $0x0;
	p1 =	sne.s32 s19, $0x1  }
.Ltmp4:
0x4d: {  	s18 =	sand.u32 $0x3FC0, s31;
	(pc) =	sbr.rel @!p1 .LBB2_5-.Ltmp4, $4  }
0x4e: {  	v2 =	vmov s15;
	s16 =	sor.u32 $0x20, s18;
	v1 =	vld.idx.msk [tilespmem:v0+s18+$0x0 ss:$0x1], $0xffff  }
0x4f: {  	s17 =	sor.u32 $0x10, s18;
	v3 =	vld.idx.msk [tilespmem:v0+s16+$0x0 ss:$0x1], $0xffff  }
0x50: {  	v4 =	vld.idx.msk [tilespmem:v0+s17+$0x0 ss:$0x1], $0xffff  }
0x51: {  	s19 =	sadd.s32 $0xFFFFFFFF, s19;
	s20 =	simm.s32 $0x40  }
.LBB2_4:
0x52: {  	s21 =	sand.u32 $0x3FC0, s20;
	p1 =	sne.s32 s19, $0x1;
	s19 =	sadd.s32 $0xFFFFFFFF, s19  }
.Ltmp5:
0x53: {  	s22 =	sor.u32 $0x10, s21;
	s23 =	sor.u32 $0x20, s21;
	[tilespmem:v2+s18+$0x0 ss:$0x1] =	vst.idx.msk $0xffff, v1;
	v1 =	vld.idx.msk [tilespmem:v0+s21+$0x0 ss:$0x1], $0xffff;
	(pc) =	sbr.rel @p1 .LBB2_4-.Ltmp5, $3  }
0x54: {  	s18 =	smov.u32 s21;
	[tilespmem:v2+s16+$0x0 ss:$0x1] =	vst.idx.msk $0xffff, v3;
	v3 =	vld.idx.msk [tilespmem:v0+s23+$0x0 ss:$0x1], $0xffff;
	s16 =	smov.u32 s23  }
0x55: {  	[tilespmem:v2+s17+$0x0 ss:$0x1] =	vst.idx.msk $0xffff, v4;
	v4 =	vld.idx.msk [tilespmem:v0+s22+$0x0 ss:$0x1], $0xffff;
	s17 =	smov.u32 s22;
	_ =	sdelay $0x1  }
0x56: {  	s20 =	sadd.s32 $0x40, s20  }
.Ltmp6:
0x57: {  	_ = 	snop;
	(pc) =	sbr.rel .LBB2_5-.Ltmp6, $1  }
0x58: {  	_ =	sdelay $0x3  }
.LBB2_8:
0x59: {  	_ =	sfence.sel $0x180000  }
0x5a: {  	s2 =	simm.s32 $0x1;
	[bflag:$0x0] =	sbarrier.arrive $0xFFFF  }
0x5b: {  	s31 =	simm.s32 $0x2;
	[sflag:s2] =	ssyncpa.u1 $0x1  }
0x5c: {  	[sflag:s31] =	ssyncpa.u1 $0x1  }
0x5d: {  	_ =	strace $0x90000053  }
0x5e: {  	s0 =	sadd.s32 @!p0 $0x100000, s0;
	[bflag:$0x2] =	sbarrier.arrive $0xFFFF  }
0x5f: {  	[sflag:s0] =	ssyncadd.tile.s32 @!p0 $0x1;
	s0 =	simm.s32 @!p0 $0x3F  }
0x60: {  	_ =	swait.ge @!p0 [sflag:s0], s1  }
0x61: {  	s1 =	ssub.s32 @!p0 $0x0, s1;
	[sflag:s0] =	ssyncset.done @!p0 $0x0  }
0x62: {  	[sflag:s0] =	ssyncadd.s32 @!p0 s1  }
0x63: {  	[bflag:$0x3] =	sbarrier.arrive $0xFFFF  }
0x64: {  	_ =	shalt  }
.Lfunc_end2:
execute1_lowered:
.L_overlay_start_2:
0x65: {  	(tag) =	ssettag $0x2  }
0x66: {  	s4 =	rddreg [dreg:$0x0]  }
0x67: {  	s2 =	rddreg [dreg:$0x1];
	_ =	strace $0x80000056;
	s3 =	simm.s32 $0x1  }
0x68: {  	v0 =	vimm.s32 $0x0;
	[sflag:s3] =	ssyncpa.u1 $0x0  }
0x69: {  	[tilespmem:$0x68] =	vst v0  }
0x6a: {  	[tilespmem:$0x78] =	vst v0  }
0x6b: {  	[tilespmem:$0x88] =	vst v0  }
0x6c: {  	[tilespmem:$0x98] =	vst v0  }
0x6d: {  	[tilespmem:$0xA8] =	vst v0  }
0x6e: {  	[tilespmem:$0xB8] =	vst v0  }
0x6f: {  	[tilespmem:$0xC8] =	vst v0  }
0x70: {  	[tilespmem:$0xD8] =	vst v0  }
0x71: {  	[tilespmem:$0xE8] =	vst v0  }
0x72: {  	[tilespmem:$0xF8] =	vst v0  }
0x73: {  	[tilespmem:$0x108] =	vst v0  }
0x74: {  	[tilespmem:$0x118] =	vst v0  }
0x75: {  	[tilespmem:$0x128] =	vst v0  }
0x76: {  	[tilespmem:$0x138] =	vst v0  }
0x77: {  	[tilespmem:$0x148] =	vst v0  }
0x78: {  	[tilespmem:$0x158] =	vst v0  }
0x79: {  	[tilespmem:$0x168] =	vst v0  }
0x7a: {  	[tilespmem:$0x178] =	vst v0  }
0x7b: {  	[tilespmem:$0x188] =	vst v0  }
0x7c: {  	[tilespmem:$0x198] =	vst v0  }
0x7d: {  	[tilespmem:$0x1A8] =	vst v0  }
0x7e: {  	[tilespmem:$0x1B8] =	vst v0  }
0x7f: {  	[tilespmem:$0x1C8] =	vst v0  }
0x80: {  	[tilespmem:$0x1D8] =	vst v0  }
0x81: {  	[tilespmem:$0x1E8] =	vst v0  }
0x82: {  	[tilespmem:$0x1F8] =	vst v0  }
0x83: {  	[tilespmem:$0x208] =	vst v0  }
0x84: {  	[tilespmem:$0x218] =	vst v0  }
0x85: {  	[tilespmem:$0x228] =	vst v0  }
0x86: {  	[tilespmem:$0x238] =	vst v0  }
0x87: {  	[tilespmem:$0x248] =	vst v0  }
0x88: {  	[tilespmem:$0x258] =	vst v0  }
0x89: {  	[tilespmem:$0x268] =	vst v0  }
0x8a: {  	[tilespmem:$0x278] =	vst v0  }
0x8b: {  	[tilespmem:$0x288] =	vst v0  }
0x8c: {  	[tilespmem:$0x298] =	vst v0  }
0x8d: {  	[tilespmem:$0x2A8] =	vst v0  }
0x8e: {  	[tilespmem:$0x2B8] =	vst v0  }
0x8f: {  	[tilespmem:$0x2C8] =	vst v0  }
0x90: {  	[tilespmem:$0x2D8] =	vst v0  }
0x91: {  	[tilespmem:$0x2E8] =	vst v0  }
0x92: {  	[tilespmem:$0x2F8] =	vst v0  }
0x93: {  	[tilespmem:$0x308] =	vst v0  }
0x94: {  	[tilespmem:$0x318] =	vst v0  }
0x95: {  	[tilespmem:$0x328] =	vst v0  }
0x96: {  	[tilespmem:$0x338] =	vst v0  }
0x97: {  	[tilespmem:$0x348] =	vst v0  }
0x98: {  	[tilespmem:$0x358] =	vst v0  }
0x99: {  	[tilespmem:$0x368] =	vst v0  }
0x9a: {  	[tilespmem:$0x378] =	vst v0  }
0x9b: {  	[tilespmem:$0x388] =	vst v0  }
0x9c: {  	[tilespmem:$0x398] =	vst v0  }
0x9d: {  	[tilespmem:$0x3A8] =	vst v0  }
0x9e: {  	[tilespmem:$0x3B8] =	vst v0  }
0x9f: {  	[tilespmem:$0x3C8] =	vst v0  }
0xa0: {  	[tilespmem:$0x3D8] =	vst v0  }
0xa1: {  	[tilespmem:$0x3E8] =	vst v0  }
0xa2: {  	[tilespmem:$0x3F8] =	vst v0  }
0xa3: {  	[tilespmem:$0x408] =	vst v0  }
0xa4: {  	[tilespmem:$0x418] =	vst v0  }
0xa5: {  	[tilespmem:$0x428] =	vst v0  }
0xa6: {  	[tilespmem:$0x438] =	vst v0  }
0xa7: {  	[tilespmem:$0x448] =	vst v0  }
0xa8: {  	[tilespmem:$0x458] =	vst v0  }
0xa9: {  	[tilespmem:$0x468] =	vst v0  }
0xaa: {  	[tilespmem:$0x478] =	vst v0  }
0xab: {  	[tilespmem:$0x488] =	vst v0  }
0xac: {  	[tilespmem:$0x498] =	vst v0  }
0xad: {  	[tilespmem:$0x4A8] =	vst v0  }
0xae: {  	[tilespmem:$0x4B8] =	vst v0  }
0xaf: {  	[tilespmem:$0x4C8] =	vst v0  }
0xb0: {  	[tilespmem:$0x4D8] =	vst v0  }
0xb1: {  	[tilespmem:$0x4E8] =	vst v0  }
0xb2: {  	[tilespmem:$0x4F8] =	vst v0  }
0xb3: {  	[tilespmem:$0x508] =	vst v0  }
0xb4: {  	[tilespmem:$0x518] =	vst v0  }
0xb5: {  	[tilespmem:$0x528] =	vst v0  }
0xb6: {  	[tilespmem:$0x538] =	vst v0  }
0xb7: {  	[tilespmem:$0x548] =	vst v0  }
0xb8: {  	[tilespmem:$0x558] =	vst v0  }
0xb9: {  	[tilespmem:$0x568] =	vst v0  }
0xba: {  	[tilespmem:$0x578] =	vst v0  }
0xbb: {  	[tilespmem:$0x588] =	vst v0  }
0xbc: {  	[tilespmem:$0x598] =	vst v0  }
0xbd: {  	[tilespmem:$0x5A8] =	vst v0  }
0xbe: {  	[tilespmem:$0x5B8] =	vst v0  }
0xbf: {  	[tilespmem:$0x5C8] =	vst v0  }
0xc0: {  	[tilespmem:$0x5D8] =	vst v0  }
0xc1: {  	[tilespmem:$0x5E8] =	vst v0  }
0xc2: {  	[tilespmem:$0x5F8] =	vst v0  }
0xc3: {  	[tilespmem:$0x608] =	vst v0  }
0xc4: {  	[tilespmem:$0x618] =	vst v0  }
0xc5: {  	[tilespmem:$0x628] =	vst v0  }
0xc6: {  	[tilespmem:$0x638] =	vst v0  }
0xc7: {  	[tilespmem:$0x648] =	vst v0  }
0xc8: {  	[tilespmem:$0x658] =	vst v0  }
0xc9: {  	[tilespmem:$0x668] =	vst v0  }
0xca: {  	[tilespmem:$0x678] =	vst v0  }
0xcb: {  	[tilespmem:$0x688] =	vst v0  }
0xcc: {  	[tilespmem:$0x698] =	vst v0  }
0xcd: {  	[tilespmem:$0x6A8] =	vst v0  }
0xce: {  	[tilespmem:$0x6B8] =	vst v0  }
0xcf: {  	[tilespmem:$0x6C8] =	vst v0  }
0xd0: {  	[tilespmem:$0x6D8] =	vst v0  }
0xd1: {  	[tilespmem:$0x6E8] =	vst v0  }
0xd2: {  	[tilespmem:$0x6F8] =	vst v0  }
0xd3: {  	[tilespmem:$0x708] =	vst v0  }
0xd4: {  	[tilespmem:$0x718] =	vst v0  }
0xd5: {  	[tilespmem:$0x728] =	vst v0  }
0xd6: {  	[tilespmem:$0x738] =	vst v0  }
0xd7: {  	[tilespmem:$0x748] =	vst v0  }
0xd8: {  	[tilespmem:$0x758] =	vst v0  }
0xd9: {  	[tilespmem:$0x768] =	vst v0  }
0xda: {  	[tilespmem:$0x778] =	vst v0  }
0xdb: {  	[tilespmem:$0x788] =	vst v0  }
0xdc: {  	[tilespmem:$0x798] =	vst v0  }
0xdd: {  	[tilespmem:$0x7A8] =	vst v0  }
0xde: {  	[tilespmem:$0x7B8] =	vst v0  }
0xdf: {  	[tilespmem:$0x7C8] =	vst v0  }
0xe0: {  	[tilespmem:$0x7D8] =	vst v0  }
0xe1: {  	[tilespmem:$0x7E8] =	vst v0  }
0xe2: {  	[tilespmem:$0x7F8] =	vst v0  }
0xe3: {  	[tilespmem:$0x808] =	vst v0  }
0xe4: {  	[tilespmem:$0x818] =	vst v0  }
0xe5: {  	[tilespmem:$0x828] =	vst v0  }
0xe6: {  	[tilespmem:$0x838] =	vst v0  }
0xe7: {  	[tilespmem:$0x848] =	vst v0  }
0xe8: {  	[tilespmem:$0x858] =	vst v0  }
0xe9: {  	[tilespmem:$0x868] =	vst v0  }
0xea: {  	[tilespmem:$0x878] =	vst v0  }
0xeb: {  	[tilespmem:$0x888] =	vst v0  }
0xec: {  	[tilespmem:$0x898] =	vst v0  }
0xed: {  	[tilespmem:$0x8A8] =	vst v0  }
0xee: {  	[tilespmem:$0x8B8] =	vst v0  }
0xef: {  	[tilespmem:$0x8C8] =	vst v0  }
0xf0: {  	[tilespmem:$0x8D8] =	vst v0  }
0xf1: {  	[tilespmem:$0x8E8] =	vst v0  }
0xf2: {  	[tilespmem:$0x8F8] =	vst v0  }
0xf3: {  	[tilespmem:$0x908] =	vst v0  }
0xf4: {  	[tilespmem:$0x918] =	vst v0  }
0xf5: {  	[tilespmem:$0x928] =	vst v0  }
0xf6: {  	[tilespmem:$0x938] =	vst v0  }
0xf7: {  	[tilespmem:$0x948] =	vst v0  }
0xf8: {  	[tilespmem:$0x958] =	vst v0  }
0xf9: {  	[tilespmem:$0x968] =	vst v0  }
0xfa: {  	[tilespmem:$0x978] =	vst v0  }
0xfb: {  	[tilespmem:$0x988] =	vst v0  }
0xfc: {  	[tilespmem:$0x998] =	vst v0  }
0xfd: {  	[tilespmem:$0x9A8] =	vst v0  }
0xfe: {  	[tilespmem:$0x9B8] =	vst v0  }
0xff: {  	[tilespmem:$0x9C8] =	vst v0  }
0x100: {  	[tilespmem:$0x9D8] =	vst v0  }
0x101: {  	[tilespmem:$0x9E8] =	vst v0  }
0x102: {  	[tilespmem:$0x9F8] =	vst v0  }
0x103: {  	[tilespmem:$0xA08] =	vst v0  }
0x104: {  	[tilespmem:$0xA18] =	vst v0  }
0x105: {  	[tilespmem:$0xA28] =	vst v0  }
0x106: {  	[tilespmem:$0xA38] =	vst v0  }
0x107: {  	[tilespmem:$0xA48] =	vst v0  }
0x108: {  	[tilespmem:$0xA58] =	vst v0  }
0x109: {  	[tilespmem:$0xA68] =	vst v0  }
0x10a: {  	[tilespmem:$0xA78] =	vst v0  }
0x10b: {  	[tilespmem:$0xA88] =	vst v0  }
0x10c: {  	[tilespmem:$0xA98] =	vst v0  }
0x10d: {  	[tilespmem:$0xAA8] =	vst v0  }
0x10e: {  	[tilespmem:$0xAB8] =	vst v0  }
0x10f: {  	[tilespmem:$0xAC8] =	vst v0  }
0x110: {  	[tilespmem:$0xAD8] =	vst v0  }
0x111: {  	[tilespmem:$0xAE8] =	vst v0  }
0x112: {  	[tilespmem:$0xAF8] =	vst v0  }
0x113: {  	[tilespmem:$0xB08] =	vst v0  }
0x114: {  	[tilespmem:$0xB18] =	vst v0  }
0x115: {  	[tilespmem:$0xB28] =	vst v0  }
0x116: {  	[tilespmem:$0xB38] =	vst v0  }
0x117: {  	[tilespmem:$0xB48] =	vst v0  }
0x118: {  	[tilespmem:$0xB58] =	vst v0  }
0x119: {  	[tilespmem:$0xB68] =	vst v0  }
0x11a: {  	[tilespmem:$0xB78] =	vst v0  }
0x11b: {  	[tilespmem:$0xB88] =	vst v0  }
0x11c: {  	[tilespmem:$0xB98] =	vst v0  }
0x11d: {  	[tilespmem:$0xBA8] =	vst v0  }
0x11e: {  	[tilespmem:$0xBB8] =	vst v0  }
0x11f: {  	[tilespmem:$0xBC8] =	vst v0  }
0x120: {  	[tilespmem:$0xBD8] =	vst v0  }
0x121: {  	[tilespmem:$0xBE8] =	vst v0  }
0x122: {  	[tilespmem:$0xBF8] =	vst v0  }
0x123: {  	[tilespmem:$0xC08] =	vst v0  }
0x124: {  	[tilespmem:$0xC18] =	vst v0  }
0x125: {  	[tilespmem:$0xC28] =	vst v0  }
0x126: {  	[tilespmem:$0xC38] =	vst v0  }
0x127: {  	[tilespmem:$0xC48] =	vst v0  }
0x128: {  	[tilespmem:$0xC58] =	vst v0  }
0x129: {  	[tilespmem:$0xC68] =	vst v0  }
0x12a: {  	[tilespmem:$0xC78] =	vst v0  }
0x12b: {  	[tilespmem:$0xC88] =	vst v0  }
0x12c: {  	[tilespmem:$0xC98] =	vst v0  }
0x12d: {  	[tilespmem:$0xCA8] =	vst v0  }
0x12e: {  	[tilespmem:$0xCB8] =	vst v0  }
0x12f: {  	[tilespmem:$0xCC8] =	vst v0  }
0x130: {  	[tilespmem:$0xCD8] =	vst v0  }
0x131: {  	[tilespmem:$0xCE8] =	vst v0  }
0x132: {  	[tilespmem:$0xCF8] =	vst v0  }
0x133: {  	[tilespmem:$0xD08] =	vst v0  }
0x134: {  	[tilespmem:$0xD18] =	vst v0  }
0x135: {  	[tilespmem:$0xD28] =	vst v0  }
0x136: {  	[tilespmem:$0xD38] =	vst v0  }
0x137: {  	[tilespmem:$0xD48] =	vst v0  }
0x138: {  	[tilespmem:$0xD58] =	vst v0  }
0x139: {  	[tilespmem:$0xD68] =	vst v0  }
0x13a: {  	[tilespmem:$0xD78] =	vst v0  }
0x13b: {  	[tilespmem:$0xD88] =	vst v0  }
0x13c: {  	[tilespmem:$0xD98] =	vst v0  }
0x13d: {  	[tilespmem:$0xDA8] =	vst v0  }
0x13e: {  	[tilespmem:$0xDB8] =	vst v0  }
0x13f: {  	[tilespmem:$0xDC8] =	vst v0  }
0x140: {  	[tilespmem:$0xDD8] =	vst v0  }
0x141: {  	[tilespmem:$0xDE8] =	vst v0  }
0x142: {  	[tilespmem:$0xDF8] =	vst v0  }
0x143: {  	[tilespmem:$0xE08] =	vst v0  }
0x144: {  	[tilespmem:$0xE18] =	vst v0  }
0x145: {  	[tilespmem:$0xE28] =	vst v0  }
0x146: {  	[tilespmem:$0xE38] =	vst v0  }
0x147: {  	[tilespmem:$0xE48] =	vst v0  }
0x148: {  	[tilespmem:$0xE58] =	vst v0  }
0x149: {  	[tilespmem:$0xE68] =	vst v0  }
0x14a: {  	[tilespmem:$0xE78] =	vst v0  }
0x14b: {  	[tilespmem:$0xE88] =	vst v0  }
0x14c: {  	[tilespmem:$0xE98] =	vst v0  }
0x14d: {  	[tilespmem:$0xEA8] =	vst v0  }
0x14e: {  	[tilespmem:$0xEB8] =	vst v0  }
0x14f: {  	[tilespmem:$0xEC8] =	vst v0  }
0x150: {  	[tilespmem:$0xED8] =	vst v0  }
0x151: {  	[tilespmem:$0xEE8] =	vst v0  }
0x152: {  	[tilespmem:$0xEF8] =	vst v0  }
0x153: {  	[tilespmem:$0xF08] =	vst v0  }
0x154: {  	[tilespmem:$0xF18] =	vst v0  }
0x155: {  	[tilespmem:$0xF28] =	vst v0  }
0x156: {  	[tilespmem:$0xF38] =	vst v0  }
0x157: {  	[tilespmem:$0xF48] =	vst v0  }
0x158: {  	[tilespmem:$0xF58] =	vst v0  }
0x159: {  	[tilespmem:$0xF68] =	vst v0  }
0x15a: {  	[tilespmem:$0xF78] =	vst v0  }
0x15b: {  	[tilespmem:$0xF88] =	vst v0  }
0x15c: {  	[tilespmem:$0xF98] =	vst v0  }
0x15d: {  	[tilespmem:$0xFA8] =	vst v0  }
0x15e: {  	[tilespmem:$0xFB8] =	vst v0  }
0x15f: {  	[tilespmem:$0xFC8] =	vst v0  }
0x160: {  	[tilespmem:$0xFD8] =	vst v0  }
0x161: {  	[tilespmem:$0xFE8] =	vst v0  }
0x162: {  	[tilespmem:$0xFF8] =	vst v0  }
0x163: {  	[tilespmem:$0x1008] =	vst v0  }
0x164: {  	[tilespmem:$0x1018] =	vst v0  }
0x165: {  	[tilespmem:$0x1028] =	vst v0  }
0x166: {  	[tilespmem:$0x1038] =	vst v0  }
0x167: {  	[tilespmem:$0x1048] =	vst v0  }
0x168: {  	[tilespmem:$0x1058] =	vst v0  }
0x169: {  	[tilespmem:$0x1068] =	vst v0  }
0x16a: {  	[tilespmem:$0x1078] =	vst v0  }
0x16b: {  	[tilespmem:$0x1088] =	vst v0  }
0x16c: {  	[tilespmem:$0x1098] =	vst v0  }
0x16d: {  	[tilespmem:$0x10A8] =	vst v0  }
0x16e: {  	[tilespmem:$0x10B8] =	vst v0  }
0x16f: {  	[tilespmem:$0x10C8] =	vst v0  }
0x170: {  	[tilespmem:$0x10D8] =	vst v0  }
0x171: {  	[tilespmem:$0x10E8] =	vst v0  }
0x172: {  	[tilespmem:$0x10F8] =	vst v0  }
0x173: {  	[tilespmem:$0x1108] =	vst v0  }
0x174: {  	[tilespmem:$0x1118] =	vst v0  }
0x175: {  	[tilespmem:$0x1128] =	vst v0  }
0x176: {  	[tilespmem:$0x1138] =	vst v0  }
0x177: {  	[tilespmem:$0x1148] =	vst v0  }
0x178: {  	[tilespmem:$0x1158] =	vst v0  }
0x179: {  	[tilespmem:$0x1168] =	vst v0  }
0x17a: {  	[tilespmem:$0x1178] =	vst v0  }
0x17b: {  	[tilespmem:$0x1188] =	vst v0  }
0x17c: {  	[tilespmem:$0x1198] =	vst v0  }
0x17d: {  	[tilespmem:$0x11A8] =	vst v0  }
0x17e: {  	[tilespmem:$0x11B8] =	vst v0  }
0x17f: {  	[tilespmem:$0x11C8] =	vst v0  }
0x180: {  	[tilespmem:$0x11D8] =	vst v0  }
0x181: {  	[tilespmem:$0x11E8] =	vst v0  }
0x182: {  	[tilespmem:$0x11F8] =	vst v0  }
0x183: {  	[tilespmem:$0x1208] =	vst v0  }
0x184: {  	[tilespmem:$0x1218] =	vst v0  }
0x185: {  	[tilespmem:$0x1228] =	vst v0  }
0x186: {  	[tilespmem:$0x1238] =	vst v0  }
0x187: {  	[tilespmem:$0x1248] =	vst v0  }
0x188: {  	[tilespmem:$0x1258] =	vst v0  }
0x189: {  	[tilespmem:$0x1268] =	vst v0  }
0x18a: {  	[tilespmem:$0x1278] =	vst v0  }
0x18b: {  	[tilespmem:$0x1288] =	vst v0  }
0x18c: {  	[tilespmem:$0x1298] =	vst v0  }
0x18d: {  	[tilespmem:$0x12A8] =	vst v0  }
0x18e: {  	[tilespmem:$0x12B8] =	vst v0  }
0x18f: {  	[tilespmem:$0x12C8] =	vst v0  }
0x190: {  	[tilespmem:$0x12D8] =	vst v0  }
0x191: {  	[tilespmem:$0x12E8] =	vst v0  }
0x192: {  	[tilespmem:$0x12F8] =	vst v0  }
0x193: {  	[tilespmem:$0x1308] =	vst v0  }
0x194: {  	[tilespmem:$0x1318] =	vst v0  }
0x195: {  	[tilespmem:$0x1328] =	vst v0  }
0x196: {  	[tilespmem:$0x1338] =	vst v0  }
0x197: {  	[tilespmem:$0x1348] =	vst v0  }
0x198: {  	[tilespmem:$0x1358] =	vst v0  }
0x199: {  	[tilespmem:$0x1368] =	vst v0  }
0x19a: {  	[tilespmem:$0x1378] =	vst v0  }
0x19b: {  	[tilespmem:$0x1388] =	vst v0  }
0x19c: {  	[tilespmem:$0x1398] =	vst v0  }
0x19d: {  	[tilespmem:$0x13A8] =	vst v0  }
0x19e: {  	[tilespmem:$0x13B8] =	vst v0  }
0x19f: {  	[tilespmem:$0x13C8] =	vst v0  }
0x1a0: {  	[tilespmem:$0x13D8] =	vst v0  }
0x1a1: {  	[tilespmem:$0x13E8] =	vst v0  }
0x1a2: {  	[tilespmem:$0x13F8] =	vst v0  }
0x1a3: {  	[tilespmem:$0x1408] =	vst v0  }
0x1a4: {  	[tilespmem:$0x1418] =	vst v0  }
0x1a5: {  	[tilespmem:$0x1428] =	vst v0  }
0x1a6: {  	[tilespmem:$0x1438] =	vst v0  }
0x1a7: {  	[tilespmem:$0x1448] =	vst v0  }
0x1a8: {  	[tilespmem:$0x1458] =	vst v0  }
0x1a9: {  	[tilespmem:$0x2388] =	vst v0  }
0x1aa: {  	[tilespmem:$0x2398] =	vst v0  }
0x1ab: {  	[tilespmem:$0x1468] =	vst v0  }
0x1ac: {  	[tilespmem:$0x1478] =	vst v0  }
0x1ad: {  	[tilespmem:$0x1488] =	vst v0  }
0x1ae: {  	[tilespmem:$0x1498] =	vst v0  }
0x1af: {  	[tilespmem:$0x14A8] =	vst v0  }
0x1b0: {  	[tilespmem:$0x14B8] =	vst v0  }
0x1b1: {  	[tilespmem:$0x14C8] =	vst v0  }
0x1b2: {  	[tilespmem:$0x14D8] =	vst v0  }
0x1b3: {  	[tilespmem:$0x14E8] =	vst v0  }
0x1b4: {  	[tilespmem:$0x14F8] =	vst v0  }
0x1b5: {  	[tilespmem:$0x1508] =	vst v0  }
0x1b6: {  	[tilespmem:$0x1518] =	vst v0  }
0x1b7: {  	[tilespmem:$0x1528] =	vst v0  }
0x1b8: {  	[tilespmem:$0x1538] =	vst v0  }
0x1b9: {  	[tilespmem:$0x1548] =	vst v0  }
0x1ba: {  	[tilespmem:$0x1558] =	vst v0  }
0x1bb: {  	[tilespmem:$0x1568] =	vst v0  }
0x1bc: {  	[tilespmem:$0x1578] =	vst v0  }
0x1bd: {  	[tilespmem:$0x1588] =	vst v0  }
0x1be: {  	[tilespmem:$0x1598] =	vst v0  }
0x1bf: {  	[tilespmem:$0x15A8] =	vst v0  }
0x1c0: {  	[tilespmem:$0x15B8] =	vst v0  }
0x1c1: {  	[tilespmem:$0x15C8] =	vst v0  }
0x1c2: {  	[tilespmem:$0x15D8] =	vst v0  }
0x1c3: {  	[tilespmem:$0x15E8] =	vst v0  }
0x1c4: {  	[tilespmem:$0x15F8] =	vst v0  }
0x1c5: {  	[tilespmem:$0x1608] =	vst v0  }
0x1c6: {  	[tilespmem:$0x1618] =	vst v0  }
0x1c7: {  	[tilespmem:$0x1628] =	vst v0  }
0x1c8: {  	[tilespmem:$0x1638] =	vst v0  }
0x1c9: {  	[tilespmem:$0x1648] =	vst v0  }
0x1ca: {  	[tilespmem:$0x1658] =	vst v0  }
0x1cb: {  	[tilespmem:$0x1668] =	vst v0  }
0x1cc: {  	[tilespmem:$0x1678] =	vst v0  }
0x1cd: {  	[tilespmem:$0x1688] =	vst v0  }
0x1ce: {  	[tilespmem:$0x1698] =	vst v0  }
0x1cf: {  	[tilespmem:$0x16A8] =	vst v0  }
0x1d0: {  	[tilespmem:$0x16B8] =	vst v0  }
0x1d1: {  	[tilespmem:$0x16C8] =	vst v0  }
0x1d2: {  	[tilespmem:$0x16D8] =	vst v0  }
0x1d3: {  	[tilespmem:$0x16E8] =	vst v0  }
0x1d4: {  	[tilespmem:$0x16F8] =	vst v0  }
0x1d5: {  	[tilespmem:$0x1708] =	vst v0  }
0x1d6: {  	[tilespmem:$0x1718] =	vst v0  }
0x1d7: {  	[tilespmem:$0x1728] =	vst v0  }
0x1d8: {  	[tilespmem:$0x1738] =	vst v0  }
0x1d9: {  	[tilespmem:$0x1748] =	vst v0  }
0x1da: {  	[tilespmem:$0x1758] =	vst v0  }
0x1db: {  	[tilespmem:$0x1768] =	vst v0  }
0x1dc: {  	[tilespmem:$0x1778] =	vst v0  }
0x1dd: {  	[tilespmem:$0x1788] =	vst v0  }
0x1de: {  	[tilespmem:$0x1798] =	vst v0  }
0x1df: {  	[tilespmem:$0x17A8] =	vst v0  }
0x1e0: {  	[tilespmem:$0x17B8] =	vst v0  }
0x1e1: {  	[tilespmem:$0x17C8] =	vst v0  }
0x1e2: {  	[tilespmem:$0x17D8] =	vst v0  }
0x1e3: {  	[tilespmem:$0x17E8] =	vst v0  }
0x1e4: {  	[tilespmem:$0x17F8] =	vst v0  }
0x1e5: {  	[tilespmem:$0x1808] =	vst v0  }
0x1e6: {  	[tilespmem:$0x1818] =	vst v0  }
0x1e7: {  	[tilespmem:$0x1828] =	vst v0  }
0x1e8: {  	[tilespmem:$0x1838] =	vst v0  }
0x1e9: {  	[tilespmem:$0x1848] =	vst v0  }
0x1ea: {  	[tilespmem:$0x1858] =	vst v0  }
0x1eb: {  	[tilespmem:$0x1868] =	vst v0  }
0x1ec: {  	[tilespmem:$0x1878] =	vst v0  }
0x1ed: {  	[tilespmem:$0x1888] =	vst v0  }
0x1ee: {  	[tilespmem:$0x1898] =	vst v0  }
0x1ef: {  	[tilespmem:$0x18A8] =	vst v0  }
0x1f0: {  	[tilespmem:$0x18B8] =	vst v0  }
0x1f1: {  	[tilespmem:$0x18C8] =	vst v0  }
0x1f2: {  	[tilespmem:$0x18D8] =	vst v0  }
0x1f3: {  	[tilespmem:$0x18E8] =	vst v0  }
0x1f4: {  	[tilespmem:$0x18F8] =	vst v0  }
0x1f5: {  	[tilespmem:$0x1908] =	vst v0  }
0x1f6: {  	[tilespmem:$0x1918] =	vst v0  }
0x1f7: {  	[tilespmem:$0x1928] =	vst v0  }
0x1f8: {  	[tilespmem:$0x1938] =	vst v0  }
0x1f9: {  	[tilespmem:$0x1948] =	vst v0  }
0x1fa: {  	[tilespmem:$0x1958] =	vst v0  }
0x1fb: {  	[tilespmem:$0x1968] =	vst v0  }
0x1fc: {  	[tilespmem:$0x1978] =	vst v0  }
0x1fd: {  	[tilespmem:$0x1988] =	vst v0  }
0x1fe: {  	[tilespmem:$0x1998] =	vst v0  }
0x1ff: {  	[tilespmem:$0x19A8] =	vst v0  }
0x200: {  	[tilespmem:$0x19B8] =	vst v0  }
0x201: {  	[tilespmem:$0x19C8] =	vst v0  }
0x202: {  	[tilespmem:$0x19D8] =	vst v0  }
0x203: {  	[tilespmem:$0x19E8] =	vst v0  }
0x204: {  	[tilespmem:$0x19F8] =	vst v0  }
0x205: {  	[tilespmem:$0x1A08] =	vst v0  }
0x206: {  	[tilespmem:$0x1A18] =	vst v0  }
0x207: {  	[tilespmem:$0x1A28] =	vst v0  }
0x208: {  	[tilespmem:$0x1A38] =	vst v0  }
0x209: {  	[tilespmem:$0x1A48] =	vst v0  }
0x20a: {  	[tilespmem:$0x1A58] =	vst v0  }
0x20b: {  	[tilespmem:$0x1A68] =	vst v0  }
0x20c: {  	[tilespmem:$0x1A78] =	vst v0  }
0x20d: {  	[tilespmem:$0x1A88] =	vst v0  }
0x20e: {  	[tilespmem:$0x1A98] =	vst v0  }
0x20f: {  	[tilespmem:$0x1AA8] =	vst v0  }
0x210: {  	[tilespmem:$0x1AB8] =	vst v0  }
0x211: {  	[tilespmem:$0x1AC8] =	vst v0  }
0x212: {  	[tilespmem:$0x1AD8] =	vst v0  }
0x213: {  	[tilespmem:$0x1AE8] =	vst v0  }
0x214: {  	[tilespmem:$0x1AF8] =	vst v0  }
0x215: {  	[tilespmem:$0x1B08] =	vst v0  }
0x216: {  	[tilespmem:$0x1B18] =	vst v0  }
0x217: {  	[tilespmem:$0x1B28] =	vst v0  }
0x218: {  	[tilespmem:$0x1B38] =	vst v0  }
0x219: {  	[tilespmem:$0x1B48] =	vst v0  }
0x21a: {  	[tilespmem:$0x1B58] =	vst v0  }
0x21b: {  	[tilespmem:$0x1B68] =	vst v0  }
0x21c: {  	[tilespmem:$0x1B78] =	vst v0  }
0x21d: {  	[tilespmem:$0x1B88] =	vst v0  }
0x21e: {  	[tilespmem:$0x1B98] =	vst v0  }
0x21f: {  	[tilespmem:$0x1BA8] =	vst v0  }
0x220: {  	[tilespmem:$0x1BB8] =	vst v0  }
0x221: {  	[tilespmem:$0x1BC8] =	vst v0  }
0x222: {  	[tilespmem:$0x1BD8] =	vst v0  }
0x223: {  	[tilespmem:$0x1BE8] =	vst v0  }
0x224: {  	[tilespmem:$0x1BF8] =	vst v0  }
0x225: {  	[tilespmem:$0x1C08] =	vst v0  }
0x226: {  	[tilespmem:$0x1C18] =	vst v0  }
0x227: {  	[tilespmem:$0x1C28] =	vst v0  }
0x228: {  	[tilespmem:$0x1C38] =	vst v0  }
0x229: {  	[tilespmem:$0x1C48] =	vst v0  }
0x22a: {  	[tilespmem:$0x1C58] =	vst v0  }
0x22b: {  	[tilespmem:$0x1C68] =	vst v0  }
0x22c: {  	[tilespmem:$0x1C78] =	vst v0  }
0x22d: {  	[tilespmem:$0x1C88] =	vst v0  }
0x22e: {  	[tilespmem:$0x1C98] =	vst v0  }
0x22f: {  	[tilespmem:$0x1CA8] =	vst v0  }
0x230: {  	[tilespmem:$0x1CB8] =	vst v0  }
0x231: {  	[tilespmem:$0x1CC8] =	vst v0  }
0x232: {  	[tilespmem:$0x1CD8] =	vst v0  }
0x233: {  	[tilespmem:$0x1CE8] =	vst v0  }
0x234: {  	[tilespmem:$0x1CF8] =	vst v0  }
0x235: {  	[tilespmem:$0x1D08] =	vst v0  }
0x236: {  	[tilespmem:$0x1D18] =	vst v0  }
0x237: {  	[tilespmem:$0x1D28] =	vst v0  }
0x238: {  	[tilespmem:$0x1D38] =	vst v0  }
0x239: {  	[tilespmem:$0x1D48] =	vst v0  }
0x23a: {  	[tilespmem:$0x1D58] =	vst v0  }
0x23b: {  	[tilespmem:$0x1D68] =	vst v0  }
0x23c: {  	[tilespmem:$0x1D78] =	vst v0  }
0x23d: {  	[tilespmem:$0x1D88] =	vst v0  }
0x23e: {  	[tilespmem:$0x1D98] =	vst v0  }
0x23f: {  	[tilespmem:$0x1DA8] =	vst v0  }
0x240: {  	[tilespmem:$0x1DB8] =	vst v0  }
0x241: {  	[tilespmem:$0x1DC8] =	vst v0  }
0x242: {  	[tilespmem:$0x1DD8] =	vst v0  }
0x243: {  	[tilespmem:$0x1DE8] =	vst v0  }
0x244: {  	[tilespmem:$0x1DF8] =	vst v0  }
0x245: {  	[tilespmem:$0x1E08] =	vst v0  }
0x246: {  	[tilespmem:$0x1E18] =	vst v0  }
0x247: {  	[tilespmem:$0x1E28] =	vst v0  }
0x248: {  	[tilespmem:$0x1E38] =	vst v0  }
0x249: {  	[tilespmem:$0x1E48] =	vst v0  }
0x24a: {  	[tilespmem:$0x1E58] =	vst v0  }
0x24b: {  	[tilespmem:$0x1E68] =	vst v0  }
0x24c: {  	[tilespmem:$0x1E78] =	vst v0  }
0x24d: {  	[tilespmem:$0x1E88] =	vst v0  }
0x24e: {  	[tilespmem:$0x1E98] =	vst v0  }
0x24f: {  	[tilespmem:$0x1EA8] =	vst v0  }
0x250: {  	[tilespmem:$0x1EB8] =	vst v0  }
0x251: {  	[tilespmem:$0x1EC8] =	vst v0  }
0x252: {  	[tilespmem:$0x1ED8] =	vst v0  }
0x253: {  	[tilespmem:$0x1EE8] =	vst v0  }
0x254: {  	[tilespmem:$0x1EF8] =	vst v0  }
0x255: {  	[tilespmem:$0x1F08] =	vst v0  }
0x256: {  	[tilespmem:$0x1F18] =	vst v0  }
0x257: {  	[tilespmem:$0x1F28] =	vst v0  }
0x258: {  	[tilespmem:$0x1F38] =	vst v0  }
0x259: {  	[tilespmem:$0x1F48] =	vst v0  }
0x25a: {  	[tilespmem:$0x1F58] =	vst v0  }
0x25b: {  	[tilespmem:$0x1F68] =	vst v0  }
0x25c: {  	[tilespmem:$0x1F78] =	vst v0  }
0x25d: {  	[tilespmem:$0x1F88] =	vst v0  }
0x25e: {  	[tilespmem:$0x1F98] =	vst v0  }
0x25f: {  	[tilespmem:$0x1FA8] =	vst v0  }
0x260: {  	[tilespmem:$0x1FB8] =	vst v0  }
0x261: {  	[tilespmem:$0x1FC8] =	vst v0  }
0x262: {  	[tilespmem:$0x1FD8] =	vst v0  }
0x263: {  	[tilespmem:$0x1FE8] =	vst v0  }
0x264: {  	[tilespmem:$0x1FF8] =	vst v0  }
0x265: {  	[tilespmem:$0x2008] =	vst v0  }
0x266: {  	[tilespmem:$0x2018] =	vst v0  }
0x267: {  	[tilespmem:$0x2028] =	vst v0  }
0x268: {  	[tilespmem:$0x2038] =	vst v0  }
0x269: {  	[tilespmem:$0x2048] =	vst v0  }
0x26a: {  	[tilespmem:$0x2058] =	vst v0  }
0x26b: {  	[tilespmem:$0x2068] =	vst v0  }
0x26c: {  	[tilespmem:$0x2078] =	vst v0  }
0x26d: {  	[tilespmem:$0x2088] =	vst v0  }
0x26e: {  	[tilespmem:$0x2098] =	vst v0  }
0x26f: {  	[tilespmem:$0x20A8] =	vst v0  }
0x270: {  	[tilespmem:$0x20B8] =	vst v0  }
0x271: {  	[tilespmem:$0x20C8] =	vst v0  }
0x272: {  	[tilespmem:$0x20D8] =	vst v0  }
0x273: {  	[tilespmem:$0x20E8] =	vst v0  }
0x274: {  	[tilespmem:$0x20F8] =	vst v0  }
0x275: {  	[tilespmem:$0x2108] =	vst v0  }
0x276: {  	[tilespmem:$0x2118] =	vst v0  }
0x277: {  	[tilespmem:$0x2128] =	vst v0  }
0x278: {  	[tilespmem:$0x2138] =	vst v0  }
0x279: {  	[tilespmem:$0x2148] =	vst v0  }
0x27a: {  	[tilespmem:$0x2158] =	vst v0  }
0x27b: {  	[tilespmem:$0x2168] =	vst v0  }
0x27c: {  	[tilespmem:$0x2178] =	vst v0  }
0x27d: {  	[tilespmem:$0x2188] =	vst v0  }
0x27e: {  	[tilespmem:$0x2198] =	vst v0  }
0x27f: {  	[tilespmem:$0x21A8] =	vst v0  }
0x280: {  	[tilespmem:$0x21B8] =	vst v0  }
0x281: {  	[tilespmem:$0x21C8] =	vst v0  }
0x282: {  	[tilespmem:$0x21D8] =	vst v0  }
0x283: {  	[tilespmem:$0x21E8] =	vst v0  }
0x284: {  	[tilespmem:$0x21F8] =	vst v0  }
0x285: {  	[tilespmem:$0x2208] =	vst v0  }
0x286: {  	[tilespmem:$0x2218] =	vst v0  }
0x287: {  	[tilespmem:$0x2228] =	vst v0  }
0x288: {  	[tilespmem:$0x2238] =	vst v0  }
0x289: {  	[tilespmem:$0x2248] =	vst v0  }
0x28a: {  	[tilespmem:$0x2258] =	vst v0  }
0x28b: {  	[tilespmem:$0x2268] =	vst v0  }
0x28c: {  	[tilespmem:$0x2278] =	vst v0  }
0x28d: {  	[tilespmem:$0x2288] =	vst v0  }
0x28e: {  	[tilespmem:$0x2298] =	vst v0  }
0x28f: {  	[tilespmem:$0x22A8] =	vst v0  }
0x290: {  	[tilespmem:$0x22B8] =	vst v0  }
0x291: {  	[tilespmem:$0x22C8] =	vst v0  }
0x292: {  	[tilespmem:$0x22D8] =	vst v0  }
0x293: {  	[tilespmem:$0x22E8] =	vst v0  }
0x294: {  	[tilespmem:$0x22F8] =	vst v0  }
0x295: {  	[tilespmem:$0x2308] =	vst v0  }
0x296: {  	[tilespmem:$0x2318] =	vst v0  }
0x297: {  	[tilespmem:$0x2328] =	vst v0  }
0x298: {  	[tilespmem:$0x2338] =	vst v0  }
0x299: {  	[tilespmem:$0x2348] =	vst v0  }
0x29a: {  	[tilespmem:$0x2358] =	vst v0  }
0x29b: {  	[tilespmem:$0x2368] =	vst v0  }
0x29c: {  	[tilespmem:$0x2378] =	vst v0  }
0x29d: {  	[tilespmem:$0x23A8] =	vst v0  }
0x29e: {  	[tilespmem:$0x23B8] =	vst v0  }
0x29f: {  	[tilespmem:$0x23C8] =	vst v0  }
0x2a0: {  	[tilespmem:$0x23D8] =	vst v0  }
0x2a1: {  	[tilespmem:$0x23E8] =	vst v0  }
0x2a2: {  	[tilespmem:$0x23F8] =	vst v0  }
0x2a3: {  	[tilespmem:$0x2408] =	vst v0  }
0x2a4: {  	[tilespmem:$0x2418] =	vst v0  }
0x2a5: {  	[tilespmem:$0x2428] =	vst v0  }
0x2a6: {  	[tilespmem:$0x2438] =	vst v0  }
0x2a7: {  	[tilespmem:$0x2448] =	vst v0  }
0x2a8: {  	[tilespmem:$0x2458] =	vst v0  }
0x2a9: {  	[tilespmem:$0x2468] =	vst v0  }
0x2aa: {  	[tilespmem:$0x2478] =	vst v0  }
0x2ab: {  	[tilespmem:$0x2488] =	vst v0  }
0x2ac: {  	[tilespmem:$0x2498] =	vst v0  }
0x2ad: {  	[tilespmem:$0x24A8] =	vst v0  }
0x2ae: {  	[tilespmem:$0x24B8] =	vst v0  }
0x2af: {  	[tilespmem:$0x24C8] =	vst v0  }
0x2b0: {  	[tilespmem:$0x24D8] =	vst v0  }
0x2b1: {  	[tilespmem:$0x24E8] =	vst v0  }
0x2b2: {  	[tilespmem:$0x24F8] =	vst v0  }
0x2b3: {  	[tilespmem:$0x2508] =	vst v0  }
0x2b4: {  	[tilespmem:$0x2518] =	vst v0  }
0x2b5: {  	[tilespmem:$0x2528] =	vst v0  }
0x2b6: {  	[tilespmem:$0x2538] =	vst v0  }
0x2b7: {  	[tilespmem:$0x2548] =	vst v0  }
0x2b8: {  	[tilespmem:$0x2558] =	vst v0  }
0x2b9: {  	[tilespmem:$0x2568] =	vst v0  }
0x2ba: {  	[tilespmem:$0x2578] =	vst v0  }
0x2bb: {  	[tilespmem:$0x2588] =	vst v0  }
0x2bc: {  	[tilespmem:$0x2598] =	vst v0  }
0x2bd: {  	[tilespmem:$0x25A8] =	vst v0  }
0x2be: {  	[tilespmem:$0x25B8] =	vst v0  }
0x2bf: {  	[tilespmem:$0x25C8] =	vst v0  }
0x2c0: {  	[tilespmem:$0x25D8] =	vst v0  }
0x2c1: {  	[tilespmem:$0x25E8] =	vst v0  }
0x2c2: {  	[tilespmem:$0x25F8] =	vst v0  }
0x2c3: {  	[tilespmem:$0x2608] =	vst v0  }
0x2c4: {  	[tilespmem:$0x2618] =	vst v0  }
0x2c5: {  	[tilespmem:$0x2628] =	vst v0  }
0x2c6: {  	[tilespmem:$0x2638] =	vst v0  }
0x2c7: {  	[tilespmem:$0x2648] =	vst v0  }
0x2c8: {  	[tilespmem:$0x2658] =	vst v0  }
0x2c9: {  	[tilespmem:$0x2668] =	vst v0  }
0x2ca: {  	[tilespmem:$0x2678] =	vst v0  }
0x2cb: {  	[tilespmem:$0x2688] =	vst v0  }
0x2cc: {  	[tilespmem:$0x2698] =	vst v0  }
0x2cd: {  	[tilespmem:$0x26A8] =	vst v0  }
0x2ce: {  	[tilespmem:$0x26B8] =	vst v0  }
0x2cf: {  	[tilespmem:$0x26C8] =	vst v0  }
0x2d0: {  	[tilespmem:$0x26D8] =	vst v0  }
0x2d1: {  	[tilespmem:$0x26E8] =	vst v0  }
0x2d2: {  	[tilespmem:$0x26F8] =	vst v0  }
0x2d3: {  	[tilespmem:$0x2708] =	vst v0  }
0x2d4: {  	[tilespmem:$0x2718] =	vst v0  }
0x2d5: {  	[tilespmem:$0x2728] =	vst v0  }
0x2d6: {  	[tilespmem:$0x2738] =	vst v0  }
0x2d7: {  	[tilespmem:$0x2748] =	vst v0  }
0x2d8: {  	[tilespmem:$0x2758] =	vst v0  }
0x2d9: {  	[tilespmem:$0x2768] =	vst v0  }
0x2da: {  	[tilespmem:$0x2778] =	vst v0  }
0x2db: {  	[tilespmem:$0x2788] =	vst v0  }
0x2dc: {  	[tilespmem:$0x2798] =	vst v0  }
0x2dd: {  	[tilespmem:$0x27A8] =	vst v0  }
0x2de: {  	[tilespmem:$0x27B8] =	vst v0  }
0x2df: {  	[tilespmem:$0x27C8] =	vst v0  }
0x2e0: {  	[tilespmem:$0x27D8] =	vst v0  }
0x2e1: {  	[tilespmem:$0x27E8] =	vst v0  }
0x2e2: {  	[tilespmem:$0x27F8] =	vst v0  }
0x2e3: {  	[tilespmem:$0x2808] =	vst v0  }
0x2e4: {  	[tilespmem:$0x2818] =	vst v0  }
0x2e5: {  	[tilespmem:$0x2828] =	vst v0  }
0x2e6: {  	[tilespmem:$0x2838] =	vst v0  }
0x2e7: {  	[tilespmem:$0x2848] =	vst v0  }
0x2e8: {  	[tilespmem:$0x2858] =	vst v0  }
0x2e9: {  	[tilespmem:$0x2868] =	vst v0  }
0x2ea: {  	[tilespmem:$0x2878] =	vst v0  }
0x2eb: {  	[tilespmem:$0x2888] =	vst v0  }
0x2ec: {  	[tilespmem:$0x2898] =	vst v0  }
0x2ed: {  	[tilespmem:$0x28A8] =	vst v0  }
0x2ee: {  	[tilespmem:$0x28B8] =	vst v0  }
0x2ef: {  	[tilespmem:$0x28C8] =	vst v0  }
0x2f0: {  	[tilespmem:$0x28D8] =	vst v0  }
0x2f1: {  	[tilespmem:$0x28E8] =	vst v0  }
0x2f2: {  	[tilespmem:$0x28F8] =	vst v0  }
0x2f3: {  	[tilespmem:$0x2908] =	vst v0  }
0x2f4: {  	[tilespmem:$0x2918] =	vst v0  }
0x2f5: {  	[tilespmem:$0x2928] =	vst v0  }
0x2f6: {  	[tilespmem:$0x2938] =	vst v0  }
0x2f7: {  	[tilespmem:$0x2948] =	vst v0  }
0x2f8: {  	[tilespmem:$0x2958] =	vst v0  }
0x2f9: {  	[tilespmem:$0x2968] =	vst v0  }
0x2fa: {  	[tilespmem:$0x2978] =	vst v0  }
0x2fb: {  	[tilespmem:$0x2988] =	vst v0  }
0x2fc: {  	[tilespmem:$0x2998] =	vst v0  }
0x2fd: {  	[tilespmem:$0x29A8] =	vst v0  }
0x2fe: {  	[tilespmem:$0x29B8] =	vst v0  }
0x2ff: {  	[tilespmem:$0x29C8] =	vst v0  }
0x300: {  	[tilespmem:$0x29D8] =	vst v0  }
0x301: {  	[tilespmem:$0x29E8] =	vst v0  }
0x302: {  	[tilespmem:$0x29F8] =	vst v0  }
0x303: {  	[tilespmem:$0x2A08] =	vst v0  }
0x304: {  	[tilespmem:$0x2A18] =	vst v0  }
0x305: {  	[tilespmem:$0x2A28] =	vst v0  }
0x306: {  	[tilespmem:$0x2A38] =	vst v0  }
0x307: {  	[tilespmem:$0x2A48] =	vst v0  }
0x308: {  	[tilespmem:$0x2A58] =	vst v0  }
0x309: {  	[tilespmem:$0x2A68] =	vst v0  }
0x30a: {  	[tilespmem:$0x2A78] =	vst v0  }
0x30b: {  	[tilespmem:$0x2A88] =	vst v0  }
0x30c: {  	[tilespmem:$0x2A98] =	vst v0  }
0x30d: {  	[tilespmem:$0x2AA8] =	vst v0  }
0x30e: {  	[tilespmem:$0x2AB8] =	vst v0  }
0x30f: {  	[tilespmem:$0x2AC8] =	vst v0  }
0x310: {  	[tilespmem:$0x2AD8] =	vst v0  }
0x311: {  	[tilespmem:$0x2AE8] =	vst v0  }
0x312: {  	[tilespmem:$0x2AF8] =	vst v0  }
0x313: {  	[tilespmem:$0x2B08] =	vst v0  }
0x314: {  	[tilespmem:$0x2B18] =	vst v0  }
0x315: {  	[tilespmem:$0x2B28] =	vst v0  }
0x316: {  	[tilespmem:$0x2B38] =	vst v0  }
0x317: {  	[tilespmem:$0x2B48] =	vst v0  }
0x318: {  	[tilespmem:$0x2B58] =	vst v0  }
0x319: {  	[tilespmem:$0x2B68] =	vst v0  }
0x31a: {  	[tilespmem:$0x2B78] =	vst v0  }
0x31b: {  	[tilespmem:$0x2B88] =	vst v0  }
0x31c: {  	[tilespmem:$0x2B98] =	vst v0  }
0x31d: {  	[tilespmem:$0x2BA8] =	vst v0  }
0x31e: {  	[tilespmem:$0x2BB8] =	vst v0  }
0x31f: {  	[tilespmem:$0x2BC8] =	vst v0  }
0x320: {  	[tilespmem:$0x2BD8] =	vst v0  }
0x321: {  	[tilespmem:$0x2BE8] =	vst v0  }
0x322: {  	[tilespmem:$0x2BF8] =	vst v0  }
0x323: {  	[tilespmem:$0x2C08] =	vst v0  }
0x324: {  	[tilespmem:$0x2C18] =	vst v0  }
0x325: {  	[tilespmem:$0x2C28] =	vst v0  }
0x326: {  	[tilespmem:$0x2C38] =	vst v0  }
0x327: {  	[tilespmem:$0x2C48] =	vst v0  }
0x328: {  	[tilespmem:$0x2C58] =	vst v0  }
0x329: {  	[tilespmem:$0x2C68] =	vst v0  }
0x32a: {  	[tilespmem:$0x2C78] =	vst v0  }
0x32b: {  	[tilespmem:$0x2C88] =	vst v0  }
0x32c: {  	[tilespmem:$0x2C98] =	vst v0  }
0x32d: {  	[tilespmem:$0x2CA8] =	vst v0  }
0x32e: {  	[tilespmem:$0x2CB8] =	vst v0  }
0x32f: {  	[tilespmem:$0x2CC8] =	vst v0  }
0x330: {  	[tilespmem:$0x2CD8] =	vst v0  }
0x331: {  	[tilespmem:$0x2CE8] =	vst v0  }
0x332: {  	[tilespmem:$0x2CF8] =	vst v0  }
0x333: {  	[tilespmem:$0x2D08] =	vst v0  }
0x334: {  	[tilespmem:$0x2D18] =	vst v0  }
0x335: {  	[tilespmem:$0x2D28] =	vst v0  }
0x336: {  	[tilespmem:$0x2D38] =	vst v0  }
0x337: {  	[tilespmem:$0x2D48] =	vst v0  }
0x338: {  	[tilespmem:$0x2D58] =	vst v0  }
0x339: {  	[tilespmem:$0x2D68] =	vst v0  }
0x33a: {  	[tilespmem:$0x2D78] =	vst v0  }
0x33b: {  	[tilespmem:$0x2D88] =	vst v0  }
0x33c: {  	[tilespmem:$0x2D98] =	vst v0  }
0x33d: {  	[tilespmem:$0x2DA8] =	vst v0  }
0x33e: {  	[tilespmem:$0x2DB8] =	vst v0  }
0x33f: {  	[tilespmem:$0x2DC8] =	vst v0  }
0x340: {  	[tilespmem:$0x2DD8] =	vst v0  }
0x341: {  	[tilespmem:$0x2DE8] =	vst v0  }
0x342: {  	[tilespmem:$0x2DF8] =	vst v0  }
0x343: {  	[tilespmem:$0x2E08] =	vst v0  }
0x344: {  	[tilespmem:$0x2E18] =	vst v0  }
0x345: {  	[tilespmem:$0x2E28] =	vst v0  }
0x346: {  	[tilespmem:$0x2E38] =	vst v0  }
0x347: {  	[tilespmem:$0x2E48] =	vst v0  }
0x348: {  	[tilespmem:$0x2E58] =	vst v0  }
0x349: {  	[tilespmem:$0x2E68] =	vst v0  }
0x34a: {  	[tilespmem:$0x2E78] =	vst v0  }
0x34b: {  	[tilespmem:$0x2E88] =	vst v0  }
0x34c: {  	[tilespmem:$0x2E98] =	vst v0  }
0x34d: {  	[tilespmem:$0x2EA8] =	vst v0  }
0x34e: {  	[tilespmem:$0x2EB8] =	vst v0  }
0x34f: {  	[tilespmem:$0x2EC8] =	vst v0  }
0x350: {  	[tilespmem:$0x2ED8] =	vst v0  }
0x351: {  	[tilespmem:$0x2EE8] =	vst v0  }
0x352: {  	[tilespmem:$0x2EF8] =	vst v0  }
0x353: {  	[tilespmem:$0x2F08] =	vst v0  }
0x354: {  	[tilespmem:$0x2F18] =	vst v0  }
0x355: {  	[tilespmem:$0x2F28] =	vst v0  }
0x356: {  	[tilespmem:$0x2F38] =	vst v0  }
0x357: {  	[tilespmem:$0x2F48] =	vst v0  }
0x358: {  	[tilespmem:$0x2F58] =	vst v0  }
0x359: {  	[tilespmem:$0x2F68] =	vst v0  }
0x35a: {  	[tilespmem:$0x2F78] =	vst v0  }
0x35b: {  	[tilespmem:$0x2F88] =	vst v0  }
0x35c: {  	[tilespmem:$0x2F98] =	vst v0  }
0x35d: {  	[tilespmem:$0x2FA8] =	vst v0  }
0x35e: {  	[tilespmem:$0x2FB8] =	vst v0  }
0x35f: {  	[tilespmem:$0x2FC8] =	vst v0  }
0x360: {  	[tilespmem:$0x2FD8] =	vst v0  }
0x361: {  	[tilespmem:$0x2FE8] =	vst v0  }
0x362: {  	[tilespmem:$0x2FF8] =	vst v0  }
0x363: {  	[tilespmem:$0x3008] =	vst v0  }
0x364: {  	[tilespmem:$0x3018] =	vst v0  }
0x365: {  	[tilespmem:$0x3028] =	vst v0  }
0x366: {  	[tilespmem:$0x3038] =	vst v0  }
0x367: {  	[tilespmem:$0x3048] =	vst v0  }
0x368: {  	[tilespmem:$0x3058] =	vst v0  }
0x369: {  	[tilespmem:$0x3068] =	vst v0  }
0x36a: {  	[tilespmem:$0x3078] =	vst v0  }
0x36b: {  	[tilespmem:$0x3088] =	vst v0  }
0x36c: {  	[tilespmem:$0x3098] =	vst v0  }
0x36d: {  	[tilespmem:$0x30A8] =	vst v0  }
0x36e: {  	[tilespmem:$0x30B8] =	vst v0  }
0x36f: {  	[tilespmem:$0x30C8] =	vst v0  }
0x370: {  	[tilespmem:$0x30D8] =	vst v0  }
0x371: {  	[tilespmem:$0x30E8] =	vst v0  }
0x372: {  	[tilespmem:$0x30F8] =	vst v0  }
0x373: {  	[tilespmem:$0x3108] =	vst v0  }
0x374: {  	[tilespmem:$0x3118] =	vst v0  }
0x375: {  	[tilespmem:$0x3128] =	vst v0  }
0x376: {  	[tilespmem:$0x3138] =	vst v0  }
0x377: {  	[tilespmem:$0x3148] =	vst v0  }
0x378: {  	[tilespmem:$0x3158] =	vst v0  }
0x379: {  	[tilespmem:$0x3168] =	vst v0  }
0x37a: {  	[tilespmem:$0x3178] =	vst v0  }
0x37b: {  	[tilespmem:$0x3188] =	vst v0  }
0x37c: {  	[tilespmem:$0x3198] =	vst v0  }
0x37d: {  	[tilespmem:$0x31A8] =	vst v0  }
0x37e: {  	[tilespmem:$0x31B8] =	vst v0  }
0x37f: {  	[tilespmem:$0x31C8] =	vst v0  }
0x380: {  	[tilespmem:$0x31D8] =	vst v0  }
0x381: {  	[tilespmem:$0x31E8] =	vst v0  }
0x382: {  	[tilespmem:$0x31F8] =	vst v0  }
0x383: {  	[tilespmem:$0x3208] =	vst v0  }
0x384: {  	[tilespmem:$0x3218] =	vst v0  }
0x385: {  	[tilespmem:$0x3228] =	vst v0  }
0x386: {  	[tilespmem:$0x3238] =	vst v0  }
0x387: {  	[tilespmem:$0x3248] =	vst v0  }
0x388: {  	[tilespmem:$0x3258] =	vst v0  }
0x389: {  	[tilespmem:$0x3268] =	vst v0  }
0x38a: {  	[tilespmem:$0x3278] =	vst v0  }
0x38b: {  	[tilespmem:$0x3288] =	vst v0  }
0x38c: {  	[tilespmem:$0x3298] =	vst v0  }
0x38d: {  	[tilespmem:$0x32A8] =	vst v0  }
0x38e: {  	[tilespmem:$0x32B8] =	vst v0  }
0x38f: {  	[tilespmem:$0x32C8] =	vst v0  }
0x390: {  	[tilespmem:$0x32D8] =	vst v0  }
0x391: {  	[tilespmem:$0x32E8] =	vst v0  }
0x392: {  	[tilespmem:$0x32F8] =	vst v0  }
0x393: {  	[tilespmem:$0x3308] =	vst v0  }
0x394: {  	[tilespmem:$0x3318] =	vst v0  }
0x395: {  	[tilespmem:$0x3328] =	vst v0  }
0x396: {  	[tilespmem:$0x3338] =	vst v0  }
0x397: {  	[tilespmem:$0x3348] =	vst v0  }
0x398: {  	[tilespmem:$0x3358] =	vst v0  }
0x399: {  	[tilespmem:$0x3368] =	vst v0  }
0x39a: {  	[tilespmem:$0x3378] =	vst v0  }
0x39b: {  	[tilespmem:$0x3388] =	vst v0  }
0x39c: {  	[tilespmem:$0x3398] =	vst v0  }
0x39d: {  	[tilespmem:$0x3448] =	vst v0  }
0x39e: {  	[tilespmem:$0x4288] =	vst v0  }
0x39f: {  	[tilespmem:$0x4278] =	vst v0  }
0x3a0: {  	[tilespmem:$0x4268] =	vst v0  }
0x3a1: {  	[tilespmem:$0x4258] =	vst v0  }
0x3a2: {  	[tilespmem:$0x4248] =	vst v0  }
0x3a3: {  	[tilespmem:$0x4238] =	vst v0  }
0x3a4: {  	[tilespmem:$0x4228] =	vst v0  }
0x3a5: {  	[tilespmem:$0x4218] =	vst v0  }
0x3a6: {  	[tilespmem:$0x4208] =	vst v0  }
0x3a7: {  	[tilespmem:$0x41F8] =	vst v0  }
0x3a8: {  	[tilespmem:$0x41E8] =	vst v0  }
0x3a9: {  	[tilespmem:$0x41D8] =	vst v0  }
0x3aa: {  	[tilespmem:$0x41C8] =	vst v0  }
0x3ab: {  	[tilespmem:$0x41B8] =	vst v0  }
0x3ac: {  	[tilespmem:$0x41A8] =	vst v0  }
0x3ad: {  	[tilespmem:$0x4198] =	vst v0  }
0x3ae: {  	[tilespmem:$0x4188] =	vst v0  }
0x3af: {  	[tilespmem:$0x4178] =	vst v0  }
0x3b0: {  	[tilespmem:$0x4168] =	vst v0  }
0x3b1: {  	[tilespmem:$0x4158] =	vst v0  }
0x3b2: {  	[tilespmem:$0x4148] =	vst v0  }
0x3b3: {  	[tilespmem:$0x4138] =	vst v0  }
0x3b4: {  	[tilespmem:$0x4128] =	vst v0  }
0x3b5: {  	[tilespmem:$0x4118] =	vst v0  }
0x3b6: {  	[tilespmem:$0x4108] =	vst v0  }
0x3b7: {  	[tilespmem:$0x40F8] =	vst v0  }
0x3b8: {  	[tilespmem:$0x40E8] =	vst v0  }
0x3b9: {  	[tilespmem:$0x40D8] =	vst v0  }
0x3ba: {  	[tilespmem:$0x40C8] =	vst v0  }
0x3bb: {  	[tilespmem:$0x40B8] =	vst v0  }
0x3bc: {  	[tilespmem:$0x40A8] =	vst v0  }
0x3bd: {  	[tilespmem:$0x4098] =	vst v0  }
0x3be: {  	[tilespmem:$0x4088] =	vst v0  }
0x3bf: {  	[tilespmem:$0x4078] =	vst v0  }
0x3c0: {  	[tilespmem:$0x4068] =	vst v0  }
0x3c1: {  	[tilespmem:$0x4058] =	vst v0  }
0x3c2: {  	[tilespmem:$0x4048] =	vst v0  }
0x3c3: {  	[tilespmem:$0x4038] =	vst v0  }
0x3c4: {  	[tilespmem:$0x4028] =	vst v0  }
0x3c5: {  	[tilespmem:$0x4018] =	vst v0  }
0x3c6: {  	[tilespmem:$0x4008] =	vst v0  }
0x3c7: {  	[tilespmem:$0x3FF8] =	vst v0  }
0x3c8: {  	[tilespmem:$0x3FE8] =	vst v0  }
0x3c9: {  	[tilespmem:$0x3FD8] =	vst v0  }
0x3ca: {  	[tilespmem:$0x3FC8] =	vst v0  }
0x3cb: {  	[tilespmem:$0x3FB8] =	vst v0  }
0x3cc: {  	[tilespmem:$0x3FA8] =	vst v0  }
0x3cd: {  	[tilespmem:$0x3F98] =	vst v0  }
0x3ce: {  	[tilespmem:$0x3F88] =	vst v0  }
0x3cf: {  	[tilespmem:$0x3F78] =	vst v0  }
0x3d0: {  	[tilespmem:$0x3F68] =	vst v0  }
0x3d1: {  	[tilespmem:$0x3F58] =	vst v0  }
0x3d2: {  	[tilespmem:$0x3F48] =	vst v0  }
0x3d3: {  	[tilespmem:$0x3F38] =	vst v0  }
0x3d4: {  	[tilespmem:$0x3F28] =	vst v0  }
0x3d5: {  	[tilespmem:$0x3F18] =	vst v0  }
0x3d6: {  	[tilespmem:$0x3F08] =	vst v0  }
0x3d7: {  	[tilespmem:$0x3EF8] =	vst v0  }
0x3d8: {  	[tilespmem:$0x3EE8] =	vst v0  }
0x3d9: {  	[tilespmem:$0x3ED8] =	vst v0  }
0x3da: {  	[tilespmem:$0x3EC8] =	vst v0  }
0x3db: {  	[tilespmem:$0x3EB8] =	vst v0  }
0x3dc: {  	[tilespmem:$0x3EA8] =	vst v0  }
0x3dd: {  	[tilespmem:$0x3E98] =	vst v0  }
0x3de: {  	[tilespmem:$0x3E88] =	vst v0  }
0x3df: {  	[tilespmem:$0x3E78] =	vst v0  }
0x3e0: {  	[tilespmem:$0x3E68] =	vst v0  }
0x3e1: {  	[tilespmem:$0x3E58] =	vst v0  }
0x3e2: {  	[tilespmem:$0x3E48] =	vst v0  }
0x3e3: {  	[tilespmem:$0x3E38] =	vst v0  }
0x3e4: {  	[tilespmem:$0x3E28] =	vst v0  }
0x3e5: {  	[tilespmem:$0x3E18] =	vst v0  }
0x3e6: {  	[tilespmem:$0x3E08] =	vst v0  }
0x3e7: {  	[tilespmem:$0x3DF8] =	vst v0  }
0x3e8: {  	[tilespmem:$0x3DE8] =	vst v0  }
0x3e9: {  	[tilespmem:$0x3DD8] =	vst v0  }
0x3ea: {  	[tilespmem:$0x3DC8] =	vst v0  }
0x3eb: {  	[tilespmem:$0x3DB8] =	vst v0  }
0x3ec: {  	[tilespmem:$0x3DA8] =	vst v0  }
0x3ed: {  	[tilespmem:$0x3D98] =	vst v0  }
0x3ee: {  	[tilespmem:$0x3D88] =	vst v0  }
0x3ef: {  	[tilespmem:$0x3D78] =	vst v0  }
0x3f0: {  	[tilespmem:$0x3D68] =	vst v0  }
0x3f1: {  	[tilespmem:$0x3D58] =	vst v0  }
0x3f2: {  	[tilespmem:$0x3D48] =	vst v0  }
0x3f3: {  	[tilespmem:$0x3D38] =	vst v0  }
0x3f4: {  	[tilespmem:$0x3D28] =	vst v0  }
0x3f5: {  	[tilespmem:$0x3D18] =	vst v0  }
0x3f6: {  	[tilespmem:$0x3D08] =	vst v0  }
0x3f7: {  	[tilespmem:$0x3CF8] =	vst v0  }
0x3f8: {  	[tilespmem:$0x3CE8] =	vst v0  }
0x3f9: {  	[tilespmem:$0x3CD8] =	vst v0  }
0x3fa: {  	[tilespmem:$0x3CC8] =	vst v0  }
0x3fb: {  	[tilespmem:$0x3CB8] =	vst v0  }
0x3fc: {  	[tilespmem:$0x3CA8] =	vst v0  }
0x3fd: {  	[tilespmem:$0x3C98] =	vst v0  }
0x3fe: {  	[tilespmem:$0x3C88] =	vst v0  }
0x3ff: {  	[tilespmem:$0x3C78] =	vst v0  }
0x400: {  	[tilespmem:$0x3C68] =	vst v0  }
0x401: {  	[tilespmem:$0x3C58] =	vst v0  }
0x402: {  	[tilespmem:$0x3C48] =	vst v0  }
0x403: {  	[tilespmem:$0x3C38] =	vst v0  }
0x404: {  	[tilespmem:$0x3C28] =	vst v0  }
0x405: {  	[tilespmem:$0x3C18] =	vst v0  }
0x406: {  	[tilespmem:$0x3C08] =	vst v0  }
0x407: {  	[tilespmem:$0x3BF8] =	vst v0  }
0x408: {  	[tilespmem:$0x3BE8] =	vst v0  }
0x409: {  	[tilespmem:$0x3BD8] =	vst v0  }
0x40a: {  	[tilespmem:$0x3BC8] =	vst v0  }
0x40b: {  	[tilespmem:$0x3BB8] =	vst v0  }
0x40c: {  	[tilespmem:$0x3BA8] =	vst v0  }
0x40d: {  	[tilespmem:$0x3B98] =	vst v0  }
0x40e: {  	[tilespmem:$0x3B88] =	vst v0  }
0x40f: {  	[tilespmem:$0x3B78] =	vst v0  }
0x410: {  	[tilespmem:$0x3B68] =	vst v0  }
0x411: {  	[tilespmem:$0x3B58] =	vst v0  }
0x412: {  	[tilespmem:$0x3B48] =	vst v0  }
0x413: {  	[tilespmem:$0x3B38] =	vst v0  }
0x414: {  	[tilespmem:$0x3B28] =	vst v0  }
0x415: {  	[tilespmem:$0x3B18] =	vst v0  }
0x416: {  	[tilespmem:$0x3B08] =	vst v0  }
0x417: {  	[tilespmem:$0x3AF8] =	vst v0  }
0x418: {  	[tilespmem:$0x3AE8] =	vst v0  }
0x419: {  	[tilespmem:$0x3AD8] =	vst v0  }
0x41a: {  	[tilespmem:$0x3AC8] =	vst v0  }
0x41b: {  	[tilespmem:$0x3AB8] =	vst v0  }
0x41c: {  	[tilespmem:$0x3AA8] =	vst v0  }
0x41d: {  	[tilespmem:$0x3A98] =	vst v0  }
0x41e: {  	[tilespmem:$0x3A88] =	vst v0  }
0x41f: {  	[tilespmem:$0x3A78] =	vst v0  }
0x420: {  	[tilespmem:$0x3A68] =	vst v0  }
0x421: {  	[tilespmem:$0x3A58] =	vst v0  }
0x422: {  	[tilespmem:$0x3A48] =	vst v0  }
0x423: {  	[tilespmem:$0x3A38] =	vst v0  }
0x424: {  	[tilespmem:$0x3A28] =	vst v0  }
0x425: {  	[tilespmem:$0x3A18] =	vst v0  }
0x426: {  	[tilespmem:$0x3A08] =	vst v0  }
0x427: {  	[tilespmem:$0x39F8] =	vst v0  }
0x428: {  	[tilespmem:$0x39E8] =	vst v0  }
0x429: {  	[tilespmem:$0x39D8] =	vst v0  }
0x42a: {  	[tilespmem:$0x39C8] =	vst v0  }
0x42b: {  	[tilespmem:$0x39B8] =	vst v0  }
0x42c: {  	[tilespmem:$0x39A8] =	vst v0  }
0x42d: {  	[tilespmem:$0x3998] =	vst v0  }
0x42e: {  	[tilespmem:$0x3988] =	vst v0  }
0x42f: {  	[tilespmem:$0x3978] =	vst v0  }
0x430: {  	[tilespmem:$0x3968] =	vst v0  }
0x431: {  	[tilespmem:$0x3958] =	vst v0  }
0x432: {  	[tilespmem:$0x3948] =	vst v0  }
0x433: {  	[tilespmem:$0x3938] =	vst v0  }
0x434: {  	[tilespmem:$0x3928] =	vst v0  }
0x435: {  	[tilespmem:$0x3918] =	vst v0  }
0x436: {  	[tilespmem:$0x3908] =	vst v0  }
0x437: {  	[tilespmem:$0x38F8] =	vst v0  }
0x438: {  	[tilespmem:$0x38E8] =	vst v0  }
0x439: {  	[tilespmem:$0x38D8] =	vst v0  }
0x43a: {  	[tilespmem:$0x38C8] =	vst v0  }
0x43b: {  	[tilespmem:$0x38B8] =	vst v0  }
0x43c: {  	[tilespmem:$0x38A8] =	vst v0  }
0x43d: {  	[tilespmem:$0x3898] =	vst v0  }
0x43e: {  	[tilespmem:$0x3888] =	vst v0  }
0x43f: {  	[tilespmem:$0x3878] =	vst v0  }
0x440: {  	[tilespmem:$0x3868] =	vst v0  }
0x441: {  	[tilespmem:$0x3858] =	vst v0  }
0x442: {  	[tilespmem:$0x3848] =	vst v0  }
0x443: {  	[tilespmem:$0x3838] =	vst v0  }
0x444: {  	[tilespmem:$0x3828] =	vst v0  }
0x445: {  	[tilespmem:$0x3818] =	vst v0  }
0x446: {  	[tilespmem:$0x3808] =	vst v0  }
0x447: {  	[tilespmem:$0x37F8] =	vst v0  }
0x448: {  	[tilespmem:$0x37E8] =	vst v0  }
0x449: {  	[tilespmem:$0x37D8] =	vst v0  }
0x44a: {  	[tilespmem:$0x37C8] =	vst v0  }
0x44b: {  	[tilespmem:$0x37B8] =	vst v0  }
0x44c: {  	[tilespmem:$0x37A8] =	vst v0  }
0x44d: {  	[tilespmem:$0x3798] =	vst v0  }
0x44e: {  	[tilespmem:$0x3788] =	vst v0  }
0x44f: {  	[tilespmem:$0x3778] =	vst v0  }
0x450: {  	[tilespmem:$0x3768] =	vst v0  }
0x451: {  	[tilespmem:$0x3758] =	vst v0  }
0x452: {  	[tilespmem:$0x3748] =	vst v0  }
0x453: {  	[tilespmem:$0x3738] =	vst v0  }
0x454: {  	[tilespmem:$0x3728] =	vst v0  }
0x455: {  	[tilespmem:$0x3718] =	vst v0  }
0x456: {  	[tilespmem:$0x3708] =	vst v0  }
0x457: {  	[tilespmem:$0x36F8] =	vst v0  }
0x458: {  	[tilespmem:$0x36E8] =	vst v0  }
0x459: {  	[tilespmem:$0x36D8] =	vst v0  }
0x45a: {  	[tilespmem:$0x36C8] =	vst v0  }
0x45b: {  	[tilespmem:$0x36B8] =	vst v0  }
0x45c: {  	[tilespmem:$0x36A8] =	vst v0  }
0x45d: {  	[tilespmem:$0x3698] =	vst v0  }
0x45e: {  	[tilespmem:$0x3688] =	vst v0  }
0x45f: {  	[tilespmem:$0x3678] =	vst v0  }
0x460: {  	[tilespmem:$0x3668] =	vst v0  }
0x461: {  	[tilespmem:$0x3658] =	vst v0  }
0x462: {  	[tilespmem:$0x3648] =	vst v0  }
0x463: {  	[tilespmem:$0x3638] =	vst v0  }
0x464: {  	[tilespmem:$0x3628] =	vst v0  }
0x465: {  	[tilespmem:$0x3618] =	vst v0  }
0x466: {  	[tilespmem:$0x3608] =	vst v0  }
0x467: {  	[tilespmem:$0x35F8] =	vst v0  }
0x468: {  	[tilespmem:$0x35E8] =	vst v0  }
0x469: {  	[tilespmem:$0x35D8] =	vst v0  }
0x46a: {  	[tilespmem:$0x35C8] =	vst v0  }
0x46b: {  	[tilespmem:$0x35B8] =	vst v0  }
0x46c: {  	[tilespmem:$0x35A8] =	vst v0  }
0x46d: {  	[tilespmem:$0x3598] =	vst v0  }
0x46e: {  	[tilespmem:$0x3588] =	vst v0  }
0x46f: {  	[tilespmem:$0x3578] =	vst v0  }
0x470: {  	[tilespmem:$0x3568] =	vst v0  }
0x471: {  	[tilespmem:$0x3558] =	vst v0  }
0x472: {  	[tilespmem:$0x3548] =	vst v0  }
0x473: {  	[tilespmem:$0x3538] =	vst v0  }
0x474: {  	[tilespmem:$0x3528] =	vst v0  }
0x475: {  	[tilespmem:$0x3518] =	vst v0  }
0x476: {  	[tilespmem:$0x3508] =	vst v0  }
0x477: {  	[tilespmem:$0x34F8] =	vst v0  }
0x478: {  	[tilespmem:$0x34E8] =	vst v0  }
0x479: {  	[tilespmem:$0x34D8] =	vst v0  }
0x47a: {  	[tilespmem:$0x34C8] =	vst v0  }
0x47b: {  	[tilespmem:$0x34B8] =	vst v0  }
0x47c: {  	[tilespmem:$0x34A8] =	vst v0  }
0x47d: {  	[tilespmem:$0x3498] =	vst v0  }
0x47e: {  	[tilespmem:$0x3488] =	vst v0  }
0x47f: {  	s10 =	stileid.u32;
	[tilespmem:$0x3478] =	vst v0  }
0x480: {  	s0 =	smul.u32 $0x1C, s10;
	[tilespmem:$0x3468] =	vst v0  }
0x481: {  	s1 =	smin.u32 s10, $0x7;
	[tilespmem:$0x3458] =	vst v0  }
0x482: {  	[tilespmem:$0x3428] =	vst v0;
	s0 =	sadd.s32 s1, s0  }
0x483: {  	p0 =	slt.u32 s10, $0x7;
	[tilespmem:$0x3438] =	vst v0;
	s1 =	simm.s32 $0x27E0;
	s8 =	smul.u32 $0x160, s0  }
0x484: {  	s1 =	simm.s32 @!p0 $0x2680;
	[tilespmem:$0x3418] =	vst v0  }
0x485: {  	[tilespmem:$0x33B8] =	vst v0;
	s0 =	sadd.s32 s1, s8  }
0x486: {  	s6 =	simm.s32 $0x2;
	s29 =	simm.s32 $0x9;
	[tilespmem:$0x3408] =	vst v0;
	s9 =	smin.u32 s0, $0x27100  }
0x487: {  	s30 =	simm.s32 $0xA;
	s12 =	simm.s32 $0xB;
	[tilespmem:$0x33F8] =	vst v0;
	s0 =	ssub.s32 s9, s8  }
0x488: {  	s18 =	simm.s32 $0x0;
	p1 =	por $0x0, $0x0;
	[tilespmem:$0x33E8] =	vst v0;
	p0 =	sgt.s32 s0, $0x0  }
0x489: {  	s19 =	simm.s32 $0xC;
	s23 =	simm.s32 $0x0;
	[tilespmem:$0x33D8] =	vst v0;
	s0 =	simm.s32 @!p0 $0x0  }
0x48a: {  	s20 =	simm.s32 $0x0;
	s22 =	simm.s32 $0x0;
	[tilespmem:$0x33C8] =	vst v0;
	s28 =	smulhi.u32 $0x2E8BA2E9, s0  }
0x48b: {  	s2 =	sand.u32 $0x1, s2;
	s31 =	smul.u32 $0x180, s10;
	[tilespmem:$0x33A8] =	vst v0;
	[sflag:s6] =	ssyncpa.u1 $0x0  }
0x48c: {  	v0 =	vimm.s32 $0xFFFFFFFF;
	[dreg:$0x4] =	wrdreg s2;
	s2 =	smul.u32 $0x4E20, s2;
	s1 =	sshrl.u32 s28, $0x6  }
0x48d: {  	s5 =	sadd.s32 $0x31C00, s4;
	[tilespmem:$0x84C8] =	vst v0;
	[sflag:s29] =	ssyncpa.u1 $0x0;
	s7 =	smul.u32 $0x160, s1  }
.Ltmp7:
0x48e: {  	s16 =	sshrl.u32 s31, $0x2;
	s2 =	sadd.s32 s2, s4;
	(pc) =	sbr.rel .LBB3_1-.Ltmp7, $4  }
0x48f: {  	[sflag:s30] =	ssyncpa.u1 $0x0;
	p0 =	sne.s32 s0, s7;
	s0 =	simm.s32 $0x1  }
0x490: {  	s4 =	sadd.s32 $0x71400, s4;
	[sflag:s12] =	ssyncpa.u1 $0x0;
	s0 =	simm.s32 @!p0 $0x0  }
0x491: {  	s14 =	sadd.s32 $0x67600, s2;
	s15 =	sadd.s32 $0x5D800, s2;
	s13 =	sadd.s32 s0, s1  }
0x492: {  	v0 =	vlaneseq.u32;
	s21 =	smov.u32 s8;
	p0 =	por $0x1, $0x1;
	s17 =	sadd.s32 $0x1, s13  }
.LBB3_22:
0x493: {  	s0 =	sshrl.u32 s0, $0x2  }
.LBB3_24:
0x494: {  	_ =	swait.ge [sflag:s19], s0  }
0x495: {  	s30 =	ssub.s32 $0x0, s0;
	v1 =	vmov s25;
	vm0 =	veq.s32 v0, $0x0;
	[sflag:s19] =	ssyncset.done $0x0  }
0x496: {  	vm15 =	veq.s32 v0, $0x2;
	v1 =	vsel vm0, s31, v1;
	[sflag:s19] =	ssyncadd.s32 s30  }
0x497: {  	v1 =	vsel vm15, s23, v1;
	[sflag:s19] =	ssyncpa.u1 $0x1  }
0x498: {  	[tilespmem:$0x84C8] =	vst v1  }
.LBB3_25:
0x499: {  	s0 =	sadd.s32 $0x160, s21  }
0x49a: {  	s1 =	smov.u32 s8;
	p2 =	slt.s32 s0, s9  }
0x49b: {  	s1 =	smov.u32 @p2 s0;
	p2 =	sne.s32 s22, s17  }
.Ltmp8:
0x49c: {  	_ = 	snop;
	(pc) =	sbr.rel @!p2 .LBB3_26-.Ltmp8, $4  }
0x49d: {  	_ = 	snop  }
0x49e: {  	s23 =	smov.u32 s20  }
0x49f: {  	s31 =	sadd.s32 $0x1, s22;
	s20 =	smov.u32 s21;
	p0 =	por !p0, !p0  }
0x4a0: {  	p1 =	por !p1, !p1;
	s22 =	smov.u32 s31;
	s21 =	smov.u32 s1  }
.LBB3_1:
0x4a1: {  	p2 =	sge.u32 s22, s13  }
0x4a2: {  	s0 =	smulhi.u32 @!p2 $0xAAAAAAAB, s22  }
0x4a3: {  	s1 =	smov.u32 s21;
	p3 =	sgt.s32 @!p2 s21, $0x26FA0  }
0x4a4: {  	s2 =	sshra.s32 @!p2 s21, $0x1F;
	p3 =	por !p3, p2;
	s0 =	sshrl.u32 @!p2 s0, $0x1  }
0x4a5: {  	s2 =	sand.u32 @!p2 s2, s21;
	s1 =	simm.s32 @p3 $0x26FA0;
	s0 =	smul.u32 @!p2 $0x3, s0  }
0x4a6: {  	s1 =	ssub.s32 @!p2 s1, s2  }
0x4a7: {  	s1 =	sadd.s32 @!p2 $0xFFFD9060, s1;
	s0 =	ssub.s32 @!p2 s22, s0  }
0x4a8: {  	s2 =	sshll.u32 @!p2 s1, $0x2;
	p3 =	sgt.s32 @!p2 s1, $0x15F;
	s0 =	smul.u32 @!p2 $0x580, s0  }
0x4a9: {  	s6 =	sand.u32 @!p2 $0x7, s21;
	s1 =	ssub.s32 @!p2 $0x580, s2;
	p3 =	por !p3, p2  }
0x4aa: {  	s2 =	sshrl.u32 @!p2 s21, $0x3;
	s1 =	sshrl.u32 @!p2 s1, $0x2;
	s0 =	sshrl.u32 @!p2 s0, $0x2  }
0x4ab: {  	s2 =	sadd.s32 @!p2 s2, s14;
	s1 =	simm.s32 @!p3 $0x0;
	s0 =	sadd.s32 @!p2 $0x8B08, s0  }
0x4ac: {  	[tilespmem:s0], [sflag:$0xA] =	stream.linear.gather @!p2 [hbm4b:s2+s6], s1, $0x38;
	[tilespmem:$0x1F1E8] =	vst v63  }
0x4ad: {  	s1 =	sadd.s32 $0xFFFFFFFF, s22  }
0x4ae: {  	p2 =	sge.u32 s1, s13  }
0x4af: {  	p3 =	sgt.s32 @!p2 s20, $0x26FA0  }
0x4b0: {  	s0 =	smov.u32 s20;
	s2 =	sshra.s32 @!p2 s20, $0x1F;
	p3 =	por !p3, p2  }
0x4b1: {  	s2 =	sand.u32 @!p2 s2, s20;
	s0 =	simm.s32 @p3 $0x26FA0  }
0x4b2: {  	s0 =	ssub.s32 @!p2 s0, s2  }
0x4b3: {  	s0 =	sadd.s32 @!p2 $0xFFFD9060, s0  }
0x4b4: {  	s2 =	sshll.u32 @!p2 s0, $0x2  }
0x4b5: {  	p3 =	sgt.s32 @!p2 s0, $0x15F;
	s0 =	ssub.s32 @!p2 $0x580, s2  }
0x4b6: {  	p3 =	por !p3, p2;
	s0 =	sshrl.u32 @!p2 s0, $0x2  }
0x4b7: {  	s6 =	simm.s32 @!p2 $0xA;
	s2 =	sand.u32 @!p2 $0x1, s1;
	s0 =	simm.s32 @!p3 $0x0  }
0x4b8: {  	s2 =	smul.u32 @!p2 $0x580, s2;
	_ =	swait.ge @!p2 [sflag:s6], s0  }
0x4b9: {  	s7 =	ssub.s32 @!p2 $0x0, s0;
	[sflag:s6] =	ssyncset.done @!p2 $0x0  }
0x4ba: {  	s2 =	sshrl.u32 @!p2 s2, $0x2;
	[sflag:s6] =	ssyncadd.s32 @!p2 s7;
	s6 =	sshrl.u32 @!p2 s20, $0x3  }
0x4bb: {  	s2 =	sadd.s32 @!p2 $0x8F28, s2;
	s7 =	sand.u32 @!p2 $0x7, s20;
	s6 =	sadd.s32 @!p2 s6, s15  }
0x4bc: {  	[tilespmem:s2], [sflag:$0xB] =	stream.linear.gather @!p2 [hbm4b:s6+s7], s0, $0x38;
	[tilespmem:$0x1F1E8] =	vst v63  }
0x4bd: {  	s0 =	ssub.s32 @!p2 $0x27100, s20  }
0x4be: {  	p3 =	slt.s32 @!p2 s0, $0x1  }
0x4bf: {  	p3 =	por p2, p3  }
.Ltmp9:
0x4c0: {  	_ = 	snop;
	(pc) =	sbr.rel @p3 .LBB3_7-.Ltmp9, $1  }
0x4c1: {  	_ =	sdelay $0x3  }
0x4c2: {  	s2 =	smulhi.u32 $0xAAAAAAAB, s1;
	_ =	sdelay $0x1  }
0x4c3: {  	s2 =	sshrl.u32 s2, $0x1  }
0x4c4: {  	s2 =	smul.u32 $0x3, s2;
	_ =	sdelay $0x1  }
0x4c5: {  	s29 =	ssub.s32 s1, s2  }
0x4c6: {  	s6 =	simm.s32 $0x1;
	s1 =	smul.u32 $0x580, s29  }
.Ltmp10:
0x4c7: {  	s6 =	simm.s32 @!p0 $0x0;
	(pc) =	sbr.rel .LBB3_4-.Ltmp10, $4  }
0x4c8: {  	s30 =	smul.u32 $0x2C000, s6  }
0x4c9: {  	p3 =	slt.s32 @!p2 s0, $0x160;
	s1 =	sshrl.u32 s1, $0x2  }
0x4ca: {  	p2 =	por !p3, p2;
	s2 =	sshrl.u32 s30, $0x2;
	s31 =	sadd.s32 $0x8B08, s1  }
0x4cb: {  	s24 =	simm.s32 $0x0;
	s0 =	simm.s32 @p2 $0x160;
	s1 =	sadd.s32 $0x91E8, s2;
	v1 =	vmov s31  }
.LBB3_3:
0x4cc: {  	p2 =	sge.s32 s24, s0  }
.Ltmp11:
0x4cd: {  	_ = 	snop;
	(pc) =	sbr.rel @p2 .LBB3_7-.Ltmp11, $2  }
0x4ce: {  	_ =	sdelay $0x2  }
0x4cf: {  	s1 =	sadd.s32 $0x800, s1  }
.LBB3_4:
0x4d0: {  	p2 =	sle.s32 s0, s24  }
.Ltmp12:
0x4d1: {  	_ = 	snop;
	(pc) =	sbr.rel @p2 .LBB3_3-.Ltmp12, $2  }
0x4d2: {  	_ =	sdelay $0x2  }
0x4d3: {  	s2 =	smov.u32 s24;
	s24 =	sadd.s32 $0x10, s24  }
0x4d4: {  	s6 =	ssub.s32 s0, s2  }
0x4d5: {  	p2 =	slt.s32 s6, $0x10  }
0x4d6: {  	s6 =	simm.s32 @!p2 $0x10  }
0x4d7: {  	v2 =	vmov s6  }
0x4d8: {  	vm0 =	vgt.s32 v2, v0;
	_ =	sdelay $0x5  }
0x4d9: {  	v2 =	vld.idx.msk [tilespmem:v1+s2+$0x0 ss:$0x1], vm0;
	_ =	sdelay $0x2  }
0x4da: {  	s7 =	smov.u32 s0;
	p2 =	slt.s32 s24, s0  }
0x4db: {  	s25 =	simm.s32 $0x0;
	s7 =	smov.u32 @p2 s24;
	s6 =	smov.u32 s1  }
.LBB3_6:
0x4dc: {  	(v2sf) =	vpush v2, s25;
	_ =	sdelay $0xc  }
0x4dd: {  	s25 =	sadd.s32 $0x1, s25  }
0x4de: {  	s31 =	sadd.s32 s25, s2  }
0x4df: {  	p2 =	slt.s32 s31, s7;
	s10 =	spop (v2sf)  }
.Ltmp13:
0x4e0: {  	s10 =	sshll.u32 s10, $0x4;
	(pc) =	sbr.rel @p2 .LBB3_6-.Ltmp13, $4  }
0x4e1: {  	s10 =	sand.u32 $0x1FFFFFF0, s10  }
0x4e2: {  	s10 =	sadd.s32 s4, s10  }
0x4e3: {  	[tilespmem:s6], [sflag:$0x9] =	stream.linear.gather [hbm4b:s10+s18], $0x30, $0x38;
	[tilespmem:$0x1F1E8] =	vst v63  }
0x4e4: {  	s6 =	sadd.s32 $0x80, s6  }
.Ltmp14:
0x4e5: {  	_ = 	snop;
	(pc) =	sbr.rel .LBB3_3-.Ltmp14, $1  }
0x4e6: {  	_ =	sdelay $0x3  }
.LBB3_7:
0x4e7: {  	p2 =	slt.u32 s22, $0x2  }
.Ltmp15:
0x4e8: {  	_ = 	snop;
	(pc) =	sbr.rel @p2 .LBB3_25-.Ltmp15, $1  }
0x4e9: {  	_ =	sdelay $0x3  }
0x4ea: {  	s0 =	ssub.s32 $0x27100, s23;
	p2 =	sgt.s32 s23, $0x26FA0  }
0x4eb: {  	s1 =	smov.u32 s23;
	s2 =	sshra.s32 s23, $0x1F;
	p3 =	slt.s32 s0, $0x160  }
0x4ec: {  	s1 =	simm.s32 @!p2 $0x26FA0;
	s2 =	sand.u32 s2, s23;
	s0 =	simm.s32 @!p3 $0x160  }
0x4ed: {  	s1 =	ssub.s32 s1, s2;
	s0 =	smul.u32 $0xC0, s0  }
0x4ee: {  	s1 =	sadd.s32 $0xFFFD9060, s1  }
0x4ef: {  	s29 =	simm.s32 $0x9;
	s25 =	sshll.u32 s1, $0x2;
	s0 =	sshrl.u32 s0, $0x2  }
0x4f0: {  	p2 =	sgt.s32 s1, $0x15F;
	s26 =	ssub.s32 $0x580, s25;
	_ =	swait.ge [sflag:s29], s0  }
0x4f1: {  	s0 =	ssub.s32 $0x0, s0;
	s1 =	sshrl.u32 s26, $0x2;
	[sflag:s29] =	ssyncset.done $0x0  }
0x4f2: {  	s1 =	simm.s32 @p2 $0x0;
	[sflag:s29] =	ssyncadd.s32 s0  }
0x4f3: {  	_ =	swait.ge [sflag:s12], s1  }
0x4f4: {  	s30 =	ssub.s32 $0x0, s1;
	[sflag:s12] =	ssyncset.done $0x0  }
0x4f5: {  	[sflag:s12] =	ssyncadd.s32 s30  }
0x4f6: {  	v1 =	vld [tilespmem:$0x84C8];
	_ =	sdelay $0x4  }
0x4f7: {  	(v2sf) =	vpush v1, $0x0  }
0x4f8: {  	(v2sf) =	vpush v1, $0x1  }
0x4f9: {  	(v2sf) =	vpush v1, $0x2;
	_ =	sdelay $0x3  }
0x4fa: {  	s0 =	sadd.s32 $0x160, s23  }
0x4fb: {  	p2 =	slt.s32 s9, s0;
	s1 =	ssub.s32 $0x4E200, s23  }
0x4fc: {  	s0 =	smov.u32 @p2 s9;
	p2 =	sgt.s32 s1, $0x0  }
0x4fd: {  	s0 =	ssub.s32 s0, s23;
	s1 =	simm.s32 @!p2 $0x0  }
0x4fe: {  	p2 =	slt.s32 s1, s0  }
0x4ff: {  	s0 =	smov.u32 @p2 s1  }
0x500: {  	s26 =	simm.s32 $0x1;
	p2 =	slt.s32 s0, $0x1  }
.Ltmp16:
0x501: {  	s26 =	simm.s32 @!p1 $0x0;
	(pc) =	sbr.rel @p2 .LBB3_12-.Ltmp16, $4  }
0x502: {  	s31 =	smul.u32 $0x580, s26  }
0x503: {  	s28 =	spop (v2sf)  }
0x504: {  	s2 =	sshrl.u32 s31, $0x2;
	s1 =	spop (v2sf)  }
0x505: {  	s24 =	sadd.s32 $0x8F28, s2;
	s23 =	spop (v2sf)  }
0x506: {  	s2 =	smin.u32 s0, $0x10  }
0x507: {  	v1 =	vmov s2  }
0x508: {  	p3 =	sgt.s32 s0, $0x10;
	vm1 =	vgt.u32 v1, v0  }
.Ltmp17:
0x509: {  	_ = 	snop;
	(pc) =	sbr.rel @!p3 .LBB3_11-.Ltmp17, $2  }
0x50a: {  	_ =	sdelay $0x2  }
0x50b: {  	s25 =	simm.s32 $0x10;
	s29 =	sadd.s32 $0xFFFFFFF0, s0;
	s2 =	smov.u32 s24;
	vm0 =	vmmov vm1  }
.LBB3_10:
0x50c: {  	s6 =	smin.u32 s29, $0x10;
	s25 =	sadd.s32 $0x10, s25;
	v1 =	vld.msk [tilespmem:s2+$0x0 ss:$0x1], vm1  }
0x50d: {  	v2 =	vmov s6;
	p3 =	slt.s32 s25, s0  }
0x50e: {  	vm1 =	vgt.u32 v2, v0  }
.Ltmp18:
0x50f: {  	(pc) =	sbr.rel @p3 .LBB3_10-.Ltmp18, $3  }
0x510: {  	_ =	sdelay $0x1  }
0x511: {  	v1 =	vshll.u32 v1, $0x4  }
0x512: {  	s29 =	sadd.s32 $0xFFFFFFF0, s29;
	[tilespmem:s2+$0x0] =	vst.msk vm0, v1;
	s2 =	sadd.s32 $0x10, s2;
	vm0 =	vmmov vm1  }
.LBB3_11:
0x513: {  	_ =	sdelay $0x4  }
0x514: {  	v1 =	vld.msk [tilespmem:s2+$0x0 ss:$0x1], vm1;
	_ =	sdelay $0x4  }
0x515: {  	v1 =	vshll.u32 v1, $0x4  }
0x516: {  	[tilespmem:s2+$0x0] =	vst.msk vm0, v1  }
.LBB3_12:
0x517: {  	s2 =	sand.u32 $0x1, s22  }
0x518: {  	s2 =	smul.u32 $0x160, s2  }
0x519: {  	p3 =	sne.s32 s1, $0xFFFFFFFF  }
0x51a: {  	v1 =	vld.msk @!p3 [tilespmem:s2+$0x8F28], $0x1;
	_ =	sdelay $0x4  }
0x51b: {  	(v2sf) =	vpush @!p3 v1, $0x0;
	_ =	sdelay $0xc  }
.Ltmp19:
0x51c: {  	_ = 	snop;
	(pc) =	sbr.rel @p2 .LBB3_23-.Ltmp19, $4  }
0x51d: {  	_ = 	snop  }
0x51e: {  	s30 =	spop @!p3 (v2sf)  }
0x51f: {  	s23 =	simm.s32 @!p3 $0x0;
	s25 =	smov.u32 s30  }
0x520: {  	[sflag:s19] =	ssyncpa.u1 $0x0;
	s30 =	smov.u32 @p3 s28;
	s25 =	smov.u32 @p3 s1  }
0x521: {  	v1 =	vld.msk [tilespmem:s24+$0x0], $0x1;
	_ =	sdelay $0x4  }
0x522: {  	(v2sf) =	vpush v1, $0x0;
	_ =	sdelay $0xd  }
0x523: {  	s2 =	smul.u32 $0x2C000, s26  }
0x524: {  	s26 =	ssub.s32 $0x0, s0;
	s28 =	simm.s32 $0x0;
	s1 =	spop (v2sf)  }
0x525: {  	s7 =	smov.u32 s30;
	s0 =	sadd.s32 $0x1, s26;
	p2 =	seq.s32 s30, s1  }
0x526: {  	p4 =	seq.s32 s0, $0x0;
	p3 =	sgt.s32 @!p2 s30, $0x0;
	s6 =	smul.u32 @!p2 $0xC0, s28  }
.Ltmp20:
0x527: {  	s2 =	sshrl.u32 s2, $0x2;
	p3 =	por !p3, p2;
	(pc) =	sbr.rel @p4 .LBB3_15-.Ltmp20, $4  }
0x528: {  	s29 =	sadd.s32 $0x9208, s2;
	s7 =	simm.s32 @p3 $0x0  }
0x529: {  	s2 =	simm.s32 @!p2 $0x1;
	s6 =	sshra.s32 @!p2 s6, $0x2;
	s10 =	smin.u32 @!p2 s7, $0x270FA  }
0x52a: {  	s2 =	smov.u32 @p2 s28;
	s7 =	sadd.s32 @!p2 $0x4298, s6;
	s31 =	sand.u32 @!p2 $0x3FFF8, s10  }
0x52b: {  	s6 =	sand.u32 @!p2 $0x7, s10;
	s10 =	sadd.s32 @!p2 s5, s31;
	s31 =	sadd.s32 $0x1, s24  }
.LBB3_14:
0x52c: {  	s11 =	smov.u32 s2  }
0x52d: {  	[tilespmem:s7], [sflag:$0x2] =	stream.linear.gather @!p2 [hbm4b:s10+s6], $0x30, $0x38;
	[tilespmem:$0x1F1E8] =	vst v63  }
0x52e: {  	s0 =	sadd.s32 $0x1, s0;
	s6 =	smov.u32 s1;
	v1 =	vld.msk [tilespmem:s31+$0x0], $0x1  }
0x52f: {  	p3 =	seq.s32 s0, $0x0;
	_ =	sdelay $0x3  }
0x530: {  	(v2sf) =	vpush v1, $0x0;
	_ =	sdelay $0xe  }
0x531: {  	s1 =	spop (v2sf)  }
0x532: {  	p2 =	seq.s32 s6, s1  }
0x533: {  	p4 =	sgt.s32 @!p2 s6, $0x0;
	s7 =	smul.u32 @!p2 $0xC0, s2;
	s2 =	sadd.s32 @!p2 $0x1, s2  }
.Ltmp21:
0x534: {  	p4 =	por !p4, p2;
	s2 =	smov.u32 @p2 s11;
	(pc) =	sbr.rel @!p3 .LBB3_14-.Ltmp21, $4  }
0x535: {  	s6 =	simm.s32 @p4 $0x0;
	s7 =	sshra.s32 @!p2 s7, $0x2  }
0x536: {  	s6 =	smin.u32 @!p2 s6, $0x270FA;
	s7 =	sadd.s32 @!p2 $0x4298, s7  }
0x537: {  	s10 =	sand.u32 @!p2 $0x3FFF8, s6;
	s6 =	sand.u32 @!p2 $0x7, s6  }
0x538: {  	s31 =	sadd.s32 $0x1, s31;
	s10 =	sadd.s32 @!p2 s5, s10  }
.LBB3_15:
0x539: {  	s0 =	smul.u32 $0xC0, s2  }
0x53a: {  	[tilespmem:s7], [sflag:$0x2] =	stream.linear.gather @!p2 [hbm4b:s10+s6], $0x30, $0x38;
	[tilespmem:$0x1F1E8] =	vst v63  }
.Ltmp22:
0x53b: {  	_ = 	snop;
	(pc) =	sbr.rel .LBB3_16-.Ltmp22, $4  }
0x53c: {  	s1 =	simm.s32 $0x2;
	s0 =	sshrl.u32 s0, $0x2  }
0x53d: {  	_ =	swait.ge [sflag:s1], s0  }
0x53e: {  	s0 =	ssub.s32 $0x0, s0;
	[sflag:s1] =	ssyncset.done $0x0  }
0x53f: {  	[sflag:s1] =	ssyncadd.s32 s0;
	s0 =	simm.s32 $0x0  }
.LBB3_17:
0x540: {  	v1 =	vld [tilespmem:s29+$0xFFFFFFE0];
	_ =	sdelay $0x4  }
0x541: {  	[tilespmem:s1+$0x68] =	vst.add.f32.msk $0xffff, v1  }
0x542: {  	v1 =	vld [tilespmem:s29+$0xFFFFFFF0];
	_ =	sdelay $0x4  }
0x543: {  	[tilespmem:s1+$0x78] =	vst.add.f32.msk $0xffff, v1  }
0x544: {  	v1 =	vld [tilespmem:s29+$0x0];
	_ =	sdelay $0x4  }
0x545: {  	[tilespmem:s1+$0x88] =	vst.add.f32.msk $0xffff, v1  }
.LBB3_21:
0x546: {  	s26 =	sadd.s32 $0x1, s26  }
0x547: {  	p2 =	seq.s32 s26, $0x0  }
.Ltmp23:
0x548: {  	_ = 	snop;
	(pc) =	sbr.rel @p2 .LBB3_22-.Ltmp23, $2  }
0x549: {  	_ =	sdelay $0x2  }
0x54a: {  	s29 =	sadd.s32 $0x80, s29;
	s24 =	sadd.s32 $0x1, s24;
	s30 =	smov.u32 s31  }
.LBB3_16:
0x54b: {  	v1 =	vld.msk [tilespmem:s24+$0x0], $0x1;
	_ =	sdelay $0x4  }
0x54c: {  	(v2sf) =	vpush v1, $0x0;
	_ =	sdelay $0xe  }
0x54d: {  	s31 =	spop (v2sf)  }
0x54e: {  	p2 =	sne.s32 s30, s31  }
.Ltmp24:
0x54f: {  	_ = 	snop;
	(pc) =	sbr.rel @!p2 .LBB3_17-.Ltmp24, $3  }
0x550: {  	_ = 	snop  }
0x551: {  	s1 =	smul.u32 $0xC0, s23;
	_ =	sdelay $0x1  }
0x552: {  	s1 =	sshra.s32 s1, $0x2  }
0x553: {  	p2 =	seq.s32 s30, s25  }
.Ltmp25:
0x554: {  	_ = 	snop;
	(pc) =	sbr.rel @!p2 .LBB3_19-.Ltmp25, $1  }
0x555: {  	_ =	sdelay $0x3  }
.Ltmp26:
0x556: {  	s1 =	sadd.s32 $0x68, s1;
	(pc) =	sbr.rel .LBB3_20-.Ltmp26, $4  }
0x557: {  	[spmem:s16] =	stream.linear.scatter [tilespmem:s1], [sflag:$0x1], $0x30, $0x38;
	[tilespmem:$0x1F1E8] =	vst v63  }
0x558: {  	_ =	swait.ge [sflag:s3], $0x30  }
0x559: {  	[sflag:s3] =	ssyncset.done $0x0  }
0x55a: {  	[sflag:s3] =	ssyncadd.s32 $0xFFFFFFD0  }
.LBB3_19:
0x55b: {  	s2 =	smul.u32 $0xC0, s28;
	_ =	sdelay $0x1  }
0x55c: {  	s2 =	sshra.s32 s2, $0x2  }
0x55d: {  	v1 =	vld [tilespmem:s2+$0x4298];
	_ =	sdelay $0x4  }
0x55e: {  	[tilespmem:s1+$0x68] =	vst.add.f32.msk $0xffff, v1  }
0x55f: {  	v1 =	vld [tilespmem:s2+$0x42A8];
	_ =	sdelay $0x4  }
0x560: {  	[tilespmem:s1+$0x78] =	vst.add.f32.msk $0xffff, v1  }
0x561: {  	v1 =	vld [tilespmem:s2+$0x42B8];
	_ =	sdelay $0x2  }
0x562: {  	p2 =	sgt.u32 s30, $0x270FA  }
0x563: {  	s2 =	sand.u32 @!p2 $0x3FFF8, s30  }
0x564: {  	s6 =	sadd.s32 $0x68, s1;
	[tilespmem:s1+$0x88] =	vst.add.f32.msk $0xffff, v1;
	s1 =	sadd.s32 @!p2 s5, s2;
	s2 =	sand.u32 @!p2 $0x7, s30  }
0x565: {  	[hbm4b:s1+s2] =	stream.linear.scatter @!p2 [tilespmem:s6], [sflag:$0xC], $0x30, $0x38;
	[tilespmem:$0x1F1E8] =	vst v63  }
0x566: {  	s1 =	simm.s32 $0x0  }
0x567: {  	s1 =	simm.s32 @!p2 $0xC0  }
0x568: {  	s0 =	sadd.s32 s1, s0  }
.LBB3_20:
0x569: {  	s1 =	sadd.s32 $0x1, s23  }
0x56a: {  	s2 =	smulhi.u32 $0xBA2E8BA3, s1;
	_ =	sdelay $0x1  }
0x56b: {  	s2 =	sshrl.u32 s2, $0x8  }
0x56c: {  	s2 =	smul.u32 $0x160, s2  }
0x56d: {  	v1 =	vld [tilespmem:s29+$0xFFFFFFE0]  }
0x56e: {  	s23 =	ssub.s32 s1, s2  }
0x56f: {  	s1 =	smul.u32 $0xC0, s23;
	_ =	sdelay $0x1  }
0x570: {  	s1 =	sshrl.u32 s1, $0x2  }
0x571: {  	[tilespmem:s1+$0x68] =	vst v1  }
0x572: {  	v1 =	vld [tilespmem:s29+$0xFFFFFFF0];
	_ =	sdelay $0x4  }
0x573: {  	[tilespmem:s1+$0x78] =	vst v1  }
0x574: {  	v1 =	vld [tilespmem:s29+$0x0]  }
.Ltmp27:
0x575: {  	_ = 	snop;
	(pc) =	sbr.rel .LBB3_21-.Ltmp27, $2  }
0x576: {  	_ =	sdelay $0x2  }
0x577: {  	s28 =	sadd.s32 $0x1, s28;
	[tilespmem:s1+$0x88] =	vst v1  }
.LBB3_23:
.Ltmp28:
0x578: {  	(pc) =	sbr.rel .LBB3_24-.Ltmp28, $4  }
0x579: {  	_ = 	snop  }
0x57a: {  	s0 =	simm.s32 $0x2  }
0x57b: {  	_ =	swait.ge [sflag:s0], $0x0  }
0x57c: {  	s31 =	smov.u32 s30;
	[sflag:s0] =	ssyncset.done $0x0;
	s0 =	simm.s32 $0x0  }
.LBB3_26:
0x57d: {  	_ =	sfence.sel $0x180000  }
0x57e: {  	s0 =	simm.s32 $0x9;
	[bflag:$0x0] =	sbarrier.arrive $0xFFFF  }
0x57f: {  	s24 =	simm.s32 $0xA;
	[sflag:s0] =	ssyncpa.u1 $0x1  }
0x580: {  	s25 =	simm.s32 $0xB;
	[sflag:s24] =	ssyncpa.u1 $0x1  }
0x581: {  	s26 =	simm.s32 $0x2;
	[sflag:s25] =	ssyncpa.u1 $0x1  }
0x582: {  	[sflag:s26] =	ssyncpa.u1 $0x1  }
0x583: {  	v0 =	vld [tilespmem:$0x84C8];
	_ =	sdelay $0x4  }
0x584: {  	(v2sf) =	vpush v0, $0x0  }
0x585: {  	(v2sf) =	vpush v0, $0x1  }
0x586: {  	(v2sf) =	vpush v0, $0x2;
	_ =	sdelay $0xc  }
0x587: {  	s0 =	spop (v2sf)  }
0x588: {  	s1 =	spop (v2sf)  }
0x589: {  	s2 =	smov.u32 s0;
	p0 =	sne.s32 s0, s1;
	s3 =	spop (v2sf)  }
0x58a: {  	s2 =	simm.s32 @!p0 $0xFFFFFFFF;
	p0 =	seq.s32 s3, $0xFFFFFFFF  }
0x58b: {  	v2 =	vimm.s32 $0x1;
	v3 =	vlaneseq.u32;
	v1 =	vmov s2;
	p1 =	sne.s32 @!p0 s0, s1  }
0x58c: {  	s14 =	stileid.u32;
	v0 =	vperm.xlane v0, v2;
	s0 =	simm.s32 @!p0 $0x1;
	v1 =	vperm.xlane v1, v3;
	p1 =	por !p1, p0  }
0x58d: {  	vm0 =	vcmask $0x3F04;
	s2 =	sshll.u32 s14, $0x1;
	s1 =	smul.u32 @!p0 $0xC0, s3;
	s0 =	simm.s32 @p1 $0x0  }
0x58e: {  	s6 =	simm.s32 $0x84C8;
	v0 =	vsel vm0, v1, v0;
	s0 =	sor.u32 @!p0 s0, s2  }
0x58f: {  	s4 =	sor.u32 $0x600, s2;
	s1 =	sshra.s32 @!p0 s1, $0x2;
	[tilespmem:$0x84C8] =	vst v0;
	s0 =	smul.u32 @!p0 $0xC0, s0  }
0x590: {  	[spmem:s4] =	stream.linear.scatter [tilespmem:s6], [sflag:$0x1], $0x2, $0x38;
	[tilespmem:$0x1F1E8] =	vst v63  }
0x591: {  	s1 =	sadd.s32 @!p0 $0x68, s1;
	s0 =	sshrl.u32 @!p0 s0, $0x2  }
0x592: {  	[spmem:s0] =	stream.linear.scatter @!p0 [tilespmem:s1], [sflag:$0x1], $0x30, $0x38;
	[tilespmem:$0x1F1E8] =	vst v63  }
0x593: {  	s0 =	simm.s32 @!p0 $0x32  }
0x594: {  	s28 =	simm.s32 $0x1;
	s0 =	simm.s32 @p0 $0x2  }
0x595: {  	_ =	swait.ge [sflag:s28], s0  }
0x596: {  	s0 =	ssub.s32 $0x0, s0;
	[sflag:s28] =	ssyncset.done $0x0  }
0x597: {  	p0 =	sne.s32 s14, $0x0;
	[sflag:s28] =	ssyncadd.s32 s0  }
.Ltmp29:
0x598: {  	_ =	sfence.stream.spmem;
	(pc) =	sbr.rel @p0 .LBB3_43-.Ltmp29, $4  }
0x599: {  	s29 =	simm.s32 $0x3;
	[bflag:$0x0] =	sbarrier.arrive $0xFFFF  }
0x59a: {  	s30 =	simm.s32 $0x4;
	[sflag:s29] =	ssyncpa.u1 $0x1  }
0x59b: {  	s31 =	simm.s32 $0x3C;
	[sflag:s30] =	ssyncpa.u1 $0x1  }
0x59c: {  	s15 =	rddreg [dreg:$0x4];
	[sflag:s31] =	ssyncpa.u1 $0x1  }
0x59d: {  	_ =	sfence.stream.spmem;
	s0 =	simm.s32 $0x5  }
0x59e: {  	s1 =	simm.s32 $0x600;
	s2 =	simm.s32 $0x84D8;
	[sflag:s0] =	ssyncpa.u1 $0x0  }
0x59f: {  	[tilespmem:s2], [sflag:$0x5] =	stream.linear.gather [spmem:s1], $0x20, $0x38;
	[tilespmem:$0x1F1E8] =	vst v63  }
0x5a0: {  	s26 =	simm.s32 $0x0;
	s28 =	simm.s32 $0x84F8  }
0x5a1: {  	[tilespmem:s28], [sflag:$0x5] =	stream.linear.gather [spmem:s26], $0x600, $0x38;
	[tilespmem:$0x1F1E8] =	vst v63  }
0x5a2: {  	_ =	swait.ge [sflag:s0], $0x620  }
0x5a3: {  	[sflag:s0] =	ssyncset.done $0x0  }
0x5a4: {  	s29 =	simm.s32 $0x0;
	[sflag:s0] =	ssyncadd.s32 $0xFFFFF9E0  }
0x5a5: {  	v0 =	vld.msk [tilespmem:s29+$0x84D8], $0x1;
	_ =	sdelay $0x1  }
0x5a6: {  	s30 =	simm.s32 $0x1  }
0x5a7: {  	v1 =	vld.msk [tilespmem:s30+$0x84D8], $0x1;
	_ =	sdelay $0x1  }
0x5a8: {  	(v2sf) =	vpush v0, $0x0;
	_ =	sdelay $0x2  }
0x5a9: {  	(v2sf) =	vpush v1, $0x0;
	_ =	sdelay $0x2  }
0x5aa: {  	s31 =	simm.s32 $0x2  }
0x5ab: {  	v0 =	vld.msk [tilespmem:s31+$0x84D8], $0x1;
	_ =	sdelay $0x2  }
0x5ac: {  	s1 =	simm.s32 $0xFFFFFFFF;
	s2 =	simm.s32 $0xFFFFFFFF;
	s0 =	simm.s32 $0xC  }
.LBB3_28:
0x5ad: {  	s3 =	smov.u32 s2;
	s4 =	smov.u32 s1  }
0x5ae: {  	s1 =	sshra.s32 s0, $0x2;
	p1 =	sne.s32 s0, $0x7C;
	s0 =	sadd.s32 $0x4, s0;
	(v2sf) =	vpush v0, $0x0  }
0x5af: {  	v0 =	vld.msk [tilespmem:s1+$0x84D8], $0x1  }
.Ltmp30:
0x5b0: {  	(pc) =	sbr.rel @p1 .LBB3_28-.Ltmp30, $4  }
0x5b1: {  	s2 =	spop (v2sf)  }
0x5b2: {  	p2 =	sne.s32 s4, $0xFFFFFFFF;
	s1 =	smov.u32 s2  }
0x5b3: {  	p3 =	seq.s32 s2, $0xFFFFFFFF;
	s1 =	smov.u32 @p2 s4  }
0x5b4: {  	s2 =	smov.u32 @p3 s3;
	s1 =	smov.u32 @p3 s4  }
0x5b5: {  	(v2sf) =	vpush v0, $0x0;
	_ =	sdelay $0x8  }
0x5b6: {  	s0 =	spop (v2sf)  }
0x5b7: {  	p1 =	sne.s32 s1, $0xFFFFFFFF;
	s3 =	smov.u32 s0  }
0x5b8: {  	s9 =	simm.s32 $0x6;
	p2 =	seq.s32 s0, $0xFFFFFFFF;
	s3 =	smov.u32 @p1 s1  }
0x5b9: {  	s10 =	simm.s32 $0x8498;
	s3 =	smov.u32 @p2 s1;
	s1 =	spop (v2sf)  }
0x5ba: {  	s0 =	smov.u32 @p2 s2;
	p1 =	sne.s32 s3, $0xFFFFFFFF;
	s6 =	smov.u32 s1  }
.Ltmp31:
0x5bb: {  	p2 =	seq.s32 s1, $0xFFFFFFFF;
	s6 =	smov.u32 @p1 s3;
	(pc) =	sbr.rel .LBB3_30-.Ltmp31, $4  }
0x5bc: {  	s11 =	simm.s32 $0x0;
	s6 =	smov.u32 @p2 s3;
	s4 =	spop (v2sf)  }
0x5bd: {  	[sflag:s9] =	ssyncpa.u1 $0x0;
	p1 =	sne.s32 s6, $0xFFFFFFFF;
	s8 =	smov.u32 s4  }
0x5be: {  	s1 =	smov.u32 @p2 s0;
	p2 =	seq.s32 s4, $0xFFFFFFFF;
	s8 =	smov.u32 @p1 s6  }
0x5bf: {  	s3 =	simm.s32 $0x0;
	s4 =	smov.u32 @p2 s1;
	s8 =	smov.u32 @p2 s6  }
.LBB3_36:
0x5c0: {  	p1 =	sgt.u32 s12, $0x270FA  }
0x5c1: {  	p2 =	seq.s32 @!p1 s12, s8  }
0x5c2: {  	p1 =	por p1, p2  }
0x5c3: {  	p2 =	sne.s32 @!p1 s12, s4  }
0x5c4: {  	p1 =	por p1, !p2  }
0x5c5: {  	s0 =	smul.u32 @p1 $0xC0, s11;
	_ =	sdelay $0x1  }
0x5c6: {  	s0 =	sand.u32 @!p1 $0x3FFF8, s12  }
0x5c7: {  	s1 =	sand.u32 @!p1 $0x7, s12;
	s0 =	sadd.s32 @!p1 s5, s0  }
0x5c8: {  	[tilespmem:s10], [sflag:$0x6] =	stream.linear.gather @!p1 [hbm4b:s0+s1], $0x30, $0x38;
	[tilespmem:$0x1F1E8] =	vst v63  }
0x5c9: {  	_ =	swait.ge @!p1 [sflag:s9], $0x30  }
0x5ca: {  	[sflag:s9] =	ssyncset.done @!p1 $0x0  }
0x5cb: {  	[sflag:s9] =	ssyncadd.s32 @!p1 $0xFFFFFFD0  }
0x5cc: {  	v1 =	vld @!p1 [tilespmem:$0x8498];
	_ =	sdelay $0x1  }
0x5cd: {  	s0 =	smul.u32 @!p1 $0xC0, s11;
	_ =	sdelay $0x1  }
0x5ce: {  	s1 =	sshra.s32 @!p1 s0, $0x2  }
0x5cf: {  	[tilespmem:s1+$0x84F8] =	vst.add.f32.msk @!p1 $0xffff, v1  }
0x5d0: {  	v1 =	vld @!p1 [tilespmem:$0x84A8];
	_ =	sdelay $0x4  }
0x5d1: {  	[tilespmem:s1+$0x8508] =	vst.add.f32.msk @!p1 $0xffff, v1  }
0x5d2: {  	v1 =	vld @!p1 [tilespmem:$0x84B8];
	_ =	sdelay $0x4  }
0x5d3: {  	[tilespmem:s1+$0x8518] =	vst.add.f32.msk @!p1 $0xffff, v1  }
0x5d4: {  	s0 =	sshra.s32 s0, $0x2;
	[tilespmem:s3+$0x84D8] =	vst.msk $0x1, v0  }
0x5d5: {  	v0 =	vld [tilespmem:s0+$0x84F8];
	_ =	sdelay $0x1  }
0x5d6: {  	s31 =	smul.u32 $0xC0, s3;
	_ =	sdelay $0x1  }
0x5d7: {  	s1 =	sshra.s32 s31, $0x2  }
0x5d8: {  	[tilespmem:s1+$0x84F8] =	vst v0  }
0x5d9: {  	v0 =	vld [tilespmem:s0+$0x8508];
	_ =	sdelay $0x4  }
0x5da: {  	[tilespmem:s1+$0x8508] =	vst v0  }
0x5db: {  	v0 =	vld [tilespmem:s0+$0x8518];
	_ =	sdelay $0x4  }
0x5dc: {  	s3 =	sadd.s32 $0x1, s3;
	[tilespmem:s1+$0x8518] =	vst v0  }
.LBB3_37:
0x5dd: {  	s11 =	sadd.s32 $0x1, s11  }
0x5de: {  	p1 =	sne.s32 s11, $0x20  }
.Ltmp32:
0x5df: {  	_ = 	snop;
	(pc) =	sbr.rel @!p1 .LBB3_38-.Ltmp32, $1  }
0x5e0: {  	_ =	sdelay $0x3  }
.LBB3_30:
0x5e1: {  	v0 =	vld.msk [tilespmem:s11+$0x84D8], $0x1;
	_ =	sdelay $0x4  }
0x5e2: {  	(v2sf) =	vpush v0, $0x0;
	_ =	sdelay $0xe  }
0x5e3: {  	s12 =	spop (v2sf)  }
0x5e4: {  	p1 =	seq.s32 s12, $0xFFFFFFFF  }
.Ltmp33:
0x5e5: {  	_ = 	snop;
	(pc) =	sbr.rel @p1 .LBB3_37-.Ltmp33, $1  }
0x5e6: {  	_ =	sdelay $0x3  }
0x5e7: {  	p1 =	slt.s32 s3, $0x1  }
.Ltmp34:
0x5e8: {  	_ = 	snop;
	(pc) =	sbr.rel @p1 .LBB3_36-.Ltmp34, $1  }
0x5e9: {  	_ =	sdelay $0x3  }
0x5ea: {  	s0 =	simm.s32 $0x84D8;
	p1 =	por $0x0, $0x0  }
0x5eb: {  	v1 =	vld.msk @!p1 [tilespmem:s0+$0x0], $0x1;
	_ =	sdelay $0x4  }
0x5ec: {  	(v2sf) =	vpush @!p1 v1, $0x0;
	_ =	sdelay $0xd  }
0x5ed: {  	p3 =	sne.s32 s3, $0x1  }
.Ltmp35:
0x5ee: {  	s1 =	spop @!p1 (v2sf);
	(pc) =	sbr.rel @!p3 .LBB3_34-.Ltmp35, $4  }
0x5ef: {  	p2 =	seq.s32 @!p1 s12, s1  }
0x5f0: {  	s13 =	simm.s32 $0x0;
	p2 =	por !p2, p1  }
0x5f1: {  	s2 =	simm.s32 $0xFFFFFFFF;
	s13 =	simm.s32 @p2 $0xFFFFFFFF  }
0x5f2: {  	s1 =	simm.s32 $0x1;
	s13 =	smov.u32 @p1 s2  }
.LBB3_33:
0x5f3: {  	s2 =	smov.u32 s13;
	p1 =	sne.s32 s13, $0xFFFFFFFF  }
0x5f4: {  	s0 =	sadd.s32 $0x1, s0;
	s13 =	smov.u32 s1;
	s1 =	sadd.s32 $0x1, s1  }
0x5f5: {  	p2 =	sne.s32 s3, s1;
	v1 =	vld.msk @!p1 [tilespmem:s0+$0x0], $0x1;
	_ =	sdelay $0x4  }
0x5f6: {  	(v2sf) =	vpush @!p1 v1, $0x0;
	_ =	sdelay $0xe  }
.Ltmp36:
0x5f7: {  	s6 =	spop @!p1 (v2sf);
	(pc) =	sbr.rel @p2 .LBB3_33-.Ltmp36, $4  }
0x5f8: {  	p3 =	seq.s32 @!p1 s12, s6  }
0x5f9: {  	p3 =	por !p3, p1  }
0x5fa: {  	s13 =	simm.s32 @p3 $0xFFFFFFFF  }
0x5fb: {  	s13 =	smov.u32 @p1 s2  }
.LBB3_34:
0x5fc: {  	p1 =	seq.s32 s13, $0xFFFFFFFF  }
.Ltmp37:
0x5fd: {  	_ = 	snop;
	(pc) =	sbr.rel @p1 .LBB3_36-.Ltmp37, $1  }
0x5fe: {  	_ =	sdelay $0x3  }
0x5ff: {  	s0 =	smul.u32 $0xC0, s11;
	_ =	sdelay $0x1  }
0x600: {  	s0 =	sshra.s32 s0, $0x2  }
0x601: {  	v0 =	vld [tilespmem:s0+$0x84F8];
	_ =	sdelay $0x1  }
0x602: {  	s1 =	smul.u32 $0xC0, s13;
	_ =	sdelay $0x1  }
0x603: {  	s1 =	sshra.s32 s1, $0x2  }
0x604: {  	[tilespmem:s1+$0x84F8] =	vst.add.f32.msk $0xffff, v0  }
0x605: {  	v0 =	vld [tilespmem:s0+$0x8508];
	_ =	sdelay $0x4  }
0x606: {  	[tilespmem:s1+$0x8508] =	vst.add.f32.msk $0xffff, v0  }
0x607: {  	v0 =	vld [tilespmem:s0+$0x8518]  }
.Ltmp38:
0x608: {  	_ = 	snop;
	(pc) =	sbr.rel .LBB3_37-.Ltmp38, $2  }
0x609: {  	_ =	sdelay $0x2  }
0x60a: {  	[tilespmem:s1+$0x8518] =	vst.add.f32.msk $0xffff, v0  }
.LBB3_38:
0x60b: {  	s0 =	simm.s32 $0x6;
	p1 =	seq.s32 s3, $0x0  }
0x60c: {  	[sflag:s0] =	ssyncpa.u1 $0x1;
	v0 =	vimm.s32 @p1 $0xFFFFFFFF  }
0x60d: {  	s9 =	sadd.s32 $0xFFFFFFFF, s3;
	[tilespmem:$0x8AF8] =	vst @p1 v0  }
0x60e: {  	v0 =	vld.msk @!p1 [tilespmem:s9+$0x84D8], $0x1;
	_ =	sdelay $0x1  }
0x60f: {  	v1 =	vld.msk @!p1 [tilespmem:$0x84D8], $0x1;
	_ =	sdelay $0x2  }
0x610: {  	p2 =	seq.s32 @!p1 s9, $0x0;
	v0 =	vbroadcast @!p1 v0, $0x0  }
0x611: {  	vm0 =	vmmov @!p1 $0x1;
	p3 =	por !p2, p1  }
0x612: {  	p2 =	sne.s32 @!p1 s8, s4;
	v1 =	vnsel @!p1 vm0, $0xFFFFFFFF, v1;
	vm0 =	vcmask @!p1 $0x308;
	v0 =	vpsel !p3, $0xFFFFFFFF, v0  }
0x613: {  	p3 =	por !p2, p1;
	v0 =	vsel @!p1 vm0, v1, v0  }
0x614: {  	s0 =	simm.s32 @!p1 $0x84F8;
	s1 =	simm.s32 @!p1 $0x0;
	s2 =	smul.u32 @!p3 $0xC0, s9;
	[tilespmem:$0x8AF8] =	vst @!p1 v0  }
0x615: {  	[spmem:s1] =	stream.linear.scatter @!p1 [tilespmem:s0], [sflag:$0x1], $0x30, $0x38;
	[tilespmem:$0x1F1E8] =	vst v63  }
0x616: {  	s0 =	sshra.s32 @!p3 s2, $0x2  }
0x617: {  	s1 =	simm.s32 @!p3 $0x30;
	s0 =	sadd.s32 @!p3 $0x84F8, s0  }
0x618: {  	[spmem:s1] =	stream.linear.scatter @!p3 [tilespmem:s0], [sflag:$0x1], $0x30, $0x38;
	[tilespmem:$0x1F1E8] =	vst v63  }
0x619: {  	s0 =	simm.s32 @!p3 $0x1  }
0x61a: {  	_ =	swait.ge @!p3 [sflag:s0], $0x60  }
0x61b: {  	p1 =	por p2, p1;
	[sflag:s0] =	ssyncset.done @!p3 $0x0  }
0x61c: {  	[sflag:s0] =	ssyncadd.s32 @!p3 $0xFFFFFFA0;
	s0 =	simm.s32 @!p1 $0x1  }
0x61d: {  	_ =	swait.ge @!p1 [sflag:s0], $0x30  }
0x61e: {  	s29 =	simm.s32 $0x8AF8;
	[sflag:s0] =	ssyncset.done @!p1 $0x0  }
0x61f: {  	s30 =	simm.s32 $0x600;
	s31 =	simm.s32 $0x1;
	[sflag:s0] =	ssyncadd.s32 @!p1 $0xFFFFFFD0  }
0x620: {  	[spmem:s30] =	stream.linear.scatter [tilespmem:s29], [sflag:$0x1], $0x10, $0x38;
	[tilespmem:$0x1F1E8] =	vst v63  }
0x621: {  	_ =	swait.ge [sflag:s31], $0x10  }
0x622: {  	[sflag:s31] =	ssyncset.done $0x0  }
0x623: {  	p1 =	seq.s32 s15, $0x0;
	s8 =	rddreg [dreg:$0x1];
	[sflag:s31] =	ssyncadd.s32 $0xFFFFFFF0  }
0x624: {  	s1 =	sshll.u32 @p1 s8, $0xE;
	s7 =	rddreg [dreg:$0x2]  }
0x625: {  	s0 =	sadd.s32 @p1 $0x15C3C, s1;
	s1 =	sshll.u32 @p1 s7, $0x11  }
0x626: {  	_ =	sfence.stream.spmem;
	s0 =	sor.u32 @p1 s1, s0  }
0x627: {  	[sflag:s0] =	ssyncadd.remote.s32 @p1 $0x1;
	s0 =	simm.s32 @p1 $0x4  }
0x628: {  	s2 =	simm.s32 @!p1 $0x3C;
	s1 =	sand.u32 $0xFFFFFFFE, s8;
	_ =	swait.ge @p1 [sflag:s0], $0xE  }
0x629: {  	s4 =	simm.s32 @!p1 $0x0;
	s1 =	sadd.s32 @!p1 $0x4, s1;
	[sflag:s0] =	ssyncset.done @p1 $0x0  }
0x62a: {  	s6 =	simm.s32 @!p1 $0x60;
	[sflag:s0] =	ssyncadd.s32 @p1 $0xFFFFFFF2;
	s0 =	sshll.u32 @!p1 s1, $0x1A  }
0x62b: {  	s1 =	sshll.u32 @!p1 s1, $0xD;
	s0 =	sor.u32 @!p1 s0, s7;
	_ =	swait.eq @!p1 [sflag:s2], $0x1  }
0x62c: {  	s1 =	sor.u32 @!p1 $0x1C04, s1;
	s2 =	simm.s32 @!p1 $0x1C03;
	s0 =	sor.u32 @!p1 $0x80004000, s0  }
0x62d: {  	[spmem:s6], [sflag:s1] =	dma.general @!p1 [spmem:s4], [sflag:s2], length:$0xC, [dreg:$0x0], stride_count:$0x0, ici_dest:s0, dma_misc:DstOpCode:WRITE  }
0x62e: {  	p2 =	slt.s32 s9, $0x2;
	s4 =	simm.s32 @!p1 $0xC0;
	s6 =	simm.s32 @!p1 $0xC2  }
0x62f: {  	[spmem:s6], [sflag:s1] =	dma.general @!p1 [spmem:s4], [sflag:s2], length:$0x2, [dreg:$0x0], stride_count:$0x0, ici_dest:s0, dma_misc:DstOpCode:WRITE  }
.Ltmp39:
0x630: {  	s0 =	simm.s32 @!p1 $0x3;
	(pc) =	sbr.rel @p2 .LBB3_42-.Ltmp39, $4  }
0x631: {  	s1 =	sshll.u32 @!p1 s8, $0xE;
	_ =	swait.ge @!p1 [sflag:s0], $0xE  }
0x632: {  	s2 =	sshll.u32 @!p1 s7, $0x11;
	s1 =	sadd.s32 @!p1 $0x11C3C, s1;
	[sflag:s0] =	ssyncset.done @!p1 $0x0  }
0x633: {  	[sflag:s0] =	ssyncadd.s32 @!p1 $0xFFFFFFF2;
	s0 =	sor.u32 @!p1 s2, s1  }
0x634: {  	[sflag:s0] =	ssyncadd.remote.s32 @!p1 $0xFFFFFFFF;
	s0 =	simm.s32 $0x0  }
0x635: {  	s0 =	simm.s32 $0x84D9  }
0x636: {  	v0 =	vld.msk [tilespmem:s0+$0x0], $0x1;
	_ =	sdelay $0x4  }
0x637: {  	(v2sf) =	vpush v0, $0x0;
	_ =	sdelay $0xc  }
0x638: {  	s1 =	sadd.s32 $0xFFFFFFFE, s3  }
0x639: {  	s1 =	sadd.s32 $0xFFFFFFFF, s1  }
0x63a: {  	p2 =	sne.s32 s1, $0x0;
	s2 =	spop (v2sf)  }
.Ltmp40:
0x63b: {  	p1 =	sgt.u32 s2, $0x270FA;
	(pc) =	sbr.rel @!p2 .LBB3_41-.Ltmp40, $4  }
0x63c: {  	s4 =	simm.s32 $0x0;
	s3 =	sand.u32 @!p1 $0x3FFF8, s2  }
0x63d: {  	s0 =	simm.s32 $0x8528;
	s2 =	sand.u32 @!p1 $0x7, s2;
	s3 =	sadd.s32 @!p1 s5, s3  }
0x63e: {  	[hbm4b:s3+s2] =	stream.linear.scatter @!p1 [tilespmem:s0], [sflag:$0x5], $0x30, $0x38;
	[tilespmem:$0x1F1E8] =	vst v63  }
0x63f: {  	s4 =	simm.s32 @!p1 $0xC0;
	s2 =	simm.s32 $0x0;
	s3 =	simm.s32 $0x84DA  }
.LBB3_40:
0x640: {  	v0 =	vld.msk [tilespmem:s3+$0x0], $0x1;
	s1 =	sadd.s32 $0xFFFFFFFF, s1;
	s2 =	sadd.s32 s2, s4  }
0x641: {  	p1 =	sne.s32 s1, $0x0;
	_ =	sdelay $0x3  }
0x642: {  	(v2sf) =	vpush v0, $0x0;
	_ =	sdelay $0xe  }
.Ltmp41:
0x643: {  	s6 =	spop (v2sf);
	(pc) =	sbr.rel @p1 .LBB3_40-.Ltmp41, $4  }
0x644: {  	s4 =	simm.s32 $0x0;
	p2 =	sgt.u32 s6, $0x270FA  }
0x645: {  	s0 =	sadd.s32 $0x30, s0;
	s4 =	simm.s32 @!p2 $0xC0;
	s7 =	sand.u32 @!p2 $0x3FFF8, s6  }
0x646: {  	s3 =	sadd.s32 $0x1, s3;
	s6 =	sand.u32 @!p2 $0x7, s6;
	s7 =	sadd.s32 @!p2 s5, s7  }
0x647: {  	[hbm4b:s7+s6] =	stream.linear.scatter @!p2 [tilespmem:s0], [sflag:$0x5], $0x30, $0x38;
	[tilespmem:$0x1F1E8] =	vst v63  }
.LBB3_41:
0x648: {  	s0 =	sadd.s32 s2, s4  }
0x649: {  	s0 =	sshrl.u32 s0, $0x2  }
.LBB3_42:
0x64a: {  	s1 =	simm.s32 $0x5  }
0x64b: {  	_ =	swait.ge [sflag:s1], s0  }
0x64c: {  	s31 =	ssub.s32 $0x0, s0;
	[sflag:s1] =	ssyncset.done $0x0  }
0x64d: {  	[sflag:s1] =	ssyncadd.s32 s31  }
0x64e: {  	[sflag:s1] =	ssyncpa.u1 $0x1  }
.LBB3_43:
0x64f: {  	s0 =	sor.u32 s15, s14  }
0x650: {  	p1 =	sne.s32 s0, $0x0  }
.Ltmp42:
0x651: {  	_ = 	snop;
	(pc) =	sbr.rel @p1 .LBB3_58-.Ltmp42, $3  }
0x652: {  	_ =	sdelay $0x1  }
0x653: {  	[bflag:$0x0] =	sbarrier.arrive $0xFFFF  }
0x654: {  	_ =	sfence  }
0x655: {  	s0 =	simm.s32 $0x7  }
0x656: {  	s1 =	simm.s32 $0x600;
	s2 =	simm.s32 $0x84D8;
	[sflag:s0] =	ssyncpa.u1 $0x0  }
0x657: {  	[tilespmem:s2], [sflag:$0x7] =	stream.linear.gather [spmem:s1], $0x20, $0x38;
	[tilespmem:$0x1F1E8] =	vst v63  }
0x658: {  	s30 =	simm.s32 $0x84F8;
	s1 =	simm.s32 $0x0  }
0x659: {  	[tilespmem:s30], [sflag:$0x7] =	stream.linear.gather [spmem:s1], $0x600, $0x38;
	[tilespmem:$0x1F1E8] =	vst v63  }
.Ltmp43:
0x65a: {  	_ = 	snop;
	(pc) =	sbr.rel .LBB3_45-.Ltmp43, $4  }
0x65b: {  	_ =	swait.ge [sflag:s0], $0x620  }
0x65c: {  	[sflag:s0] =	ssyncset.done $0x0  }
0x65d: {  	s31 =	simm.s32 $0x8;
	[sflag:s0] =	ssyncadd.s32 $0xFFFFF9E0  }
0x65e: {  	s2 =	simm.s32 $0x0;
	[sflag:s31] =	ssyncpa.u1 $0x0  }
.LBB3_51:
0x65f: {  	p1 =	slt.u32 s0, $0x270FB  }
0x660: {  	s3 =	sand.u32 @p1 $0x3FFF8, s0  }
0x661: {  	s0 =	sand.u32 @p1 $0x7, s0;
	s4 =	simm.s32 @p1 $0x8498;
	s3 =	sadd.s32 @p1 s5, s3  }
0x662: {  	[tilespmem:s4], [sflag:$0x8] =	stream.linear.gather @p1 [hbm4b:s3+s0], $0x30, $0x38;
	[tilespmem:$0x1F1E8] =	vst v63  }
0x663: {  	s0 =	simm.s32 @p1 $0x8  }
0x664: {  	_ =	swait.ge @p1 [sflag:s0], $0x30  }
0x665: {  	[sflag:s0] =	ssyncset.done @p1 $0x0  }
0x666: {  	[sflag:s0] =	ssyncadd.s32 @p1 $0xFFFFFFD0  }
0x667: {  	v1 =	vld @p1 [tilespmem:$0x8498];
	_ =	sdelay $0x1  }
0x668: {  	s0 =	smul.u32 @p1 $0xC0, s2;
	_ =	sdelay $0x1  }
0x669: {  	s3 =	sshra.s32 @p1 s0, $0x2  }
0x66a: {  	[tilespmem:s3+$0x84F8] =	vst.add.f32.msk @p1 $0xffff, v1  }
0x66b: {  	v1 =	vld @p1 [tilespmem:$0x84A8];
	_ =	sdelay $0x4  }
0x66c: {  	[tilespmem:s3+$0x8508] =	vst.add.f32.msk @p1 $0xffff, v1  }
0x66d: {  	v1 =	vld @p1 [tilespmem:$0x84B8];
	_ =	sdelay $0x2  }
0x66e: {  	s4 =	smul.u32 @!p1 $0xC0, s2;
	_ =	sdelay $0x1  }
0x66f: {  	s4 =	smov.u32 @p1 s0;
	[tilespmem:s3+$0x8518] =	vst.add.f32.msk @p1 $0xffff, v1  }
0x670: {  	s0 =	sshra.s32 s4, $0x2;
	[tilespmem:s1+$0x84D8] =	vst.msk $0x1, v0  }
0x671: {  	v0 =	vld [tilespmem:s0+$0x84F8];
	_ =	sdelay $0x1  }
0x672: {  	s31 =	smul.u32 $0xC0, s1;
	_ =	sdelay $0x1  }
0x673: {  	s3 =	sshra.s32 s31, $0x2  }
0x674: {  	[tilespmem:s3+$0x84F8] =	vst v0  }
0x675: {  	v0 =	vld [tilespmem:s0+$0x8508];
	_ =	sdelay $0x4  }
0x676: {  	[tilespmem:s3+$0x8508] =	vst v0  }
0x677: {  	v0 =	vld [tilespmem:s0+$0x8518];
	_ =	sdelay $0x4  }
0x678: {  	s1 =	sadd.s32 $0x1, s1;
	[tilespmem:s3+$0x8518] =	vst v0  }
.LBB3_52:
0x679: {  	s2 =	sadd.s32 $0x1, s2  }
0x67a: {  	p1 =	sne.s32 s2, $0x20  }
.Ltmp44:
0x67b: {  	_ = 	snop;
	(pc) =	sbr.rel @!p1 .LBB3_53-.Ltmp44, $1  }
0x67c: {  	_ =	sdelay $0x3  }
.LBB3_45:
0x67d: {  	v0 =	vld.msk [tilespmem:s2+$0x84D8], $0x1;
	_ =	sdelay $0x4  }
0x67e: {  	(v2sf) =	vpush v0, $0x0;
	_ =	sdelay $0xe  }
0x67f: {  	s0 =	spop (v2sf)  }
0x680: {  	p1 =	seq.s32 s0, $0xFFFFFFFF  }
.Ltmp45:
0x681: {  	_ = 	snop;
	(pc) =	sbr.rel @p1 .LBB3_52-.Ltmp45, $1  }
0x682: {  	_ =	sdelay $0x3  }
0x683: {  	p1 =	slt.s32 s1, $0x1  }
.Ltmp46:
0x684: {  	_ = 	snop;
	(pc) =	sbr.rel @p1 .LBB3_51-.Ltmp46, $1  }
0x685: {  	_ =	sdelay $0x3  }
0x686: {  	s3 =	simm.s32 $0x84D8;
	p1 =	por $0x0, $0x0  }
0x687: {  	v1 =	vld.msk @!p1 [tilespmem:s3+$0x0], $0x1;
	_ =	sdelay $0x4  }
0x688: {  	(v2sf) =	vpush @!p1 v1, $0x0;
	_ =	sdelay $0xd  }
0x689: {  	p3 =	sne.s32 s1, $0x1  }
.Ltmp47:
0x68a: {  	s4 =	spop @!p1 (v2sf);
	(pc) =	sbr.rel @!p3 .LBB3_49-.Ltmp47, $4  }
0x68b: {  	p2 =	seq.s32 @!p1 s0, s4  }
0x68c: {  	s4 =	simm.s32 $0x0;
	p2 =	por !p2, p1  }
0x68d: {  	s7 =	simm.s32 $0xFFFFFFFF;
	s4 =	simm.s32 @p2 $0xFFFFFFFF  }
0x68e: {  	s6 =	simm.s32 $0x1;
	s4 =	smov.u32 @p1 s7  }
.LBB3_48:
0x68f: {  	s7 =	smov.u32 s4;
	p1 =	sne.s32 s4, $0xFFFFFFFF  }
0x690: {  	s3 =	sadd.s32 $0x1, s3;
	s4 =	smov.u32 s6;
	s6 =	sadd.s32 $0x1, s6  }
0x691: {  	p2 =	sne.s32 s1, s6;
	v1 =	vld.msk @!p1 [tilespmem:s3+$0x0], $0x1;
	_ =	sdelay $0x4  }
0x692: {  	(v2sf) =	vpush @!p1 v1, $0x0;
	_ =	sdelay $0xe  }
.Ltmp48:
0x693: {  	s8 =	spop @!p1 (v2sf);
	(pc) =	sbr.rel @p2 .LBB3_48-.Ltmp48, $4  }
0x694: {  	p3 =	seq.s32 @!p1 s0, s8  }
0x695: {  	p3 =	por !p3, p1  }
0x696: {  	s4 =	simm.s32 @p3 $0xFFFFFFFF  }
0x697: {  	s4 =	smov.u32 @p1 s7  }
.LBB3_49:
0x698: {  	p1 =	seq.s32 s4, $0xFFFFFFFF  }
.Ltmp49:
0x699: {  	_ = 	snop;
	(pc) =	sbr.rel @p1 .LBB3_51-.Ltmp49, $1  }
0x69a: {  	_ =	sdelay $0x3  }
0x69b: {  	s0 =	smul.u32 $0xC0, s2;
	_ =	sdelay $0x1  }
0x69c: {  	s0 =	sshra.s32 s0, $0x2  }
0x69d: {  	v0 =	vld [tilespmem:s0+$0x84F8];
	_ =	sdelay $0x1  }
0x69e: {  	s3 =	smul.u32 $0xC0, s4;
	_ =	sdelay $0x1  }
0x69f: {  	s3 =	sshra.s32 s3, $0x2  }
0x6a0: {  	[tilespmem:s3+$0x84F8] =	vst.add.f32.msk $0xffff, v0  }
0x6a1: {  	v0 =	vld [tilespmem:s0+$0x8508];
	_ =	sdelay $0x4  }
0x6a2: {  	[tilespmem:s3+$0x8508] =	vst.add.f32.msk $0xffff, v0  }
0x6a3: {  	v0 =	vld [tilespmem:s0+$0x8518]  }
.Ltmp50:
0x6a4: {  	_ = 	snop;
	(pc) =	sbr.rel .LBB3_52-.Ltmp50, $2  }
0x6a5: {  	_ =	sdelay $0x2  }
0x6a6: {  	[tilespmem:s3+$0x8518] =	vst.add.f32.msk $0xffff, v0  }
.LBB3_53:
0x6a7: {  	p1 =	slt.s32 s1, $0x1  }
.Ltmp51:
0x6a8: {  	_ = 	snop;
	(pc) =	sbr.rel @p1 .LBB3_57-.Ltmp51, $3  }
0x6a9: {  	_ =	sdelay $0x1  }
0x6aa: {  	s0 =	simm.s32 $0x8  }
0x6ab: {  	[sflag:s0] =	ssyncpa.u1 $0x1;
	s0 =	simm.s32 $0x0  }
0x6ac: {  	s2 =	simm.s32 $0x84D8  }
0x6ad: {  	v0 =	vld.msk [tilespmem:s2+$0x0], $0x1;
	_ =	sdelay $0x4  }
0x6ae: {  	(v2sf) =	vpush v0, $0x0;
	_ =	sdelay $0xe  }
0x6af: {  	s1 =	sadd.s32 $0xFFFFFFFF, s1;
	s3 =	spop (v2sf)  }
0x6b0: {  	p2 =	sne.s32 s1, $0x0;
	p1 =	sgt.u32 s3, $0x270FA  }
.Ltmp52:
0x6b1: {  	s4 =	sand.u32 @!p1 $0x3FFF8, s3;
	(pc) =	sbr.rel @!p2 .LBB3_56-.Ltmp52, $4  }
0x6b2: {  	s2 =	simm.s32 $0x84F8;
	s3 =	sand.u32 @!p1 $0x7, s3;
	s4 =	sadd.s32 @!p1 s5, s4  }
0x6b3: {  	[hbm4b:s4+s3] =	stream.linear.scatter @!p1 [tilespmem:s2], [sflag:$0x7], $0x30, $0x38;
	[tilespmem:$0x1F1E8] =	vst v63  }
0x6b4: {  	s4 =	simm.s32 $0x0  }
0x6b5: {  	s3 =	simm.s32 $0x84D9;
	s4 =	simm.s32 @!p1 $0xC0  }
.LBB3_55:
0x6b6: {  	v0 =	vld.msk [tilespmem:s3+$0x0], $0x1;
	s1 =	sadd.s32 $0xFFFFFFFF, s1;
	s0 =	sadd.s32 s0, s4  }
0x6b7: {  	p1 =	sne.s32 s1, $0x0;
	_ =	sdelay $0x3  }
0x6b8: {  	(v2sf) =	vpush v0, $0x0;
	_ =	sdelay $0xe  }
.Ltmp53:
0x6b9: {  	s6 =	spop (v2sf);
	(pc) =	sbr.rel @p1 .LBB3_55-.Ltmp53, $4  }
0x6ba: {  	s4 =	simm.s32 $0x0;
	p2 =	sgt.u32 s6, $0x270FA  }
0x6bb: {  	s2 =	sadd.s32 $0x30, s2;
	s4 =	simm.s32 @!p2 $0xC0;
	s7 =	sand.u32 @!p2 $0x3FFF8, s6  }
0x6bc: {  	s3 =	sadd.s32 $0x1, s3;
	s6 =	sand.u32 @!p2 $0x7, s6;
	s7 =	sadd.s32 @!p2 s5, s7  }
0x6bd: {  	[hbm4b:s7+s6] =	stream.linear.scatter @!p2 [tilespmem:s2], [sflag:$0x7], $0x30, $0x38;
	[tilespmem:$0x1F1E8] =	vst v63  }
.LBB3_56:
0x6be: {  	s0 =	sadd.s32 s0, s4  }
0x6bf: {  	s0 =	sshrl.u32 s0, $0x2  }
.LBB3_57:
0x6c0: {  	s1 =	simm.s32 $0x7  }
0x6c1: {  	_ =	swait.ge [sflag:s1], s0  }
0x6c2: {  	s31 =	ssub.s32 $0x0, s0;
	[sflag:s1] =	ssyncset.done $0x0  }
0x6c3: {  	[sflag:s1] =	ssyncadd.s32 s31  }
0x6c4: {  	[sflag:s1] =	ssyncpa.u1 $0x1  }
.LBB3_58:
0x6c5: {  	_ =	sfence;
	s0 =	simm.s32 $0x1  }
0x6c6: {  	[sflag:s0] =	ssyncpa.u1 $0x1  }
0x6c7: {  	_ =	strace $0x90000056  }
0x6c8: {  	[bflag:$0x2] =	sbarrier.arrive $0xFFFF  }
0x6c9: {  	s0 =	rddreg [dreg:$0x3]  }
0x6ca: {  	s0 =	sadd.s32 @!p0 $0x100000, s0  }
0x6cb: {  	[sflag:s0] =	ssyncadd.tile.s32 @!p0 $0x1;
	_ =	shalt  }
.Lfunc_end3:
_tile_overlayer_lowered:
.L_overlay_start_3:
0x6cc: {  	(tag) =	ssettag $0x3  }
0x6cd: {  	s0 =	rddreg [dreg:$0x0];
	s2 =	stileid.u32  }
0x6ce: {  	s1 =	rddreg [dreg:$0x1];
	p0 =	sne.s32 s2, $0x0  }
0x6cf: {  	s3 =	rddreg [dreg:$0x2];
	[bflag:$0x3] =	sbarrier.arrive $0xFFFF;
	s2 =	simm.s32 @!p0 $0x1C01  }
0x6d0: {  	[timem:s3], [sflag:s2] =	dma.local @!p0 [hbm:s0], s1  }
0x6d1: {  	s0 =	simm.s32 @!p0 $0x1  }
0x6d2: {  	_ =	swait.ge @!p0 [sflag:s0], s1  }
0x6d3: {  	s1 =	ssub.s32 @!p0 $0x0, s1;
	[sflag:s0] =	ssyncset.done @!p0 $0x0  }
0x6d4: {  	[sflag:s0] =	ssyncadd.s32 @!p0 s1  }
0x6d5: {  	[bflag:$0x3] =	sbarrier.arrive $0xFFFF  }
0x6d6: {  	_ =	shalt  }

// kernel: scatter_offload_async_start.2
scs
__scs_entry_jumppad:
0x0: {  	(pc) =	sbr.rel $0x88, $3  }
0x1: {  	(tag) =	ssettag $0x0;
	lr =	simm.s32 $0x1  }
0x2: {  	[smem:$0x3F97] =	sst lr;
	_ =	strace $0xD0000000  }
0x3: {  	_ = 	snop  }
0x4: {  	_ = 	snop  }
0x5: {  	_ = 	snop  }
0x6: {  	_ = 	snop  }
0x7: {  	_ = 	snop  }
__scs_overlays_trampoline_lowered:
0x8: {  	[smem:$0x3FA6] =	sst s0  }
0x9: {  	[smem:$0x3FA7] =	sst s1  }
0xa: {  	[smem:$0x3FA8] =	sst s2  }
0xb: {  	[smem:$0x3FA9] =	sst s3  }
0xc: {  	[smem:$0x3FAA] =	sst s4  }
0xd: {  	[smem:$0x3FAB] =	sst s5  }
0xe: {  	[smem:$0x3FAC] =	sst s6  }
0xf: {  	[smem:$0x3FAD] =	sst s7  }
0x10: {  	[smem:$0x3FAE] =	sst s8  }
0x11: {  	[smem:$0x3FAF] =	sst s9;
	s0 =	simm.s32 @!p0 $0x0  }
0x12: {  	s1 =	sld [smem:$0x3F95];
	s0 =	simm.s32 @p0 $0x1  }
0x13: {  	[smem:$0x3FB0] =	sst s0;
	s0 =	simm.s32 @!p1 $0x0  }
0x14: {  	s2 =	sld [smem:$0x3F94];
	s0 =	simm.s32 @p1 $0x1  }
0x15: {  	[smem:$0x3FB1] =	sst s0;
	s0 =	simm.s32 @!p2 $0x0  }
0x16: {  	s3 =	sld [smem:$0x3FDB];
	s0 =	simm.s32 @p2 $0x1  }
0x17: {  	s4 =	simm.s32 $0x1BF5;
	[smem:$0x3FB3] =	sst s0  }
0x18: {  	s0 =	sld [smem:$0x3F96];
	_ =	swait.ge [sflag:s4], $0x0  }
0x19: {  	s7 =	sld [smem:$0x3F97]  }
0x1a: {  	s8 =	sadd.s32 $0xFFFFE003, lr  }
0x1b: {  	s9 =	sadd.s32 $0xFFFFFEF7, lr;
	s5 =	simm.s32 $0xFFFFFFFF;
	p2 =	slt.u32 s8, $0xFFFFF086  }
0x1c: {  	p1 =	slt.u32 s9, $0xF7A;
	s5 =	simm.s32 @!p2 $0x0  }
0x1d: {  	s5 =	simm.s32 @p1 $0x1;
	p0 =	seq.s32 s7, s2  }
0x1e: {  	s7 =	smul.u32 @!p0 $0xF7A, s2;
	p2 =	seq.s32 @!p0 s5, $0x0  }
0x1f: {  	s9 =	smul.u32 $0xF7A, s1;
	s8 =	simm.s32 @!p0 $0x1BF5;
	p2 =	por !p2, p0  }
0x20: {  	[sflag:s8] =	ssyncset.s32 @!p0 $0xFFFFF086;
	s6 =	sadd.s32 @!p0 s3, s7;
	s7 =	simm.s32 @!p0 $0x108  }
0x21: {  	s3 =	sadd.s32 s3, s9;
	s6 =	sadd.s32 @!p0 $0x88, s6;
	s7 =	simm.s32 @p2 $0x1082  }
0x22: {  	[simem:s7], [sflag:s8] =	dma.local @!p0 [hbm:s6], $0xF7A  }
0x23: {  	s9 =	sor.u32 $0xD0000000, s2;
	s6 =	simm.s32 $0x108;
	_ =	swait.ge @!p0 [sflag:s8], $0x0  }
0x24: {  	s3 =	sadd.s32 $0x88, s3;
	s6 =	simm.s32 @!p1 $0x1082;
	[sflag:s4] =	ssyncset.s32 $0xFFFFF086  }
0x25: {  	[simem:s6], [sflag:s4] =	dma.local [hbm:s3], $0xF7A  }
0x26: {  	[smem:$0x3F97] =	sst s1;
	(tag) =	ssettag s2;
	_ =	strace s9  }
0x27: {  	s1 =	sld [smem:$0x3FA7]  }
0x28: {  	s2 =	sld [smem:$0x3FA8]  }
0x29: {  	s4 =	sld [smem:$0x3FAA]  }
0x2a: {  	p0 =	seq.s32 s5, $0x0;
	s5 =	sld [smem:$0x3FAB]  }
0x2b: {  	s6 =	sld [smem:$0x3FAC]  }
0x2c: {  	s7 =	sld [smem:$0x3FAD]  }
0x2d: {  	s3 =	simm.s32 $0x108;
	s8 =	sld [smem:$0x3FAE]  }
0x2e: {  	s3 =	simm.s32 @!p0 $0x1082;
	s9 =	sld [smem:$0x3FAF]  }
0x2f: {  	lr =	sadd.s32 s0, s3;
	s0 =	sld [smem:$0x3FA6]  }
0x30: {  	s3 =	sld [smem:$0x3FA9]  }
0x31: {  	[smem:$0x3FB2] =	sst s10  }
0x32: {  	s10 =	sld [smem:$0x3FB0];
	_ =	sdelay $0x3  }
0x33: {  	p0 =	seq.s32 s10, $0x1;
	s10 =	sld [smem:$0x3FB2];
	_ =	sdelay $0x3  }
0x34: {  	[smem:$0x3FB2] =	sst s10  }
0x35: {  	s10 =	sld [smem:$0x3FB1];
	_ =	sdelay $0x3  }
0x36: {  	p1 =	seq.s32 s10, $0x1;
	s10 =	sld [smem:$0x3FB2];
	_ =	sdelay $0x3  }
0x37: {  	[smem:$0x3FB2] =	sst s10  }
0x38: {  	s10 =	sld [smem:$0x3FB3]  }
0x39: {  	_ = 	snop;
	(pc) =	sbr.ind lr, $3  }
0x3a: {  	_ = 	snop  }
0x3b: {  	_ = 	snop  }
0x3c: {  	p2 =	seq.s32 s10, $0x1;
	s10 =	sld [smem:$0x3FB2]  }
0x3d: {  	_ =	shalt  }
0x3e: {  	_ =	shalt  }
0x3f: {  	_ =	shalt  }
0x40: {  	_ =	shalt  }
0x41: {  	_ =	shalt  }
0x42: {  	_ =	shalt  }
0x43: {  	_ =	shalt  }
0x44: {  	_ =	shalt  }
0x45: {  	_ =	shalt  }
0x46: {  	_ =	shalt  }
0x47: {  	_ =	shalt  }
0x48: {  	_ =	shalt  }
0x49: {  	_ =	shalt  }
0x4a: {  	_ =	shalt  }
0x4b: {  	_ =	shalt  }
0x4c: {  	_ =	shalt  }
0x4d: {  	_ =	shalt  }
0x4e: {  	_ =	shalt  }
0x4f: {  	_ =	shalt  }
0x50: {  	_ =	shalt  }
0x51: {  	_ =	shalt  }
0x52: {  	_ =	shalt  }
0x53: {  	_ =	shalt  }
0x54: {  	_ =	shalt  }
0x55: {  	_ =	shalt  }
0x56: {  	_ =	shalt  }
0x57: {  	_ =	shalt  }
0x58: {  	_ =	shalt  }
0x59: {  	_ =	shalt  }
0x5a: {  	_ =	shalt  }
0x5b: {  	_ =	shalt  }
0x5c: {  	_ =	shalt  }
0x5d: {  	_ =	shalt  }
0x5e: {  	_ =	shalt  }
0x5f: {  	_ =	shalt  }
0x60: {  	_ =	shalt  }
0x61: {  	_ =	shalt  }
0x62: {  	_ =	shalt  }
0x63: {  	_ =	shalt  }
0x64: {  	_ =	shalt  }
0x65: {  	_ =	shalt  }
0x66: {  	_ =	shalt  }
0x67: {  	_ =	shalt  }
0x68: {  	_ =	shalt  }
0x69: {  	_ =	shalt  }
0x6a: {  	_ =	shalt  }
0x6b: {  	_ =	shalt  }
0x6c: {  	_ =	shalt  }
0x6d: {  	_ =	shalt  }
0x6e: {  	_ =	shalt  }
0x6f: {  	_ =	shalt  }
0x70: {  	_ =	shalt  }
0x71: {  	_ =	shalt  }
0x72: {  	_ =	shalt  }
0x73: {  	_ =	shalt  }
0x74: {  	_ =	shalt  }
0x75: {  	_ =	shalt  }
0x76: {  	_ =	shalt  }
0x77: {  	_ =	shalt  }
0x78: {  	_ =	shalt  }
0x79: {  	_ =	shalt  }
0x7a: {  	_ =	shalt  }
0x7b: {  	_ =	shalt  }
0x7c: {  	_ =	shalt  }
0x7d: {  	_ =	shalt  }
0x7e: {  	_ =	shalt  }
0x7f: {  	_ =	shalt  }
0x80: {  	_ =	shalt  }
0x81: {  	_ =	shalt  }
0x82: {  	_ =	shalt  }
0x83: {  	_ =	shalt  }
0x84: {  	_ =	shalt  }
0x85: {  	_ =	shalt  }
0x86: {  	_ =	shalt  }
0x87: {  	_ =	shalt  }
.Lfunc_end0:
.L_simem_size_0:
called_computation.2_lowered:
.L_overlay_start_0:
0x88: {  	s0 =	sld [smem:$0x3FD9]  }
0x89: {  	s1 =	sld [smem:$0x3FFE];
	_ =	sdelay $0x3  }
0x8a: {  	s0 =	sadd.s32 s1, s0  }
0x8b: {  	[smem:$0x3FBE] =	sst s0  }
0x8c: {  	_ = 	snop  }
0x8d: {  	s0 =	sld [smem:$0x3FD0];
	_ =	sdelay $0x2  }
0x8e: {  	s13 =	simm.s32 $0xC;
	s2 =	simm.s32 $0x10  }
0x8f: {  	[smem:s2], [sflag:s13] =	dma.local [hbm:s0], $0x1  }
0x90: {  	_ =	swait.eq [sflag:s13], $0x1  }
0x91: {  	[sflag:s13] =	ssyncset.done $0x0  }
0x92: {  	[sflag:s13] =	ssyncadd.s32 $0xFFFFFFFF  }
0x93: {  	s14 =	sld [smem:$0x10];
	(tm) =	ssettm $0x1  }
0x94: {  	s15 =	sld [smem:$0x3FFB];
	_ =	sdelay $0x3  }
0x95: {  	_ =	strace s15  }
0x96: {  	s1 =	sld [smem:$0x3FFC];
	_ =	sdelay $0x3  }
0x97: {  	_ =	strace s1  }
0x98: {  	s1 =	sld [smem:$0x3FFD];
	_ =	sdelay $0x3  }
0x99: {  	_ =	strace s1  }
0x9a: {  	_ =	strace $0x8FFFFFFF  }
0x9b: {  	s16 =	sld [smem:$0x3FDB];
	_ =	sdelay $0x1  }
0x9c: {  	s17 =	simm.s32 $_scs_section_size  }
0x9d: {  	s3 =	simm.s32 $_size__tile_overlayer_lowered;
	s4 =	simm.s32 $_tile_overlayer_lowered  }
0x9e: {  	s20 =	simm.s32 $0x1BFF;
	s19 =	sshll.u32 s4, $0x1;
	s1 =	sadd.s32 s17, s16  }
0x9f: {  	s5 =	simm.s32 $0x0;
	s18 =	sshll.u32 s3, $0x1;
	s3 =	sadd.s32 s19, s1  }
0xa0: {  	[timem:s5], [sflag:s20] =	dma.local [hbm:s3], s18  }
0xa1: {  	_ =	swait.ge [sflag:s20], s18  }
0xa2: {  	s2 =	ssub.s32 $0x0, s18;
	[sflag:s20] =	ssyncset.done $0x0  }
0xa3: {  	[sflag:s20] =	ssyncadd.s32 s2;
	_ =	sdelay $0x1  }
0xa4: {  	s21 =	simm.s32 $0x1B8B  }
0xa5: {  	_ =	swait.ge [sflag:s21], $0x1  }
0xa6: {  	[sflag:s21] =	ssyncset.done $0x0  }
0xa7: {  	s23 =	simm.s32 $0x1B8E;
	s22 =	sld [smem:$0x3FFE];
	[sflag:s21] =	ssyncadd.s32 $0xFFFFFFFF  }
0xa8: {  	s24 =	simm.s32 $execute0_lowered;
	[smem:$0x3FD2] =	sst s23  }
0xa9: {  	s3 =	sshll.u32 s24, $0x1;
	_ =	strace $0x8000004F;
	[dreg:$0x1] =	wrdreg $0xFFFFFFFF  }
0xaa: {  	s25 =	simm.s32 $_size_execute0_lowered;
	s1 =	sadd.s32 s1, s3;
	[dreg:$0x0] =	wrdreg $0x0  }
0xab: {  	s3 =	sshll.u32 s25, $0x1;
	[dreg:$0x2] =	wrdreg s1  }
0xac: {  	[dreg:$0x3] =	wrdreg s3  }
0xad: {  	[dreg:$0x4] =	wrdreg $0xC0  }
0xae: {  	_ =	task [dreg:s5], $0x5FFFF  }
0xaf: {  	[dreg:$0x1] =	wrdreg $0xFFFFFFFF  }
0xb0: {  	[dreg:$0x0] =	wrdreg $0x60  }
0xb1: {  	[dreg:$0x2] =	wrdreg s22  }
0xb2: {  	[dreg:$0x3] =	wrdreg s14  }
0xb3: {  	[dreg:$0x4] =	wrdreg $0xB  }
0xb4: {  	_ =	task.clear_ibuf [dreg:s5], $0x5FFFF;
	_ =	strace $0x9000004F  }
0xb5: {  	s26 =	simm.s32 $0xB;
	_ =	strace $0x80000051  }
0xb6: {  	_ =	swait.ge [sflag:s26], $0x1  }
0xb7: {  	[sflag:s26] =	ssyncadd.s32 $0xFFFFFFFF  }
0xb8: {  	_ =	strace $0x90000051  }
0xb9: {  	_ =	sfence  }
0xba: {  	s28 =	sld [smem:$0x0];
	_ =	sdelay $0x1  }
0xbb: {  	s29 =	srdreg.scid  }
0xbc: {  	s30 =	sshll.u32 s29, $0xD;
	s31 =	sshrl.u32 s29, $0x2  }
0xbd: {  	s2 =	sand.u32 $0x4000, s30;
	s1 =	sand.u32 $0x1, s29;
	s0 =	sadd.s32 s31, s28  }
0xbe: {  	s1 =	sor.u32 s2, s1;
	s0 =	sshll.u32 s0, $0x11  }
0xbf: {  	s0 =	sor.u32 s0, s1  }
0xc0: {  	s0 =	sadd.s32 $0x8F2B, s0  }
0xc1: {  	[sflag:s0] =	ssyncadd.remote.s32 $0x1  }
0xc2: {  	_ =	sfence.sel $0xFFFF  }
0xc3: {  	[dreg:$0x0] =	wrdreg $0xFFFFFFFF;
	(pc) =	sbr.abs _section_cstart, $3  }
0xc4: {  	[dreg:$0x1] =	wrdreg $0xFFFFFFFF  }
0xc5: {  	_ =	task.clear_ibuf [dreg:s5], $0x2FFFF;
	_ =	strace $0x9FFFFFFF  }
0xc6: {  	(tm) =	ssettm $0x7FFFFFFF  }
0xc7: {  	_ =	shalt  }
tec
execute0_lowered:
.L_overlay_start_1:
0x0: {  	(tag) =	ssettag $0x1  }
0x1: {  	s0 =	rddreg [dreg:$0x0]  }
0x2: {  	s3 =	rddreg [dreg:$0x1];
	_ =	strace $0x80000050;
	s15 =	stileid.u32  }
0x3: {  	s2 =	simm.s32 $0x1;
	s1 =	smin.u32 s15, $0x8;
	s4 =	sshll.u32 s15, $0x1  }
0x4: {  	v1 =	vimm.s32 $0xFFFFFFFF;
	[sflag:s2] =	ssyncpa.u1 $0x0;
	s1 =	sadd.s32 s1, s4  }
0x5: {  	p0 =	slt.u32 s15, $0x8;
	[tilespmem:$0x10] =	vst v1;
	s5 =	smul.u32 $0x1F40, s1;
	s1 =	simm.s32 $0x5DC0  }
0x6: {  	v0 =	vimm.f32 $0.0e+00;
	[tilespmem:$0x20] =	vst v1;
	s1 =	simm.s32 @!p0 $0x3E80  }
0x7: {  	[tilespmem:$0x30] =	vst v0;
	s1 =	sadd.s32 s1, s5  }
0x8: {  	[tilespmem:$0x40] =	vst v0;
	s6 =	smin.u32 s1, $0x4E200  }
0x9: {  	s7 =	simm.s32 $0x2;
	[tilespmem:$0x50] =	vst v0;
	s9 =	ssub.s32 s6, s5  }
0xa: {  	s8 =	simm.s32 $0x8;
	s31 =	simm.s32 $0x9;
	[tilespmem:$0x60] =	vst v1;
	p0 =	sgt.s32 s9, $0x0  }
0xb: {  	s16 =	simm.s32 $0x0;
	s17 =	simm.s32 $0xF0;
	[tilespmem:$0x70] =	vst v1;
	s9 =	simm.s32 @!p0 $0x0  }
0xc: {  	s18 =	simm.s32 $0xFFFFFFFF;
	s19 =	simm.s32 $0xFFFFC280;
	[tilespmem:$0x80] =	vst v1;
	s30 =	smulhi.u32 $0x10624DD3, s9  }
0xd: {  	s20 =	simm.s32 $0xFFFFFFFE;
	s21 =	simm.s32 $0xF;
	s25 =	simm.s32 $0x0;
	v1 =	vimm.s32 $0x0;
	[tilespmem:$0xB0] =	vst v0  }
0xe: {  	s24 =	simm.s32 $0x0;
	s15 =	sshllo.u32 s15, $0x1;
	[tilespmem:$0x90] =	vst v1;
	s10 =	sshrl.u32 s30, $0x9  }
0xf: {  	[tilespmem:$0xA0] =	vst v1;
	[sflag:s7] =	ssyncpa.u1 $0x0;
	s7 =	simm.s32 $0x7;
	s11 =	smul.u32 $0x1F40, s10  }
.Ltmp0:
0x10: {  	s13 =	sor.u32 $0x80, s4;
	[sflag:s7] =	ssyncpa.u1 $0x0;
	(pc) =	sbr.rel .LBB2_1-.Ltmp0, $4  }
0x11: {  	s14 =	sor.u32 $0x81, s4;
	[sflag:s8] =	ssyncpa.u1 $0x0;
	p0 =	sne.s32 s9, s11  }
0x12: {  	s23 =	smov.u32 s5;
	s1 =	sadd.s32 $0xA400, s0;
	s2 =	simm.s32 @!p0 $0x0  }
0x13: {  	vm0 =	vmmov $0xffff;
	v2 =	vlaneseq.u32;
	[sflag:s31] =	ssyncpa.u1 $0x0;
	s9 =	sadd.s32 $0x600, s0;
	s10 =	sadd.s32 s2, s10  }
0x14: {  	vm1 =	vmxor vm1, vm1;
	vm2 =	vmmov $0x1;
	vm3 =	vcmask $0x3F3C;
	p0 =	por $0x0, $0x0;
	s11 =	sadd.s32 $0x1, s10;
	s12 =	sadd.s32 $0x2, s10  }
.LBB2_9:
0x15: {  	p1 =	slt.u32 s24, $0x3  }
0x16: {  	s0 =	simm.s32 @!p1 $0x2  }
0x17: {  	_ =	swait.ge @!p1 [sflag:s0], $0x1F40  }
0x18: {  	[sflag:s0] =	ssyncset.done @!p1 $0x0  }
0x19: {  	[sflag:s0] =	ssyncadd.s32 @!p1 $0xFFFFE0C0;
	s0 =	simm.s32 @!p1 $0x9  }
0x1a: {  	_ =	swait.ge @!p1 [sflag:s0], $0x10  }
0x1b: {  	[sflag:s0] =	ssyncset.done @!p1 $0x0  }
0x1c: {  	[sflag:s0] =	ssyncadd.s32 @!p1 $0xFFFFFFF0;
	p1 =	sne.s32 s24, s12  }
.Ltmp1:
0x1d: {  	s2 =	sadd.s32 $0x1F40, s23;
	(pc) =	sbr.rel @!p1 .LBB2_10-.Ltmp1, $4  }
0x1e: {  	s22 =	smov.u32 s5;
	s31 =	sadd.s32 $0x1, s24;
	s17 =	sadd.s32 $0x1F40, s17  }
0x1f: {  	s18 =	sadd.s32 $0x1, s18;
	s25 =	smov.u32 s23;
	p2 =	slt.s32 s2, s6  }
0x20: {  	p0 =	por !p0, !p0;
	s19 =	sadd.s32 $0x1F40, s19;
	s22 =	smov.u32 @p2 s2  }
0x21: {  	s20 =	sadd.s32 $0x1, s20;
	s23 =	smov.u32 s22;
	s24 =	smov.u32 s31  }
.LBB2_1:
0x22: {  	p1 =	sge.u32 s24, s10  }
0x23: {  	s0 =	smulhi.u32 @!p1 $0xAAAAAAAB, s24;
	_ =	sdelay $0x1  }
0x24: {  	s0 =	sshrl.u32 @!p1 s0, $0x1  }
0x25: {  	s0 =	smul.u32 @!p1 $0x3, s0;
	_ =	sdelay $0x1  }
0x26: {  	s0 =	ssub.s32 @!p1 s24, s0  }
0x27: {  	s0 =	smul.u32 @!p1 $0x7D00, s0;
	_ =	sdelay $0x1  }
0x28: {  	s2 =	sshrl.u32 @!p1 s23, $0x3;
	s0 =	sshrl.u32 @!p1 s0, $0x2  }
0x29: {  	s22 =	sand.u32 @!p1 $0x7, s23;
	s2 =	sadd.s32 @!p1 s3, s2;
	s0 =	sadd.s32 @!p1 $0x100, s0  }
0x2a: {  	[tilespmem:s0], [sflag:$0x7] =	stream.linear.gather @!p1 [hbm4b:s2+s22], $0x1F40, $0x38;
	[tilespmem:$0x11A60] =	vst v63  }
0x2b: {  	s0 =	sadd.s32 $0xFFFFFFFF, s24  }
0x2c: {  	p1 =	sge.u32 s0, s10  }
.Ltmp2:
0x2d: {  	_ = 	snop;
	(pc) =	sbr.rel @p1 .LBB2_5-.Ltmp2, $1  }
0x2e: {  	_ =	sdelay $0x3  }
0x2f: {  	s2 =	smulhi.u32 $0xAAAAAAAB, s0;
	_ =	sdelay $0x1  }
0x30: {  	s2 =	sshrl.u32 s2, $0x1  }
0x31: {  	s2 =	smul.u32 $0x3, s2;
	_ =	sdelay $0x1  }
0x32: {  	s2 =	ssub.s32 s0, s2  }
0x33: {  	s2 =	smul.u32 $0x7D00, s2  }
0x34: {  	_ =	swait.ge [sflag:s7], $0x1F40  }
0x35: {  	[sflag:s7] =	ssyncset.done $0x0;
	s2 =	sshrl.u32 s2, $0x2  }
0x36: {  	[sflag:s7] =	ssyncadd.s32 $0xFFFFE0C0;
	(ifvalue) =	ssetifvalue $0xFFFFFFFF;
	v3 =	vld.msk [tilespmem:s2+$0x100 ss:$0x1], $0xffff;
	_ =	sdelay $0x2  }
0x37: {  	s30 =	smulhi.u32 $0xAAAAAAAB, s18;
	p1 =	sne.s32 s24, $0x1  }
0x38: {  	v4 =	vimm.s32 @!p1 $0x0  }
0x39: {  	s2 =	sshrl.u32 s30, $0x1;
	v4 =	vperm.xlane @!p1 v3, v4  }
0x3a: {  	s22 =	sshll.u32 s24, $0x4;
	s2 =	smul.u32 $0xFFFE8900, s2;
	vm4 =	vlt.u32 v3, $0x2800  }
0x3b: {  	s22 =	sand.u32 $0x10, s22;
	v3 =	vnsel vm4, $0xFFFFFFFE, v3;
	vm4 =	vlt.u32 @!p1 v4, $0x2800  }
0x3c: {  	s2 =	sshra.s32 s2, $0x2;
	[tilespmem:s22+$0x60] =	vst v3;
	v3 =	vnsel @!p1 vm4, $0xFFFFFFFE, v4  }
0x3d: {  	s28 =	sadd.s32 s2, s17;
	[tilespmem:$0x80] =	vst @!p1 v3  }
0x3e: {  	v3 =	vld.msk [tilespmem:s28+$0x0 ss:$0x1], $0xffff;
	_ =	sdelay $0x4  }
0x3f: {  	(xrf1) =	vunique.msk.u32 $0xffff, v3;
	_ =	sdelay $0xd  }
0x40: {  	v4 =	vimm.s32 $0xFFFFFFFF;
	v5, _, _ =	vpop (xrf1)  }
0x41: {  	vm5 =	vne.s32 v3, v4;
	vm4 =	veq.s32 v5, v2  }
0x42: {  	vm6 =	vlt.u32 v3, $0x2800;
	vm4 =	vmand vm5, vm4  }
0x43: {  	vm4 =	vmand vm6, vm4  }
0x44: {  	v4 =	vnsel vm4, $0xFFFFFFFF, v3  }
0x45: {  	s31 =	sand.u32 $0x1, s0  }
0x46: {  	s0 =	simm.s32 $0x1F40;
	p1 =	seq.s32 s31, $0x1  }
0x47: {  	s0 =	simm.s32 @!p1 $0x0  }
0x48: {  	s26 =	sadd.s32 $0x7DF0, s0;
	(ifvalue) =	ssetifvalue $0xFFFFFFFF  }
0x49: {  	v3 =	vperm.xlane v3, v1;
	[tilespmem:s26], [sflag:$0x8] =	stream.indirect_vreg.gather [hbm4b:s1+s16], $0x1, v4, vm0, $0x4038;
	v4 =	vnsel vm6, $0xFFFFFFFE, v4;
	[tilespmem:$0x11A60] =	vst v63  }
0x4a: {  	s2 =	simm.s32 $0x0;
	s22 =	sadd.s32 $0xFFFFFFF0, s28;
	[tilespmem:s28+$0x0] =	vst v4  }
.LBB2_3:
0x4b: {  	v4 =	vld.msk [tilespmem:s22+$0x0 ss:$0x1], $0xffff;
	s2 =	sadd.s32 $0x10, s2;
	v5 =	vmov v3;
	s28 =	smov.u32 s22  }
0x4c: {  	p1 =	slt.u32 s2, $0x1F30;
	_ =	sdelay $0x4  }
0x4d: {  	v3 =	vperm.xlane v4, v1;
	(xrf1) =	vunique.msk.u32 $0xffff, v4;
	_ =	sdelay $0xd  }
0x4e: {  	v6, _, _ =	vpop (xrf1)  }
0x4f: {  	vm5 =	vne.s32 v4, v5;
	vm4 =	veq.s32 v6, v2  }
0x50: {  	vm6 =	vlt.u32 v4, $0x2800;
	vm4 =	vmand vm5, vm4  }
0x51: {  	vm4 =	vmand vm6, vm4  }
0x52: {  	v4 =	vnsel vm4, $0xFFFFFFFF, v4  }
.Ltmp3:
0x53: {  	v5 =	vnsel vm6, $0xFFFFFFFE, v4;
	(pc) =	sbr.rel @p1 .LBB2_3-.Ltmp3, $3  }
0x54: {  	_ =	sdelay $0x1  }
0x55: {  	s22 =	sadd.s32 $0xFFFFFFF0, s22;
	s26 =	sadd.s32 $0xFFFFFFF0, s26;
	(ifvalue) =	ssetifvalue $0xFFFFFFFF  }
0x56: {  	[tilespmem:s26], [sflag:$0x8] =	stream.indirect_vreg.gather [hbm4b:s1+s16], $0x1, v4, vm0, $0x4038;
	[tilespmem:s28+$0x0] =	vst v5  }
0x57: {  	s2 =	sshrl.u32 s25, $0x3  }
0x58: {  	s0 =	sadd.s32 $0x9D40, s0;
	s2 =	sadd.s32 s9, s2  }
0x59: {  	[tilespmem:s0], [sflag:$0x8] =	stream.linear.gather [hbm:s2], $0x1F40, $0x38;
	[tilespmem:$0x11A60] =	vst v63  }
.LBB2_5:
0x5a: {  	p1 =	slt.u32 s24, $0x2  }
0x5b: {  	p2 =	sge.u32 @!p1 s24, s12  }
0x5c: {  	p1 =	por p1, p2  }
.Ltmp4:
0x5d: {  	_ = 	snop;
	(pc) =	sbr.rel @p1 .LBB2_9-.Ltmp4, $1  }
0x5e: {  	_ =	sdelay $0x3  }
0x5f: {  	s0 =	sadd.s32 $0xFFFFFFFE, s24  }
0x60: {  	s2 =	smulhi.u32 $0xAAAAAAAB, s0;
	_ =	sdelay $0x1  }
0x61: {  	s2 =	sshrl.u32 s2, $0x1  }
0x62: {  	s2 =	smul.u32 $0x3, s2;
	_ =	sdelay $0x1  }
0x63: {  	s0 =	ssub.s32 s0, s2  }
0x64: {  	_ =	swait.ge [sflag:s8], $0x3E80;
	s0 =	smul.u32 $0x1F40, s0  }
0x65: {  	p1 =	sne.s32 s24, s11;
	[sflag:s8] =	ssyncset.done $0x0  }
0x66: {  	[sflag:s8] =	ssyncadd.s32 $0xFFFFC180;
	s2 =	sadd.s32 @!p1 $0x203F, s0  }
0x67: {  	[spmem:s14] =	stream.linear.scatter @!p1 [tilespmem:s2], [sflag:$0x1], $0x1, $0x38;
	[tilespmem:$0x11A60] =	vst v63  }
0x68: {  	s2 =	simm.s32 @!p1 $0x1  }
0x69: {  	_ =	swait.ge @!p1 [sflag:s2], $0x1  }
0x6a: {  	s22 =	sshll.u32 s24, $0x4;
	[sflag:s2] =	ssyncset.done @!p1 $0x0  }
0x6b: {  	s25 =	sand.u32 $0x10, s22;
	[sflag:s2] =	ssyncadd.s32 @!p1 $0xFFFFFFFF  }
0x6c: {  	s2 =	sxor.u32 $0x10, s25;
	v4 =	vld [tilespmem:s25+$0x10]  }
0x6d: {  	v5 =	vld [tilespmem:s2+$0x60]  }
0x6e: {  	v3 =	vld [tilespmem:$0x80];
	_ =	sdelay $0x2  }
0x6f: {  	(v2sf) =	vpush v4, $0x0  }
0x70: {  	(v2sf) =	vpush v5, $0x0  }
0x71: {  	(v2sf) =	vpush v3, $0x0;
	_ =	sdelay $0xc  }
0x72: {  	s22 =	spop (v2sf)  }
0x73: {  	s26 =	spop (v2sf)  }
0x74: {  	s28 =	spop (v2sf)  }
0x75: {  	p2 =	seq.s32 s22, s26;
	p3 =	seq.s32 s28, s22  }
0x76: {  	p3 =	por p2, p3  }
0x77: {  	s26 =	sand.u32 $0x1, s24;
	v4 =	vpsel p3, $0xFFFFFFFF, v4  }
0x78: {  	s29 =	smul.u32 $0x1F40, s26;
	[tilespmem:s25+$0x10] =	vst.msk $0x1, v4  }
0x79: {  	v4 =	vld [tilespmem:$0x30]  }
0x7a: {  	v5 =	vld [tilespmem:s29+$0x9D40]  }
0x7b: {  	v6 =	vld [tilespmem:s25+$0x40];
	_ =	sdelay $0x3  }
0x7c: {  	vm4 =	vmmov vm1;
	v5 =	vadd.f32 v5, v4  }
0x7d: {  	vm5 =	vmmov vm2;
	vm4 =	vmmov @p2 vm2;
	s22 =	sshll.u32 s26, $0x4;
	v4 =	vadd.f32 v6, v4  }
0x7e: {  	s26 =	sor.u32 $0x11A40, s22;
	vm5 =	vmmov @p3 vm1;
	[tilespmem:s29+$0x9D40] =	vst.msk vm4, v5  }
0x7f: {  	[tilespmem:s26+$0x0] =	vst.msk vm5, v4  }
0x80: {  	v4 =	vld [tilespmem:s29+$0x7DF0];
	_ =	sdelay $0x3  }
0x81: {  	v5 =	vimm.f32 $0.0e+00  }
0x82: {  	v4 =	vshift.insert v4, v5, s21  }
0x83: {  	s22 =	sor.u32 $0x40, s2  }
0x84: {  	[tilespmem:s22+$0x0] =	vst.msk $0x1, v4  }
0x85: {  	[tilespmem:s29+$0x7DFF] =	vst.msk $0x1, v5  }
0x86: {  	v4 =	vld [tilespmem:s0+$0x2030];
	_ =	sdelay $0x1  }
0x87: {  	s22 =	smulhi.u32 $0xAAAAAAAB, s20;
	s0 =	simm.s32 $0x1  }
0x88: {  	s0 =	simm.s32 @!p0 $0x0  }
0x89: {  	s22 =	sshrl.u32 s22, $0x1;
	s0 =	smul.u32 $0x7D00, s0  }
0x8a: {  	s22 =	smul.u32 $0xFFFE8900, s22;
	v4 =	vshift.insert v4, v1, s21  }
0x8b: {  	s0 =	sshrl.u32 s0, $0x2  }
0x8c: {  	s22 =	sshra.s32 s22, $0x2;
	s30 =	sadd.s32 $0x9D40, s0;
	[tilespmem:s2+$0x10] =	vst.msk $0x1, v4  }
0x8d: {  	s22 =	sadd.s32 s22, s19;
	v6 =	vld [tilespmem:s30+$0x0]  }
0x8e: {  	v7 =	vld [tilespmem:s22+$0x0];
	_ =	sdelay $0x3  }
0x8f: {  	v5 =	vadd.f32 v6, v5  }
0x90: {  	vm4 =	vne.s32 v7, $0xFFFFFFFF  }
0x91: {  	(xrf2) =	vadd.seg.scan.f32 vm4, v5;
	_ =	sdelay $0x3  }
0x92: {  	s31 =	sadd.s32 $0x5EC0, s0;
	v5 =	vperm.xlane v4, v1  }
0x93: {  	v6 =	vld [tilespmem:s31+$0x0]  }
0x94: {  	vm5 =	veq.s32 v7, v3;
	vm6 =	veq.s32 v7, v5  }
0x95: {  	vm7 =	vgt.u32 v7, $0xFFFFFFFD;
	vm6 =	vmor vm6, vm5  }
0x96: {  	vm6 =	vmor vm6, vm7  }
0x97: {  	v9 =	vld [tilespmem:$0xA0];
	v7 =	vsel vm6, $0xFFFFFFFF, v7  }
0x98: {  	v10 =	vld [tilespmem:$0x90];
	v6 =	vsel vm5, $0x0, v6;
	v8, _, _ =	vpop (xrf2)  }
0x99: {  	v6 =	vadd.f32 v8, v6  }
0x9a: {  	s0 =	sadd.s32 $0xDBC0, s0  }
0x9b: {  	vm4 =	vmand vm4, vm3;
	[tilespmem:s0+$0x0] =	vst v6;
	(ifvalue) =	ssetifvalue $0xFFFFFFFF  }
0x9c: {  	vm6 =	veq.s32 v9, $0x1;
	[hbm4b:s1+s16] =	stream.indirect_vreg.scatter [tilespmem:s0], [sflag:$0x2], $0x1, v7, vm0, $0x4038;
	v7 =	vsel vm4, $0x0, v8;
	[tilespmem:$0x11A60] =	vst v63  }
0x9d: {  	s2 =	simm.s32 $0x0;
	s22 =	sadd.s32 $0x10, s22;
	vm4 =	vmor vm6, vm5;
	v6 =	vsel vm5, v8, v10;
	v7 =	vshift.insert v7, v0, s21  }
.LBB2_7:
0x9e: {  	v8 =	vld [tilespmem:s22+$0x0];
	s30 =	sadd.s32 $0x10, s30  }
0x9f: {  	s31 =	sadd.s32 $0x10, s31;
	v9 =	vld [tilespmem:s30+$0x0]  }
0xa0: {  	s2 =	sadd.s32 $0x10, s2;
	v10 =	vld [tilespmem:s31+$0x0]  }
0xa1: {  	p2 =	slt.u32 s2, $0x1F30;
	_ =	sdelay $0x2  }
0xa2: {  	v7 =	vadd.f32 v9, v7  }
0xa3: {  	vm5 =	vne.s32 v8, $0xFFFFFFFF  }
0xa4: {  	vm6 =	vmand vm5, vm3;
	(xrf2) =	vadd.seg.scan.f32 vm5, v7;
	_ =	sdelay $0x5  }
0xa5: {  	vm7 =	veq.s32 v8, v5;
	vm5 =	veq.s32 v8, v3  }
0xa6: {  	vm8 =	vgt.u32 v8, $0xFFFFFFFD;
	vm4 =	vmor vm4, vm5;
	vm7 =	vmor vm7, vm5  }
0xa7: {  	vm7 =	vmor vm7, vm8  }
0xa8: {  	v8 =	vsel vm7, $0xFFFFFFFF, v8  }
.Ltmp5:
0xa9: {  	v7 =	vsel vm5, $0x0, v10;
	v9, _, _ =	vpop (xrf2);
	(pc) =	sbr.rel @p2 .LBB2_7-.Ltmp5, $4  }
0xaa: {  	v6 =	vsel vm5, v9, v6;
	v10 =	vadd.f32 v9, v7;
	v7 =	vsel vm6, $0x0, v9  }
0xab: {  	s0 =	sadd.s32 $0x10, s0;
	v7 =	vshift.insert v7, v0, s21  }
0xac: {  	s22 =	sadd.s32 $0x10, s22;
	[tilespmem:s0+$0x0] =	vst v10;
	(ifvalue) =	ssetifvalue $0xFFFFFFFF  }
0xad: {  	[hbm4b:s1+s16] =	stream.indirect_vreg.scatter [tilespmem:s0], [sflag:$0x2], $0x1, v8, vm0, $0x4038;
	[tilespmem:$0x11A60] =	vst v63  }
0xae: {  	v3 =	vld [tilespmem:s29+$0xFAF0];
	_ =	sdelay $0x4  }
0xaf: {  	v3 =	vshift.insert v3, v0, s21  }
0xb0: {  	s0 =	simm.s32 $0x30  }
0xb1: {  	[tilespmem:s0+$0x0] =	vst.msk $0x1, v3  }
0xb2: {  	v3 =	vsel vm4, $0x1, v1;
	[tilespmem:$0x90] =	vst v6  }
0xb3: {  	s0 =	sadd.s32 @!p1 $0xFAFF, s29;
	[tilespmem:$0xA0] =	vst v3  }
0xb4: {  	[spmem:s15] =	stream.linear.scatter @!p1 [tilespmem:s0], [sflag:$0x1], $0x1, $0x38;
	[tilespmem:$0x11A60] =	vst v63  }
0xb5: {  	s0 =	simm.s32 @!p1 $0x1  }
0xb6: {  	v3 =	vmctz.xlane @!p1 vm4;
	_ =	swait.ge @!p1 [sflag:s0], $0x1  }
0xb7: {  	(v2sf) =	vpush @!p1 v4, $0x0  }
0xb8: {  	(v2sf) =	vpush @!p1 v3, $0x0;
	_ =	sdelay $0xd  }
0xb9: {  	s2 =	spop @!p1 (v2sf)  }
0xba: {  	s22 =	spop @!p1 (v2sf)  }
0xbb: {  	p2 =	sne.s32 @!p1 s28, s2;
	p3 =	slt.s32 @!p1 s22, $0xF  }
0xbc: {  	[sflag:s0] =	ssyncset.done @!p1 $0x0;
	p2 =	por p2, p1;
	p3 =	por !p3, p1  }
0xbd: {  	[sflag:s0] =	ssyncadd.s32 @!p1 $0xFFFFFFFF;
	v3 =	vimm.s32 @!p2 $0xFFFFFFFF;
	s22 =	simm.s32 @p3 $0xF  }
0xbe: {  	[tilespmem:$0x80] =	vst @!p2 v3;
	s2 =	sadd.s32 @!p1 $0x90, s22  }
0xbf: {  	[spmem:s4] =	stream.linear.scatter @!p1 [tilespmem:s2], [sflag:$0x1], $0x1, $0x38;
	[tilespmem:$0x11A60] =	vst v63  }
0xc0: {  	_ =	swait.ge @!p1 [sflag:s0], $0x1  }
0xc1: {  	[sflag:s0] =	ssyncset.done @!p1 $0x0  }
0xc2: {  	s2 =	simm.s32 @!p1 $0x80;
	[sflag:s0] =	ssyncadd.s32 @!p1 $0xFFFFFFFF  }
0xc3: {  	[spmem:s13] =	stream.linear.scatter @!p1 [tilespmem:s2], [sflag:$0x1], $0x1, $0x38;
	[tilespmem:$0x11A60] =	vst v63  }
0xc4: {  	_ =	swait.ge @!p1 [sflag:s0], $0x1  }
0xc5: {  	[sflag:s0] =	ssyncset.done @!p1 $0x0  }
0xc6: {  	[sflag:s0] =	ssyncadd.s32 @!p1 $0xFFFFFFFF;
	(ifvalue) =	ssetifvalue $0xFFFFFFFF;
	v3 =	vld [tilespmem:s25+$0x10];
	_ =	sdelay $0x3  }
.Ltmp6:
0xc7: {  	_ = 	snop;
	(pc) =	sbr.rel .LBB2_9-.Ltmp6, $3  }
0xc8: {  	_ =	sdelay $0x1  }
0xc9: {  	(ifvalue) =	ssetifvalue $0xFFFFFFFF  }
0xca: {  	[hbm4b:s1+s16] =	stream.indirect_vreg.scatter [tilespmem:s26], [sflag:$0x9], $0x1, v3, vm0, $0x4038;
	[tilespmem:$0x11A60] =	vst v63  }
.LBB2_10:
0xcb: {  	_ =	sfence.sel $0x180000  }
0xcc: {  	s0 =	simm.s32 $0x7;
	[bflag:$0x0] =	sbarrier.arrive $0xFFFF  }
0xcd: {  	s26 =	simm.s32 $0x8;
	[sflag:s0] =	ssyncpa.u1 $0x1  }
0xce: {  	s28 =	simm.s32 $0x9;
	[sflag:s26] =	ssyncpa.u1 $0x1  }
0xcf: {  	[sflag:s28] =	ssyncpa.u1 $0x1  }
0xd0: {  	_ =	sfence.stream.spmem  }
0xd1: {  	s29 =	simm.s32 $0x3;
	[bflag:$0x0] =	sbarrier.arrive $0xFFFF  }
0xd2: {  	s30 =	simm.s32 $0x4;
	[sflag:s29] =	ssyncpa.u1 $0x1  }
0xd3: {  	s31 =	simm.s32 $0x3C;
	s2 =	stileid.u32;
	[sflag:s30] =	ssyncpa.u1 $0x1  }
0xd4: {  	p0 =	sne.s32 s2, $0x0;
	[sflag:s31] =	ssyncpa.u1 $0x1  }
0xd5: {  	s0 =	simm.s32 @p0 $0x1;
	_ =	sfence @p0  }
0xd6: {  	[sflag:s0] =	ssyncpa.u1 @p0 $0x1;
	s0 =	simm.s32 @p0 $0x2  }
0xd7: {  	[sflag:s0] =	ssyncpa.u1 @p0 $0x1  }
0xd8: {  	_ =	strace @p0 $0x90000050  }
0xd9: {  	[bflag:$0x2] =	sbarrier.arrive @p0 $0xFFFF  }
0xda: {  	_ =	shalt @p0  }
.LBB2_11:
0xdb: {  	_ =	sfence.stream.spmem;
	s0 =	simm.s32 $0x5  }
0xdc: {  	s2 =	simm.s32 $0x80;
	s3 =	simm.s32 $0xC0;
	[sflag:s0] =	ssyncpa.u1 $0x0  }
0xdd: {  	[tilespmem:s3], [sflag:$0x5] =	stream.linear.gather [spmem:s2], $0x20, $0x38;
	[tilespmem:$0x11A60] =	vst v63  }
0xde: {  	s2 =	simm.s32 $0x0;
	s3 =	simm.s32 $0xE0  }
0xdf: {  	[tilespmem:s3], [sflag:$0x5] =	stream.linear.gather [spmem:s2], $0x20, $0x38;
	[tilespmem:$0x11A60] =	vst v63  }
.Ltmp7:
0xe0: {  	_ = 	snop;
	(pc) =	sbr.rel .LBB2_12-.Ltmp7, $4  }
0xe1: {  	_ =	swait.ge [sflag:s0], $0x40  }
0xe2: {  	[sflag:s0] =	ssyncset.done $0x0  }
0xe3: {  	s31 =	simm.s32 $0x6;
	[sflag:s0] =	ssyncadd.s32 $0xFFFFFFC0  }
0xe4: {  	s4 =	simm.s32 $0x0;
	[sflag:s31] =	ssyncpa.u1 $0x0  }
.LBB2_17:
0xe5: {  	p0 =	sgt.u32 s5, $0x27FF  }
0xe6: {  	s0 =	sshrl.u32 @!p0 s5, $0x3  }
0xe7: {  	s5 =	sand.u32 @!p0 $0x7, s5;
	s6 =	simm.s32 @!p0 $0xB0;
	s0 =	sadd.s32 @!p0 s1, s0  }
0xe8: {  	[tilespmem:s6], [sflag:$0x6] =	stream.linear.gather @!p0 [hbm4b:s0+s5], $0x1, $0x38;
	[tilespmem:$0x11A60] =	vst v63  }
0xe9: {  	s0 =	simm.s32 @!p0 $0x6  }
0xea: {  	_ =	swait.ge @!p0 [sflag:s0], $0x1  }
0xeb: {  	[sflag:s0] =	ssyncset.done @!p0 $0x0  }
0xec: {  	[sflag:s0] =	ssyncadd.s32 @!p0 $0xFFFFFFFF  }
0xed: {  	v2 =	vmov @!p0 s4;
	v1 =	vld.msk @!p0 [tilespmem:$0xB0], $0x1;
	_ =	sdelay $0x3  }
0xee: {  	s0 =	simm.s32 @!p0 $0xE0  }
0xef: {  	[tilespmem:v2+s0+$0x0], v1 =	vst.idx.ret.add.f32.msk @!p0 $0x1, v1  }
0xf0: {  	[tilespmem:s2+$0xC0] =	vst.msk $0x1, v0  }
0xf1: {  	v0 =	vld.msk [tilespmem:s4+$0xE0], $0x1;
	_ =	sdelay $0x4  }
0xf2: {  	[tilespmem:s2+$0xE0] =	vst.msk $0x1, v0;
	s2 =	sadd.s32 $0x1, s2  }
.LBB2_19:
0xf3: {  	s4 =	sadd.s32 $0x1, s4  }
0xf4: {  	p0 =	sne.s32 s4, $0x20  }
.Ltmp8:
0xf5: {  	_ = 	snop;
	(pc) =	sbr.rel @!p0 .LBB2_20-.Ltmp8, $1  }
0xf6: {  	_ =	sdelay $0x3  }
.LBB2_12:
0xf7: {  	v0 =	vld.msk [tilespmem:s4+$0xC0], $0x1;
	_ =	sdelay $0x4  }
0xf8: {  	(v2sf) =	vpush v0, $0x0;
	_ =	sdelay $0xe  }
0xf9: {  	s5 =	spop (v2sf)  }
0xfa: {  	p0 =	seq.s32 s5, $0xFFFFFFFF  }
.Ltmp9:
0xfb: {  	_ = 	snop;
	(pc) =	sbr.rel @p0 .LBB2_19-.Ltmp9, $1  }
0xfc: {  	_ =	sdelay $0x3  }
0xfd: {  	p0 =	slt.s32 s2, $0x1  }
.Ltmp10:
0xfe: {  	_ = 	snop;
	(pc) =	sbr.rel @p0 .LBB2_17-.Ltmp10, $1  }
0xff: {  	_ =	sdelay $0x3  }
0x100: {  	s0 =	simm.s32 $0xC0;
	p0 =	por $0x0, $0x0  }
0x101: {  	v1 =	vld.msk @!p0 [tilespmem:s0+$0x0], $0x1;
	_ =	sdelay $0x4  }
0x102: {  	(v2sf) =	vpush @!p0 v1, $0x0;
	_ =	sdelay $0xd  }
0x103: {  	p2 =	sne.s32 s2, $0x1  }
.Ltmp11:
0x104: {  	s6 =	spop @!p0 (v2sf);
	(pc) =	sbr.rel @!p2 .LBB2_16-.Ltmp11, $4  }
0x105: {  	p1 =	seq.s32 @!p0 s5, s6  }
0x106: {  	s6 =	simm.s32 $0x0;
	p1 =	por !p1, p0  }
0x107: {  	s8 =	simm.s32 $0xFFFFFFFF;
	s6 =	simm.s32 @p1 $0xFFFFFFFF  }
0x108: {  	s7 =	simm.s32 $0x1;
	s6 =	smov.u32 @p0 s8  }
.LBB2_15:
0x109: {  	s8 =	smov.u32 s6;
	p0 =	sne.s32 s6, $0xFFFFFFFF  }
0x10a: {  	s0 =	sadd.s32 $0x1, s0;
	s6 =	smov.u32 s7;
	s7 =	sadd.s32 $0x1, s7  }
0x10b: {  	p1 =	sne.s32 s2, s7;
	v1 =	vld.msk @!p0 [tilespmem:s0+$0x0], $0x1;
	_ =	sdelay $0x4  }
0x10c: {  	(v2sf) =	vpush @!p0 v1, $0x0;
	_ =	sdelay $0xe  }
.Ltmp12:
0x10d: {  	s9 =	spop @!p0 (v2sf);
	(pc) =	sbr.rel @p1 .LBB2_15-.Ltmp12, $4  }
0x10e: {  	p2 =	seq.s32 @!p0 s5, s9  }
0x10f: {  	p2 =	por !p2, p0  }
0x110: {  	s6 =	simm.s32 @p2 $0xFFFFFFFF  }
0x111: {  	s6 =	smov.u32 @p0 s8  }
.LBB2_16:
0x112: {  	p0 =	sne.s32 s6, $0xFFFFFFFF  }
.Ltmp13:
0x113: {  	_ = 	snop;
	(pc) =	sbr.rel @!p0 .LBB2_17-.Ltmp13, $1  }
0x114: {  	_ =	sdelay $0x3  }
0x115: {  	v0 =	vld.msk [tilespmem:s4+$0xE0], $0x1;
	v1 =	vmov s6  }
.Ltmp14:
0x116: {  	_ = 	snop;
	(pc) =	sbr.rel .LBB2_19-.Ltmp14, $2  }
0x117: {  	_ =	sdelay $0x2  }
0x118: {  	[tilespmem:v1+s3+$0x0], v0 =	vst.idx.ret.add.f32.msk $0x1, v0  }
.LBB2_20:
0x119: {  	p0 =	slt.s32 s2, $0x1  }
.Ltmp15:
0x11a: {  	_ = 	snop;
	(pc) =	sbr.rel @p0 .LBB2_24-.Ltmp15, $3  }
0x11b: {  	_ =	sdelay $0x1  }
0x11c: {  	s0 =	simm.s32 $0x6  }
0x11d: {  	s3 =	simm.s32 $0x0;
	[sflag:s0] =	ssyncpa.u1 $0x1  }
0x11e: {  	s0 =	simm.s32 $0xC0  }
0x11f: {  	v0 =	vld.msk [tilespmem:s0+$0x0], $0x1;
	_ =	sdelay $0x4  }
0x120: {  	(v2sf) =	vpush v0, $0x0;
	_ =	sdelay $0xe  }
0x121: {  	s2 =	sadd.s32 $0xFFFFFFFF, s2;
	s4 =	spop (v2sf)  }
0x122: {  	p1 =	sne.s32 s2, $0x0;
	p0 =	sgt.u32 s4, $0x27FF  }
.Ltmp16:
0x123: {  	s5 =	sshrl.u32 @!p0 s4, $0x3;
	(pc) =	sbr.rel @!p1 .LBB2_23-.Ltmp16, $4  }
0x124: {  	s0 =	simm.s32 $0xE0;
	s4 =	sand.u32 @!p0 $0x7, s4;
	s5 =	sadd.s32 @!p0 s1, s5  }
0x125: {  	[hbm4b:s5+s4] =	stream.linear.scatter @!p0 [tilespmem:s0], [sflag:$0x5], $0x1, $0x38;
	[tilespmem:$0x11A60] =	vst v63  }
0x126: {  	s5 =	simm.s32 $0x0  }
0x127: {  	s4 =	simm.s32 $0xC1;
	s5 =	simm.s32 @!p0 $0x4  }
.LBB2_22:
0x128: {  	v0 =	vld.msk [tilespmem:s4+$0x0], $0x1;
	s2 =	sadd.s32 $0xFFFFFFFF, s2;
	s3 =	sadd.s32 s3, s5  }
0x129: {  	p0 =	sne.s32 s2, $0x0;
	_ =	sdelay $0x3  }
0x12a: {  	(v2sf) =	vpush v0, $0x0;
	_ =	sdelay $0xe  }
.Ltmp17:
0x12b: {  	s6 =	spop (v2sf);
	(pc) =	sbr.rel @p0 .LBB2_22-.Ltmp17, $4  }
0x12c: {  	s5 =	simm.s32 $0x0;
	p1 =	sgt.u32 s6, $0x27FF  }
0x12d: {  	s0 =	sadd.s32 $0x1, s0;
	s5 =	simm.s32 @!p1 $0x4;
	s7 =	sshrl.u32 @!p1 s6, $0x3  }
0x12e: {  	s4 =	sadd.s32 $0x1, s4;
	s6 =	sand.u32 @!p1 $0x7, s6;
	s7 =	sadd.s32 @!p1 s1, s7  }
0x12f: {  	[hbm4b:s7+s6] =	stream.linear.scatter @!p1 [tilespmem:s0], [sflag:$0x5], $0x1, $0x38;
	[tilespmem:$0x11A60] =	vst v63  }
.LBB2_23:
0x130: {  	s0 =	sadd.s32 s3, s5  }
0x131: {  	s3 =	sshrl.u32 s0, $0x2  }
.LBB2_24:
0x132: {  	s0 =	simm.s32 $0x5  }
0x133: {  	_ =	swait.ge [sflag:s0], s3  }
0x134: {  	s1 =	ssub.s32 $0x0, s3;
	[sflag:s0] =	ssyncset.done $0x0  }
0x135: {  	[sflag:s0] =	ssyncadd.s32 s1  }
0x136: {  	[sflag:s0] =	ssyncpa.u1 $0x1  }
0x137: {  	s29 =	simm.s32 $0x1;
	_ =	sfence  }
0x138: {  	s30 =	simm.s32 $0x2;
	[sflag:s29] =	ssyncpa.u1 $0x1  }
0x139: {  	[sflag:s30] =	ssyncpa.u1 $0x1  }
0x13a: {  	_ =	strace $0x90000050  }
0x13b: {  	[bflag:$0x2] =	sbarrier.arrive $0xFFFF  }
0x13c: {  	s31 =	rddreg [dreg:$0x2]  }
0x13d: {  	s0 =	sadd.s32 $0x100000, s31  }
0x13e: {  	[sflag:s0] =	ssyncadd.tile.s32 $0x1;
	_ =	shalt  }
.Lfunc_end2:
_tile_overlayer_lowered:
.L_overlay_start_2:
0x13f: {  	(tag) =	ssettag $0x2  }
0x140: {  	s0 =	rddreg [dreg:$0x0];
	s2 =	stileid.u32  }
0x141: {  	s1 =	rddreg [dreg:$0x1];
	p0 =	sne.s32 s2, $0x0  }
0x142: {  	s3 =	rddreg [dreg:$0x2];
	[bflag:$0x3] =	sbarrier.arrive $0xFFFF;
	s2 =	simm.s32 @!p0 $0x1C01  }
0x143: {  	[timem:s3], [sflag:s2] =	dma.local @!p0 [hbm:s0], s1  }
0x144: {  	s0 =	simm.s32 @!p0 $0x1  }
0x145: {  	_ =	swait.ge @!p0 [sflag:s0], s1  }
0x146: {  	s1 =	ssub.s32 @!p0 $0x0, s1;
	[sflag:s0] =	ssyncset.done @!p0 $0x0  }
0x147: {  	[sflag:s0] =	ssyncadd.s32 @!p0 s1  }
0x148: {  	[bflag:$0x3] =	sbarrier.arrive $0xFFFF  }
0x149: {  	_ =	shalt  }

// kernel: scatter_offload_async_start
scs
__scs_entry_jumppad:
0x0: {  	(pc) =	sbr.rel $0x88, $3  }
0x1: {  	(tag) =	ssettag $0x0;
	lr =	simm.s32 $0x1  }
0x2: {  	[smem:$0x3F97] =	sst lr;
	_ =	strace $0xD0000000  }
0x3: {  	_ = 	snop  }
0x4: {  	_ = 	snop  }
0x5: {  	_ = 	snop  }
0x6: {  	_ = 	snop  }
0x7: {  	_ = 	snop  }
__scs_overlays_trampoline_lowered:
0x8: {  	[smem:$0x3FA6] =	sst s0  }
0x9: {  	[smem:$0x3FA7] =	sst s1  }
0xa: {  	[smem:$0x3FA8] =	sst s2  }
0xb: {  	[smem:$0x3FA9] =	sst s3  }
0xc: {  	[smem:$0x3FAA] =	sst s4  }
0xd: {  	[smem:$0x3FAB] =	sst s5  }
0xe: {  	[smem:$0x3FAC] =	sst s6  }
0xf: {  	[smem:$0x3FAD] =	sst s7  }
0x10: {  	[smem:$0x3FAE] =	sst s8  }
0x11: {  	[smem:$0x3FAF] =	sst s9;
	s0 =	simm.s32 @!p0 $0x0  }
0x12: {  	s1 =	sld [smem:$0x3F95];
	s0 =	simm.s32 @p0 $0x1  }
0x13: {  	[smem:$0x3FB0] =	sst s0;
	s0 =	simm.s32 @!p1 $0x0  }
0x14: {  	s2 =	sld [smem:$0x3F94];
	s0 =	simm.s32 @p1 $0x1  }
0x15: {  	[smem:$0x3FB1] =	sst s0;
	s0 =	simm.s32 @!p2 $0x0  }
0x16: {  	s3 =	sld [smem:$0x3FDB];
	s0 =	simm.s32 @p2 $0x1  }
0x17: {  	s4 =	simm.s32 $0x1BF5;
	[smem:$0x3FB3] =	sst s0  }
0x18: {  	s0 =	sld [smem:$0x3F96];
	_ =	swait.ge [sflag:s4], $0x0  }
0x19: {  	s7 =	sld [smem:$0x3F97]  }
0x1a: {  	s8 =	sadd.s32 $0xFFFFE003, lr  }
0x1b: {  	s9 =	sadd.s32 $0xFFFFFEF7, lr;
	s5 =	simm.s32 $0xFFFFFFFF;
	p2 =	slt.u32 s8, $0xFFFFF086  }
0x1c: {  	p1 =	slt.u32 s9, $0xF7A;
	s5 =	simm.s32 @!p2 $0x0  }
0x1d: {  	s5 =	simm.s32 @p1 $0x1;
	p0 =	seq.s32 s7, s2  }
0x1e: {  	s7 =	smul.u32 @!p0 $0xF7A, s2;
	p2 =	seq.s32 @!p0 s5, $0x0  }
0x1f: {  	s9 =	smul.u32 $0xF7A, s1;
	s8 =	simm.s32 @!p0 $0x1BF5;
	p2 =	por !p2, p0  }
0x20: {  	[sflag:s8] =	ssyncset.s32 @!p0 $0xFFFFF086;
	s6 =	sadd.s32 @!p0 s3, s7;
	s7 =	simm.s32 @!p0 $0x108  }
0x21: {  	s3 =	sadd.s32 s3, s9;
	s6 =	sadd.s32 @!p0 $0x88, s6;
	s7 =	simm.s32 @p2 $0x1082  }
0x22: {  	[simem:s7], [sflag:s8] =	dma.local @!p0 [hbm:s6], $0xF7A  }
0x23: {  	s9 =	sor.u32 $0xD0000000, s2;
	s6 =	simm.s32 $0x108;
	_ =	swait.ge @!p0 [sflag:s8], $0x0  }
0x24: {  	s3 =	sadd.s32 $0x88, s3;
	s6 =	simm.s32 @!p1 $0x1082;
	[sflag:s4] =	ssyncset.s32 $0xFFFFF086  }
0x25: {  	[simem:s6], [sflag:s4] =	dma.local [hbm:s3], $0xF7A  }
0x26: {  	[smem:$0x3F97] =	sst s1;
	(tag) =	ssettag s2;
	_ =	strace s9  }
0x27: {  	s1 =	sld [smem:$0x3FA7]  }
0x28: {  	s2 =	sld [smem:$0x3FA8]  }
0x29: {  	s4 =	sld [smem:$0x3FAA]  }
0x2a: {  	p0 =	seq.s32 s5, $0x0;
	s5 =	sld [smem:$0x3FAB]  }
0x2b: {  	s6 =	sld [smem:$0x3FAC]  }
0x2c: {  	s7 =	sld [smem:$0x3FAD]  }
0x2d: {  	s3 =	simm.s32 $0x108;
	s8 =	sld [smem:$0x3FAE]  }
0x2e: {  	s3 =	simm.s32 @!p0 $0x1082;
	s9 =	sld [smem:$0x3FAF]  }
0x2f: {  	lr =	sadd.s32 s0, s3;
	s0 =	sld [smem:$0x3FA6]  }
0x30: {  	s3 =	sld [smem:$0x3FA9]  }
0x31: {  	[smem:$0x3FB2] =	sst s10  }
0x32: {  	s10 =	sld [smem:$0x3FB0];
	_ =	sdelay $0x3  }
0x33: {  	p0 =	seq.s32 s10, $0x1;
	s10 =	sld [smem:$0x3FB2];
	_ =	sdelay $0x3  }
0x34: {  	[smem:$0x3FB2] =	sst s10  }
0x35: {  	s10 =	sld [smem:$0x3FB1];
	_ =	sdelay $0x3  }
0x36: {  	p1 =	seq.s32 s10, $0x1;
	s10 =	sld [smem:$0x3FB2];
	_ =	sdelay $0x3  }
0x37: {  	[smem:$0x3FB2] =	sst s10  }
0x38: {  	s10 =	sld [smem:$0x3FB3]  }
0x39: {  	_ = 	snop;
	(pc) =	sbr.ind lr, $3  }
0x3a: {  	_ = 	snop  }
0x3b: {  	_ = 	snop  }
0x3c: {  	p2 =	seq.s32 s10, $0x1;
	s10 =	sld [smem:$0x3FB2]  }
0x3d: {  	_ =	shalt  }
0x3e: {  	_ =	shalt  }
0x3f: {  	_ =	shalt  }
0x40: {  	_ =	shalt  }
0x41: {  	_ =	shalt  }
0x42: {  	_ =	shalt  }
0x43: {  	_ =	shalt  }
0x44: {  	_ =	shalt  }
0x45: {  	_ =	shalt  }
0x46: {  	_ =	shalt  }
0x47: {  	_ =	shalt  }
0x48: {  	_ =	shalt  }
0x49: {  	_ =	shalt  }
0x4a: {  	_ =	shalt  }
0x4b: {  	_ =	shalt  }
0x4c: {  	_ =	shalt  }
0x4d: {  	_ =	shalt  }
0x4e: {  	_ =	shalt  }
0x4f: {  	_ =	shalt  }
0x50: {  	_ =	shalt  }
0x51: {  	_ =	shalt  }
0x52: {  	_ =	shalt  }
0x53: {  	_ =	shalt  }
0x54: {  	_ =	shalt  }
0x55: {  	_ =	shalt  }
0x56: {  	_ =	shalt  }
0x57: {  	_ =	shalt  }
0x58: {  	_ =	shalt  }
0x59: {  	_ =	shalt  }
0x5a: {  	_ =	shalt  }
0x5b: {  	_ =	shalt  }
0x5c: {  	_ =	shalt  }
0x5d: {  	_ =	shalt  }
0x5e: {  	_ =	shalt  }
0x5f: {  	_ =	shalt  }
0x60: {  	_ =	shalt  }
0x61: {  	_ =	shalt  }
0x62: {  	_ =	shalt  }
0x63: {  	_ =	shalt  }
0x64: {  	_ =	shalt  }
0x65: {  	_ =	shalt  }
0x66: {  	_ =	shalt  }
0x67: {  	_ =	shalt  }
0x68: {  	_ =	shalt  }
0x69: {  	_ =	shalt  }
0x6a: {  	_ =	shalt  }
0x6b: {  	_ =	shalt  }
0x6c: {  	_ =	shalt  }
0x6d: {  	_ =	shalt  }
0x6e: {  	_ =	shalt  }
0x6f: {  	_ =	shalt  }
0x70: {  	_ =	shalt  }
0x71: {  	_ =	shalt  }
0x72: {  	_ =	shalt  }
0x73: {  	_ =	shalt  }
0x74: {  	_ =	shalt  }
0x75: {  	_ =	shalt  }
0x76: {  	_ =	shalt  }
0x77: {  	_ =	shalt  }
0x78: {  	_ =	shalt  }
0x79: {  	_ =	shalt  }
0x7a: {  	_ =	shalt  }
0x7b: {  	_ =	shalt  }
0x7c: {  	_ =	shalt  }
0x7d: {  	_ =	shalt  }
0x7e: {  	_ =	shalt  }
0x7f: {  	_ =	shalt  }
0x80: {  	_ =	shalt  }
0x81: {  	_ =	shalt  }
0x82: {  	_ =	shalt  }
0x83: {  	_ =	shalt  }
0x84: {  	_ =	shalt  }
0x85: {  	_ =	shalt  }
0x86: {  	_ =	shalt  }
0x87: {  	_ =	shalt  }
.Lfunc_end0:
.L_simem_size_0:
called_computation_lowered:
.L_overlay_start_0:
0x88: {  	s2 =	sld [smem:$0x3FD9]  }
0x89: {  	s3 =	sld [smem:$0x3FFE];
	_ =	sdelay $0x1  }
0x8a: {  	s1 =	srdreg.scid  }
0x8b: {  	s0 =	sand.u32 $0x1, s1  }
0x8c: {  	s15 =	sshll.u32 s0, $0xA;
	s2 =	sadd.s32 s3, s2  }
0x8d: {  	s2 =	sadd.s32 s2, s15  }
0x8e: {  	[smem:$0x3FBE] =	sst s2  }
0x8f: {  	_ = 	snop  }
0x90: {  	(tm) =	ssettm $0x1  }
0x91: {  	s16 =	sld [smem:$0x3FFB];
	_ =	sdelay $0x3  }
0x92: {  	_ =	strace s16  }
0x93: {  	s2 =	sld [smem:$0x3FFC];
	_ =	sdelay $0x3  }
0x94: {  	_ =	strace s2  }
0x95: {  	s2 =	sld [smem:$0x3FFD];
	_ =	sdelay $0x3  }
0x96: {  	_ =	strace s2  }
0x97: {  	_ =	strace $0x8FFFFFFF  }
0x98: {  	s17 =	sld [smem:$0x3FDB];
	_ =	sdelay $0x1  }
0x99: {  	s18 =	simm.s32 $_scs_section_size  }
0x9a: {  	s4 =	simm.s32 $_size__tile_overlayer_lowered;
	s5 =	simm.s32 $_tile_overlayer_lowered  }
0x9b: {  	s21 =	simm.s32 $0x1BFF;
	s20 =	sshll.u32 s5, $0x1;
	s2 =	sadd.s32 s18, s17  }
0x9c: {  	s6 =	simm.s32 $0x0;
	s19 =	sshll.u32 s4, $0x1;
	s4 =	sadd.s32 s20, s2  }
0x9d: {  	[timem:s6], [sflag:s21] =	dma.local [hbm:s4], s19  }
0x9e: {  	_ =	swait.ge [sflag:s21], s19  }
0x9f: {  	s3 =	ssub.s32 $0x0, s19;
	[sflag:s21] =	ssyncset.done $0x0  }
0xa0: {  	[sflag:s21] =	ssyncadd.s32 s3;
	_ =	sdelay $0x1  }
0xa1: {  	s22 =	simm.s32 $0x1B8B  }
0xa2: {  	_ =	swait.ge [sflag:s22], $0x1  }
0xa3: {  	[sflag:s22] =	ssyncset.done $0x0  }
0xa4: {  	s23 =	sld [smem:$0x3FFE];
	[sflag:s22] =	ssyncadd.s32 $0xFFFFFFFF  }
0xa5: {  	s25 =	simm.s32 $0x1B8E;
	s24 =	sld [smem:$0x0]  }
0xa6: {  	s26 =	simm.s32 $execute0_lowered;
	[smem:$0x3FD2] =	sst s25  }
0xa7: {  	s5 =	sshll.u32 s26, $0x1;
	_ =	strace $0x80000049;
	[dreg:$0x1] =	wrdreg $0xFFFFFFFF  }
0xa8: {  	s28 =	simm.s32 $_size_execute0_lowered;
	s2 =	sadd.s32 s2, s5;
	[dreg:$0x0] =	wrdreg $0x0  }
0xa9: {  	s5 =	sshll.u32 s28, $0x1;
	[dreg:$0x2] =	wrdreg s2  }
0xaa: {  	[dreg:$0x3] =	wrdreg s5  }
0xab: {  	[dreg:$0x4] =	wrdreg $0xC0  }
0xac: {  	_ =	task [dreg:s6], $0x5FFFF  }
0xad: {  	[dreg:$0x1] =	wrdreg $0xFFFFFFFF  }
0xae: {  	[dreg:$0x0] =	wrdreg $0x60  }
0xaf: {  	[dreg:$0x2] =	wrdreg s23  }
0xb0: {  	[dreg:$0x3] =	wrdreg s1  }
0xb1: {  	[dreg:$0x4] =	wrdreg s24  }
0xb2: {  	[dreg:$0x5] =	wrdreg $0x9  }
0xb3: {  	_ =	task.clear_ibuf [dreg:s6], $0x6FFFF;
	_ =	strace $0x90000049  }
0xb4: {  	s29 =	simm.s32 $0x9;
	_ =	strace $0x8000004B  }
0xb5: {  	_ =	swait.ge [sflag:s29], $0x1  }
0xb6: {  	[sflag:s29] =	ssyncadd.s32 $0xFFFFFFFF  }
0xb7: {  	_ =	strace $0x9000004B  }
0xb8: {  	_ =	sfence  }
0xb9: {  	s30 =	sld [smem:$0x0];
	_ =	sdelay $0x2  }
0xba: {  	s31 =	sshll.u32 s1, $0xD;
	s1 =	sshrl.u32 s1, $0x2  }
0xbb: {  	s3 =	sand.u32 $0x4000, s31;
	s1 =	sadd.s32 s1, s30  }
0xbc: {  	s0 =	sor.u32 s3, s0;
	s1 =	sshll.u32 s1, $0x11  }
0xbd: {  	s0 =	sor.u32 s1, s0  }
0xbe: {  	s0 =	sadd.s32 $0x8F2B, s0  }
0xbf: {  	[sflag:s0] =	ssyncadd.remote.s32 $0x1  }
0xc0: {  	_ =	sfence.sel $0xFFFF  }
0xc1: {  	[dreg:$0x0] =	wrdreg $0xFFFFFFFF;
	(pc) =	sbr.abs _section_cstart, $3  }
0xc2: {  	[dreg:$0x1] =	wrdreg $0xFFFFFFFF  }
0xc3: {  	_ =	task.clear_ibuf [dreg:s6], $0x2FFFF;
	_ =	strace $0x9FFFFFFF  }
0xc4: {  	(tm) =	ssettm $0x7FFFFFFF  }
0xc5: {  	_ =	shalt  }
tec
execute0_lowered:
.L_overlay_start_1:
0x0: {  	(tag) =	ssettag $0x1  }
0x1: {  	s11 =	rddreg [dreg:$0x0]  }
0x2: {  	s2 =	rddreg [dreg:$0x1];
	_ =	strace $0x8000004A;
	s12 =	simm.s32 $0x1  }
0x3: {  	v0 =	vimm.s32 $0x0;
	[sflag:s12] =	ssyncpa.u1 $0x0  }
0x4: {  	[tilespmem:$0x28] =	vst v0  }
0x5: {  	[tilespmem:$0x38] =	vst v0  }
0x6: {  	[tilespmem:$0x48] =	vst v0  }
0x7: {  	[tilespmem:$0x58] =	vst v0  }
0x8: {  	[tilespmem:$0x68] =	vst v0  }
0x9: {  	[tilespmem:$0x78] =	vst v0  }
0xa: {  	[tilespmem:$0x88] =	vst v0  }
0xb: {  	[tilespmem:$0x98] =	vst v0  }
0xc: {  	[tilespmem:$0xA8] =	vst v0  }
0xd: {  	[tilespmem:$0xB8] =	vst v0  }
0xe: {  	[tilespmem:$0xC8] =	vst v0  }
0xf: {  	[tilespmem:$0xD8] =	vst v0  }
0x10: {  	[tilespmem:$0xE8] =	vst v0  }
0x11: {  	[tilespmem:$0xF8] =	vst v0  }
0x12: {  	[tilespmem:$0x108] =	vst v0  }
0x13: {  	[tilespmem:$0x118] =	vst v0  }
0x14: {  	[tilespmem:$0x128] =	vst v0  }
0x15: {  	[tilespmem:$0x138] =	vst v0  }
0x16: {  	[tilespmem:$0x148] =	vst v0  }
0x17: {  	[tilespmem:$0x158] =	vst v0  }
0x18: {  	[tilespmem:$0x168] =	vst v0  }
0x19: {  	[tilespmem:$0x178] =	vst v0  }
0x1a: {  	[tilespmem:$0x188] =	vst v0  }
0x1b: {  	[tilespmem:$0x198] =	vst v0  }
0x1c: {  	[tilespmem:$0x1A8] =	vst v0  }
0x1d: {  	[tilespmem:$0x1B8] =	vst v0  }
0x1e: {  	[tilespmem:$0x1C8] =	vst v0  }
0x1f: {  	[tilespmem:$0x1D8] =	vst v0  }
0x20: {  	[tilespmem:$0x1E8] =	vst v0  }
0x21: {  	[tilespmem:$0x1F8] =	vst v0  }
0x22: {  	[tilespmem:$0x208] =	vst v0  }
0x23: {  	[tilespmem:$0x218] =	vst v0  }
0x24: {  	[tilespmem:$0x228] =	vst v0  }
0x25: {  	[tilespmem:$0x238] =	vst v0  }
0x26: {  	[tilespmem:$0x248] =	vst v0  }
0x27: {  	[tilespmem:$0x258] =	vst v0  }
0x28: {  	[tilespmem:$0x268] =	vst v0  }
0x29: {  	[tilespmem:$0x278] =	vst v0  }
0x2a: {  	[tilespmem:$0x288] =	vst v0  }
0x2b: {  	[tilespmem:$0x298] =	vst v0  }
0x2c: {  	[tilespmem:$0x2A8] =	vst v0  }
0x2d: {  	[tilespmem:$0x2B8] =	vst v0  }
0x2e: {  	[tilespmem:$0x2C8] =	vst v0  }
0x2f: {  	[tilespmem:$0x2D8] =	vst v0  }
0x30: {  	[tilespmem:$0x2E8] =	vst v0  }
0x31: {  	[tilespmem:$0x2F8] =	vst v0  }
0x32: {  	[tilespmem:$0x308] =	vst v0  }
0x33: {  	[tilespmem:$0x318] =	vst v0  }
0x34: {  	[tilespmem:$0x328] =	vst v0  }
0x35: {  	[tilespmem:$0x338] =	vst v0  }
0x36: {  	[tilespmem:$0x348] =	vst v0  }
0x37: {  	[tilespmem:$0x358] =	vst v0  }
0x38: {  	[tilespmem:$0x368] =	vst v0  }
0x39: {  	[tilespmem:$0x378] =	vst v0  }
0x3a: {  	[tilespmem:$0x388] =	vst v0  }
0x3b: {  	[tilespmem:$0x398] =	vst v0  }
0x3c: {  	[tilespmem:$0x3A8] =	vst v0  }
0x3d: {  	[tilespmem:$0x3B8] =	vst v0  }
0x3e: {  	[tilespmem:$0x3C8] =	vst v0  }
0x3f: {  	[tilespmem:$0x3D8] =	vst v0  }
0x40: {  	[tilespmem:$0x3E8] =	vst v0  }
0x41: {  	[tilespmem:$0x3F8] =	vst v0  }
0x42: {  	[tilespmem:$0x408] =	vst v0  }
0x43: {  	[tilespmem:$0x418] =	vst v0  }
0x44: {  	[tilespmem:$0x428] =	vst v0  }
0x45: {  	[tilespmem:$0x438] =	vst v0  }
0x46: {  	[tilespmem:$0x448] =	vst v0  }
0x47: {  	[tilespmem:$0x458] =	vst v0  }
0x48: {  	[tilespmem:$0x468] =	vst v0  }
0x49: {  	[tilespmem:$0x478] =	vst v0  }
0x4a: {  	[tilespmem:$0x488] =	vst v0  }
0x4b: {  	[tilespmem:$0x498] =	vst v0  }
0x4c: {  	[tilespmem:$0x4A8] =	vst v0  }
0x4d: {  	[tilespmem:$0x4B8] =	vst v0  }
0x4e: {  	[tilespmem:$0x4C8] =	vst v0  }
0x4f: {  	[tilespmem:$0x4D8] =	vst v0  }
0x50: {  	[tilespmem:$0x4E8] =	vst v0  }
0x51: {  	[tilespmem:$0x4F8] =	vst v0  }
0x52: {  	[tilespmem:$0x508] =	vst v0  }
0x53: {  	[tilespmem:$0x518] =	vst v0  }
0x54: {  	[tilespmem:$0x528] =	vst v0  }
0x55: {  	[tilespmem:$0x538] =	vst v0  }
0x56: {  	[tilespmem:$0x548] =	vst v0  }
0x57: {  	[tilespmem:$0x558] =	vst v0  }
0x58: {  	[tilespmem:$0x568] =	vst v0  }
0x59: {  	[tilespmem:$0x578] =	vst v0  }
0x5a: {  	[tilespmem:$0x588] =	vst v0  }
0x5b: {  	[tilespmem:$0x598] =	vst v0  }
0x5c: {  	[tilespmem:$0x5A8] =	vst v0  }
0x5d: {  	[tilespmem:$0x5B8] =	vst v0  }
0x5e: {  	[tilespmem:$0x5C8] =	vst v0  }
0x5f: {  	[tilespmem:$0x5D8] =	vst v0  }
0x60: {  	[tilespmem:$0x5E8] =	vst v0  }
0x61: {  	[tilespmem:$0x5F8] =	vst v0  }
0x62: {  	[tilespmem:$0x608] =	vst v0  }
0x63: {  	[tilespmem:$0x618] =	vst v0  }
0x64: {  	[tilespmem:$0x628] =	vst v0  }
0x65: {  	[tilespmem:$0x638] =	vst v0  }
0x66: {  	[tilespmem:$0x648] =	vst v0  }
0x67: {  	[tilespmem:$0x658] =	vst v0  }
0x68: {  	[tilespmem:$0x668] =	vst v0  }
0x69: {  	[tilespmem:$0x678] =	vst v0  }
0x6a: {  	[tilespmem:$0x688] =	vst v0  }
0x6b: {  	[tilespmem:$0x698] =	vst v0  }
0x6c: {  	[tilespmem:$0x6A8] =	vst v0  }
0x6d: {  	[tilespmem:$0x6B8] =	vst v0  }
0x6e: {  	[tilespmem:$0x6C8] =	vst v0  }
0x6f: {  	[tilespmem:$0x6D8] =	vst v0  }
0x70: {  	[tilespmem:$0x6E8] =	vst v0  }
0x71: {  	[tilespmem:$0x6F8] =	vst v0  }
0x72: {  	[tilespmem:$0x708] =	vst v0  }
0x73: {  	[tilespmem:$0x718] =	vst v0  }
0x74: {  	[tilespmem:$0x728] =	vst v0  }
0x75: {  	[tilespmem:$0x738] =	vst v0  }
0x76: {  	[tilespmem:$0x748] =	vst v0  }
0x77: {  	[tilespmem:$0x758] =	vst v0  }
0x78: {  	[tilespmem:$0x768] =	vst v0  }
0x79: {  	[tilespmem:$0x778] =	vst v0  }
0x7a: {  	[tilespmem:$0x788] =	vst v0  }
0x7b: {  	[tilespmem:$0x798] =	vst v0  }
0x7c: {  	[tilespmem:$0x7A8] =	vst v0  }
0x7d: {  	[tilespmem:$0x7B8] =	vst v0  }
0x7e: {  	[tilespmem:$0x7C8] =	vst v0  }
0x7f: {  	[tilespmem:$0x7D8] =	vst v0  }
0x80: {  	[tilespmem:$0x7E8] =	vst v0  }
0x81: {  	[tilespmem:$0x7F8] =	vst v0  }
0x82: {  	[tilespmem:$0x808] =	vst v0  }
0x83: {  	[tilespmem:$0x818] =	vst v0  }
0x84: {  	[tilespmem:$0x828] =	vst v0  }
0x85: {  	[tilespmem:$0x838] =	vst v0  }
0x86: {  	[tilespmem:$0x848] =	vst v0  }
0x87: {  	[tilespmem:$0x858] =	vst v0  }
0x88: {  	[tilespmem:$0x868] =	vst v0  }
0x89: {  	[tilespmem:$0x878] =	vst v0  }
0x8a: {  	[tilespmem:$0x888] =	vst v0  }
0x8b: {  	[tilespmem:$0x898] =	vst v0  }
0x8c: {  	[tilespmem:$0x8A8] =	vst v0  }
0x8d: {  	[tilespmem:$0x8B8] =	vst v0  }
0x8e: {  	[tilespmem:$0x8C8] =	vst v0  }
0x8f: {  	[tilespmem:$0x8D8] =	vst v0  }
0x90: {  	[tilespmem:$0x8E8] =	vst v0  }
0x91: {  	[tilespmem:$0x8F8] =	vst v0  }
0x92: {  	[tilespmem:$0x908] =	vst v0  }
0x93: {  	[tilespmem:$0x918] =	vst v0  }
0x94: {  	[tilespmem:$0x928] =	vst v0  }
0x95: {  	[tilespmem:$0x938] =	vst v0  }
0x96: {  	[tilespmem:$0x948] =	vst v0  }
0x97: {  	[tilespmem:$0x958] =	vst v0  }
0x98: {  	[tilespmem:$0x968] =	vst v0  }
0x99: {  	[tilespmem:$0x978] =	vst v0  }
0x9a: {  	[tilespmem:$0x988] =	vst v0  }
0x9b: {  	[tilespmem:$0x998] =	vst v0  }
0x9c: {  	[tilespmem:$0x9A8] =	vst v0  }
0x9d: {  	[tilespmem:$0x9B8] =	vst v0  }
0x9e: {  	[tilespmem:$0x9C8] =	vst v0  }
0x9f: {  	[tilespmem:$0x9D8] =	vst v0  }
0xa0: {  	[tilespmem:$0x9E8] =	vst v0  }
0xa1: {  	[tilespmem:$0x9F8] =	vst v0  }
0xa2: {  	[tilespmem:$0xA08] =	vst v0  }
0xa3: {  	[tilespmem:$0xA18] =	vst v0  }
0xa4: {  	[tilespmem:$0xA28] =	vst v0  }
0xa5: {  	[tilespmem:$0xA38] =	vst v0  }
0xa6: {  	[tilespmem:$0xA48] =	vst v0  }
0xa7: {  	[tilespmem:$0xA58] =	vst v0  }
0xa8: {  	[tilespmem:$0xA68] =	vst v0  }
0xa9: {  	[tilespmem:$0xA78] =	vst v0  }
0xaa: {  	[tilespmem:$0xA88] =	vst v0  }
0xab: {  	[tilespmem:$0xA98] =	vst v0  }
0xac: {  	[tilespmem:$0xAA8] =	vst v0  }
0xad: {  	[tilespmem:$0xAB8] =	vst v0  }
0xae: {  	[tilespmem:$0xAC8] =	vst v0  }
0xaf: {  	[tilespmem:$0xAD8] =	vst v0  }
0xb0: {  	[tilespmem:$0xAE8] =	vst v0  }
0xb1: {  	[tilespmem:$0xAF8] =	vst v0  }
0xb2: {  	[tilespmem:$0xB08] =	vst v0  }
0xb3: {  	[tilespmem:$0xB18] =	vst v0  }
0xb4: {  	[tilespmem:$0xB28] =	vst v0  }
0xb5: {  	[tilespmem:$0xB38] =	vst v0  }
0xb6: {  	[tilespmem:$0xB48] =	vst v0  }
0xb7: {  	[tilespmem:$0xB58] =	vst v0  }
0xb8: {  	[tilespmem:$0xB68] =	vst v0  }
0xb9: {  	[tilespmem:$0xB78] =	vst v0  }
0xba: {  	[tilespmem:$0xB88] =	vst v0  }
0xbb: {  	[tilespmem:$0xB98] =	vst v0  }
0xbc: {  	[tilespmem:$0xBA8] =	vst v0  }
0xbd: {  	[tilespmem:$0xBB8] =	vst v0  }
0xbe: {  	[tilespmem:$0xBC8] =	vst v0  }
0xbf: {  	[tilespmem:$0xBD8] =	vst v0  }
0xc0: {  	[tilespmem:$0xBE8] =	vst v0  }
0xc1: {  	[tilespmem:$0xBF8] =	vst v0  }
0xc2: {  	[tilespmem:$0xC08] =	vst v0  }
0xc3: {  	[tilespmem:$0xC18] =	vst v0  }
0xc4: {  	[tilespmem:$0xC28] =	vst v0  }
0xc5: {  	[tilespmem:$0xC38] =	vst v0  }
0xc6: {  	[tilespmem:$0xC48] =	vst v0  }
0xc7: {  	[tilespmem:$0xC58] =	vst v0  }
0xc8: {  	[tilespmem:$0xC68] =	vst v0  }
0xc9: {  	[tilespmem:$0xC78] =	vst v0  }
0xca: {  	[tilespmem:$0xC88] =	vst v0  }
0xcb: {  	[tilespmem:$0xC98] =	vst v0  }
0xcc: {  	[tilespmem:$0xCA8] =	vst v0  }
0xcd: {  	[tilespmem:$0xCB8] =	vst v0  }
0xce: {  	[tilespmem:$0xCC8] =	vst v0  }
0xcf: {  	[tilespmem:$0xCD8] =	vst v0  }
0xd0: {  	[tilespmem:$0xCE8] =	vst v0  }
0xd1: {  	[tilespmem:$0xCF8] =	vst v0  }
0xd2: {  	[tilespmem:$0xD08] =	vst v0  }
0xd3: {  	[tilespmem:$0xD18] =	vst v0  }
0xd4: {  	[tilespmem:$0xD28] =	vst v0  }
0xd5: {  	[tilespmem:$0xD38] =	vst v0  }
0xd6: {  	[tilespmem:$0xD48] =	vst v0  }
0xd7: {  	[tilespmem:$0xD58] =	vst v0  }
0xd8: {  	[tilespmem:$0xD68] =	vst v0  }
0xd9: {  	[tilespmem:$0xD78] =	vst v0  }
0xda: {  	[tilespmem:$0xD88] =	vst v0  }
0xdb: {  	[tilespmem:$0xD98] =	vst v0  }
0xdc: {  	[tilespmem:$0xDA8] =	vst v0  }
0xdd: {  	[tilespmem:$0xDB8] =	vst v0  }
0xde: {  	[tilespmem:$0xDC8] =	vst v0  }
0xdf: {  	[tilespmem:$0xDD8] =	vst v0  }
0xe0: {  	[tilespmem:$0xDE8] =	vst v0  }
0xe1: {  	[tilespmem:$0xDF8] =	vst v0  }
0xe2: {  	[tilespmem:$0xE08] =	vst v0  }
0xe3: {  	[tilespmem:$0xE18] =	vst v0  }
0xe4: {  	[tilespmem:$0xE28] =	vst v0  }
0xe5: {  	[tilespmem:$0xE38] =	vst v0  }
0xe6: {  	[tilespmem:$0xE48] =	vst v0  }
0xe7: {  	[tilespmem:$0xE58] =	vst v0  }
0xe8: {  	[tilespmem:$0xE68] =	vst v0  }
0xe9: {  	[tilespmem:$0xE78] =	vst v0  }
0xea: {  	[tilespmem:$0xE88] =	vst v0  }
0xeb: {  	[tilespmem:$0xE98] =	vst v0  }
0xec: {  	[tilespmem:$0xEA8] =	vst v0  }
0xed: {  	[tilespmem:$0xEB8] =	vst v0  }
0xee: {  	[tilespmem:$0xEC8] =	vst v0  }
0xef: {  	[tilespmem:$0xED8] =	vst v0  }
0xf0: {  	[tilespmem:$0xEE8] =	vst v0  }
0xf1: {  	[tilespmem:$0xEF8] =	vst v0  }
0xf2: {  	[tilespmem:$0xF08] =	vst v0  }
0xf3: {  	[tilespmem:$0xF18] =	vst v0  }
0xf4: {  	[tilespmem:$0xF28] =	vst v0  }
0xf5: {  	[tilespmem:$0xF38] =	vst v0  }
0xf6: {  	[tilespmem:$0xF48] =	vst v0  }
0xf7: {  	[tilespmem:$0xF58] =	vst v0  }
0xf8: {  	[tilespmem:$0xF68] =	vst v0  }
0xf9: {  	[tilespmem:$0xF78] =	vst v0  }
0xfa: {  	[tilespmem:$0xF88] =	vst v0  }
0xfb: {  	[tilespmem:$0xF98] =	vst v0  }
0xfc: {  	[tilespmem:$0xFA8] =	vst v0  }
0xfd: {  	[tilespmem:$0xFB8] =	vst v0  }
0xfe: {  	[tilespmem:$0xFC8] =	vst v0  }
0xff: {  	[tilespmem:$0xFD8] =	vst v0  }
0x100: {  	[tilespmem:$0xFE8] =	vst v0  }
0x101: {  	[tilespmem:$0xFF8] =	vst v0  }
0x102: {  	[tilespmem:$0x1028] =	vst v0  }
0x103: {  	[tilespmem:$0x10E8] =	vst v0  }
0x104: {  	[tilespmem:$0x1068] =	vst v0  }
0x105: {  	[tilespmem:$0x1B28] =	vst v0  }
0x106: {  	[tilespmem:$0x1B18] =	vst v0  }
0x107: {  	[tilespmem:$0x1B08] =	vst v0  }
0x108: {  	[tilespmem:$0x1AF8] =	vst v0  }
0x109: {  	[tilespmem:$0x1AE8] =	vst v0  }
0x10a: {  	[tilespmem:$0x1AD8] =	vst v0  }
0x10b: {  	[tilespmem:$0x1AC8] =	vst v0  }
0x10c: {  	[tilespmem:$0x1AB8] =	vst v0  }
0x10d: {  	[tilespmem:$0x1AA8] =	vst v0  }
0x10e: {  	[tilespmem:$0x1A98] =	vst v0  }
0x10f: {  	[tilespmem:$0x1A88] =	vst v0  }
0x110: {  	[tilespmem:$0x1A78] =	vst v0  }
0x111: {  	[tilespmem:$0x1A68] =	vst v0  }
0x112: {  	[tilespmem:$0x1A58] =	vst v0  }
0x113: {  	[tilespmem:$0x1A48] =	vst v0  }
0x114: {  	[tilespmem:$0x1A38] =	vst v0  }
0x115: {  	[tilespmem:$0x1A28] =	vst v0  }
0x116: {  	[tilespmem:$0x1A18] =	vst v0  }
0x117: {  	[tilespmem:$0x1A08] =	vst v0  }
0x118: {  	[tilespmem:$0x19F8] =	vst v0  }
0x119: {  	[tilespmem:$0x19E8] =	vst v0  }
0x11a: {  	[tilespmem:$0x19D8] =	vst v0  }
0x11b: {  	[tilespmem:$0x19C8] =	vst v0  }
0x11c: {  	[tilespmem:$0x19B8] =	vst v0  }
0x11d: {  	[tilespmem:$0x19A8] =	vst v0  }
0x11e: {  	[tilespmem:$0x1998] =	vst v0  }
0x11f: {  	[tilespmem:$0x1988] =	vst v0  }
0x120: {  	[tilespmem:$0x1978] =	vst v0  }
0x121: {  	[tilespmem:$0x1968] =	vst v0  }
0x122: {  	[tilespmem:$0x1958] =	vst v0  }
0x123: {  	[tilespmem:$0x1948] =	vst v0  }
0x124: {  	[tilespmem:$0x1938] =	vst v0  }
0x125: {  	[tilespmem:$0x1928] =	vst v0  }
0x126: {  	[tilespmem:$0x1918] =	vst v0  }
0x127: {  	[tilespmem:$0x1908] =	vst v0  }
0x128: {  	[tilespmem:$0x18F8] =	vst v0  }
0x129: {  	[tilespmem:$0x18E8] =	vst v0  }
0x12a: {  	[tilespmem:$0x18D8] =	vst v0  }
0x12b: {  	[tilespmem:$0x18C8] =	vst v0  }
0x12c: {  	[tilespmem:$0x18B8] =	vst v0  }
0x12d: {  	[tilespmem:$0x18A8] =	vst v0  }
0x12e: {  	[tilespmem:$0x1898] =	vst v0  }
0x12f: {  	[tilespmem:$0x1888] =	vst v0  }
0x130: {  	[tilespmem:$0x1878] =	vst v0  }
0x131: {  	[tilespmem:$0x1868] =	vst v0  }
0x132: {  	[tilespmem:$0x1858] =	vst v0  }
0x133: {  	[tilespmem:$0x1848] =	vst v0  }
0x134: {  	[tilespmem:$0x1838] =	vst v0  }
0x135: {  	[tilespmem:$0x1828] =	vst v0  }
0x136: {  	[tilespmem:$0x1818] =	vst v0  }
0x137: {  	[tilespmem:$0x1808] =	vst v0  }
0x138: {  	[tilespmem:$0x17F8] =	vst v0  }
0x139: {  	[tilespmem:$0x17E8] =	vst v0  }
0x13a: {  	[tilespmem:$0x17D8] =	vst v0  }
0x13b: {  	[tilespmem:$0x17C8] =	vst v0  }
0x13c: {  	[tilespmem:$0x17B8] =	vst v0  }
0x13d: {  	[tilespmem:$0x17A8] =	vst v0  }
0x13e: {  	[tilespmem:$0x1798] =	vst v0  }
0x13f: {  	[tilespmem:$0x1788] =	vst v0  }
0x140: {  	[tilespmem:$0x1778] =	vst v0  }
0x141: {  	[tilespmem:$0x1768] =	vst v0  }
0x142: {  	[tilespmem:$0x1758] =	vst v0  }
0x143: {  	[tilespmem:$0x1748] =	vst v0  }
0x144: {  	[tilespmem:$0x1738] =	vst v0  }
0x145: {  	[tilespmem:$0x1728] =	vst v0  }
0x146: {  	[tilespmem:$0x1718] =	vst v0  }
0x147: {  	[tilespmem:$0x1708] =	vst v0  }
0x148: {  	[tilespmem:$0x16F8] =	vst v0  }
0x149: {  	[tilespmem:$0x16E8] =	vst v0  }
0x14a: {  	[tilespmem:$0x16D8] =	vst v0  }
0x14b: {  	[tilespmem:$0x16C8] =	vst v0  }
0x14c: {  	[tilespmem:$0x16B8] =	vst v0  }
0x14d: {  	[tilespmem:$0x16A8] =	vst v0  }
0x14e: {  	[tilespmem:$0x1698] =	vst v0  }
0x14f: {  	[tilespmem:$0x1688] =	vst v0  }
0x150: {  	[tilespmem:$0x1678] =	vst v0  }
0x151: {  	[tilespmem:$0x1668] =	vst v0  }
0x152: {  	[tilespmem:$0x1658] =	vst v0  }
0x153: {  	[tilespmem:$0x1648] =	vst v0  }
0x154: {  	[tilespmem:$0x1638] =	vst v0  }
0x155: {  	[tilespmem:$0x1628] =	vst v0  }
0x156: {  	[tilespmem:$0x1618] =	vst v0  }
0x157: {  	[tilespmem:$0x1608] =	vst v0  }
0x158: {  	[tilespmem:$0x15F8] =	vst v0  }
0x159: {  	[tilespmem:$0x15E8] =	vst v0  }
0x15a: {  	[tilespmem:$0x15D8] =	vst v0  }
0x15b: {  	[tilespmem:$0x15C8] =	vst v0  }
0x15c: {  	[tilespmem:$0x15B8] =	vst v0  }
0x15d: {  	[tilespmem:$0x15A8] =	vst v0  }
0x15e: {  	[tilespmem:$0x1598] =	vst v0  }
0x15f: {  	[tilespmem:$0x1588] =	vst v0  }
0x160: {  	[tilespmem:$0x1578] =	vst v0  }
0x161: {  	[tilespmem:$0x1568] =	vst v0  }
0x162: {  	[tilespmem:$0x1558] =	vst v0  }
0x163: {  	[tilespmem:$0x1548] =	vst v0  }
0x164: {  	[tilespmem:$0x1538] =	vst v0  }
0x165: {  	[tilespmem:$0x1528] =	vst v0  }
0x166: {  	[tilespmem:$0x1518] =	vst v0  }
0x167: {  	[tilespmem:$0x1508] =	vst v0  }
0x168: {  	[tilespmem:$0x14F8] =	vst v0  }
0x169: {  	[tilespmem:$0x14E8] =	vst v0  }
0x16a: {  	[tilespmem:$0x14D8] =	vst v0  }
0x16b: {  	[tilespmem:$0x14C8] =	vst v0  }
0x16c: {  	[tilespmem:$0x14B8] =	vst v0  }
0x16d: {  	[tilespmem:$0x14A8] =	vst v0  }
0x16e: {  	[tilespmem:$0x1498] =	vst v0  }
0x16f: {  	[tilespmem:$0x1488] =	vst v0  }
0x170: {  	[tilespmem:$0x1478] =	vst v0  }
0x171: {  	[tilespmem:$0x1468] =	vst v0  }
0x172: {  	[tilespmem:$0x1458] =	vst v0  }
0x173: {  	[tilespmem:$0x1448] =	vst v0  }
0x174: {  	[tilespmem:$0x1438] =	vst v0  }
0x175: {  	[tilespmem:$0x1428] =	vst v0  }
0x176: {  	[tilespmem:$0x1418] =	vst v0  }
0x177: {  	[tilespmem:$0x1408] =	vst v0  }
0x178: {  	[tilespmem:$0x13F8] =	vst v0  }
0x179: {  	[tilespmem:$0x13E8] =	vst v0  }
0x17a: {  	[tilespmem:$0x13D8] =	vst v0  }
0x17b: {  	[tilespmem:$0x13C8] =	vst v0  }
0x17c: {  	[tilespmem:$0x13B8] =	vst v0  }
0x17d: {  	[tilespmem:$0x13A8] =	vst v0  }
0x17e: {  	[tilespmem:$0x1398] =	vst v0  }
0x17f: {  	[tilespmem:$0x1388] =	vst v0  }
0x180: {  	[tilespmem:$0x1378] =	vst v0  }
0x181: {  	[tilespmem:$0x1368] =	vst v0  }
0x182: {  	[tilespmem:$0x1358] =	vst v0  }
0x183: {  	[tilespmem:$0x1348] =	vst v0  }
0x184: {  	[tilespmem:$0x1338] =	vst v0  }
0x185: {  	[tilespmem:$0x1328] =	vst v0  }
0x186: {  	[tilespmem:$0x1318] =	vst v0  }
0x187: {  	[tilespmem:$0x1308] =	vst v0  }
0x188: {  	[tilespmem:$0x12F8] =	vst v0  }
0x189: {  	[tilespmem:$0x12E8] =	vst v0  }
0x18a: {  	[tilespmem:$0x12D8] =	vst v0  }
0x18b: {  	[tilespmem:$0x12C8] =	vst v0  }
0x18c: {  	[tilespmem:$0x12B8] =	vst v0  }
0x18d: {  	[tilespmem:$0x12A8] =	vst v0  }
0x18e: {  	[tilespmem:$0x1298] =	vst v0  }
0x18f: {  	[tilespmem:$0x1288] =	vst v0  }
0x190: {  	[tilespmem:$0x1278] =	vst v0  }
0x191: {  	[tilespmem:$0x1268] =	vst v0  }
0x192: {  	[tilespmem:$0x1258] =	vst v0  }
0x193: {  	[tilespmem:$0x1248] =	vst v0  }
0x194: {  	[tilespmem:$0x1238] =	vst v0  }
0x195: {  	[tilespmem:$0x1228] =	vst v0  }
0x196: {  	[tilespmem:$0x1218] =	vst v0  }
0x197: {  	[tilespmem:$0x1208] =	vst v0  }
0x198: {  	[tilespmem:$0x11F8] =	vst v0  }
0x199: {  	[tilespmem:$0x11E8] =	vst v0  }
0x19a: {  	[tilespmem:$0x11D8] =	vst v0  }
0x19b: {  	[tilespmem:$0x11C8] =	vst v0  }
0x19c: {  	[tilespmem:$0x11B8] =	vst v0  }
0x19d: {  	[tilespmem:$0x11A8] =	vst v0  }
0x19e: {  	[tilespmem:$0x1198] =	vst v0  }
0x19f: {  	[tilespmem:$0x1188] =	vst v0  }
0x1a0: {  	[tilespmem:$0x1178] =	vst v0  }
0x1a1: {  	[tilespmem:$0x1168] =	vst v0  }
0x1a2: {  	[tilespmem:$0x1158] =	vst v0  }
0x1a3: {  	[tilespmem:$0x1148] =	vst v0  }
0x1a4: {  	[tilespmem:$0x1138] =	vst v0  }
0x1a5: {  	[tilespmem:$0x1128] =	vst v0  }
0x1a6: {  	[tilespmem:$0x1118] =	vst v0  }
0x1a7: {  	s4 =	stileid.u32;
	[tilespmem:$0x1108] =	vst v0  }
0x1a8: {  	s0 =	smul.u32 $0x17, s4;
	[tilespmem:$0x10F8] =	vst v0  }
0x1a9: {  	s1 =	smin.u32 s4, $0x3;
	[tilespmem:$0x10C8] =	vst v0  }
0x1aa: {  	[tilespmem:$0x10D8] =	vst v0;
	s0 =	sadd.s32 s1, s0  }
0x1ab: {  	p0 =	slt.u32 s4, $0x3;
	[tilespmem:$0x10B8] =	vst v0;
	s1 =	simm.s32 $0x2880;
	s6 =	smul.u32 $0x1B0, s0  }
0x1ac: {  	s1 =	simm.s32 @!p0 $0x26D0;
	[tilespmem:$0x1038] =	vst v0  }
0x1ad: {  	[tilespmem:$0x10A8] =	vst v0;
	s0 =	sadd.s32 s1, s6  }
0x1ae: {  	s3 =	simm.s32 $0x2;
	s8 =	simm.s32 $0x9;
	[tilespmem:$0x1098] =	vst v0;
	s7 =	smin.u32 s0, $0x27100  }
0x1af: {  	s10 =	simm.s32 $0xA;
	s30 =	simm.s32 $0xB;
	[tilespmem:$0x1088] =	vst v0;
	s0 =	ssub.s32 s7, s6  }
0x1b0: {  	s16 =	simm.s32 $0x0;
	p4 =	por $0x0, $0x0;
	[tilespmem:$0x1078] =	vst v0;
	p0 =	sgt.s32 s0, $0x0  }
0x1b1: {  	s17 =	simm.s32 $0xC;
	s21 =	simm.s32 $0x0;
	[tilespmem:$0x1058] =	vst v0;
	s0 =	simm.s32 @!p0 $0x0  }
0x1b2: {  	s18 =	simm.s32 $0x0;
	s2 =	sand.u32 $0x1, s2;
	[tilespmem:$0x1048] =	vst v0;
	s29 =	smulhi.u32 $0x4BDA12F7, s0  }
0x1b3: {  	s20 =	simm.s32 $0x0;
	s31 =	sshll.u32 s4, $0x5;
	[tilespmem:$0x1018] =	vst v0;
	[dreg:$0x5] =	wrdreg s2  }
0x1b4: {  	s2 =	smul.u32 $0x4E20, s2;
	[tilespmem:$0x1008] =	vst v0;
	[sflag:s3] =	ssyncpa.u1 $0x0;
	s1 =	sshrl.u32 s29, $0x7  }
0x1b5: {  	v0 =	vimm.s32 $0xFFFFFFFF;
	s3 =	sadd.s32 $0xF400, s11;
	[dreg:$0x4] =	wrdreg s31;
	s5 =	smul.u32 $0x1B0, s1  }
.Ltmp0:
0x1b6: {  	[tilespmem:$0x3648] =	vst v0;
	[sflag:s8] =	ssyncpa.u1 $0x0;
	s2 =	sadd.s32 s2, s11;
	(pc) =	sbr.rel .LBB2_1-.Ltmp0, $4  }
0x1b7: {  	[sflag:s10] =	ssyncpa.u1 $0x0;
	s11 =	sadd.s32 $0x3289E00, s11;
	p0 =	sne.s32 s0, s5  }
0x1b8: {  	[sflag:s30] =	ssyncpa.u1 $0x0;
	s14 =	sadd.s32 $0x67600, s2;
	s12 =	simm.s32 @!p0 $0x0  }
0x1b9: {  	s15 =	sadd.s32 $0x5D800, s2;
	s19 =	smov.u32 s6;
	s12 =	sadd.s32 s12, s1  }
0x1ba: {  	v0 =	vlaneseq.u32;
	[dreg:$0x6] =	wrdreg s6;
	p0 =	por $0x1, $0x1;
	s4 =	sadd.s32 $0x1, s12  }
.LBB2_18:
0x1bb: {  	s0 =	simm.s32 $0x2  }
0x1bc: {  	_ =	swait.ge [sflag:s0], $0x0  }
0x1bd: {  	[sflag:s0] =	ssyncset.done $0x0;
	s0 =	simm.s32 $0x0  }
.LBB2_19:
0x1be: {  	_ =	swait.ge [sflag:s17], s0  }
0x1bf: {  	s31 =	ssub.s32 $0x0, s0;
	v1 =	vmov s23;
	vm0 =	veq.s32 v0, $0x0;
	[sflag:s17] =	ssyncset.done $0x0  }
0x1c0: {  	vm15 =	veq.s32 v0, $0x2;
	v1 =	vsel vm0, s28, v1;
	[sflag:s17] =	ssyncadd.s32 s31  }
0x1c1: {  	v1 =	vsel vm15, s21, v1;
	[sflag:s17] =	ssyncpa.u1 $0x1  }
0x1c2: {  	[tilespmem:$0x3648] =	vst v1  }
.LBB2_20:
0x1c3: {  	s0 =	sadd.s32 $0x1B0, s19  }
0x1c4: {  	s1 =	smov.u32 s6;
	p1 =	slt.s32 s0, s7  }
0x1c5: {  	s1 =	smov.u32 @p1 s0;
	p1 =	sne.s32 s20, s4  }
.Ltmp1:
0x1c6: {  	_ = 	snop;
	(pc) =	sbr.rel @!p1 .LBB2_21-.Ltmp1, $4  }
0x1c7: {  	_ = 	snop  }
0x1c8: {  	s21 =	smov.u32 s18  }
0x1c9: {  	s31 =	sadd.s32 $0x1, s20;
	s18 =	smov.u32 s19;
	p0 =	por !p0, !p0  }
0x1ca: {  	p4 =	por !p4, !p4;
	s20 =	smov.u32 s31;
	s19 =	smov.u32 s1  }
.LBB2_1:
0x1cb: {  	p2 =	sge.u32 s20, s12  }
0x1cc: {  	s0 =	smulhi.u32 @!p2 $0xAAAAAAAB, s20  }
0x1cd: {  	s1 =	smov.u32 s19;
	p3 =	sgt.s32 @!p2 s19, $0x26F50  }
0x1ce: {  	s2 =	sshra.s32 @!p2 s19, $0x1F;
	p3 =	por !p3, p2;
	s0 =	sshrl.u32 @!p2 s0, $0x1  }
0x1cf: {  	s2 =	sand.u32 @!p2 s2, s19;
	s1 =	simm.s32 @p3 $0x26F50;
	s0 =	smul.u32 @!p2 $0x3, s0  }
0x1d0: {  	s1 =	ssub.s32 @!p2 s1, s2  }
0x1d1: {  	s23 =	sadd.s32 $0xFFFFFFFF, s20;
	s1 =	sadd.s32 @!p2 $0xFFFD90B0, s1;
	s0 =	ssub.s32 @!p2 s20, s0  }
0x1d2: {  	s2 =	sshll.u32 @!p2 s1, $0x2;
	p3 =	sgt.s32 @!p2 s1, $0x1AF;
	s0 =	smul.u32 @!p2 $0x6C0, s0  }
0x1d3: {  	s5 =	sand.u32 @!p2 $0x7, s19;
	s1 =	ssub.s32 @!p2 $0x6C0, s2;
	p3 =	por !p3, p2  }
0x1d4: {  	s2 =	sshrl.u32 @!p2 s19, $0x3;
	s1 =	sshrl.u32 @!p2 s1, $0x2;
	s0 =	sshrl.u32 @!p2 s0, $0x2  }
0x1d5: {  	s2 =	sadd.s32 @!p2 s2, s14;
	s1 =	simm.s32 @!p3 $0x0;
	s0 =	sadd.s32 @!p2 $0x3888, s0  }
0x1d6: {  	[tilespmem:s0], [sflag:$0xA] =	stream.linear.gather @!p2 [hbm4b:s2+s5], s1, $0x38;
	[tilespmem:$0x1F0F8] =	vst v63  }
0x1d7: {  	p2 =	sge.u32 s23, s12  }
0x1d8: {  	p3 =	sgt.s32 @!p2 s18, $0x26F50  }
0x1d9: {  	s0 =	smov.u32 s18;
	s1 =	sshra.s32 @!p2 s18, $0x1F;
	p3 =	por !p3, p2  }
0x1da: {  	s1 =	sand.u32 @!p2 s1, s18;
	s0 =	simm.s32 @p3 $0x26F50  }
0x1db: {  	s0 =	ssub.s32 @!p2 s0, s1  }
0x1dc: {  	s0 =	sadd.s32 @!p2 $0xFFFD90B0, s0  }
0x1dd: {  	s1 =	sshll.u32 @!p2 s0, $0x2  }
0x1de: {  	p3 =	sgt.s32 @!p2 s0, $0x1AF;
	s0 =	ssub.s32 @!p2 $0x6C0, s1  }
0x1df: {  	s22 =	ssub.s32 @!p2 $0x27100, s18;
	p3 =	por !p3, p2;
	s0 =	sshrl.u32 @!p2 s0, $0x2  }
0x1e0: {  	s1 =	sand.u32 @!p2 $0x1, s23;
	s0 =	simm.s32 @!p3 $0x0;
	p3 =	slt.s32 @!p2 s22, $0x1  }
0x1e1: {  	s2 =	simm.s32 @!p2 $0xA;
	s1 =	smul.u32 @!p2 $0x6C0, s1;
	p3 =	por p2, p3  }
.Ltmp2:
0x1e2: {  	_ =	swait.ge @!p2 [sflag:s2], s0;
	(pc) =	sbr.rel @p3 .LBB2_7-.Ltmp2, $4  }
0x1e3: {  	s5 =	ssub.s32 @!p2 $0x0, s0;
	[sflag:s2] =	ssyncset.done @!p2 $0x0  }
0x1e4: {  	s1 =	sshrl.u32 @!p2 s1, $0x2;
	[sflag:s2] =	ssyncadd.s32 @!p2 s5;
	s2 =	sshrl.u32 @!p2 s18, $0x3  }
0x1e5: {  	s1 =	sadd.s32 @!p2 $0x3D98, s1;
	s5 =	sand.u32 @!p2 $0x7, s18;
	s2 =	sadd.s32 @!p2 s2, s15  }
0x1e6: {  	[tilespmem:s1], [sflag:$0xB] =	stream.linear.gather @!p2 [hbm4b:s2+s5], s0, $0x38;
	[tilespmem:$0x1F0F8] =	vst v63  }
0x1e7: {  	s0 =	smulhi.u32 $0xAAAAAAAB, s23;
	_ =	sdelay $0x1  }
0x1e8: {  	s0 =	sshrl.u32 s0, $0x1  }
0x1e9: {  	s0 =	smul.u32 $0x3, s0;
	_ =	sdelay $0x1  }
0x1ea: {  	s0 =	ssub.s32 s23, s0  }
0x1eb: {  	s1 =	simm.s32 $0x1;
	s0 =	smul.u32 $0x6C0, s0  }
.Ltmp3:
0x1ec: {  	s1 =	simm.s32 @!p0 $0x0;
	(pc) =	sbr.rel .LBB2_4-.Ltmp3, $4  }
0x1ed: {  	s1 =	smul.u32 $0x36000, s1  }
0x1ee: {  	p3 =	slt.s32 @!p2 s22, $0x1B0;
	s0 =	sshrl.u32 s0, $0x2  }
0x1ef: {  	p2 =	por !p3, p2;
	s1 =	sshrl.u32 s1, $0x2;
	s0 =	sadd.s32 $0x3888, s0  }
0x1f0: {  	s24 =	simm.s32 $0x0;
	s22 =	simm.s32 @p2 $0x1B0;
	s23 =	sadd.s32 $0x40F8, s1;
	v1 =	vmov s0  }
.LBB2_3:
0x1f1: {  	p2 =	sge.s32 s24, s22  }
.Ltmp4:
0x1f2: {  	_ = 	snop;
	(pc) =	sbr.rel @p2 .LBB2_7-.Ltmp4, $2  }
0x1f3: {  	_ =	sdelay $0x2  }
0x1f4: {  	s23 =	sadd.s32 $0x800, s23  }
.LBB2_4:
0x1f5: {  	p2 =	sle.s32 s22, s24  }
.Ltmp5:
0x1f6: {  	_ = 	snop;
	(pc) =	sbr.rel @p2 .LBB2_3-.Ltmp5, $2  }
0x1f7: {  	_ =	sdelay $0x2  }
0x1f8: {  	s0 =	smov.u32 s24;
	s24 =	sadd.s32 $0x10, s24  }
0x1f9: {  	s1 =	ssub.s32 s22, s0  }
0x1fa: {  	p2 =	slt.s32 s1, $0x10  }
0x1fb: {  	s1 =	simm.s32 @!p2 $0x10  }
0x1fc: {  	v2 =	vmov s1  }
0x1fd: {  	vm0 =	vgt.s32 v2, v0;
	_ =	sdelay $0x5  }
0x1fe: {  	v2 =	vld.idx.msk [tilespmem:v1+s0+$0x0 ss:$0x1], vm0;
	_ =	sdelay $0x2  }
0x1ff: {  	p2 =	slt.s32 s24, s22;
	s1 =	smov.u32 s22  }
0x200: {  	s2 =	smov.u32 s23;
	s25 =	simm.s32 $0x0;
	s1 =	smov.u32 @p2 s24  }
.LBB2_6:
0x201: {  	(v2sf) =	vpush v2, s25;
	_ =	sdelay $0xc  }
0x202: {  	s25 =	sadd.s32 $0x1, s25  }
0x203: {  	s31 =	sadd.s32 s25, s0  }
0x204: {  	p2 =	slt.s32 s31, s1;
	s5 =	spop (v2sf)  }
.Ltmp6:
0x205: {  	s5 =	sshll.u32 s5, $0x4;
	(pc) =	sbr.rel @p2 .LBB2_6-.Ltmp6, $4  }
0x206: {  	s5 =	sand.u32 $0x1FFFFFF0, s5  }
0x207: {  	s5 =	sadd.s32 s11, s5  }
0x208: {  	[tilespmem:s2], [sflag:$0x9] =	stream.linear.gather [hbm4b:s5+s16], $0x8, $0x38;
	[tilespmem:$0x1F0F8] =	vst v63  }
0x209: {  	s2 =	sadd.s32 $0x80, s2  }
.Ltmp7:
0x20a: {  	_ = 	snop;
	(pc) =	sbr.rel .LBB2_3-.Ltmp7, $1  }
0x20b: {  	_ =	sdelay $0x3  }
.LBB2_7:
0x20c: {  	p2 =	slt.u32 s20, $0x2  }
.Ltmp8:
0x20d: {  	_ = 	snop;
	(pc) =	sbr.rel @p2 .LBB2_20-.Ltmp8, $1  }
0x20e: {  	_ =	sdelay $0x3  }
0x20f: {  	p2 =	sgt.s32 s21, $0x26F50  }
0x210: {  	s0 =	smov.u32 s21;
	s1 =	sshra.s32 s21, $0x1F;
	s2 =	ssub.s32 $0x27100, s21  }
0x211: {  	s0 =	simm.s32 @!p2 $0x26F50;
	s1 =	sand.u32 s1, s21;
	p2 =	slt.s32 s2, $0x1B0  }
0x212: {  	s0 =	ssub.s32 s0, s1;
	s2 =	simm.s32 @!p2 $0x1B0  }
0x213: {  	s0 =	sadd.s32 $0xFFFD90B0, s0;
	s24 =	sshll.u32 s2, $0x3  }
0x214: {  	s28 =	simm.s32 $0x9;
	s25 =	sshll.u32 s0, $0x2;
	s1 =	sand.u32 $0x3FFFFFF8, s24  }
0x215: {  	p2 =	sgt.s32 s0, $0x1AF;
	s26 =	ssub.s32 $0x6C0, s25;
	_ =	swait.ge [sflag:s28], s1  }
0x216: {  	s1 =	ssub.s32 $0x0, s1;
	[sflag:s28] =	ssyncset.done $0x0;
	s0 =	sshrl.u32 s26, $0x2  }
0x217: {  	s30 =	simm.s32 $0xB;
	[sflag:s28] =	ssyncadd.s32 s1;
	s0 =	simm.s32 @p2 $0x0  }
0x218: {  	_ =	swait.ge [sflag:s30], s0  }
0x219: {  	s0 =	ssub.s32 $0x0, s0;
	[sflag:s30] =	ssyncset.done $0x0  }
0x21a: {  	[sflag:s30] =	ssyncadd.s32 s0  }
0x21b: {  	v1 =	vld [tilespmem:$0x3648];
	_ =	sdelay $0x4  }
0x21c: {  	(v2sf) =	vpush v1, $0x0  }
0x21d: {  	(v2sf) =	vpush v1, $0x1  }
0x21e: {  	(v2sf) =	vpush v1, $0x2;
	_ =	sdelay $0x3  }
0x21f: {  	s0 =	sadd.s32 $0x1B0, s21  }
0x220: {  	s1 =	ssub.s32 $0x4E200, s21;
	p2 =	slt.s32 s7, s0  }
0x221: {  	s0 =	smov.u32 @p2 s7;
	p2 =	sgt.s32 s1, $0x0  }
0x222: {  	s25 =	ssub.s32 s0, s21;
	s1 =	simm.s32 @!p2 $0x0  }
0x223: {  	p2 =	slt.s32 s1, s25  }
0x224: {  	s25 =	smov.u32 @p2 s1  }
0x225: {  	s24 =	simm.s32 $0x1;
	p2 =	slt.s32 s25, $0x1  }
.Ltmp9:
0x226: {  	s24 =	simm.s32 @!p4 $0x0;
	(pc) =	sbr.rel @p2 .LBB2_12-.Ltmp9, $4  }
0x227: {  	s31 =	smul.u32 $0x6C0, s24  }
0x228: {  	s26 =	spop (v2sf)  }
0x229: {  	s0 =	sshrl.u32 s31, $0x2;
	s29 =	spop (v2sf)  }
0x22a: {  	s22 =	sadd.s32 $0x3D98, s0;
	s21 =	spop (v2sf)  }
0x22b: {  	s0 =	smin.u32 s25, $0x10  }
0x22c: {  	v1 =	vmov s0  }
0x22d: {  	p3 =	sgt.s32 s25, $0x10;
	vm1 =	vgt.u32 v1, v0  }
.Ltmp10:
0x22e: {  	_ = 	snop;
	(pc) =	sbr.rel @!p3 .LBB2_11-.Ltmp10, $2  }
0x22f: {  	_ =	sdelay $0x2  }
0x230: {  	s23 =	simm.s32 $0x10;
	s28 =	sadd.s32 $0xFFFFFFF0, s25;
	s0 =	smov.u32 s22;
	vm0 =	vmmov vm1  }
.LBB2_10:
0x231: {  	s1 =	smin.u32 s28, $0x10;
	s23 =	sadd.s32 $0x10, s23;
	v1 =	vld.msk [tilespmem:s0+$0x0 ss:$0x1], vm1  }
0x232: {  	v2 =	vmov s1;
	p3 =	slt.s32 s23, s25  }
0x233: {  	vm1 =	vgt.u32 v2, v0  }
.Ltmp11:
0x234: {  	(pc) =	sbr.rel @p3 .LBB2_10-.Ltmp11, $3  }
0x235: {  	_ =	sdelay $0x1  }
0x236: {  	v1 =	vshll.u32 v1, $0x4  }
0x237: {  	s28 =	sadd.s32 $0xFFFFFFF0, s28;
	[tilespmem:s0+$0x0] =	vst.msk vm0, v1;
	s0 =	sadd.s32 $0x10, s0;
	vm0 =	vmmov vm1  }
.LBB2_11:
0x238: {  	_ =	sdelay $0x4  }
0x239: {  	v1 =	vld.msk [tilespmem:s0+$0x0 ss:$0x1], vm1;
	_ =	sdelay $0x4  }
0x23a: {  	v1 =	vshll.u32 v1, $0x4  }
0x23b: {  	[tilespmem:s0+$0x0] =	vst.msk vm0, v1  }
.LBB2_12:
0x23c: {  	s0 =	sand.u32 $0x1, s20  }
0x23d: {  	s0 =	smul.u32 $0x1B0, s0  }
0x23e: {  	p3 =	sne.s32 s29, $0xFFFFFFFF  }
0x23f: {  	v1 =	vld.msk @!p3 [tilespmem:s0+$0x3D98], $0x1;
	_ =	sdelay $0x4  }
0x240: {  	(v2sf) =	vpush @!p3 v1, $0x0;
	_ =	sdelay $0xc  }
.Ltmp12:
0x241: {  	_ = 	snop;
	(pc) =	sbr.rel @p2 .LBB2_18-.Ltmp12, $4  }
0x242: {  	_ = 	snop  }
0x243: {  	s28 =	spop @!p3 (v2sf)  }
0x244: {  	s21 =	simm.s32 @!p3 $0x0;
	s23 =	smov.u32 s28  }
0x245: {  	[sflag:s17] =	ssyncpa.u1 $0x0;
	s28 =	smov.u32 @p3 s26;
	s23 =	smov.u32 @p3 s29  }
0x246: {  	v1 =	vld.msk [tilespmem:s22+$0x0], $0x1;
	_ =	sdelay $0x4  }
0x247: {  	(v2sf) =	vpush v1, $0x0;
	_ =	sdelay $0xe  }
0x248: {  	s0 =	simm.s32 @!p4 $0x0;
	s26 =	smul.u32 $0x36000, s24;
	s31 =	spop (v2sf)  }
0x249: {  	s29 =	ssub.s32 $0x0, s25;
	s0 =	simm.s32 @p4 $0x1;
	p2 =	seq.s32 s28, s31  }
0x24a: {  	s1 =	smov.u32 s28;
	[smem:$0x7FD] =	sst s0;
	p3 =	sgt.s32 @!p2 s28, $0x0  }
0x24b: {  	s0 =	sshrl.u32 s26, $0x2;
	s26 =	sadd.s32 $0x1, s29;
	p3 =	por !p3, p2  }
0x24c: {  	s1 =	simm.s32 @p3 $0x0;
	p3 =	seq.s32 s26, $0x0  }
.Ltmp13:
0x24d: {  	_ = 	snop;
	(pc) =	sbr.rel @p3 .LBB2_15-.Ltmp13, $4  }
0x24e: {  	s6 =	smov.u32 s4;
	s25 =	simm.s32 $0x0  }
0x24f: {  	s24 =	sadd.s32 $0x40F8, s0;
	s0 =	simm.s32 @!p2 $0x1;
	s2 =	smin.u32 @!p2 s1, $0x270FF  }
0x250: {  	s30 =	sadd.s32 $0x1, s22;
	s0 =	smov.u32 @p2 s25;
	s5 =	sand.u32 @!p2 $0x3FFF8, s2  }
0x251: {  	s1 =	simm.s32 @!p2 $0x1B38;
	s2 =	sand.u32 @!p2 $0x7, s2;
	s5 =	sadd.s32 @!p2 s3, s5  }
.LBB2_14:
0x252: {  	s4 =	smov.u32 s0  }
0x253: {  	[tilespmem:s1], [sflag:$0x2] =	stream.linear.gather @!p2 [hbm4b:s5+s2], $0x8, $0x38;
	[tilespmem:$0x1F0F8] =	vst v63  }
0x254: {  	s26 =	sadd.s32 $0x1, s26;
	s2 =	smov.u32 s31;
	v1 =	vld.msk [tilespmem:s30+$0x0], $0x1  }
0x255: {  	p3 =	seq.s32 s26, $0x0;
	_ =	sdelay $0x3  }
0x256: {  	(v2sf) =	vpush v1, $0x0;
	_ =	sdelay $0xe  }
0x257: {  	s31 =	spop (v2sf)  }
0x258: {  	p2 =	seq.s32 s2, s31  }
0x259: {  	p4 =	sgt.s32 @!p2 s2, $0x0;
	s1 =	sshll.u32 @!p2 s0, $0x6;
	s0 =	sadd.s32 @!p2 $0x1, s0  }
.Ltmp14:
0x25a: {  	p4 =	por !p4, p2;
	s1 =	sshra.s32 @!p2 s1, $0x2;
	(pc) =	sbr.rel @!p3 .LBB2_14-.Ltmp14, $4  }
0x25b: {  	s0 =	smov.u32 @p2 s4;
	s2 =	simm.s32 @p4 $0x0;
	s1 =	sadd.s32 @!p2 $0x1B38, s1  }
0x25c: {  	s2 =	smin.u32 @!p2 s2, $0x270FF  }
0x25d: {  	s4 =	sand.u32 @!p2 $0x3FFF8, s2;
	s2 =	sand.u32 @!p2 $0x7, s2  }
0x25e: {  	s30 =	sadd.s32 $0x1, s30;
	s5 =	sadd.s32 @!p2 s3, s4  }
.LBB2_15:
0x25f: {  	[tilespmem:s1], [sflag:$0x2] =	stream.linear.gather @!p2 [hbm4b:s5+s2], $0x8, $0x38;
	[tilespmem:$0x1F0F8] =	vst v63  }
0x260: {  	s0 =	sshll.u32 s0, $0x3  }
0x261: {  	s31 =	simm.s32 $0x2;
	s0 =	sand.u32 $0x3FFFFFF8, s0  }
0x262: {  	_ =	swait.ge [sflag:s31], s0  }
0x263: {  	s0 =	ssub.s32 $0x0, s0;
	[sflag:s31] =	ssyncset.done $0x0  }
0x264: {  	[sflag:s31] =	ssyncadd.s32 s0  }
0x265: {  	v1 =	vld.msk [tilespmem:s22+$0x0], $0x1;
	_ =	sdelay $0x4  }
0x266: {  	(v2sf) =	vpush v1, $0x0;
	_ =	sdelay $0xe  }
0x267: {  	s26 =	spop (v2sf)  }
0x268: {  	p2 =	sne.s32 s28, s26  }
0x269: {  	p4 =	sne.s32 @p2 s28, s23  }
0x26a: {  	p3 =	por !p4, !p2  }
0x26b: {  	s0 =	simm.s32 @!p3 $0x0  }
0x26c: {  	v1 =	vld.msk @!p3 [tilespmem:s0+$0x1B38], $0xff  }
0x26d: {  	p5 =	sgt.u32 @!p3 s28, $0x270FF  }
0x26e: {  	s1 =	sshll.u32 @!p3 s21, $0x6;
	p6 =	por @p2 p5, !p4  }
0x26f: {  	s1 =	sshra.s32 @!p3 s1, $0x2;
	p1 =	por p6, !p2;
	p6 =	por p4, !p2  }
0x270: {  	s2 =	sadd.s32 @!p3 $0x28, s1;
	s4 =	sand.u32 @!p1 $0x3FFF8, s28;
	s5 =	sshll.u32 @!p6 s21, $0x6  }
0x271: {  	s28 =	sand.u32 @!p1 $0x7, s28;
	[tilespmem:s1+$0x28] =	vst.add.f32.msk @!p3 $0xff, v1;
	s1 =	sadd.s32 @!p1 s3, s4;
	s4 =	sshra.s32 @!p6 s5, $0x2  }
0x272: {  	[hbm4b:s1+s28] =	stream.linear.scatter @!p1 [tilespmem:s2], [sflag:$0xC], $0x8, $0x38;
	[tilespmem:$0x1F0F8] =	vst v63  }
0x273: {  	s0 =	rddreg [dreg:$0x4];
	s1 =	sadd.s32 @!p6 $0x28, s4;
	s2 =	simm.s32 @!p6 $0x1  }
0x274: {  	[spmem:s0] =	stream.linear.scatter @!p6 [tilespmem:s1], [sflag:$0x1], $0x8, $0x38;
	[tilespmem:$0x1F0F8] =	vst v63  }
0x275: {  	s0 =	sadd.s32 @p2 $0x1, s21;
	_ =	swait.ge @!p6 [sflag:s2], $0x8  }
0x276: {  	s1 =	sshrl.u32 @p2 s0, $0x4;
	[sflag:s2] =	ssyncset.done @!p6 $0x0  }
0x277: {  	s1 =	smulhi.u32 @p2 $0x97B425F, s1;
	[sflag:s2] =	ssyncadd.s32 @!p6 $0xFFFFFFF8  }
0x278: {  	s28 =	sadd.s32 $0x1, s29;
	v1 =	vld.msk @p2 [tilespmem:s24+$0x0], $0xff  }
0x279: {  	p1 =	por @p2 !p5, !p4;
	p4 =	seq.s32 s28, $0x0;
	s1 =	smul.u32 @p2 $0x1B0, s1  }
.Ltmp15:
0x27a: {  	p1 =	por !p1, !p2;
	s2 =	simm.s32 @!p3 $0x0;
	(pc) =	sbr.rel @p4 .LBB2_17-.Ltmp15, $4  }
0x27b: {  	s4 =	sshll.u32 @!p2 s21, $0x6;
	s2 =	simm.s32 @!p1 $0x20;
	s0 =	ssub.s32 @p2 s0, s1  }
0x27c: {  	s29 =	simm.s32 $0x0;
	s2 =	sadd.s32 @!p3 $0x0, s2;
	s5 =	sshll.u32 @p2 s0, $0x4  }
0x27d: {  	s30 =	sshra.s32 @!p2 s4, $0x2;
	s1 =	simm.s32 @p2 $0x1;
	s2 =	smov.u32 @p3 s25;
	[tilespmem:s5+$0x28] =	vst.msk @p2 $0xff, v1  }
0x27e: {  	s21 =	smov.u32 @p2 s0;
	s29 =	smov.u32 @p2 s2;
	s25 =	smov.u32 @p2 s1;
	v1 =	vld.msk @!p2 [tilespmem:s24+$0x0], $0xff  }
.LBB2_16:
0x27f: {  	_ =	sdelay $0x3  }
0x280: {  	s22 =	sadd.s32 $0x1, s22;
	[tilespmem:s30+$0x28] =	vst.add.f32.msk @!p2 $0xff, v1  }
0x281: {  	v1 =	vld.msk [tilespmem:s22+$0x0], $0x1;
	_ =	sdelay $0x4  }
0x282: {  	(v2sf) =	vpush v1, $0x0;
	_ =	sdelay $0xe  }
0x283: {  	s0 =	smov.u32 s26;
	s26 =	spop (v2sf)  }
0x284: {  	p2 =	sne.s32 s0, s26  }
0x285: {  	p5 =	sne.s32 @p2 s0, s23  }
0x286: {  	s4 =	sshll.u32 @!p2 s21, $0x6;
	p4 =	por !p5, !p2  }
0x287: {  	s30 =	sshra.s32 @!p2 s4, $0x2;
	s4 =	sshll.u32 @!p4 s25, $0x6  }
0x288: {  	s4 =	sshra.s32 @!p4 s4, $0x2  }
0x289: {  	p1 =	sgt.u32 @!p4 s0, $0x270FF;
	v1 =	vld.msk @!p4 [tilespmem:s4+$0x1B38], $0xff  }
0x28a: {  	s31 =	sshll.u32 @!p4 s21, $0x6;
	p6 =	por @p2 p1, !p5;
	p1 =	por @p2 !p1, !p5  }
0x28b: {  	s8 =	simm.s32 @!p4 $0x0;
	s31 =	sshra.s32 @!p4 s31, $0x2;
	p1 =	por !p1, !p2  }
0x28c: {  	p5 =	por p5, !p2;
	s8 =	simm.s32 @!p1 $0x20;
	p1 =	por p6, !p2  }
0x28d: {  	s4 =	sadd.s32 @!p4 $0x28, s31;
	s13 =	sshll.u32 @!p5 s21, $0x6;
	s10 =	sand.u32 @!p1 $0x3FFF8, s0  }
0x28e: {  	s13 =	sshra.s32 @!p5 s13, $0x2;
	s0 =	sand.u32 @!p1 $0x7, s0;
	s10 =	sadd.s32 @!p1 s3, s10;
	[tilespmem:s31+$0x28] =	vst.add.f32.msk @!p4 $0xff, v1  }
0x28f: {  	[hbm4b:s10+s0] =	stream.linear.scatter @!p1 [tilespmem:s4], [sflag:$0xC], $0x8, $0x38;
	[tilespmem:$0x1F0F8] =	vst v63  }
0x290: {  	s1 =	rddreg [dreg:$0x4];
	s0 =	sadd.s32 @!p5 $0x28, s13;
	s4 =	simm.s32 @!p5 $0x1  }
0x291: {  	[spmem:s1] =	stream.linear.scatter @!p5 [tilespmem:s0], [sflag:$0x1], $0x8, $0x38;
	[tilespmem:$0x1F0F8] =	vst v63  }
0x292: {  	s2 =	sadd.s32 @p2 $0x1, s21;
	_ =	swait.ge @!p5 [sflag:s4], $0x8  }
0x293: {  	s5 =	sshrl.u32 @p2 s2, $0x4;
	[sflag:s4] =	ssyncset.done @!p5 $0x0  }
0x294: {  	s24 =	sadd.s32 $0x80, s24;
	s5 =	smulhi.u32 @p2 $0x97B425F, s5;
	[sflag:s4] =	ssyncadd.s32 @!p5 $0xFFFFFFF8  }
0x295: {  	s28 =	sadd.s32 $0x1, s28;
	v1 =	vld.msk @p2 [tilespmem:s24+$0x0], $0xff  }
0x296: {  	p3 =	seq.s32 s28, $0x0;
	s5 =	smul.u32 @p2 $0x1B0, s5  }
.Ltmp16:
0x297: {  	_ = 	snop;
	(pc) =	sbr.rel @!p3 .LBB2_16-.Ltmp16, $4  }
0x298: {  	s2 =	ssub.s32 @p2 s2, s5  }
0x299: {  	s8 =	sadd.s32 @!p4 s8, s29;
	s5 =	sshll.u32 @p2 s2, $0x4  }
0x29a: {  	s9 =	sadd.s32 @p2 $0x1, s25;
	s8 =	smov.u32 @p4 s29;
	[tilespmem:s5+$0x28] =	vst.msk @p2 $0xff, v1  }
0x29b: {  	s25 =	smov.u32 @p2 s9;
	s21 =	smov.u32 @p2 s2;
	s29 =	smov.u32 @p2 s8;
	v1 =	vld.msk @!p2 [tilespmem:s24+$0x0], $0xff  }
.LBB2_17:
.Ltmp17:
0x29c: {  	_ = 	snop;
	(pc) =	sbr.rel .LBB2_19-.Ltmp17, $3  }
0x29d: {  	s1 =	sld [smem:$0x7FD];
	_ =	sdelay $0x1  }
0x29e: {  	s0 =	sshrl.u32 s29, $0x2;
	s28 =	smov.u32 s26  }
0x29f: {  	s4 =	smov.u32 s6;
	s6 =	rddreg [dreg:$0x6];
	p4 =	seq.s32 s1, $0x1;
	[tilespmem:s30+$0x28] =	vst.add.f32.msk @!p2 $0xff, v1  }
.LBB2_21:
0x2a0: {  	_ =	sfence.sel $0x180000  }
0x2a1: {  	s0 =	simm.s32 $0x9;
	[bflag:$0x0] =	sbarrier.arrive $0xFFFF  }
0x2a2: {  	s24 =	simm.s32 $0xA;
	[sflag:s0] =	ssyncpa.u1 $0x1  }
0x2a3: {  	s25 =	simm.s32 $0xB;
	[sflag:s24] =	ssyncpa.u1 $0x1  }
0x2a4: {  	s26 =	simm.s32 $0x2;
	[sflag:s25] =	ssyncpa.u1 $0x1  }
0x2a5: {  	[sflag:s26] =	ssyncpa.u1 $0x1  }
0x2a6: {  	v0 =	vld [tilespmem:$0x3648];
	_ =	sdelay $0x4  }
0x2a7: {  	(v2sf) =	vpush v0, $0x0  }
0x2a8: {  	(v2sf) =	vpush v0, $0x1;
	_ =	sdelay $0x1  }
0x2a9: {  	(v2sf) =	vpush v0, $0x2;
	_ =	sdelay $0xb  }
0x2aa: {  	s0 =	spop (v2sf)  }
0x2ab: {  	s1 =	spop (v2sf)  }
0x2ac: {  	s2 =	smov.u32 s0;
	p0 =	sne.s32 s0, s1  }
0x2ad: {  	s4 =	spop (v2sf);
	s2 =	simm.s32 @!p0 $0xFFFFFFFF  }
0x2ae: {  	v2 =	vimm.s32 $0x1;
	v3 =	vlaneseq.u32;
	p0 =	seq.s32 s4, $0xFFFFFFFF;
	v1 =	vmov s2  }
0x2af: {  	s16 =	stileid.u32;
	v0 =	vperm.xlane v0, v2;
	p1 =	sne.s32 @!p0 s0, s1;
	v1 =	vperm.xlane v1, v3  }
0x2b0: {  	vm0 =	vcmask $0x3F04;
	s6 =	simm.s32 $0x3648;
	s0 =	simm.s32 @!p0 $0x1;
	p1 =	por !p1, p0  }
0x2b1: {  	s2 =	sshll.u32 s16, $0x1;
	s1 =	sshll.u32 @!p0 s4, $0x6;
	s0 =	simm.s32 @p1 $0x0;
	v0 =	vsel vm0, v1, v0  }
0x2b2: {  	s5 =	sor.u32 $0x200, s2;
	s1 =	sshra.s32 @!p0 s1, $0x2;
	s0 =	sor.u32 @!p0 s0, s2;
	[tilespmem:$0x3648] =	vst v0  }
0x2b3: {  	[spmem:s5] =	stream.linear.scatter [tilespmem:s6], [sflag:$0x1], $0x2, $0x38;
	[tilespmem:$0x1F0F8] =	vst v63  }
0x2b4: {  	s1 =	sadd.s32 @!p0 $0x28, s1;
	s0 =	sshll.u32 @!p0 s0, $0x4  }
0x2b5: {  	[spmem:s0] =	stream.linear.scatter @!p0 [tilespmem:s1], [sflag:$0x1], $0x10, $0x38;
	[tilespmem:$0x1F0F8] =	vst v63  }
0x2b6: {  	s0 =	simm.s32 @!p0 $0x12  }
0x2b7: {  	s28 =	simm.s32 $0x1;
	s0 =	simm.s32 @p0 $0x2  }
0x2b8: {  	_ =	swait.ge [sflag:s28], s0  }
0x2b9: {  	s0 =	ssub.s32 $0x0, s0;
	[sflag:s28] =	ssyncset.done $0x0  }
0x2ba: {  	p0 =	sne.s32 s16, $0x0;
	[sflag:s28] =	ssyncadd.s32 s0  }
.Ltmp18:
0x2bb: {  	_ =	sfence.stream.spmem;
	(pc) =	sbr.rel @p0 .LBB2_38-.Ltmp18, $4  }
0x2bc: {  	s29 =	simm.s32 $0x3;
	[bflag:$0x0] =	sbarrier.arrive $0xFFFF  }
0x2bd: {  	s30 =	simm.s32 $0x4;
	[sflag:s29] =	ssyncpa.u1 $0x1  }
0x2be: {  	s31 =	simm.s32 $0x3C;
	[sflag:s30] =	ssyncpa.u1 $0x1  }
0x2bf: {  	s17 =	rddreg [dreg:$0x5];
	[sflag:s31] =	ssyncpa.u1 $0x1  }
0x2c0: {  	_ =	sfence.stream.spmem;
	s0 =	simm.s32 $0x5  }
0x2c1: {  	s1 =	simm.s32 $0x200;
	s2 =	simm.s32 $0x3658;
	[sflag:s0] =	ssyncpa.u1 $0x0  }
0x2c2: {  	[tilespmem:s2], [sflag:$0x5] =	stream.linear.gather [spmem:s1], $0x20, $0x38;
	[tilespmem:$0x1F0F8] =	vst v63  }
0x2c3: {  	s26 =	simm.s32 $0x0;
	s28 =	simm.s32 $0x3678  }
0x2c4: {  	[tilespmem:s28], [sflag:$0x5] =	stream.linear.gather [spmem:s26], $0x200, $0x38;
	[tilespmem:$0x1F0F8] =	vst v63  }
0x2c5: {  	_ =	swait.ge [sflag:s0], $0x220  }
0x2c6: {  	[sflag:s0] =	ssyncset.done $0x0  }
0x2c7: {  	s29 =	simm.s32 $0x0;
	[sflag:s0] =	ssyncadd.s32 $0xFFFFFDE0  }
0x2c8: {  	v0 =	vld.msk [tilespmem:s29+$0x3658], $0x1;
	_ =	sdelay $0x1  }
0x2c9: {  	s30 =	simm.s32 $0x1  }
0x2ca: {  	v1 =	vld.msk [tilespmem:s30+$0x3658], $0x1;
	_ =	sdelay $0x1  }
0x2cb: {  	(v2sf) =	vpush v0, $0x0;
	_ =	sdelay $0x2  }
0x2cc: {  	(v2sf) =	vpush v1, $0x0;
	_ =	sdelay $0x2  }
0x2cd: {  	s31 =	simm.s32 $0x2  }
0x2ce: {  	v0 =	vld.msk [tilespmem:s31+$0x3658], $0x1;
	_ =	sdelay $0x2  }
0x2cf: {  	s6 =	simm.s32 $0xFFFFFFFF;
	s1 =	simm.s32 $0xFFFFFFFF;
	s0 =	simm.s32 $0xC  }
.LBB2_23:
0x2d0: {  	s2 =	smov.u32 s6;
	s4 =	smov.u32 s1  }
0x2d1: {  	s1 =	sshra.s32 s0, $0x2;
	p1 =	sne.s32 s0, $0x7C;
	s0 =	sadd.s32 $0x4, s0;
	(v2sf) =	vpush v0, $0x0  }
0x2d2: {  	v0 =	vld.msk [tilespmem:s1+$0x3658], $0x1  }
.Ltmp19:
0x2d3: {  	(pc) =	sbr.rel @p1 .LBB2_23-.Ltmp19, $4  }
0x2d4: {  	s6 =	spop (v2sf)  }
0x2d5: {  	p2 =	sne.s32 s4, $0xFFFFFFFF;
	s1 =	smov.u32 s6  }
0x2d6: {  	p3 =	seq.s32 s6, $0xFFFFFFFF;
	s1 =	smov.u32 @p2 s4  }
0x2d7: {  	s6 =	smov.u32 @p3 s2;
	s1 =	smov.u32 @p3 s4  }
0x2d8: {  	(v2sf) =	vpush v0, $0x0;
	_ =	sdelay $0x8  }
0x2d9: {  	s0 =	spop (v2sf)  }
0x2da: {  	p1 =	sne.s32 s1, $0xFFFFFFFF;
	s2 =	smov.u32 s0  }
0x2db: {  	s9 =	simm.s32 $0x6;
	p2 =	seq.s32 s0, $0xFFFFFFFF;
	s2 =	smov.u32 @p1 s1  }
0x2dc: {  	s10 =	simm.s32 $0x3638;
	s2 =	smov.u32 @p2 s1;
	s1 =	spop (v2sf)  }
0x2dd: {  	s0 =	smov.u32 @p2 s6;
	p1 =	sne.s32 s2, $0xFFFFFFFF;
	s4 =	smov.u32 s1  }
.Ltmp20:
0x2de: {  	p2 =	seq.s32 s1, $0xFFFFFFFF;
	s4 =	smov.u32 @p1 s2;
	(pc) =	sbr.rel .LBB2_25-.Ltmp20, $4  }
0x2df: {  	s11 =	simm.s32 $0x0;
	s4 =	smov.u32 @p2 s2;
	s7 =	spop (v2sf)  }
0x2e0: {  	[sflag:s9] =	ssyncpa.u1 $0x0;
	p1 =	sne.s32 s4, $0xFFFFFFFF;
	s8 =	smov.u32 s7  }
0x2e1: {  	s1 =	smov.u32 @p2 s0;
	p2 =	seq.s32 s7, $0xFFFFFFFF;
	s8 =	smov.u32 @p1 s4  }
0x2e2: {  	s6 =	simm.s32 $0x0;
	s7 =	smov.u32 @p2 s1;
	s8 =	smov.u32 @p2 s4  }
.LBB2_30:
0x2e3: {  	p1 =	sgt.u32 s12, $0x270FF  }
0x2e4: {  	p2 =	seq.s32 @!p1 s12, s8  }
0x2e5: {  	p1 =	por p1, p2  }
0x2e6: {  	p2 =	sne.s32 @!p1 s12, s7  }
0x2e7: {  	p1 =	por p1, !p2  }
0x2e8: {  	s0 =	sshll.u32 @p1 s11, $0x6  }
0x2e9: {  	s0 =	sand.u32 @!p1 $0x3FFF8, s12  }
0x2ea: {  	s1 =	sand.u32 @!p1 $0x7, s12;
	s0 =	sadd.s32 @!p1 s3, s0  }
0x2eb: {  	[tilespmem:s10], [sflag:$0x6] =	stream.linear.gather @!p1 [hbm4b:s0+s1], $0x8, $0x38;
	[tilespmem:$0x1F0F8] =	vst v63  }
0x2ec: {  	_ =	swait.ge @!p1 [sflag:s9], $0x8  }
0x2ed: {  	[sflag:s9] =	ssyncset.done @!p1 $0x0  }
0x2ee: {  	[sflag:s9] =	ssyncadd.s32 @!p1 $0xFFFFFFF8  }
0x2ef: {  	v1 =	vld @!p1 [tilespmem:$0x3638];
	_ =	sdelay $0x2  }
0x2f0: {  	s0 =	sshll.u32 @!p1 s11, $0x6  }
0x2f1: {  	s1 =	sshrl.u32 @!p1 s0, $0x2  }
0x2f2: {  	[tilespmem:s1+$0x3678] =	vst.add.f32.msk @!p1 $0xffff, v1  }
0x2f3: {  	s0 =	sshrl.u32 s0, $0x2;
	[tilespmem:s6+$0x3658] =	vst.msk $0x1, v0  }
0x2f4: {  	v0 =	vld [tilespmem:s0+$0x3678];
	_ =	sdelay $0x2  }
0x2f5: {  	s31 =	sshll.u32 s6, $0x6  }
0x2f6: {  	s0 =	sshra.s32 s31, $0x2  }
0x2f7: {  	s6 =	sadd.s32 $0x1, s6;
	[tilespmem:s0+$0x3678] =	vst v0  }
.LBB2_32:
0x2f8: {  	s11 =	sadd.s32 $0x1, s11  }
0x2f9: {  	p1 =	sne.s32 s11, $0x20  }
.Ltmp21:
0x2fa: {  	_ = 	snop;
	(pc) =	sbr.rel @!p1 .LBB2_33-.Ltmp21, $1  }
0x2fb: {  	_ =	sdelay $0x3  }
.LBB2_25:
0x2fc: {  	v0 =	vld.msk [tilespmem:s11+$0x3658], $0x1;
	_ =	sdelay $0x4  }
0x2fd: {  	(v2sf) =	vpush v0, $0x0;
	_ =	sdelay $0xe  }
0x2fe: {  	s12 =	spop (v2sf)  }
0x2ff: {  	p1 =	seq.s32 s12, $0xFFFFFFFF  }
.Ltmp22:
0x300: {  	_ = 	snop;
	(pc) =	sbr.rel @p1 .LBB2_32-.Ltmp22, $1  }
0x301: {  	_ =	sdelay $0x3  }
0x302: {  	p1 =	slt.s32 s6, $0x1  }
.Ltmp23:
0x303: {  	_ = 	snop;
	(pc) =	sbr.rel @p1 .LBB2_30-.Ltmp23, $1  }
0x304: {  	_ =	sdelay $0x3  }
0x305: {  	s13 =	simm.s32 $0x3658;
	p1 =	por $0x0, $0x0  }
0x306: {  	v1 =	vld.msk @!p1 [tilespmem:s13+$0x0], $0x1;
	_ =	sdelay $0x4  }
0x307: {  	(v2sf) =	vpush @!p1 v1, $0x0;
	_ =	sdelay $0xd  }
0x308: {  	p3 =	sne.s32 s6, $0x1  }
.Ltmp24:
0x309: {  	s0 =	spop @!p1 (v2sf);
	(pc) =	sbr.rel @!p3 .LBB2_29-.Ltmp24, $4  }
0x30a: {  	p2 =	seq.s32 @!p1 s12, s0  }
0x30b: {  	s14 =	simm.s32 $0x0;
	p2 =	por !p2, p1  }
0x30c: {  	s0 =	simm.s32 $0xFFFFFFFF;
	s14 =	simm.s32 @p2 $0xFFFFFFFF  }
0x30d: {  	s15 =	simm.s32 $0x1;
	s14 =	smov.u32 @p1 s0  }
.LBB2_28:
0x30e: {  	s0 =	smov.u32 s14;
	p1 =	sne.s32 s14, $0xFFFFFFFF  }
0x30f: {  	s13 =	sadd.s32 $0x1, s13;
	s14 =	smov.u32 s15;
	s15 =	sadd.s32 $0x1, s15  }
0x310: {  	p2 =	sne.s32 s6, s15;
	v1 =	vld.msk @!p1 [tilespmem:s13+$0x0], $0x1;
	_ =	sdelay $0x4  }
0x311: {  	(v2sf) =	vpush @!p1 v1, $0x0;
	_ =	sdelay $0xe  }
.Ltmp25:
0x312: {  	s1 =	spop @!p1 (v2sf);
	(pc) =	sbr.rel @p2 .LBB2_28-.Ltmp25, $4  }
0x313: {  	p3 =	seq.s32 @!p1 s12, s1  }
0x314: {  	p3 =	por !p3, p1  }
0x315: {  	s14 =	simm.s32 @p3 $0xFFFFFFFF  }
0x316: {  	s14 =	smov.u32 @p1 s0  }
.LBB2_29:
0x317: {  	p1 =	sne.s32 s14, $0xFFFFFFFF  }
.Ltmp26:
0x318: {  	_ = 	snop;
	(pc) =	sbr.rel @!p1 .LBB2_30-.Ltmp26, $1  }
0x319: {  	_ =	sdelay $0x3  }
0x31a: {  	s0 =	sshll.u32 s11, $0x4  }
0x31b: {  	s0 =	sand.u32 $0x3FFFFFF0, s0  }
0x31c: {  	v0 =	vld [tilespmem:s0+$0x3678]  }
.Ltmp27:
0x31d: {  	_ = 	snop;
	(pc) =	sbr.rel .LBB2_32-.Ltmp27, $4  }
0x31e: {  	_ = 	snop  }
0x31f: {  	s31 =	sshll.u32 s14, $0x6  }
0x320: {  	s0 =	sshra.s32 s31, $0x2  }
0x321: {  	[tilespmem:s0+$0x3678] =	vst.add.f32.msk $0xffff, v0  }
.LBB2_33:
0x322: {  	s0 =	simm.s32 $0x6;
	p1 =	seq.s32 s6, $0x0  }
0x323: {  	[sflag:s0] =	ssyncpa.u1 $0x1;
	v0 =	vimm.s32 @p1 $0xFFFFFFFF  }
0x324: {  	s9 =	sadd.s32 $0xFFFFFFFF, s6;
	[tilespmem:$0x3878] =	vst @p1 v0  }
0x325: {  	v0 =	vld.msk @!p1 [tilespmem:s9+$0x3658], $0x1;
	_ =	sdelay $0x1  }
0x326: {  	v1 =	vld.msk @!p1 [tilespmem:$0x3658], $0x1;
	_ =	sdelay $0x2  }
0x327: {  	p2 =	seq.s32 @!p1 s9, $0x0;
	v0 =	vbroadcast @!p1 v0, $0x0  }
0x328: {  	vm0 =	vmmov @!p1 $0x1;
	p2 =	por !p2, p1  }
0x329: {  	v1 =	vnsel @!p1 vm0, $0xFFFFFFFF, v1;
	vm0 =	vcmask @!p1 $0x308;
	v0 =	vpsel !p2, $0xFFFFFFFF, v0  }
0x32a: {  	p2 =	sne.s32 @!p1 s8, s7;
	v0 =	vsel @!p1 vm0, v1, v0  }
0x32b: {  	s0 =	simm.s32 @!p1 $0x3678;
	s1 =	simm.s32 @!p1 $0x0;
	p3 =	por !p2, p1;
	[tilespmem:$0x3878] =	vst @!p1 v0  }
0x32c: {  	[spmem:s1] =	stream.linear.scatter @!p1 [tilespmem:s0], [sflag:$0x1], $0x10, $0x38;
	[tilespmem:$0x1F0F8] =	vst v63  }
0x32d: {  	s0 =	sshll.u32 @!p3 s9, $0x6  }
0x32e: {  	s0 =	sshra.s32 @!p3 s0, $0x2  }
0x32f: {  	s1 =	simm.s32 @!p3 $0x10;
	s0 =	sadd.s32 @!p3 $0x3678, s0  }
0x330: {  	[spmem:s1] =	stream.linear.scatter @!p3 [tilespmem:s0], [sflag:$0x1], $0x10, $0x38;
	[tilespmem:$0x1F0F8] =	vst v63  }
0x331: {  	s0 =	simm.s32 @!p3 $0x1  }
0x332: {  	_ =	swait.ge @!p3 [sflag:s0], $0x20  }
0x333: {  	p1 =	por p2, p1;
	[sflag:s0] =	ssyncset.done @!p3 $0x0  }
0x334: {  	[sflag:s0] =	ssyncadd.s32 @!p3 $0xFFFFFFE0;
	s0 =	simm.s32 @!p1 $0x1  }
0x335: {  	_ =	swait.ge @!p1 [sflag:s0], $0x10  }
0x336: {  	s29 =	simm.s32 $0x3878;
	[sflag:s0] =	ssyncset.done @!p1 $0x0  }
0x337: {  	s30 =	simm.s32 $0x200;
	s31 =	simm.s32 $0x1;
	[sflag:s0] =	ssyncadd.s32 @!p1 $0xFFFFFFF0  }
0x338: {  	[spmem:s30] =	stream.linear.scatter [tilespmem:s29], [sflag:$0x1], $0x10, $0x38;
	[tilespmem:$0x1F0F8] =	vst v63  }
0x339: {  	_ =	swait.ge [sflag:s31], $0x10  }
0x33a: {  	[sflag:s31] =	ssyncset.done $0x0  }
0x33b: {  	p1 =	seq.s32 s17, $0x0;
	s8 =	rddreg [dreg:$0x1];
	[sflag:s31] =	ssyncadd.s32 $0xFFFFFFF0  }
0x33c: {  	s1 =	sshll.u32 @p1 s8, $0xE;
	s7 =	rddreg [dreg:$0x2]  }
0x33d: {  	s0 =	sadd.s32 @p1 $0x15C3C, s1;
	s1 =	sshll.u32 @p1 s7, $0x11  }
0x33e: {  	_ =	sfence.stream.spmem;
	s0 =	sor.u32 @p1 s1, s0  }
0x33f: {  	[sflag:s0] =	ssyncadd.remote.s32 @p1 $0x1;
	s0 =	simm.s32 @p1 $0x4  }
0x340: {  	s2 =	simm.s32 @!p1 $0x3C;
	s1 =	sand.u32 $0xFFFFFFFE, s8;
	_ =	swait.ge @p1 [sflag:s0], $0x6  }
0x341: {  	s4 =	simm.s32 @!p1 $0x0;
	s1 =	sadd.s32 @!p1 $0x4, s1;
	[sflag:s0] =	ssyncset.done @p1 $0x0  }
0x342: {  	s5 =	simm.s32 @!p1 $0x20;
	[sflag:s0] =	ssyncadd.s32 @p1 $0xFFFFFFFA;
	s0 =	sshll.u32 @!p1 s1, $0x1A  }
0x343: {  	s1 =	sshll.u32 @!p1 s1, $0xD;
	s0 =	sor.u32 @!p1 s0, s7;
	_ =	swait.eq @!p1 [sflag:s2], $0x1  }
0x344: {  	s1 =	sor.u32 @!p1 $0x1C04, s1;
	s2 =	simm.s32 @!p1 $0x1C03;
	s0 =	sor.u32 @!p1 $0x80004000, s0  }
0x345: {  	[spmem:s5], [sflag:s1] =	dma.general @!p1 [spmem:s4], [sflag:s2], length:$0x4, [dreg:$0x0], stride_count:$0x0, ici_dest:s0, dma_misc:DstOpCode:WRITE  }
0x346: {  	p2 =	slt.s32 s9, $0x2;
	s4 =	simm.s32 @!p1 $0x40;
	s5 =	simm.s32 @!p1 $0x42  }
0x347: {  	[spmem:s5], [sflag:s1] =	dma.general @!p1 [spmem:s4], [sflag:s2], length:$0x2, [dreg:$0x0], stride_count:$0x0, ici_dest:s0, dma_misc:DstOpCode:WRITE  }
.Ltmp28:
0x348: {  	s0 =	simm.s32 @!p1 $0x3;
	(pc) =	sbr.rel @p2 .LBB2_37-.Ltmp28, $4  }
0x349: {  	s1 =	sshll.u32 @!p1 s8, $0xE;
	_ =	swait.ge @!p1 [sflag:s0], $0x6  }
0x34a: {  	s2 =	sshll.u32 @!p1 s7, $0x11;
	s1 =	sadd.s32 @!p1 $0x11C3C, s1;
	[sflag:s0] =	ssyncset.done @!p1 $0x0  }
0x34b: {  	[sflag:s0] =	ssyncadd.s32 @!p1 $0xFFFFFFFA;
	s0 =	sor.u32 @!p1 s2, s1  }
0x34c: {  	[sflag:s0] =	ssyncadd.remote.s32 @!p1 $0xFFFFFFFF;
	s0 =	simm.s32 $0x0  }
0x34d: {  	s0 =	simm.s32 $0x3659  }
0x34e: {  	v0 =	vld.msk [tilespmem:s0+$0x0], $0x1;
	_ =	sdelay $0x4  }
0x34f: {  	(v2sf) =	vpush v0, $0x0;
	_ =	sdelay $0xd  }
0x350: {  	s2 =	sadd.s32 $0xFFFFFFFE, s6  }
0x351: {  	s2 =	sadd.s32 $0xFFFFFFFF, s2;
	s0 =	spop (v2sf)  }
0x352: {  	p2 =	sne.s32 s2, $0x0;
	p1 =	sgt.u32 s0, $0x270FF  }
.Ltmp29:
0x353: {  	s4 =	sand.u32 @!p1 $0x3FFF8, s0;
	(pc) =	sbr.rel @!p2 .LBB2_36-.Ltmp29, $4  }
0x354: {  	s1 =	simm.s32 $0x3688;
	s0 =	sand.u32 @!p1 $0x7, s0;
	s4 =	sadd.s32 @!p1 s3, s4  }
0x355: {  	[hbm4b:s4+s0] =	stream.linear.scatter @!p1 [tilespmem:s1], [sflag:$0x5], $0x8, $0x38;
	[tilespmem:$0x1F0F8] =	vst v63  }
0x356: {  	s0 =	simm.s32 $0x0  }
0x357: {  	s6 =	simm.s32 $0x0;
	s7 =	simm.s32 $0x365A;
	s0 =	simm.s32 @!p1 $0x20  }
.LBB2_35:
0x358: {  	v0 =	vld.msk [tilespmem:s7+$0x0], $0x1;
	s2 =	sadd.s32 $0xFFFFFFFF, s2;
	s6 =	sadd.s32 s6, s0  }
0x359: {  	p1 =	sne.s32 s2, $0x0;
	_ =	sdelay $0x3  }
0x35a: {  	(v2sf) =	vpush v0, $0x0;
	_ =	sdelay $0xe  }
.Ltmp30:
0x35b: {  	s4 =	spop (v2sf);
	(pc) =	sbr.rel @p1 .LBB2_35-.Ltmp30, $4  }
0x35c: {  	s0 =	simm.s32 $0x0;
	p2 =	sgt.u32 s4, $0x270FF  }
0x35d: {  	s1 =	sadd.s32 $0x10, s1;
	s0 =	simm.s32 @!p2 $0x20;
	s5 =	sand.u32 @!p2 $0x3FFF8, s4  }
0x35e: {  	s7 =	sadd.s32 $0x1, s7;
	s4 =	sand.u32 @!p2 $0x7, s4;
	s5 =	sadd.s32 @!p2 s3, s5  }
0x35f: {  	[hbm4b:s5+s4] =	stream.linear.scatter @!p2 [tilespmem:s1], [sflag:$0x5], $0x8, $0x38;
	[tilespmem:$0x1F0F8] =	vst v63  }
.LBB2_36:
0x360: {  	s0 =	sadd.s32 s6, s0  }
0x361: {  	s0 =	sshrl.u32 s0, $0x2  }
.LBB2_37:
0x362: {  	s1 =	simm.s32 $0x5  }
0x363: {  	_ =	swait.ge [sflag:s1], s0  }
0x364: {  	s31 =	ssub.s32 $0x0, s0;
	[sflag:s1] =	ssyncset.done $0x0  }
0x365: {  	[sflag:s1] =	ssyncadd.s32 s31  }
0x366: {  	[sflag:s1] =	ssyncpa.u1 $0x1  }
.LBB2_38:
0x367: {  	s0 =	sor.u32 s17, s16  }
0x368: {  	p1 =	sne.s32 s0, $0x0  }
.Ltmp31:
0x369: {  	_ = 	snop;
	(pc) =	sbr.rel @p1 .LBB2_53-.Ltmp31, $3  }
0x36a: {  	_ =	sdelay $0x1  }
0x36b: {  	[bflag:$0x0] =	sbarrier.arrive $0xFFFF  }
0x36c: {  	_ =	sfence  }
0x36d: {  	s0 =	simm.s32 $0x7  }
0x36e: {  	s1 =	simm.s32 $0x200;
	s2 =	simm.s32 $0x3658;
	[sflag:s0] =	ssyncpa.u1 $0x0  }
0x36f: {  	[tilespmem:s2], [sflag:$0x7] =	stream.linear.gather [spmem:s1], $0x20, $0x38;
	[tilespmem:$0x1F0F8] =	vst v63  }
0x370: {  	s30 =	simm.s32 $0x3678;
	s1 =	simm.s32 $0x0  }
0x371: {  	[tilespmem:s30], [sflag:$0x7] =	stream.linear.gather [spmem:s1], $0x200, $0x38;
	[tilespmem:$0x1F0F8] =	vst v63  }
.Ltmp32:
0x372: {  	_ = 	snop;
	(pc) =	sbr.rel .LBB2_40-.Ltmp32, $4  }
0x373: {  	_ =	swait.ge [sflag:s0], $0x220  }
0x374: {  	[sflag:s0] =	ssyncset.done $0x0  }
0x375: {  	s31 =	simm.s32 $0x8;
	[sflag:s0] =	ssyncadd.s32 $0xFFFFFDE0  }
0x376: {  	s2 =	simm.s32 $0x0;
	[sflag:s31] =	ssyncpa.u1 $0x0  }
.LBB2_45:
0x377: {  	p1 =	slt.u32 s4, $0x27100  }
0x378: {  	s0 =	sand.u32 @p1 $0x3FFF8, s4  }
0x379: {  	s4 =	sand.u32 @p1 $0x7, s4;
	s5 =	simm.s32 @p1 $0x3638;
	s0 =	sadd.s32 @p1 s3, s0  }
0x37a: {  	[tilespmem:s5], [sflag:$0x8] =	stream.linear.gather @p1 [hbm4b:s0+s4], $0x8, $0x38;
	[tilespmem:$0x1F0F8] =	vst v63  }
0x37b: {  	s0 =	simm.s32 @p1 $0x8  }
0x37c: {  	_ =	swait.ge @p1 [sflag:s0], $0x8  }
0x37d: {  	[sflag:s0] =	ssyncset.done @p1 $0x0  }
0x37e: {  	[sflag:s0] =	ssyncadd.s32 @p1 $0xFFFFFFF8  }
0x37f: {  	v1 =	vld @p1 [tilespmem:$0x3638];
	_ =	sdelay $0x2  }
0x380: {  	s0 =	sshll.u32 @p1 s2, $0x6  }
0x381: {  	s5 =	sshll.u32 @!p1 s2, $0x6;
	s4 =	sshrl.u32 @p1 s0, $0x2  }
0x382: {  	s5 =	smov.u32 @p1 s0;
	[tilespmem:s4+$0x3678] =	vst.add.f32.msk @p1 $0xffff, v1  }
0x383: {  	s0 =	sshrl.u32 s5, $0x2;
	[tilespmem:s1+$0x3658] =	vst.msk $0x1, v0  }
0x384: {  	v0 =	vld [tilespmem:s0+$0x3678];
	_ =	sdelay $0x2  }
0x385: {  	s31 =	sshll.u32 s1, $0x6  }
0x386: {  	s0 =	sshra.s32 s31, $0x2  }
0x387: {  	s1 =	sadd.s32 $0x1, s1;
	[tilespmem:s0+$0x3678] =	vst v0  }
.LBB2_47:
0x388: {  	s2 =	sadd.s32 $0x1, s2  }
0x389: {  	p1 =	sne.s32 s2, $0x20  }
.Ltmp33:
0x38a: {  	_ = 	snop;
	(pc) =	sbr.rel @!p1 .LBB2_48-.Ltmp33, $1  }
0x38b: {  	_ =	sdelay $0x3  }
.LBB2_40:
0x38c: {  	v0 =	vld.msk [tilespmem:s2+$0x3658], $0x1;
	_ =	sdelay $0x4  }
0x38d: {  	(v2sf) =	vpush v0, $0x0;
	_ =	sdelay $0xe  }
0x38e: {  	s4 =	spop (v2sf)  }
0x38f: {  	p1 =	seq.s32 s4, $0xFFFFFFFF  }
.Ltmp34:
0x390: {  	_ = 	snop;
	(pc) =	sbr.rel @p1 .LBB2_47-.Ltmp34, $1  }
0x391: {  	_ =	sdelay $0x3  }
0x392: {  	p1 =	slt.s32 s1, $0x1  }
.Ltmp35:
0x393: {  	_ = 	snop;
	(pc) =	sbr.rel @p1 .LBB2_45-.Ltmp35, $1  }
0x394: {  	_ =	sdelay $0x3  }
0x395: {  	s5 =	simm.s32 $0x3658;
	p1 =	por $0x0, $0x0  }
0x396: {  	v1 =	vld.msk @!p1 [tilespmem:s5+$0x0], $0x1;
	_ =	sdelay $0x4  }
0x397: {  	(v2sf) =	vpush @!p1 v1, $0x0;
	_ =	sdelay $0xd  }
0x398: {  	p3 =	sne.s32 s1, $0x1  }
.Ltmp36:
0x399: {  	s0 =	spop @!p1 (v2sf);
	(pc) =	sbr.rel @!p3 .LBB2_44-.Ltmp36, $4  }
0x39a: {  	p2 =	seq.s32 @!p1 s4, s0  }
0x39b: {  	s6 =	simm.s32 $0x0;
	p2 =	por !p2, p1  }
0x39c: {  	s0 =	simm.s32 $0xFFFFFFFF;
	s6 =	simm.s32 @p2 $0xFFFFFFFF  }
0x39d: {  	s7 =	simm.s32 $0x1;
	s6 =	smov.u32 @p1 s0  }
.LBB2_43:
0x39e: {  	s0 =	smov.u32 s6;
	p1 =	sne.s32 s6, $0xFFFFFFFF  }
0x39f: {  	s5 =	sadd.s32 $0x1, s5;
	s6 =	smov.u32 s7;
	s7 =	sadd.s32 $0x1, s7  }
0x3a0: {  	p2 =	sne.s32 s1, s7;
	v1 =	vld.msk @!p1 [tilespmem:s5+$0x0], $0x1;
	_ =	sdelay $0x4  }
0x3a1: {  	(v2sf) =	vpush @!p1 v1, $0x0;
	_ =	sdelay $0xe  }
.Ltmp37:
0x3a2: {  	s8 =	spop @!p1 (v2sf);
	(pc) =	sbr.rel @p2 .LBB2_43-.Ltmp37, $4  }
0x3a3: {  	p3 =	seq.s32 @!p1 s4, s8  }
0x3a4: {  	p3 =	por !p3, p1  }
0x3a5: {  	s6 =	simm.s32 @p3 $0xFFFFFFFF  }
0x3a6: {  	s6 =	smov.u32 @p1 s0  }
.LBB2_44:
0x3a7: {  	p1 =	sne.s32 s6, $0xFFFFFFFF  }
.Ltmp38:
0x3a8: {  	_ = 	snop;
	(pc) =	sbr.rel @!p1 .LBB2_45-.Ltmp38, $1  }
0x3a9: {  	_ =	sdelay $0x3  }
0x3aa: {  	s0 =	sshll.u32 s2, $0x4  }
0x3ab: {  	s0 =	sand.u32 $0x3FFFFFF0, s0  }
0x3ac: {  	v0 =	vld [tilespmem:s0+$0x3678]  }
.Ltmp39:
0x3ad: {  	_ = 	snop;
	(pc) =	sbr.rel .LBB2_47-.Ltmp39, $4  }
0x3ae: {  	_ = 	snop  }
0x3af: {  	s31 =	sshll.u32 s6, $0x6  }
0x3b0: {  	s0 =	sshra.s32 s31, $0x2  }
0x3b1: {  	[tilespmem:s0+$0x3678] =	vst.add.f32.msk $0xffff, v0  }
.LBB2_48:
0x3b2: {  	p1 =	slt.s32 s1, $0x1  }
.Ltmp40:
0x3b3: {  	_ = 	snop;
	(pc) =	sbr.rel @p1 .LBB2_52-.Ltmp40, $3  }
0x3b4: {  	_ =	sdelay $0x1  }
0x3b5: {  	s0 =	simm.s32 $0x8  }
0x3b6: {  	s2 =	simm.s32 $0x0;
	[sflag:s0] =	ssyncpa.u1 $0x1  }
0x3b7: {  	s0 =	simm.s32 $0x3658  }
0x3b8: {  	v0 =	vld.msk [tilespmem:s0+$0x0], $0x1;
	_ =	sdelay $0x4  }
0x3b9: {  	(v2sf) =	vpush v0, $0x0;
	_ =	sdelay $0xe  }
0x3ba: {  	s1 =	sadd.s32 $0xFFFFFFFF, s1;
	s0 =	spop (v2sf)  }
0x3bb: {  	p2 =	sne.s32 s1, $0x0;
	p1 =	sgt.u32 s0, $0x270FF  }
.Ltmp41:
0x3bc: {  	s5 =	sand.u32 @!p1 $0x3FFF8, s0;
	(pc) =	sbr.rel @!p2 .LBB2_51-.Ltmp41, $4  }
0x3bd: {  	s4 =	simm.s32 $0x3678;
	s0 =	sand.u32 @!p1 $0x7, s0;
	s5 =	sadd.s32 @!p1 s3, s5  }
0x3be: {  	[hbm4b:s5+s0] =	stream.linear.scatter @!p1 [tilespmem:s4], [sflag:$0x7], $0x8, $0x38;
	[tilespmem:$0x1F0F8] =	vst v63  }
0x3bf: {  	s0 =	simm.s32 $0x0  }
0x3c0: {  	s5 =	simm.s32 $0x3659;
	s0 =	simm.s32 @!p1 $0x20  }
.LBB2_50:
0x3c1: {  	v0 =	vld.msk [tilespmem:s5+$0x0], $0x1;
	s1 =	sadd.s32 $0xFFFFFFFF, s1;
	s2 =	sadd.s32 s2, s0  }
0x3c2: {  	p1 =	sne.s32 s1, $0x0;
	_ =	sdelay $0x3  }
0x3c3: {  	(v2sf) =	vpush v0, $0x0;
	_ =	sdelay $0xe  }
.Ltmp42:
0x3c4: {  	s6 =	spop (v2sf);
	(pc) =	sbr.rel @p1 .LBB2_50-.Ltmp42, $4  }
0x3c5: {  	s0 =	simm.s32 $0x0;
	p2 =	sgt.u32 s6, $0x270FF  }
0x3c6: {  	s4 =	sadd.s32 $0x10, s4;
	s0 =	simm.s32 @!p2 $0x20;
	s7 =	sand.u32 @!p2 $0x3FFF8, s6  }
0x3c7: {  	s5 =	sadd.s32 $0x1, s5;
	s6 =	sand.u32 @!p2 $0x7, s6;
	s7 =	sadd.s32 @!p2 s3, s7  }
0x3c8: {  	[hbm4b:s7+s6] =	stream.linear.scatter @!p2 [tilespmem:s4], [sflag:$0x7], $0x8, $0x38;
	[tilespmem:$0x1F0F8] =	vst v63  }
.LBB2_51:
0x3c9: {  	s0 =	sadd.s32 s2, s0  }
0x3ca: {  	s2 =	sshrl.u32 s0, $0x2  }
.LBB2_52:
0x3cb: {  	s0 =	simm.s32 $0x7  }
0x3cc: {  	_ =	swait.ge [sflag:s0], s2  }
0x3cd: {  	s1 =	ssub.s32 $0x0, s2;
	[sflag:s0] =	ssyncset.done $0x0  }
0x3ce: {  	[sflag:s0] =	ssyncadd.s32 s1  }
0x3cf: {  	[sflag:s0] =	ssyncpa.u1 $0x1  }
.LBB2_53:
0x3d0: {  	_ =	sfence;
	s0 =	simm.s32 $0x1  }
0x3d1: {  	[sflag:s0] =	ssyncpa.u1 $0x1  }
0x3d2: {  	_ =	strace $0x9000004A  }
0x3d3: {  	[bflag:$0x2] =	sbarrier.arrive $0xFFFF  }
0x3d4: {  	s0 =	rddreg [dreg:$0x3]  }
0x3d5: {  	s0 =	sadd.s32 @!p0 $0x100000, s0  }
0x3d6: {  	[sflag:s0] =	ssyncadd.tile.s32 @!p0 $0x1;
	_ =	shalt  }
.Lfunc_end2:
_tile_overlayer_lowered:
.L_overlay_start_2:
0x3d7: {  	(tag) =	ssettag $0x2  }
0x3d8: {  	s0 =	rddreg [dreg:$0x0];
	s2 =	stileid.u32  }
0x3d9: {  	s1 =	rddreg [dreg:$0x1];
	p0 =	sne.s32 s2, $0x0  }
0x3da: {  	s3 =	rddreg [dreg:$0x2];
	[bflag:$0x3] =	sbarrier.arrive $0xFFFF;
	s2 =	simm.s32 @!p0 $0x1C01  }
0x3db: {  	[timem:s3], [sflag:s2] =	dma.local @!p0 [hbm:s0], s1  }
0x3dc: {  	s0 =	simm.s32 @!p0 $0x1  }
0x3dd: {  	_ =	swait.ge @!p0 [sflag:s0], s1  }
0x3de: {  	s1 =	ssub.s32 @!p0 $0x0, s1;
	[sflag:s0] =	ssyncset.done @!p0 $0x0  }
0x3df: {  	[sflag:s0] =	ssyncadd.s32 @!p0 s1  }
0x3e0: {  	[bflag:$0x3] =	sbarrier.arrive $0xFFFF  }
0x3e1: {  	_ =	shalt  }

</sc_bundles>
